<compile_context>
chip_gen: v7x
topology: tpu7x:2x2x1
jax: 0.10.2.dev20260603
libtpu: 0.0.44.dev20260713+nightly
codegen_flags: <defaults>
</compile_context>

<pallas_src>
import jax
import jax.numpy as jnp
from jax import lax
from jax.experimental import pallas as pl
from jax.experimental.pallas import tpu as pltpu
from jax.experimental.pallas import tpu_sc as plsc

N = 4096
D = 1024
C = 1000
E = 8

BP = 256
BPLOG = 8
NP = N + E * BP
NBLK = NP // BP
NBLKP = 32
CP = 1024
CH = CP // 2
TPS = 256
NLANE = 16


def _sc_mesh():
    return plsc.VectorSubcoreMesh(core_axis_name="c", subcore_axis_name="s")


def _route_body(sid_hbm, x_hbm, xs_hbm, dst_hbm, blk_hbm,
                sid_v, rank_v, dst_v, cnt_v, allc_v, start_v, off_v, end_v,
                blk_v, xbuf_a, xbuf_b, sh_cnt, sem_a, sem_b):
    c = lax.axis_index("c")
    s = lax.axis_index("s")
    base = s * TPS
    pltpu.sync_copy(sid_hbm.at[pl.ds(base, TPS)], sid_v)

    lane = lax.iota(jnp.int32, NLANE)
    counts = [jnp.zeros((NLANE,), jnp.int32) for _ in range(E)]
    for i in range(TPS // NLANE):
        v = sid_v[pl.ds(i * NLANE, NLANE)]
        rank = jnp.zeros((NLANE,), jnp.int32)
        for e in range(E):
            m = v == e
            cs = plsc.cumsum(m.astype(jnp.int32))
            rank = jnp.where(m, counts[e] + cs - 1, rank)
            counts[e] = counts[e] + plsc.all_reduce_population_count(m)
        rank_v[pl.ds(i * NLANE, NLANE)] = rank

    cvec = jnp.zeros((NLANE,), jnp.int32)
    for e in range(E):
        cvec = jnp.where(lane == e, counts[e], cvec)
    cnt_v[...] = cvec
    pltpu.sync_copy(cnt_v, sh_cnt.at[pl.ds(s * NLANE, NLANE)])
    plsc.subcore_barrier()
    pltpu.sync_copy(sh_cnt, allc_v)

    total = jnp.zeros((NLANE,), jnp.int32)
    prior = jnp.zeros((NLANE,), jnp.int32)
    for t in range(16):
        row = allc_v[pl.ds(t * NLANE, NLANE)]
        total = total + row
        tm = jnp.full((NLANE,), t, jnp.int32) < s
        prior = prior + jnp.where(tm, row, jnp.zeros((NLANE,), jnp.int32))

    pe = ((total + (BP - 1)) >> BPLOG) << BPLOG
    off = plsc.cumsum(pe) - pe
    start_v[...] = off + prior
    off_v[...] = off
    end_v[...] = off + pe

    for i in range(TPS // NLANE):
        v = sid_v[pl.ds(i * NLANE, NLANE)]
        g = plsc.load_gather(start_v, [v])
        dst_v[pl.ds(i * NLANE, NLANE)] = g + rank_v[pl.ds(i * NLANE, NLANE)]

    used = plsc.load_gather(end_v, [jnp.full((NLANE,), E - 1, jnp.int32)])
    used = used >> BPLOG
    for cb in (0, 16):
        kvec = lax.iota(jnp.int32, NLANE) + cb
        sp = kvec * BP
        gid = jnp.zeros((NLANE,), jnp.int32)
        for e in range(1, E):
            be = plsc.load_gather(off_v, [jnp.full((NLANE,), e, jnp.int32)])
            gid = gid + (sp >= be).astype(jnp.int32)
        gid = jnp.where(kvec == NBLKP - 1, used, gid)
        blk_v[pl.ds(cb, NLANE)] = gid

    @pl.when(jnp.logical_and(c == 0, s == 0))
    def _():
        pltpu.sync_copy(blk_v, blk_hbm)

    def do_half(lo):
        pltpu.sync_copy(dst_v.at[pl.ds(lo, 128)],
                        dst_hbm.at[pl.ds(base + lo, 128)])
        bufs = (xbuf_a, xbuf_b)
        sems = (sem_a, sem_b)
        loads = [None, None]
        loads[0] = pltpu.async_copy(
            x_hbm.at[pl.ds(base + lo, NLANE)], bufs[0], sems[0])
        for j in range(8):
            p = j % 2
            if j < 7:
                loads[1 - p] = pltpu.async_copy(
                    x_hbm.at[pl.ds(base + lo + (j + 1) * NLANE, NLANE)],
                    bufs[1 - p], sems[1 - p])
            loads[p].wait()
            idx = dst_v[pl.ds(lo + j * NLANE, NLANE)]
            pltpu.async_copy(bufs[p], xs_hbm.at[idx], sems[p]).wait()

    @pl.when(c == 0)
    def _():
        do_half(0)

    @pl.when(c == 1)
    def _():
        do_half(128)


def _route_and_scatter(sid, x):
    f = pl.kernel(
        _route_body,
        compiler_params=pltpu.CompilerParams(needs_layout_passes=False),
        out_type=(
            jax.ShapeDtypeStruct((NP, D), jnp.float32),
            jax.ShapeDtypeStruct((N,), jnp.int32),
            jax.ShapeDtypeStruct((NBLKP,), jnp.int32),
        ),
        mesh=_sc_mesh(),
        scratch_types=[
            pltpu.VMEM((TPS,), jnp.int32),
            pltpu.VMEM((TPS,), jnp.int32),
            pltpu.VMEM((TPS,), jnp.int32),
            pltpu.VMEM((NLANE,), jnp.int32),
            pltpu.VMEM((256,), jnp.int32),
            pltpu.VMEM((NLANE,), jnp.int32),
            pltpu.VMEM((NLANE,), jnp.int32),
            pltpu.VMEM((NLANE,), jnp.int32),
            pltpu.VMEM((NBLKP,), jnp.int32),
            pltpu.VMEM((NLANE, D), jnp.float32),
            pltpu.VMEM((NLANE, D), jnp.float32),
            pltpu.VMEM_SHARED((256,), jnp.int32),
            pltpu.SemaphoreType.DMA,
            pltpu.SemaphoreType.DMA,
        ],
    )
    return f(sid, x)


def _mm_body(blk_ref, x_ref, w_ref, b_ref, y_ref):
    @pl.when(pl.program_id(0) < blk_ref[NBLKP - 1])
    def _():
        logits = jax.lax.dot_general(
            x_ref[...].astype(jnp.bfloat16), w_ref[0].astype(jnp.bfloat16),
            (((1,), (1,)), ((), ())),
            preferred_element_type=jnp.float32,
        ) + b_ref[0]
        full = jnp.concatenate(
            [logits, jnp.zeros((BP, CP - C), jnp.float32)], axis=1
        ).astype(jnp.bfloat16)
        lo = jax.lax.bitcast_convert_type(
            full[:, :CH], jnp.uint16).astype(jnp.uint32)
        hi = jax.lax.bitcast_convert_type(
            full[:, CH:], jnp.uint16).astype(jnp.uint32)
        y_ref[...] = lo | (hi << 16)


def _grouped_matmul(blk, xs, W, b3):
    grid_spec = pltpu.PrefetchScalarGridSpec(
        num_scalar_prefetch=1,
        grid=(NBLK,),
        in_specs=[
            pl.BlockSpec((BP, D), lambda k, g: (k, 0)),
            pl.BlockSpec((1, C, D), lambda k, g: (g[k], 0, 0)),
            pl.BlockSpec((1, 1, C), lambda k, g: (g[k], 0, 0)),
        ],
        out_specs=pl.BlockSpec((BP, CH), lambda k, g: (k, 0)),
    )
    return pl.pallas_call(
        _mm_body,
        grid_spec=grid_spec,
        out_shape=jax.ShapeDtypeStruct((NP, CH), jnp.uint32),
        compiler_params=pltpu.CompilerParams(
            dimension_semantics=("arbitrary",),
        ),
    )(blk, xs, W, b3)


def _gather_body(y_hbm, dst_hbm, out_hbm, dst_v, rows_a, rows_b,
                 sem_a, sem_b):
    c = lax.axis_index("c")
    s = lax.axis_index("s")
    tok0 = s * TPS + c * 128
    pltpu.sync_copy(dst_hbm.at[pl.ds(tok0, 128)], dst_v)
    bufs = (rows_a, rows_b)
    sems = (sem_a, sem_b)
    loads = [None, None]
    idx0 = dst_v[pl.ds(0, NLANE)]
    loads[0] = pltpu.async_copy(y_hbm.at[idx0], bufs[0], sems[0])
    for j in range(8):
        p = j % 2
        if j < 7:
            idx = dst_v[pl.ds((j + 1) * NLANE, NLANE)]
            loads[1 - p] = pltpu.async_copy(y_hbm.at[idx], bufs[1 - p], sems[1 - p])
        loads[p].wait()
        pltpu.sync_copy(bufs[p], out_hbm.at[pl.ds(tok0 + j * NLANE, NLANE)])


def _gather_back(y, dst):
    f = pl.kernel(
        _gather_body,
        compiler_params=pltpu.CompilerParams(needs_layout_passes=False),
        out_type=jax.ShapeDtypeStruct((N, CH), jnp.uint32),
        mesh=_sc_mesh(),
        scratch_types=[
            pltpu.VMEM((128,), jnp.int32),
            pltpu.VMEM((NLANE, CH), jnp.uint32),
            pltpu.VMEM((NLANE, CH), jnp.uint32),
            pltpu.SemaphoreType.DMA,
            pltpu.SemaphoreType.DMA,
        ],
    )
    return f(y, dst)


def _trim_body(packed_ref, out_ref):
    u = packed_ref[...]
    lo = jax.lax.bitcast_convert_type(
        (u & jnp.uint32(0xFFFF)).astype(jnp.uint16), jnp.bfloat16)
    hi = jax.lax.bitcast_convert_type(
        (u >> 16).astype(jnp.uint16), jnp.bfloat16)
    full = jnp.concatenate([lo, hi], axis=1).astype(jnp.float32)
    out_ref[...] = full[:, :C]


def _trim(packed):
    bn = 2048
    return pl.pallas_call(
        _trim_body,
        grid=(N // bn,),
        in_specs=[pl.BlockSpec((bn, CH), lambda i: (i, 0))],
        out_specs=pl.BlockSpec((bn, C), lambda i: (i, 0)),
        out_shape=jax.ShapeDtypeStruct((N, C), jnp.float32),
    )(packed)


def kernel(x, system_id, W, b):
    sid = system_id.astype(jnp.int32)
    b3 = b.reshape(E, 1, C)
    xs, dst, blk = _route_and_scatter(sid, x)
    y = _grouped_matmul(blk, xs, W, b3)
    return _trim(_gather_back(y, dst))

# --- scband reference (transcript-rebuilt; emitter-appended) ---
"""Pipeline reference for scband-h-02-linear-cla-heterogeneous-batch-87866440941679 (READ-ONLY COPY).

The authoritative reference and input builder live on the scoring server;
editing this copy changes nothing except your own understanding.
"""

import jax, jax.numpy as jnp
import numpy as np

E = 8      # number of systems / heads
C = 1000   # unified num_classes
D = 1024   # output_dim (feature dim)
N = 4096   # flattened batch of tokens/samples


def setup_inputs(seed: int = 0) -> dict:
    key = jax.random.key(seed)
    k1, k2, k3, k4 = jax.random.split(key, 4)
    x = jax.random.normal(k1, (N, D), dtype=jnp.float32)
    system_id = jax.random.randint(k2, (N,), 0, E)
    # stacked per-system nn.Linear parameters: W[e] is [C, D], b[e] is [C]
    W = jax.random.normal(k3, (E, C, D), dtype=jnp.float32) * (1.0 / np.sqrt(D))
    b = jax.random.normal(k4, (E, C), dtype=jnp.float32) * 0.01
    return {"x": x, "system_id": system_id, "W": W, "b": b}


def reference(x, system_id, W, b):
    # group_forward_by_system: for each system e, run that system's Linear head
    # on the sub-batch with system_id == e, and scatter the logits back into
    # the output at the original sample positions.
    n = x.shape[0]
    num_sys = W.shape[0]
    out = jnp.zeros((n, W.shape[1]), dtype=x.dtype)
    for e in range(num_sys):
        mask = (system_id == e)
        logits_e = x @ W[e].T + b[e]
        out = jnp.where(mask[:, None], logits_e, out)
    return out

if __name__ == "__main__":
    import jax
    _d = setup_inputs()
    print(jax.jit(kernel)(*tuple(_d.values())))

</pallas_src>

<mosaic_0001>
#map = affine_map<(d0, d1) -> (0, 0)>
#map1 = affine_map<(d0, d1) -> (0)>
module attributes {stable_mosaic.version = 14 : i64} {
  func.func @_gather_body(%arg0: i32, %arg1: i32, %arg2: memref<6144x512xi32, #tpu.memory_space<hbm>>, %arg3: memref<4096xi32, #tpu.memory_space<hbm>>, %arg4: memref<4096x512xi32, #tpu.memory_space<hbm>>, %arg5: memref<128xi32, #tpu.memory_space<vmem>>, %arg6: memref<16x512xi32, #tpu.memory_space<vmem>>, %arg7: memref<16x512xi32, #tpu.memory_space<vmem>>, %arg8: memref<!tpu.dma_semaphore, #tpu.memory_space<semaphore_mem>>, %arg9: memref<!tpu.dma_semaphore, #tpu.memory_space<semaphore_mem>>) attributes {dimension_semantics = [#tpu.dimension_semantics<core_parallel>, #tpu.dimension_semantics<subcore_parallel>], iteration_bounds = array<i64: 2, 16>, scalar_prefetch = 0 : i64, scratch_operands = 5 : i64, tpu.core_type = #tpu.core_type<sc_vector_subcore>, window_params = [{transform_indices = #map}, {transform_indices = #map1}, {transform_indices = #map}]} {
    %mul3A = arith.constant 256 : i32
    %mul3A_0 = arith.muli %arg1, %mul3A : i32
    %mul3A_1 = arith.constant 128 : i32
    %mul3A_2 = arith.muli %arg0, %mul3A_1 : i32
    %add3A = arith.addi %mul3A_0, %mul3A_2 : i32
    "tpu.region"() ({
      %run_scoped3A = tpu.sem_alloc : memref<!tpu.dma_semaphore, #tpu.memory_space<semaphore_mem>>
      %dma_start3A_80 = tpu.memref_slice %arg3[%add3A] : memref<4096xi32, #tpu.memory_space<hbm>> -> memref<128xi32, #tpu.memory_space<hbm>>
      %dma_start3A_81 = tpu.memref_slice %arg3[%add3A] : memref<4096xi32, #tpu.memory_space<hbm>> -> memref<128xi32, #tpu.memory_space<hbm>>
      tpu.enqueue_dma source(%dma_start3A_81 : memref<128xi32, #tpu.memory_space<hbm>>) target(%arg5 : memref<128xi32, #tpu.memory_space<vmem>>) target_semaphore(%run_scoped3A : memref<!tpu.dma_semaphore, #tpu.memory_space<semaphore_mem>>)
      %dma_wait3A_82 = tpu.memref_slice %arg3[%add3A] : memref<4096xi32, #tpu.memory_space<hbm>> -> memref<128xi32, #tpu.memory_space<hbm>>
      %dma_wait3A_83 = tpu.memref_slice %arg3[%add3A] : memref<4096xi32, #tpu.memory_space<hbm>> -> memref<128xi32, #tpu.memory_space<hbm>>
      tpu.wait_dma2 semaphore(%run_scoped3A : memref<!tpu.dma_semaphore, #tpu.memory_space<semaphore_mem>>) src(%dma_wait3A_83 : memref<128xi32, #tpu.memory_space<hbm>>) dst(%arg5 : memref<128xi32, #tpu.memory_space<vmem>>)
      tpu.yield
    }) : () -> ()
    %get3A = arith.constant 0 : index
    %get3A_3 = tpu.vector_load %arg5[%get3A] {strides = array<i32>} : memref<128xi32, #tpu.memory_space<vmem>>, vector<16xi32>,
    %dma_start3A = arith.constant 0 : i32
    %dma_start3A_4 = arith.constant 0 : i32
    %dma_start3A_5 = tpu.memref_slice %arg2[%dma_start3A, %dma_start3A_4] : memref<6144x512xi32, #tpu.memory_space<hbm>> -> memref<6144x512xi32, #tpu.memory_space<hbm>>
    tpu.enqueue_indirect_dma source(%dma_start3A_5 : memref<6144x512xi32, #tpu.memory_space<hbm>>) target(%arg6 : memref<16x512xi32, #tpu.memory_space<vmem>>) offsets(%get3A_3 : vector<16xi32>) semaphore(%arg8 : memref<!tpu.dma_semaphore, #tpu.memory_space<semaphore_mem>>)
    %get3A_6 = arith.constant 16 : index
    %get3A_7 = tpu.vector_load %arg5[%get3A_6] {strides = array<i32>} : memref<128xi32, #tpu.memory_space<vmem>>, vector<16xi32>,
    %dma_start3A_8 = arith.constant 0 : i32
    %dma_start3A_9 = arith.constant 0 : i32
    %dma_start3A_10 = tpu.memref_slice %arg2[%dma_start3A_8, %dma_start3A_9] : memref<6144x512xi32, #tpu.memory_space<hbm>> -> memref<6144x512xi32, #tpu.memory_space<hbm>>
    tpu.enqueue_indirect_dma source(%dma_start3A_10 : memref<6144x512xi32, #tpu.memory_space<hbm>>) target(%arg7 : memref<16x512xi32, #tpu.memory_space<vmem>>) offsets(%get3A_7 : vector<16xi32>) semaphore(%arg9 : memref<!tpu.dma_semaphore, #tpu.memory_space<semaphore_mem>>)
    %dma_wait3A = arith.constant 0 : i32
    %dma_wait3A_11 = arith.constant 0 : i32
    %dma_wait3A_12 = tpu.memref_slice %arg2[%dma_wait3A, %dma_wait3A_11] : memref<6144x512xi32, #tpu.memory_space<hbm>> -> memref<6144x512xi32, #tpu.memory_space<hbm>>
    tpu.wait_indirect_dma semaphore(%arg8 : memref<!tpu.dma_semaphore, #tpu.memory_space<semaphore_mem>>) src(%dma_wait3A_12 : memref<6144x512xi32, #tpu.memory_space<hbm>>) dst(%arg6 : memref<16x512xi32, #tpu.memory_space<vmem>>)
    %add3A_13 = arith.constant 0 : i32
    %add3A_14 = arith.addi %add3A, %add3A_13 : i32
    "tpu.region"() ({
      %run_scoped3A = tpu.sem_alloc : memref<!tpu.dma_semaphore, #tpu.memory_space<semaphore_mem>>
      %dma_start3A_80 = arith.constant 0 : i32
      %dma_start3A_81 = tpu.memref_slice %arg4[%add3A_14, %dma_start3A_80] : memref<4096x512xi32, #tpu.memory_space<hbm>> -> memref<16x512xi32, #tpu.memory_space<hbm>>
      %dma_start3A_82 = arith.constant 0 : i32
      %dma_start3A_83 = tpu.memref_slice %arg4[%add3A_14, %dma_start3A_82] : memref<4096x512xi32, #tpu.memory_space<hbm>> -> memref<16x512xi32, #tpu.memory_space<hbm>>
      tpu.enqueue_dma source(%arg6 : memref<16x512xi32, #tpu.memory_space<vmem>>) target(%dma_start3A_83 : memref<16x512xi32, #tpu.memory_space<hbm>>) target_semaphore(%run_scoped3A : memref<!tpu.dma_semaphore, #tpu.memory_space<semaphore_mem>>)
      %dma_wait3A_84 = arith.constant 0 : i32
      %dma_wait3A_85 = tpu.memref_slice %arg4[%add3A_14, %dma_wait3A_84] : memref<4096x512xi32, #tpu.memory_space<hbm>> -> memref<16x512xi32, #tpu.memory_space<hbm>>
      %dma_wait3A_86 = arith.constant 0 : i32
      %dma_wait3A_87 = tpu.memref_slice %arg4[%add3A_14, %dma_wait3A_86] : memref<4096x512xi32, #tpu.memory_space<hbm>> -> memref<16x512xi32, #tpu.memory_space<hbm>>
      tpu.wait_dma2 semaphore(%run_scoped3A : memref<!tpu.dma_semaphore, #tpu.memory_space<semaphore_mem>>) src(%arg6 : memref<16x512xi32, #tpu.memory_space<vmem>>) dst(%dma_wait3A_87 : memref<16x512xi32, #tpu.memory_space<hbm>>)
      tpu.yield
    }) : () -> ()
    %get3A_15 = arith.constant 32 : index
    %get3A_16 = tpu.vector_load %arg5[%get3A_15] {strides = array<i32>} : memref<128xi32, #tpu.memory_space<vmem>>, vector<16xi32>,
    %dma_start3A_17 = arith.constant 0 : i32
    %dma_start3A_18 = arith.constant 0 : i32
    %dma_start3A_19 = tpu.memref_slice %arg2[%dma_start3A_17, %dma_start3A_18] : memref<6144x512xi32, #tpu.memory_space<hbm>> -> memref<6144x512xi32, #tpu.memory_space<hbm>>
    tpu.enqueue_indirect_dma source(%dma_start3A_19 : memref<6144x512xi32, #tpu.memory_space<hbm>>) target(%arg6 : memref<16x512xi32, #tpu.memory_space<vmem>>) offsets(%get3A_16 : vector<16xi32>) semaphore(%arg8 : memref<!tpu.dma_semaphore, #tpu.memory_space<semaphore_mem>>)
    %dma_wait3A_20 = arith.constant 0 : i32
    %dma_wait3A_21 = arith.constant 0 : i32
    %dma_wait3A_22 = tpu.memref_slice %arg2[%dma_wait3A_20, %dma_wait3A_21] : memref<6144x512xi32, #tpu.memory_space<hbm>> -> memref<6144x512xi32, #tpu.memory_space<hbm>>
    tpu.wait_indirect_dma semaphore(%arg9 : memref<!tpu.dma_semaphore, #tpu.memory_space<semaphore_mem>>) src(%dma_wait3A_22 : memref<6144x512xi32, #tpu.memory_space<hbm>>) dst(%arg7 : memref<16x512xi32, #tpu.memory_space<vmem>>)
    %add3A_23 = arith.constant 16 : i32
    %add3A_24 = arith.addi %add3A, %add3A_23 : i32
    "tpu.region"() ({
      %run_scoped3A = tpu.sem_alloc : memref<!tpu.dma_semaphore, #tpu.memory_space<semaphore_mem>>
      %dma_start3A_80 = arith.constant 0 : i32
      %dma_start3A_81 = tpu.memref_slice %arg4[%add3A_24, %dma_start3A_80] : memref<4096x512xi32, #tpu.memory_space<hbm>> -> memref<16x512xi32, #tpu.memory_space<hbm>>
      %dma_start3A_82 = arith.constant 0 : i32
      %dma_start3A_83 = tpu.memref_slice %arg4[%add3A_24, %dma_start3A_82] : memref<4096x512xi32, #tpu.memory_space<hbm>> -> memref<16x512xi32, #tpu.memory_space<hbm>>
      tpu.enqueue_dma source(%arg7 : memref<16x512xi32, #tpu.memory_space<vmem>>) target(%dma_start3A_83 : memref<16x512xi32, #tpu.memory_space<hbm>>) target_semaphore(%run_scoped3A : memref<!tpu.dma_semaphore, #tpu.memory_space<semaphore_mem>>)
      %dma_wait3A_84 = arith.constant 0 : i32
      %dma_wait3A_85 = tpu.memref_slice %arg4[%add3A_24, %dma_wait3A_84] : memref<4096x512xi32, #tpu.memory_space<hbm>> -> memref<16x512xi32, #tpu.memory_space<hbm>>
      %dma_wait3A_86 = arith.constant 0 : i32
      %dma_wait3A_87 = tpu.memref_slice %arg4[%add3A_24, %dma_wait3A_86] : memref<4096x512xi32, #tpu.memory_space<hbm>> -> memref<16x512xi32, #tpu.memory_space<hbm>>
      tpu.wait_dma2 semaphore(%run_scoped3A : memref<!tpu.dma_semaphore, #tpu.memory_space<semaphore_mem>>) src(%arg7 : memref<16x512xi32, #tpu.memory_space<vmem>>) dst(%dma_wait3A_87 : memref<16x512xi32, #tpu.memory_space<hbm>>)
      tpu.yield
    }) : () -> ()
    %get3A_25 = arith.constant 48 : index
    %get3A_26 = tpu.vector_load %arg5[%get3A_25] {strides = array<i32>} : memref<128xi32, #tpu.memory_space<vmem>>, vector<16xi32>,
    %dma_start3A_27 = arith.constant 0 : i32
    %dma_start3A_28 = arith.constant 0 : i32
    %dma_start3A_29 = tpu.memref_slice %arg2[%dma_start3A_27, %dma_start3A_28] : memref<6144x512xi32, #tpu.memory_space<hbm>> -> memref<6144x512xi32, #tpu.memory_space<hbm>>
    tpu.enqueue_indirect_dma source(%dma_start3A_29 : memref<6144x512xi32, #tpu.memory_space<hbm>>) target(%arg7 : memref<16x512xi32, #tpu.memory_space<vmem>>) offsets(%get3A_26 : vector<16xi32>) semaphore(%arg9 : memref<!tpu.dma_semaphore, #tpu.memory_space<semaphore_mem>>)
    %dma_wait3A_30 = arith.constant 0 : i32
    %dma_wait3A_31 = arith.constant 0 : i32
    %dma_wait3A_32 = tpu.memref_slice %arg2[%dma_wait3A_30, %dma_wait3A_31] : memref<6144x512xi32, #tpu.memory_space<hbm>> -> memref<6144x512xi32, #tpu.memory_space<hbm>>
    tpu.wait_indirect_dma semaphore(%arg8 : memref<!tpu.dma_semaphore, #tpu.memory_space<semaphore_mem>>) src(%dma_wait3A_32 : memref<6144x512xi32, #tpu.memory_space<hbm>>) dst(%arg6 : memref<16x512xi32, #tpu.memory_space<vmem>>)
    %add3A_33 = arith.constant 32 : i32
    %add3A_34 = arith.addi %add3A, %add3A_33 : i32
    "tpu.region"() ({
      %run_scoped3A = tpu.sem_alloc : memref<!tpu.dma_semaphore, #tpu.memory_space<semaphore_mem>>
      %dma_start3A_80 = arith.constant 0 : i32
      %dma_start3A_81 = tpu.memref_slice %arg4[%add3A_34, %dma_start3A_80] : memref<4096x512xi32, #tpu.memory_space<hbm>> -> memref<16x512xi32, #tpu.memory_space<hbm>>
      %dma_start3A_82 = arith.constant 0 : i32
      %dma_start3A_83 = tpu.memref_slice %arg4[%add3A_34, %dma_start3A_82] : memref<4096x512xi32, #tpu.memory_space<hbm>> -> memref<16x512xi32, #tpu.memory_space<hbm>>
      tpu.enqueue_dma source(%arg6 : memref<16x512xi32, #tpu.memory_space<vmem>>) target(%dma_start3A_83 : memref<16x512xi32, #tpu.memory_space<hbm>>) target_semaphore(%run_scoped3A : memref<!tpu.dma_semaphore, #tpu.memory_space<semaphore_mem>>)
      %dma_wait3A_84 = arith.constant 0 : i32
      %dma_wait3A_85 = tpu.memref_slice %arg4[%add3A_34, %dma_wait3A_84] : memref<4096x512xi32, #tpu.memory_space<hbm>> -> memref<16x512xi32, #tpu.memory_space<hbm>>
      %dma_wait3A_86 = arith.constant 0 : i32
      %dma_wait3A_87 = tpu.memref_slice %arg4[%add3A_34, %dma_wait3A_86] : memref<4096x512xi32, #tpu.memory_space<hbm>> -> memref<16x512xi32, #tpu.memory_space<hbm>>
      tpu.wait_dma2 semaphore(%run_scoped3A : memref<!tpu.dma_semaphore, #tpu.memory_space<semaphore_mem>>) src(%arg6 : memref<16x512xi32, #tpu.memory_space<vmem>>) dst(%dma_wait3A_87 : memref<16x512xi32, #tpu.memory_space<hbm>>)
      tpu.yield
    }) : () -> ()
    %get3A_35 = arith.constant 64 : index
    %get3A_36 = tpu.vector_load %arg5[%get3A_35] {strides = array<i32>} : memref<128xi32, #tpu.memory_space<vmem>>, vector<16xi32>,
    %dma_start3A_37 = arith.constant 0 : i32
    %dma_start3A_38 = arith.constant 0 : i32
    %dma_start3A_39 = tpu.memref_slice %arg2[%dma_start3A_37, %dma_start3A_38] : memref<6144x512xi32, #tpu.memory_space<hbm>> -> memref<6144x512xi32, #tpu.memory_space<hbm>>
    tpu.enqueue_indirect_dma source(%dma_start3A_39 : memref<6144x512xi32, #tpu.memory_space<hbm>>) target(%arg6 : memref<16x512xi32, #tpu.memory_space<vmem>>) offsets(%get3A_36 : vector<16xi32>) semaphore(%arg8 : memref<!tpu.dma_semaphore, #tpu.memory_space<semaphore_mem>>)
    %dma_wait3A_40 = arith.constant 0 : i32
    %dma_wait3A_41 = arith.constant 0 : i32
    %dma_wait3A_42 = tpu.memref_slice %arg2[%dma_wait3A_40, %dma_wait3A_41] : memref<6144x512xi32, #tpu.memory_space<hbm>> -> memref<6144x512xi32, #tpu.memory_space<hbm>>
    tpu.wait_indirect_dma semaphore(%arg9 : memref<!tpu.dma_semaphore, #tpu.memory_space<semaphore_mem>>) src(%dma_wait3A_42 : memref<6144x512xi32, #tpu.memory_space<hbm>>) dst(%arg7 : memref<16x512xi32, #tpu.memory_space<vmem>>)
    %add3A_43 = arith.constant 48 : i32
    %add3A_44 = arith.addi %add3A, %add3A_43 : i32
    "tpu.region"() ({
      %run_scoped3A = tpu.sem_alloc : memref<!tpu.dma_semaphore, #tpu.memory_space<semaphore_mem>>
      %dma_start3A_80 = arith.constant 0 : i32
      %dma_start3A_81 = tpu.memref_slice %arg4[%add3A_44, %dma_start3A_80] : memref<4096x512xi32, #tpu.memory_space<hbm>> -> memref<16x512xi32, #tpu.memory_space<hbm>>
      %dma_start3A_82 = arith.constant 0 : i32
      %dma_start3A_83 = tpu.memref_slice %arg4[%add3A_44, %dma_start3A_82] : memref<4096x512xi32, #tpu.memory_space<hbm>> -> memref<16x512xi32, #tpu.memory_space<hbm>>
      tpu.enqueue_dma source(%arg7 : memref<16x512xi32, #tpu.memory_space<vmem>>) target(%dma_start3A_83 : memref<16x512xi32, #tpu.memory_space<hbm>>) target_semaphore(%run_scoped3A : memref<!tpu.dma_semaphore, #tpu.memory_space<semaphore_mem>>)
      %dma_wait3A_84 = arith.constant 0 : i32
      %dma_wait3A_85 = tpu.memref_slice %arg4[%add3A_44, %dma_wait3A_84] : memref<4096x512xi32, #tpu.memory_space<hbm>> -> memref<16x512xi32, #tpu.memory_space<hbm>>
      %dma_wait3A_86 = arith.constant 0 : i32
      %dma_wait3A_87 = tpu.memref_slice %arg4[%add3A_44, %dma_wait3A_86] : memref<4096x512xi32, #tpu.memory_space<hbm>> -> memref<16x512xi32, #tpu.memory_space<hbm>>
      tpu.wait_dma2 semaphore(%run_scoped3A : memref<!tpu.dma_semaphore, #tpu.memory_space<semaphore_mem>>) src(%arg7 : memref<16x512xi32, #tpu.memory_space<vmem>>) dst(%dma_wait3A_87 : memref<16x512xi32, #tpu.memory_space<hbm>>)
      tpu.yield
    }) : () -> ()
    %get3A_45 = arith.constant 80 : index
    %get3A_46 = tpu.vector_load %arg5[%get3A_45] {strides = array<i32>} : memref<128xi32, #tpu.memory_space<vmem>>, vector<16xi32>,
    %dma_start3A_47 = arith.constant 0 : i32
    %dma_start3A_48 = arith.constant 0 : i32
    %dma_start3A_49 = tpu.memref_slice %arg2[%dma_start3A_47, %dma_start3A_48] : memref<6144x512xi32, #tpu.memory_space<hbm>> -> memref<6144x512xi32, #tpu.memory_space<hbm>>
    tpu.enqueue_indirect_dma source(%dma_start3A_49 : memref<6144x512xi32, #tpu.memory_space<hbm>>) target(%arg7 : memref<16x512xi32, #tpu.memory_space<vmem>>) offsets(%get3A_46 : vector<16xi32>) semaphore(%arg9 : memref<!tpu.dma_semaphore, #tpu.memory_space<semaphore_mem>>)
    %dma_wait3A_50 = arith.constant 0 : i32
    %dma_wait3A_51 = arith.constant 0 : i32
    %dma_wait3A_52 = tpu.memref_slice %arg2[%dma_wait3A_50, %dma_wait3A_51] : memref<6144x512xi32, #tpu.memory_space<hbm>> -> memref<6144x512xi32, #tpu.memory_space<hbm>>
    tpu.wait_indirect_dma semaphore(%arg8 : memref<!tpu.dma_semaphore, #tpu.memory_space<semaphore_mem>>) src(%dma_wait3A_52 : memref<6144x512xi32, #tpu.memory_space<hbm>>) dst(%arg6 : memref<16x512xi32, #tpu.memory_space<vmem>>)
    %add3A_53 = arith.constant 64 : i32
    %add3A_54 = arith.addi %add3A, %add3A_53 : i32
    "tpu.region"() ({
      %run_scoped3A = tpu.sem_alloc : memref<!tpu.dma_semaphore, #tpu.memory_space<semaphore_mem>>
      %dma_start3A_80 = arith.constant 0 : i32
      %dma_start3A_81 = tpu.memref_slice %arg4[%add3A_54, %dma_start3A_80] : memref<4096x512xi32, #tpu.memory_space<hbm>> -> memref<16x512xi32, #tpu.memory_space<hbm>>
      %dma_start3A_82 = arith.constant 0 : i32
      %dma_start3A_83 = tpu.memref_slice %arg4[%add3A_54, %dma_start3A_82] : memref<4096x512xi32, #tpu.memory_space<hbm>> -> memref<16x512xi32, #tpu.memory_space<hbm>>
      tpu.enqueue_dma source(%arg6 : memref<16x512xi32, #tpu.memory_space<vmem>>) target(%dma_start3A_83 : memref<16x512xi32, #tpu.memory_space<hbm>>) target_semaphore(%run_scoped3A : memref<!tpu.dma_semaphore, #tpu.memory_space<semaphore_mem>>)
      %dma_wait3A_84 = arith.constant 0 : i32
      %dma_wait3A_85 = tpu.memref_slice %arg4[%add3A_54, %dma_wait3A_84] : memref<4096x512xi32, #tpu.memory_space<hbm>> -> memref<16x512xi32, #tpu.memory_space<hbm>>
      %dma_wait3A_86 = arith.constant 0 : i32
      %dma_wait3A_87 = tpu.memref_slice %arg4[%add3A_54, %dma_wait3A_86] : memref<4096x512xi32, #tpu.memory_space<hbm>> -> memref<16x512xi32, #tpu.memory_space<hbm>>
      tpu.wait_dma2 semaphore(%run_scoped3A : memref<!tpu.dma_semaphore, #tpu.memory_space<semaphore_mem>>) src(%arg6 : memref<16x512xi32, #tpu.memory_space<vmem>>) dst(%dma_wait3A_87 : memref<16x512xi32, #tpu.memory_space<hbm>>)
      tpu.yield
    }) : () -> ()
    %get3A_55 = arith.constant 96 : index
    %get3A_56 = tpu.vector_load %arg5[%get3A_55] {strides = array<i32>} : memref<128xi32, #tpu.memory_space<vmem>>, vector<16xi32>,
    %dma_start3A_57 = arith.constant 0 : i32
    %dma_start3A_58 = arith.constant 0 : i32
    %dma_start3A_59 = tpu.memref_slice %arg2[%dma_start3A_57, %dma_start3A_58] : memref<6144x512xi32, #tpu.memory_space<hbm>> -> memref<6144x512xi32, #tpu.memory_space<hbm>>
    tpu.enqueue_indirect_dma source(%dma_start3A_59 : memref<6144x512xi32, #tpu.memory_space<hbm>>) target(%arg6 : memref<16x512xi32, #tpu.memory_space<vmem>>) offsets(%get3A_56 : vector<16xi32>) semaphore(%arg8 : memref<!tpu.dma_semaphore, #tpu.memory_space<semaphore_mem>>)
    %dma_wait3A_60 = arith.constant 0 : i32
    %dma_wait3A_61 = arith.constant 0 : i32
    %dma_wait3A_62 = tpu.memref_slice %arg2[%dma_wait3A_60, %dma_wait3A_61] : memref<6144x512xi32, #tpu.memory_space<hbm>> -> memref<6144x512xi32, #tpu.memory_space<hbm>>
    tpu.wait_indirect_dma semaphore(%arg9 : memref<!tpu.dma_semaphore, #tpu.memory_space<semaphore_mem>>) src(%dma_wait3A_62 : memref<6144x512xi32, #tpu.memory_space<hbm>>) dst(%arg7 : memref<16x512xi32, #tpu.memory_space<vmem>>)
    %add3A_63 = arith.constant 80 : i32
    %add3A_64 = arith.addi %add3A, %add3A_63 : i32
    "tpu.region"() ({
      %run_scoped3A = tpu.sem_alloc : memref<!tpu.dma_semaphore, #tpu.memory_space<semaphore_mem>>
      %dma_start3A_80 = arith.constant 0 : i32
      %dma_start3A_81 = tpu.memref_slice %arg4[%add3A_64, %dma_start3A_80] : memref<4096x512xi32, #tpu.memory_space<hbm>> -> memref<16x512xi32, #tpu.memory_space<hbm>>
      %dma_start3A_82 = arith.constant 0 : i32
      %dma_start3A_83 = tpu.memref_slice %arg4[%add3A_64, %dma_start3A_82] : memref<4096x512xi32, #tpu.memory_space<hbm>> -> memref<16x512xi32, #tpu.memory_space<hbm>>
      tpu.enqueue_dma source(%arg7 : memref<16x512xi32, #tpu.memory_space<vmem>>) target(%dma_start3A_83 : memref<16x512xi32, #tpu.memory_space<hbm>>) target_semaphore(%run_scoped3A : memref<!tpu.dma_semaphore, #tpu.memory_space<semaphore_mem>>)
      %dma_wait3A_84 = arith.constant 0 : i32
      %dma_wait3A_85 = tpu.memref_slice %arg4[%add3A_64, %dma_wait3A_84] : memref<4096x512xi32, #tpu.memory_space<hbm>> -> memref<16x512xi32, #tpu.memory_space<hbm>>
      %dma_wait3A_86 = arith.constant 0 : i32
      %dma_wait3A_87 = tpu.memref_slice %arg4[%add3A_64, %dma_wait3A_86] : memref<4096x512xi32, #tpu.memory_space<hbm>> -> memref<16x512xi32, #tpu.memory_space<hbm>>
      tpu.wait_dma2 semaphore(%run_scoped3A : memref<!tpu.dma_semaphore, #tpu.memory_space<semaphore_mem>>) src(%arg7 : memref<16x512xi32, #tpu.memory_space<vmem>>) dst(%dma_wait3A_87 : memref<16x512xi32, #tpu.memory_space<hbm>>)
      tpu.yield
    }) : () -> ()
    %get3A_65 = arith.constant 112 : index
    %get3A_66 = tpu.vector_load %arg5[%get3A_65] {strides = array<i32>} : memref<128xi32, #tpu.memory_space<vmem>>, vector<16xi32>,
    %dma_start3A_67 = arith.constant 0 : i32
    %dma_start3A_68 = arith.constant 0 : i32
    %dma_start3A_69 = tpu.memref_slice %arg2[%dma_start3A_67, %dma_start3A_68] : memref<6144x512xi32, #tpu.memory_space<hbm>> -> memref<6144x512xi32, #tpu.memory_space<hbm>>
    tpu.enqueue_indirect_dma source(%dma_start3A_69 : memref<6144x512xi32, #tpu.memory_space<hbm>>) target(%arg7 : memref<16x512xi32, #tpu.memory_space<vmem>>) offsets(%get3A_66 : vector<16xi32>) semaphore(%arg9 : memref<!tpu.dma_semaphore, #tpu.memory_space<semaphore_mem>>)
    %dma_wait3A_70 = arith.constant 0 : i32
    %dma_wait3A_71 = arith.constant 0 : i32
    %dma_wait3A_72 = tpu.memref_slice %arg2[%dma_wait3A_70, %dma_wait3A_71] : memref<6144x512xi32, #tpu.memory_space<hbm>> -> memref<6144x512xi32, #tpu.memory_space<hbm>>
    tpu.wait_indirect_dma semaphore(%arg8 : memref<!tpu.dma_semaphore, #tpu.memory_space<semaphore_mem>>) src(%dma_wait3A_72 : memref<6144x512xi32, #tpu.memory_space<hbm>>) dst(%arg6 : memref<16x512xi32, #tpu.memory_space<vmem>>)
    %add3A_73 = arith.constant 96 : i32
    %add3A_74 = arith.addi %add3A, %add3A_73 : i32
    "tpu.region"() ({
      %run_scoped3A = tpu.sem_alloc : memref<!tpu.dma_semaphore, #tpu.memory_space<semaphore_mem>>
      %dma_start3A_80 = arith.constant 0 : i32
      %dma_start3A_81 = tpu.memref_slice %arg4[%add3A_74, %dma_start3A_80] : memref<4096x512xi32, #tpu.memory_space<hbm>> -> memref<16x512xi32, #tpu.memory_space<hbm>>
      %dma_start3A_82 = arith.constant 0 : i32
      %dma_start3A_83 = tpu.memref_slice %arg4[%add3A_74, %dma_start3A_82] : memref<4096x512xi32, #tpu.memory_space<hbm>> -> memref<16x512xi32, #tpu.memory_space<hbm>>
      tpu.enqueue_dma source(%arg6 : memref<16x512xi32, #tpu.memory_space<vmem>>) target(%dma_start3A_83 : memref<16x512xi32, #tpu.memory_space<hbm>>) target_semaphore(%run_scoped3A : memref<!tpu.dma_semaphore, #tpu.memory_space<semaphore_mem>>)
      %dma_wait3A_84 = arith.constant 0 : i32
      %dma_wait3A_85 = tpu.memref_slice %arg4[%add3A_74, %dma_wait3A_84] : memref<4096x512xi32, #tpu.memory_space<hbm>> -> memref<16x512xi32, #tpu.memory_space<hbm>>
      %dma_wait3A_86 = arith.constant 0 : i32
      %dma_wait3A_87 = tpu.memref_slice %arg4[%add3A_74, %dma_wait3A_86] : memref<4096x512xi32, #tpu.memory_space<hbm>> -> memref<16x512xi32, #tpu.memory_space<hbm>>
      tpu.wait_dma2 semaphore(%run_scoped3A : memref<!tpu.dma_semaphore, #tpu.memory_space<semaphore_mem>>) src(%arg6 : memref<16x512xi32, #tpu.memory_space<vmem>>) dst(%dma_wait3A_87 : memref<16x512xi32, #tpu.memory_space<hbm>>)
      tpu.yield
    }) : () -> ()
    %dma_wait3A_75 = arith.constant 0 : i32
    %dma_wait3A_76 = arith.constant 0 : i32
    %dma_wait3A_77 = tpu.memref_slice %arg2[%dma_wait3A_75, %dma_wait3A_76] : memref<6144x512xi32, #tpu.memory_space<hbm>> -> memref<6144x512xi32, #tpu.memory_space<hbm>>
    tpu.wait_indirect_dma semaphore(%arg9 : memref<!tpu.dma_semaphore, #tpu.memory_space<semaphore_mem>>) src(%dma_wait3A_77 : memref<6144x512xi32, #tpu.memory_space<hbm>>) dst(%arg7 : memref<16x512xi32, #tpu.memory_space<vmem>>)
    %add3A_78 = arith.constant 112 : i32
    %add3A_79 = arith.addi %add3A, %add3A_78 : i32
    "tpu.region"() ({
      %run_scoped3A = tpu.sem_alloc : memref<!tpu.dma_semaphore, #tpu.memory_space<semaphore_mem>>
      %dma_start3A_80 = arith.constant 0 : i32
      %dma_start3A_81 = tpu.memref_slice %arg4[%add3A_79, %dma_start3A_80] : memref<4096x512xi32, #tpu.memory_space<hbm>> -> memref<16x512xi32, #tpu.memory_space<hbm>>
      %dma_start3A_82 = arith.constant 0 : i32
      %dma_start3A_83 = tpu.memref_slice %arg4[%add3A_79, %dma_start3A_82] : memref<4096x512xi32, #tpu.memory_space<hbm>> -> memref<16x512xi32, #tpu.memory_space<hbm>>
      tpu.enqueue_dma source(%arg7 : memref<16x512xi32, #tpu.memory_space<vmem>>) target(%dma_start3A_83 : memref<16x512xi32, #tpu.memory_space<hbm>>) target_semaphore(%run_scoped3A : memref<!tpu.dma_semaphore, #tpu.memory_space<semaphore_mem>>)
      %dma_wait3A_84 = arith.constant 0 : i32
      %dma_wait3A_85 = tpu.memref_slice %arg4[%add3A_79, %dma_wait3A_84] : memref<4096x512xi32, #tpu.memory_space<hbm>> -> memref<16x512xi32, #tpu.memory_space<hbm>>
      %dma_wait3A_86 = arith.constant 0 : i32
      %dma_wait3A_87 = tpu.memref_slice %arg4[%add3A_79, %dma_wait3A_86] : memref<4096x512xi32, #tpu.memory_space<hbm>> -> memref<16x512xi32, #tpu.memory_space<hbm>>
      tpu.wait_dma2 semaphore(%run_scoped3A : memref<!tpu.dma_semaphore, #tpu.memory_space<semaphore_mem>>) src(%arg7 : memref<16x512xi32, #tpu.memory_space<vmem>>) dst(%dma_wait3A_87 : memref<16x512xi32, #tpu.memory_space<hbm>>)
      tpu.yield
    }) : () -> ()
    return
  }
}

#map = affine_map<(d0, d1) -> (0)>
#map1 = affine_map<(d0, d1) -> (0, 0)>
module attributes {stable_mosaic.version = 14 : i64} {
  func.func @_route_body(%arg0: i32, %arg1: i32, %arg2: memref<4096xi32, #tpu.memory_space<hbm>>, %arg3: memref<4096x1024xf32, #tpu.memory_space<hbm>>, %arg4: memref<6144x1024xf32, #tpu.memory_space<hbm>>, %arg5: memref<4096xi32, #tpu.memory_space<hbm>>, %arg6: memref<32xi32, #tpu.memory_space<hbm>>, %arg7: memref<256xi32, #tpu.memory_space<vmem>>, %arg8: memref<256xi32, #tpu.memory_space<vmem>>, %arg9: memref<256xi32, #tpu.memory_space<vmem>>, %arg10: memref<16xi32, #tpu.memory_space<vmem>>, %arg11: memref<256xi32, #tpu.memory_space<vmem>>, %arg12: memref<16xi32, #tpu.memory_space<vmem>>, %arg13: memref<16xi32, #tpu.memory_space<vmem>>, %arg14: memref<16xi32, #tpu.memory_space<vmem>>, %arg15: memref<32xi32, #tpu.memory_space<vmem>>, %arg16: memref<16x1024xf32, #tpu.memory_space<vmem>>, %arg17: memref<16x1024xf32, #tpu.memory_space<vmem>>, %arg18: memref<256xi32, #tpu.memory_space<vmem_shared>>, %arg19: memref<!tpu.dma_semaphore, #tpu.memory_space<semaphore_mem>>, %arg20: memref<!tpu.dma_semaphore, #tpu.memory_space<semaphore_mem>>) attributes {dimension_semantics = [#tpu.dimension_semantics<core_parallel>, #tpu.dimension_semantics<subcore_parallel>], iteration_bounds = array<i64: 2, 16>, scalar_prefetch = 0 : i64, scratch_operands = 14 : i64, tpu.core_type = #tpu.core_type<sc_vector_subcore>, window_params = [{transform_indices = #map}, {transform_indices = #map1}, {transform_indices = #map1}, {transform_indices = #map}, {transform_indices = #map}]} {
    %mul3A = arith.constant 256 : i32
    %mul3A_0 = arith.muli %arg1, %mul3A : i32
    "tpu.region"() ({
      %run_scoped3A = tpu.sem_alloc : memref<!tpu.dma_semaphore, #tpu.memory_space<semaphore_mem>>
      %dma_start3A = tpu.memref_slice %arg2[%mul3A_0] : memref<4096xi32, #tpu.memory_space<hbm>> -> memref<256xi32, #tpu.memory_space<hbm>>
      %dma_start3A_2393 = tpu.memref_slice %arg2[%mul3A_0] : memref<4096xi32, #tpu.memory_space<hbm>> -> memref<256xi32, #tpu.memory_space<hbm>>
      tpu.enqueue_dma source(%dma_start3A_2393 : memref<256xi32, #tpu.memory_space<hbm>>) target(%arg7 : memref<256xi32, #tpu.memory_space<vmem>>) target_semaphore(%run_scoped3A : memref<!tpu.dma_semaphore, #tpu.memory_space<semaphore_mem>>)
      %dma_wait3A = tpu.memref_slice %arg2[%mul3A_0] : memref<4096xi32, #tpu.memory_space<hbm>> -> memref<256xi32, #tpu.memory_space<hbm>>
      %dma_wait3A_2394 = tpu.memref_slice %arg2[%mul3A_0] : memref<4096xi32, #tpu.memory_space<hbm>> -> memref<256xi32, #tpu.memory_space<hbm>>
      tpu.wait_dma2 semaphore(%run_scoped3A : memref<!tpu.dma_semaphore, #tpu.memory_space<semaphore_mem>>) src(%dma_wait3A_2394 : memref<256xi32, #tpu.memory_space<hbm>>) dst(%arg7 : memref<256xi32, #tpu.memory_space<vmem>>)
      tpu.yield
    }) : () -> ()
    %iota3A = tpu.iota {dimensions = array<i32: 0>} : vector<16xi32>
    %broadcast_in_dim3A = arith.constant 0 : i32
    %broadcast_in_dim3A_1 = vector.broadcast %broadcast_in_dim3A : i32 to vector<16xi32>
    %broadcast_in_dim3A_2 = arith.constant 0 : i32
    %broadcast_in_dim3A_3 = vector.broadcast %broadcast_in_dim3A_2 : i32 to vector<16xi32>
    %broadcast_in_dim3A_4 = arith.constant 0 : i32
    %broadcast_in_dim3A_5 = vector.broadcast %broadcast_in_dim3A_4 : i32 to vector<16xi32>
    %broadcast_in_dim3A_6 = arith.constant 0 : i32
    %broadcast_in_dim3A_7 = vector.broadcast %broadcast_in_dim3A_6 : i32 to vector<16xi32>
    %broadcast_in_dim3A_8 = arith.constant 0 : i32
    %broadcast_in_dim3A_9 = vector.broadcast %broadcast_in_dim3A_8 : i32 to vector<16xi32>
    %broadcast_in_dim3A_10 = arith.constant 0 : i32
    %broadcast_in_dim3A_11 = vector.broadcast %broadcast_in_dim3A_10 : i32 to vector<16xi32>
    %broadcast_in_dim3A_12 = arith.constant 0 : i32
    %broadcast_in_dim3A_13 = vector.broadcast %broadcast_in_dim3A_12 : i32 to vector<16xi32>
    %broadcast_in_dim3A_14 = arith.constant 0 : i32
    %broadcast_in_dim3A_15 = vector.broadcast %broadcast_in_dim3A_14 : i32 to vector<16xi32>
    %get3A = arith.constant 0 : index
    %get3A_16 = tpu.vector_load %arg7[%get3A] {strides = array<i32>} : memref<256xi32, #tpu.memory_space<vmem>>, vector<16xi32>,
    %broadcast_in_dim3A_17 = arith.constant 0 : i32
    %broadcast_in_dim3A_18 = vector.broadcast %broadcast_in_dim3A_17 : i32 to vector<16xi32>
    %eq3A = arith.constant 0 : i32
    %eq3A_19 = vector.broadcast %eq3A : i32 to vector<16xi32>
    %eq3A_20 = arith.cmpi eq, %get3A_16, %eq3A_19 : vector<16xi32>
    %convert_element_type3A = arith.extui %eq3A_20 : vector<16xi1> to vector<16xi32>
    %broadcast_in_dim3A_21 = arith.constant true
    %broadcast_in_dim3A_22 = vector.broadcast %broadcast_in_dim3A_21 : i1 to vector<16xi1>
    %masked_cumsum3A = tpu.scan <sum>, %convert_element_type3A masked %broadcast_in_dim3A_22 : vector<16xi32>, vector<16xi1> -> vector<16xi32>
    %add3A = arith.addi %broadcast_in_dim3A_1, %masked_cumsum3A : vector<16xi32>
    %sub3A = arith.constant 1 : i32
    %sub3A_23 = vector.broadcast %sub3A : i32 to vector<16xi32>
    %sub3A_24 = arith.subi %add3A, %sub3A_23 : vector<16xi32>
    %select_n3A = arith.select %eq3A_20, %sub3A_24, %broadcast_in_dim3A_18 : vector<16xi1>, vector<16xi32>
    %all_reduce_population_count3A = tpu.all_reduce %eq3A_20 {dim = 0 : i64, kind = #tpu.reduction_kind<sum>} : vector<16xi1> -> vector<16xi32>
    %add3A_25 = arith.addi %broadcast_in_dim3A_1, %all_reduce_population_count3A : vector<16xi32>
    %eq3A_26 = arith.constant 1 : i32
    %eq3A_27 = vector.broadcast %eq3A_26 : i32 to vector<16xi32>
    %eq3A_28 = arith.cmpi eq, %get3A_16, %eq3A_27 : vector<16xi32>
    %convert_element_type3A_29 = arith.extui %eq3A_28 : vector<16xi1> to vector<16xi32>
    %broadcast_in_dim3A_30 = arith.constant true
    %broadcast_in_dim3A_31 = vector.broadcast %broadcast_in_dim3A_30 : i1 to vector<16xi1>
    %masked_cumsum3A_32 = tpu.scan <sum>, %convert_element_type3A_29 masked %broadcast_in_dim3A_31 : vector<16xi32>, vector<16xi1> -> vector<16xi32>
    %add3A_33 = arith.addi %broadcast_in_dim3A_3, %masked_cumsum3A_32 : vector<16xi32>
    %sub3A_34 = arith.constant 1 : i32
    %sub3A_35 = vector.broadcast %sub3A_34 : i32 to vector<16xi32>
    %sub3A_36 = arith.subi %add3A_33, %sub3A_35 : vector<16xi32>
    %select_n3A_37 = arith.select %eq3A_28, %sub3A_36, %select_n3A : vector<16xi1>, vector<16xi32>
    %all_reduce_population_count3A_38 = tpu.all_reduce %eq3A_28 {dim = 0 : i64, kind = #tpu.reduction_kind<sum>} : vector<16xi1> -> vector<16xi32>
    %add3A_39 = arith.addi %broadcast_in_dim3A_3, %all_reduce_population_count3A_38 : vector<16xi32>
    %eq3A_40 = arith.constant 2 : i32
    %eq3A_41 = vector.broadcast %eq3A_40 : i32 to vector<16xi32>
    %eq3A_42 = arith.cmpi eq, %get3A_16, %eq3A_41 : vector<16xi32>
    %convert_element_type3A_43 = arith.extui %eq3A_42 : vector<16xi1> to vector<16xi32>
    %broadcast_in_dim3A_44 = arith.constant true
    %broadcast_in_dim3A_45 = vector.broadcast %broadcast_in_dim3A_44 : i1 to vector<16xi1>
    %masked_cumsum3A_46 = tpu.scan <sum>, %convert_element_type3A_43 masked %broadcast_in_dim3A_45 : vector<16xi32>, vector<16xi1> -> vector<16xi32>
    %add3A_47 = arith.addi %broadcast_in_dim3A_5, %masked_cumsum3A_46 : vector<16xi32>
    %sub3A_48 = arith.constant 1 : i32
    %sub3A_49 = vector.broadcast %sub3A_48 : i32 to vector<16xi32>
    %sub3A_50 = arith.subi %add3A_47, %sub3A_49 : vector<16xi32>
    %select_n3A_51 = arith.select %eq3A_42, %sub3A_50, %select_n3A_37 : vector<16xi1>, vector<16xi32>
    %all_reduce_population_count3A_52 = tpu.all_reduce %eq3A_42 {dim = 0 : i64, kind = #tpu.reduction_kind<sum>} : vector<16xi1> -> vector<16xi32>
    %add3A_53 = arith.addi %broadcast_in_dim3A_5, %all_reduce_population_count3A_52 : vector<16xi32>
    %eq3A_54 = arith.constant 3 : i32
    %eq3A_55 = vector.broadcast %eq3A_54 : i32 to vector<16xi32>
    %eq3A_56 = arith.cmpi eq, %get3A_16, %eq3A_55 : vector<16xi32>
    %convert_element_type3A_57 = arith.extui %eq3A_56 : vector<16xi1> to vector<16xi32>
    %broadcast_in_dim3A_58 = arith.constant true
    %broadcast_in_dim3A_59 = vector.broadcast %broadcast_in_dim3A_58 : i1 to vector<16xi1>
    %masked_cumsum3A_60 = tpu.scan <sum>, %convert_element_type3A_57 masked %broadcast_in_dim3A_59 : vector<16xi32>, vector<16xi1> -> vector<16xi32>
    %add3A_61 = arith.addi %broadcast_in_dim3A_7, %masked_cumsum3A_60 : vector<16xi32>
    %sub3A_62 = arith.constant 1 : i32
    %sub3A_63 = vector.broadcast %sub3A_62 : i32 to vector<16xi32>
    %sub3A_64 = arith.subi %add3A_61, %sub3A_63 : vector<16xi32>
    %select_n3A_65 = arith.select %eq3A_56, %sub3A_64, %select_n3A_51 : vector<16xi1>, vector<16xi32>
    %all_reduce_population_count3A_66 = tpu.all_reduce %eq3A_56 {dim = 0 : i64, kind = #tpu.reduction_kind<sum>} : vector<16xi1> -> vector<16xi32>
    %add3A_67 = arith.addi %broadcast_in_dim3A_7, %all_reduce_population_count3A_66 : vector<16xi32>
    %eq3A_68 = arith.constant 4 : i32
    %eq3A_69 = vector.broadcast %eq3A_68 : i32 to vector<16xi32>
    %eq3A_70 = arith.cmpi eq, %get3A_16, %eq3A_69 : vector<16xi32>
    %convert_element_type3A_71 = arith.extui %eq3A_70 : vector<16xi1> to vector<16xi32>
    %broadcast_in_dim3A_72 = arith.constant true
    %broadcast_in_dim3A_73 = vector.broadcast %broadcast_in_dim3A_72 : i1 to vector<16xi1>
    %masked_cumsum3A_74 = tpu.scan <sum>, %convert_element_type3A_71 masked %broadcast_in_dim3A_73 : vector<16xi32>, vector<16xi1> -> vector<16xi32>
    %add3A_75 = arith.addi %broadcast_in_dim3A_9, %masked_cumsum3A_74 : vector<16xi32>
    %sub3A_76 = arith.constant 1 : i32
    %sub3A_77 = vector.broadcast %sub3A_76 : i32 to vector<16xi32>
    %sub3A_78 = arith.subi %add3A_75, %sub3A_77 : vector<16xi32>
    %select_n3A_79 = arith.select %eq3A_70, %sub3A_78, %select_n3A_65 : vector<16xi1>, vector<16xi32>
    %all_reduce_population_count3A_80 = tpu.all_reduce %eq3A_70 {dim = 0 : i64, kind = #tpu.reduction_kind<sum>} : vector<16xi1> -> vector<16xi32>
    %add3A_81 = arith.addi %broadcast_in_dim3A_9, %all_reduce_population_count3A_80 : vector<16xi32>
    %eq3A_82 = arith.constant 5 : i32
    %eq3A_83 = vector.broadcast %eq3A_82 : i32 to vector<16xi32>
    %eq3A_84 = arith.cmpi eq, %get3A_16, %eq3A_83 : vector<16xi32>
    %convert_element_type3A_85 = arith.extui %eq3A_84 : vector<16xi1> to vector<16xi32>
    %broadcast_in_dim3A_86 = arith.constant true
    %broadcast_in_dim3A_87 = vector.broadcast %broadcast_in_dim3A_86 : i1 to vector<16xi1>
    %masked_cumsum3A_88 = tpu.scan <sum>, %convert_element_type3A_85 masked %broadcast_in_dim3A_87 : vector<16xi32>, vector<16xi1> -> vector<16xi32>
    %add3A_89 = arith.addi %broadcast_in_dim3A_11, %masked_cumsum3A_88 : vector<16xi32>
    %sub3A_90 = arith.constant 1 : i32
    %sub3A_91 = vector.broadcast %sub3A_90 : i32 to vector<16xi32>
    %sub3A_92 = arith.subi %add3A_89, %sub3A_91 : vector<16xi32>
    %select_n3A_93 = arith.select %eq3A_84, %sub3A_92, %select_n3A_79 : vector<16xi1>, vector<16xi32>
    %all_reduce_population_count3A_94 = tpu.all_reduce %eq3A_84 {dim = 0 : i64, kind = #tpu.reduction_kind<sum>} : vector<16xi1> -> vector<16xi32>
    %add3A_95 = arith.addi %broadcast_in_dim3A_11, %all_reduce_population_count3A_94 : vector<16xi32>
    %eq3A_96 = arith.constant 6 : i32
    %eq3A_97 = vector.broadcast %eq3A_96 : i32 to vector<16xi32>
    %eq3A_98 = arith.cmpi eq, %get3A_16, %eq3A_97 : vector<16xi32>
    %convert_element_type3A_99 = arith.extui %eq3A_98 : vector<16xi1> to vector<16xi32>
    %broadcast_in_dim3A_100 = arith.constant true
    %broadcast_in_dim3A_101 = vector.broadcast %broadcast_in_dim3A_100 : i1 to vector<16xi1>
    %masked_cumsum3A_102 = tpu.scan <sum>, %convert_element_type3A_99 masked %broadcast_in_dim3A_101 : vector<16xi32>, vector<16xi1> -> vector<16xi32>
    %add3A_103 = arith.addi %broadcast_in_dim3A_13, %masked_cumsum3A_102 : vector<16xi32>
    %sub3A_104 = arith.constant 1 : i32
    %sub3A_105 = vector.broadcast %sub3A_104 : i32 to vector<16xi32>
    %sub3A_106 = arith.subi %add3A_103, %sub3A_105 : vector<16xi32>
    %select_n3A_107 = arith.select %eq3A_98, %sub3A_106, %select_n3A_93 : vector<16xi1>, vector<16xi32>
    %all_reduce_population_count3A_108 = tpu.all_reduce %eq3A_98 {dim = 0 : i64, kind = #tpu.reduction_kind<sum>} : vector<16xi1> -> vector<16xi32>
    %add3A_109 = arith.addi %broadcast_in_dim3A_13, %all_reduce_population_count3A_108 : vector<16xi32>
    %eq3A_110 = arith.constant 7 : i32
    %eq3A_111 = vector.broadcast %eq3A_110 : i32 to vector<16xi32>
    %eq3A_112 = arith.cmpi eq, %get3A_16, %eq3A_111 : vector<16xi32>
    %convert_element_type3A_113 = arith.extui %eq3A_112 : vector<16xi1> to vector<16xi32>
    %broadcast_in_dim3A_114 = arith.constant true
    %broadcast_in_dim3A_115 = vector.broadcast %broadcast_in_dim3A_114 : i1 to vector<16xi1>
    %masked_cumsum3A_116 = tpu.scan <sum>, %convert_element_type3A_113 masked %broadcast_in_dim3A_115 : vector<16xi32>, vector<16xi1> -> vector<16xi32>
    %add3A_117 = arith.addi %broadcast_in_dim3A_15, %masked_cumsum3A_116 : vector<16xi32>
    %sub3A_118 = arith.constant 1 : i32
    %sub3A_119 = vector.broadcast %sub3A_118 : i32 to vector<16xi32>
    %sub3A_120 = arith.subi %add3A_117, %sub3A_119 : vector<16xi32>
    %select_n3A_121 = arith.select %eq3A_112, %sub3A_120, %select_n3A_107 : vector<16xi1>, vector<16xi32>
    %all_reduce_population_count3A_122 = tpu.all_reduce %eq3A_112 {dim = 0 : i64, kind = #tpu.reduction_kind<sum>} : vector<16xi1> -> vector<16xi32>
    %add3A_123 = arith.addi %broadcast_in_dim3A_15, %all_reduce_population_count3A_122 : vector<16xi32>
    %swap3A = arith.constant 0 : index
    %swap3A_124 = tpu.vector_load %arg8[%swap3A] {strides = array<i32>} : memref<256xi32, #tpu.memory_space<vmem>>, vector<16xi32>,
    tpu.vector_store %arg8[%swap3A], %select_n3A_121 {strides = array<i32>} : memref<256xi32, #tpu.memory_space<vmem>>, vector<16xi32>,
    %get3A_125 = arith.constant 16 : index
    %get3A_126 = tpu.vector_load %arg7[%get3A_125] {strides = array<i32>} : memref<256xi32, #tpu.memory_space<vmem>>, vector<16xi32>,
    %broadcast_in_dim3A_127 = arith.constant 0 : i32
    %broadcast_in_dim3A_128 = vector.broadcast %broadcast_in_dim3A_127 : i32 to vector<16xi32>
    %eq3A_129 = arith.constant 0 : i32
    %eq3A_130 = vector.broadcast %eq3A_129 : i32 to vector<16xi32>
    %eq3A_131 = arith.cmpi eq, %get3A_126, %eq3A_130 : vector<16xi32>
    %convert_element_type3A_132 = arith.extui %eq3A_131 : vector<16xi1> to vector<16xi32>
    %broadcast_in_dim3A_133 = arith.constant true
    %broadcast_in_dim3A_134 = vector.broadcast %broadcast_in_dim3A_133 : i1 to vector<16xi1>
    %masked_cumsum3A_135 = tpu.scan <sum>, %convert_element_type3A_132 masked %broadcast_in_dim3A_134 : vector<16xi32>, vector<16xi1> -> vector<16xi32>
    %add3A_136 = arith.addi %add3A_25, %masked_cumsum3A_135 : vector<16xi32>
    %sub3A_137 = arith.constant 1 : i32
    %sub3A_138 = vector.broadcast %sub3A_137 : i32 to vector<16xi32>
    %sub3A_139 = arith.subi %add3A_136, %sub3A_138 : vector<16xi32>
    %select_n3A_140 = arith.select %eq3A_131, %sub3A_139, %broadcast_in_dim3A_128 : vector<16xi1>, vector<16xi32>
    %all_reduce_population_count3A_141 = tpu.all_reduce %eq3A_131 {dim = 0 : i64, kind = #tpu.reduction_kind<sum>} : vector<16xi1> -> vector<16xi32>
    %add3A_142 = arith.addi %add3A_25, %all_reduce_population_count3A_141 : vector<16xi32>
    %eq3A_143 = arith.constant 1 : i32
    %eq3A_144 = vector.broadcast %eq3A_143 : i32 to vector<16xi32>
    %eq3A_145 = arith.cmpi eq, %get3A_126, %eq3A_144 : vector<16xi32>
    %convert_element_type3A_146 = arith.extui %eq3A_145 : vector<16xi1> to vector<16xi32>
    %broadcast_in_dim3A_147 = arith.constant true
    %broadcast_in_dim3A_148 = vector.broadcast %broadcast_in_dim3A_147 : i1 to vector<16xi1>
    %masked_cumsum3A_149 = tpu.scan <sum>, %convert_element_type3A_146 masked %broadcast_in_dim3A_148 : vector<16xi32>, vector<16xi1> -> vector<16xi32>
    %add3A_150 = arith.addi %add3A_39, %masked_cumsum3A_149 : vector<16xi32>
    %sub3A_151 = arith.constant 1 : i32
    %sub3A_152 = vector.broadcast %sub3A_151 : i32 to vector<16xi32>
    %sub3A_153 = arith.subi %add3A_150, %sub3A_152 : vector<16xi32>
    %select_n3A_154 = arith.select %eq3A_145, %sub3A_153, %select_n3A_140 : vector<16xi1>, vector<16xi32>
    %all_reduce_population_count3A_155 = tpu.all_reduce %eq3A_145 {dim = 0 : i64, kind = #tpu.reduction_kind<sum>} : vector<16xi1> -> vector<16xi32>
    %add3A_156 = arith.addi %add3A_39, %all_reduce_population_count3A_155 : vector<16xi32>
    %eq3A_157 = arith.constant 2 : i32
    %eq3A_158 = vector.broadcast %eq3A_157 : i32 to vector<16xi32>
    %eq3A_159 = arith.cmpi eq, %get3A_126, %eq3A_158 : vector<16xi32>
    %convert_element_type3A_160 = arith.extui %eq3A_159 : vector<16xi1> to vector<16xi32>
    %broadcast_in_dim3A_161 = arith.constant true
    %broadcast_in_dim3A_162 = vector.broadcast %broadcast_in_dim3A_161 : i1 to vector<16xi1>
    %masked_cumsum3A_163 = tpu.scan <sum>, %convert_element_type3A_160 masked %broadcast_in_dim3A_162 : vector<16xi32>, vector<16xi1> -> vector<16xi32>
    %add3A_164 = arith.addi %add3A_53, %masked_cumsum3A_163 : vector<16xi32>
    %sub3A_165 = arith.constant 1 : i32
    %sub3A_166 = vector.broadcast %sub3A_165 : i32 to vector<16xi32>
    %sub3A_167 = arith.subi %add3A_164, %sub3A_166 : vector<16xi32>
    %select_n3A_168 = arith.select %eq3A_159, %sub3A_167, %select_n3A_154 : vector<16xi1>, vector<16xi32>
    %all_reduce_population_count3A_169 = tpu.all_reduce %eq3A_159 {dim = 0 : i64, kind = #tpu.reduction_kind<sum>} : vector<16xi1> -> vector<16xi32>
    %add3A_170 = arith.addi %add3A_53, %all_reduce_population_count3A_169 : vector<16xi32>
    %eq3A_171 = arith.constant 3 : i32
    %eq3A_172 = vector.broadcast %eq3A_171 : i32 to vector<16xi32>
    %eq3A_173 = arith.cmpi eq, %get3A_126, %eq3A_172 : vector<16xi32>
    %convert_element_type3A_174 = arith.extui %eq3A_173 : vector<16xi1> to vector<16xi32>
    %broadcast_in_dim3A_175 = arith.constant true
    %broadcast_in_dim3A_176 = vector.broadcast %broadcast_in_dim3A_175 : i1 to vector<16xi1>
    %masked_cumsum3A_177 = tpu.scan <sum>, %convert_element_type3A_174 masked %broadcast_in_dim3A_176 : vector<16xi32>, vector<16xi1> -> vector<16xi32>
    %add3A_178 = arith.addi %add3A_67, %masked_cumsum3A_177 : vector<16xi32>
    %sub3A_179 = arith.constant 1 : i32
    %sub3A_180 = vector.broadcast %sub3A_179 : i32 to vector<16xi32>
    %sub3A_181 = arith.subi %add3A_178, %sub3A_180 : vector<16xi32>
    %select_n3A_182 = arith.select %eq3A_173, %sub3A_181, %select_n3A_168 : vector<16xi1>, vector<16xi32>
    %all_reduce_population_count3A_183 = tpu.all_reduce %eq3A_173 {dim = 0 : i64, kind = #tpu.reduction_kind<sum>} : vector<16xi1> -> vector<16xi32>
    %add3A_184 = arith.addi %add3A_67, %all_reduce_population_count3A_183 : vector<16xi32>
    %eq3A_185 = arith.constant 4 : i32
    %eq3A_186 = vector.broadcast %eq3A_185 : i32 to vector<16xi32>
    %eq3A_187 = arith.cmpi eq, %get3A_126, %eq3A_186 : vector<16xi32>
    %convert_element_type3A_188 = arith.extui %eq3A_187 : vector<16xi1> to vector<16xi32>
    %broadcast_in_dim3A_189 = arith.constant true
    %broadcast_in_dim3A_190 = vector.broadcast %broadcast_in_dim3A_189 : i1 to vector<16xi1>
    %masked_cumsum3A_191 = tpu.scan <sum>, %convert_element_type3A_188 masked %broadcast_in_dim3A_190 : vector<16xi32>, vector<16xi1> -> vector<16xi32>
    %add3A_192 = arith.addi %add3A_81, %masked_cumsum3A_191 : vector<16xi32>
    %sub3A_193 = arith.constant 1 : i32
    %sub3A_194 = vector.broadcast %sub3A_193 : i32 to vector<16xi32>
    %sub3A_195 = arith.subi %add3A_192, %sub3A_194 : vector<16xi32>
    %select_n3A_196 = arith.select %eq3A_187, %sub3A_195, %select_n3A_182 : vector<16xi1>, vector<16xi32>
    %all_reduce_population_count3A_197 = tpu.all_reduce %eq3A_187 {dim = 0 : i64, kind = #tpu.reduction_kind<sum>} : vector<16xi1> -> vector<16xi32>
    %add3A_198 = arith.addi %add3A_81, %all_reduce_population_count3A_197 : vector<16xi32>
    %eq3A_199 = arith.constant 5 : i32
    %eq3A_200 = vector.broadcast %eq3A_199 : i32 to vector<16xi32>
    %eq3A_201 = arith.cmpi eq, %get3A_126, %eq3A_200 : vector<16xi32>
    %convert_element_type3A_202 = arith.extui %eq3A_201 : vector<16xi1> to vector<16xi32>
    %broadcast_in_dim3A_203 = arith.constant true
    %broadcast_in_dim3A_204 = vector.broadcast %broadcast_in_dim3A_203 : i1 to vector<16xi1>
    %masked_cumsum3A_205 = tpu.scan <sum>, %convert_element_type3A_202 masked %broadcast_in_dim3A_204 : vector<16xi32>, vector<16xi1> -> vector<16xi32>
    %add3A_206 = arith.addi %add3A_95, %masked_cumsum3A_205 : vector<16xi32>
    %sub3A_207 = arith.constant 1 : i32
    %sub3A_208 = vector.broadcast %sub3A_207 : i32 to vector<16xi32>
    %sub3A_209 = arith.subi %add3A_206, %sub3A_208 : vector<16xi32>
    %select_n3A_210 = arith.select %eq3A_201, %sub3A_209, %select_n3A_196 : vector<16xi1>, vector<16xi32>
    %all_reduce_population_count3A_211 = tpu.all_reduce %eq3A_201 {dim = 0 : i64, kind = #tpu.reduction_kind<sum>} : vector<16xi1> -> vector<16xi32>
    %add3A_212 = arith.addi %add3A_95, %all_reduce_population_count3A_211 : vector<16xi32>
    %eq3A_213 = arith.constant 6 : i32
    %eq3A_214 = vector.broadcast %eq3A_213 : i32 to vector<16xi32>
    %eq3A_215 = arith.cmpi eq, %get3A_126, %eq3A_214 : vector<16xi32>
    %convert_element_type3A_216 = arith.extui %eq3A_215 : vector<16xi1> to vector<16xi32>
    %broadcast_in_dim3A_217 = arith.constant true
    %broadcast_in_dim3A_218 = vector.broadcast %broadcast_in_dim3A_217 : i1 to vector<16xi1>
    %masked_cumsum3A_219 = tpu.scan <sum>, %convert_element_type3A_216 masked %broadcast_in_dim3A_218 : vector<16xi32>, vector<16xi1> -> vector<16xi32>
    %add3A_220 = arith.addi %add3A_109, %masked_cumsum3A_219 : vector<16xi32>
    %sub3A_221 = arith.constant 1 : i32
    %sub3A_222 = vector.broadcast %sub3A_221 : i32 to vector<16xi32>
    %sub3A_223 = arith.subi %add3A_220, %sub3A_222 : vector<16xi32>
    %select_n3A_224 = arith.select %eq3A_215, %sub3A_223, %select_n3A_210 : vector<16xi1>, vector<16xi32>
    %all_reduce_population_count3A_225 = tpu.all_reduce %eq3A_215 {dim = 0 : i64, kind = #tpu.reduction_kind<sum>} : vector<16xi1> -> vector<16xi32>
    %add3A_226 = arith.addi %add3A_109, %all_reduce_population_count3A_225 : vector<16xi32>
    %eq3A_227 = arith.constant 7 : i32
    %eq3A_228 = vector.broadcast %eq3A_227 : i32 to vector<16xi32>
    %eq3A_229 = arith.cmpi eq, %get3A_126, %eq3A_228 : vector<16xi32>
    %convert_element_type3A_230 = arith.extui %eq3A_229 : vector<16xi1> to vector<16xi32>
    %broadcast_in_dim3A_231 = arith.constant true
    %broadcast_in_dim3A_232 = vector.broadcast %broadcast_in_dim3A_231 : i1 to vector<16xi1>
    %masked_cumsum3A_233 = tpu.scan <sum>, %convert_element_type3A_230 masked %broadcast_in_dim3A_232 : vector<16xi32>, vector<16xi1> -> vector<16xi32>
    %add3A_234 = arith.addi %add3A_123, %masked_cumsum3A_233 : vector<16xi32>
    %sub3A_235 = arith.constant 1 : i32
    %sub3A_236 = vector.broadcast %sub3A_235 : i32 to vector<16xi32>
    %sub3A_237 = arith.subi %add3A_234, %sub3A_236 : vector<16xi32>
    %select_n3A_238 = arith.select %eq3A_229, %sub3A_237, %select_n3A_224 : vector<16xi1>, vector<16xi32>
    %all_reduce_population_count3A_239 = tpu.all_reduce %eq3A_229 {dim = 0 : i64, kind = #tpu.reduction_kind<sum>} : vector<16xi1> -> vector<16xi32>
    %add3A_240 = arith.addi %add3A_123, %all_reduce_population_count3A_239 : vector<16xi32>
    %swap3A_241 = arith.constant 16 : index
    %swap3A_242 = tpu.vector_load %arg8[%swap3A_241] {strides = array<i32>} : memref<256xi32, #tpu.memory_space<vmem>>, vector<16xi32>,
    tpu.vector_store %arg8[%swap3A_241], %select_n3A_238 {strides = array<i32>} : memref<256xi32, #tpu.memory_space<vmem>>, vector<16xi32>,
    %get3A_243 = arith.constant 32 : index
    %get3A_244 = tpu.vector_load %arg7[%get3A_243] {strides = array<i32>} : memref<256xi32, #tpu.memory_space<vmem>>, vector<16xi32>,
    %broadcast_in_dim3A_245 = arith.constant 0 : i32
    %broadcast_in_dim3A_246 = vector.broadcast %broadcast_in_dim3A_245 : i32 to vector<16xi32>
    %eq3A_247 = arith.constant 0 : i32
    %eq3A_248 = vector.broadcast %eq3A_247 : i32 to vector<16xi32>
    %eq3A_249 = arith.cmpi eq, %get3A_244, %eq3A_248 : vector<16xi32>
    %convert_element_type3A_250 = arith.extui %eq3A_249 : vector<16xi1> to vector<16xi32>
    %broadcast_in_dim3A_251 = arith.constant true
    %broadcast_in_dim3A_252 = vector.broadcast %broadcast_in_dim3A_251 : i1 to vector<16xi1>
    %masked_cumsum3A_253 = tpu.scan <sum>, %convert_element_type3A_250 masked %broadcast_in_dim3A_252 : vector<16xi32>, vector<16xi1> -> vector<16xi32>
    %add3A_254 = arith.addi %add3A_142, %masked_cumsum3A_253 : vector<16xi32>
    %sub3A_255 = arith.constant 1 : i32
    %sub3A_256 = vector.broadcast %sub3A_255 : i32 to vector<16xi32>
    %sub3A_257 = arith.subi %add3A_254, %sub3A_256 : vector<16xi32>
    %select_n3A_258 = arith.select %eq3A_249, %sub3A_257, %broadcast_in_dim3A_246 : vector<16xi1>, vector<16xi32>
    %all_reduce_population_count3A_259 = tpu.all_reduce %eq3A_249 {dim = 0 : i64, kind = #tpu.reduction_kind<sum>} : vector<16xi1> -> vector<16xi32>
    %add3A_260 = arith.addi %add3A_142, %all_reduce_population_count3A_259 : vector<16xi32>
    %eq3A_261 = arith.constant 1 : i32
    %eq3A_262 = vector.broadcast %eq3A_261 : i32 to vector<16xi32>
    %eq3A_263 = arith.cmpi eq, %get3A_244, %eq3A_262 : vector<16xi32>
    %convert_element_type3A_264 = arith.extui %eq3A_263 : vector<16xi1> to vector<16xi32>
    %broadcast_in_dim3A_265 = arith.constant true
    %broadcast_in_dim3A_266 = vector.broadcast %broadcast_in_dim3A_265 : i1 to vector<16xi1>
    %masked_cumsum3A_267 = tpu.scan <sum>, %convert_element_type3A_264 masked %broadcast_in_dim3A_266 : vector<16xi32>, vector<16xi1> -> vector<16xi32>
    %add3A_268 = arith.addi %add3A_156, %masked_cumsum3A_267 : vector<16xi32>
    %sub3A_269 = arith.constant 1 : i32
    %sub3A_270 = vector.broadcast %sub3A_269 : i32 to vector<16xi32>
    %sub3A_271 = arith.subi %add3A_268, %sub3A_270 : vector<16xi32>
    %select_n3A_272 = arith.select %eq3A_263, %sub3A_271, %select_n3A_258 : vector<16xi1>, vector<16xi32>
    %all_reduce_population_count3A_273 = tpu.all_reduce %eq3A_263 {dim = 0 : i64, kind = #tpu.reduction_kind<sum>} : vector<16xi1> -> vector<16xi32>
    %add3A_274 = arith.addi %add3A_156, %all_reduce_population_count3A_273 : vector<16xi32>
    %eq3A_275 = arith.constant 2 : i32
    %eq3A_276 = vector.broadcast %eq3A_275 : i32 to vector<16xi32>
    %eq3A_277 = arith.cmpi eq, %get3A_244, %eq3A_276 : vector<16xi32>
    %convert_element_type3A_278 = arith.extui %eq3A_277 : vector<16xi1> to vector<16xi32>
    %broadcast_in_dim3A_279 = arith.constant true
    %broadcast_in_dim3A_280 = vector.broadcast %broadcast_in_dim3A_279 : i1 to vector<16xi1>
    %masked_cumsum3A_281 = tpu.scan <sum>, %convert_element_type3A_278 masked %broadcast_in_dim3A_280 : vector<16xi32>, vector<16xi1> -> vector<16xi32>
    %add3A_282 = arith.addi %add3A_170, %masked_cumsum3A_281 : vector<16xi32>
    %sub3A_283 = arith.constant 1 : i32
    %sub3A_284 = vector.broadcast %sub3A_283 : i32 to vector<16xi32>
    %sub3A_285 = arith.subi %add3A_282, %sub3A_284 : vector<16xi32>
    %select_n3A_286 = arith.select %eq3A_277, %sub3A_285, %select_n3A_272 : vector<16xi1>, vector<16xi32>
    %all_reduce_population_count3A_287 = tpu.all_reduce %eq3A_277 {dim = 0 : i64, kind = #tpu.reduction_kind<sum>} : vector<16xi1> -> vector<16xi32>
    %add3A_288 = arith.addi %add3A_170, %all_reduce_population_count3A_287 : vector<16xi32>
    %eq3A_289 = arith.constant 3 : i32
    %eq3A_290 = vector.broadcast %eq3A_289 : i32 to vector<16xi32>
    %eq3A_291 = arith.cmpi eq, %get3A_244, %eq3A_290 : vector<16xi32>
    %convert_element_type3A_292 = arith.extui %eq3A_291 : vector<16xi1> to vector<16xi32>
    %broadcast_in_dim3A_293 = arith.constant true
    %broadcast_in_dim3A_294 = vector.broadcast %broadcast_in_dim3A_293 : i1 to vector<16xi1>
    %masked_cumsum3A_295 = tpu.scan <sum>, %convert_element_type3A_292 masked %broadcast_in_dim3A_294 : vector<16xi32>, vector<16xi1> -> vector<16xi32>
    %add3A_296 = arith.addi %add3A_184, %masked_cumsum3A_295 : vector<16xi32>
    %sub3A_297 = arith.constant 1 : i32
    %sub3A_298 = vector.broadcast %sub3A_297 : i32 to vector<16xi32>
    %sub3A_299 = arith.subi %add3A_296, %sub3A_298 : vector<16xi32>
    %select_n3A_300 = arith.select %eq3A_291, %sub3A_299, %select_n3A_286 : vector<16xi1>, vector<16xi32>
    %all_reduce_population_count3A_301 = tpu.all_reduce %eq3A_291 {dim = 0 : i64, kind = #tpu.reduction_kind<sum>} : vector<16xi1> -> vector<16xi32>
    %add3A_302 = arith.addi %add3A_184, %all_reduce_population_count3A_301 : vector<16xi32>
    %eq3A_303 = arith.constant 4 : i32
    %eq3A_304 = vector.broadcast %eq3A_303 : i32 to vector<16xi32>
    %eq3A_305 = arith.cmpi eq, %get3A_244, %eq3A_304 : vector<16xi32>
    %convert_element_type3A_306 = arith.extui %eq3A_305 : vector<16xi1> to vector<16xi32>
    %broadcast_in_dim3A_307 = arith.constant true
    %broadcast_in_dim3A_308 = vector.broadcast %broadcast_in_dim3A_307 : i1 to vector<16xi1>
    %masked_cumsum3A_309 = tpu.scan <sum>, %convert_element_type3A_306 masked %broadcast_in_dim3A_308 : vector<16xi32>, vector<16xi1> -> vector<16xi32>
    %add3A_310 = arith.addi %add3A_198, %masked_cumsum3A_309 : vector<16xi32>
    %sub3A_311 = arith.constant 1 : i32
    %sub3A_312 = vector.broadcast %sub3A_311 : i32 to vector<16xi32>
    %sub3A_313 = arith.subi %add3A_310, %sub3A_312 : vector<16xi32>
    %select_n3A_314 = arith.select %eq3A_305, %sub3A_313, %select_n3A_300 : vector<16xi1>, vector<16xi32>
    %all_reduce_population_count3A_315 = tpu.all_reduce %eq3A_305 {dim = 0 : i64, kind = #tpu.reduction_kind<sum>} : vector<16xi1> -> vector<16xi32>
    %add3A_316 = arith.addi %add3A_198, %all_reduce_population_count3A_315 : vector<16xi32>
    %eq3A_317 = arith.constant 5 : i32
    %eq3A_318 = vector.broadcast %eq3A_317 : i32 to vector<16xi32>
    %eq3A_319 = arith.cmpi eq, %get3A_244, %eq3A_318 : vector<16xi32>
    %convert_element_type3A_320 = arith.extui %eq3A_319 : vector<16xi1> to vector<16xi32>
    %broadcast_in_dim3A_321 = arith.constant true
    %broadcast_in_dim3A_322 = vector.broadcast %broadcast_in_dim3A_321 : i1 to vector<16xi1>
    %masked_cumsum3A_323 = tpu.scan <sum>, %convert_element_type3A_320 masked %broadcast_in_dim3A_322 : vector<16xi32>, vector<16xi1> -> vector<16xi32>
    %add3A_324 = arith.addi %add3A_212, %masked_cumsum3A_323 : vector<16xi32>
    %sub3A_325 = arith.constant 1 : i32
    %sub3A_326 = vector.broadcast %sub3A_325 : i32 to vector<16xi32>
    %sub3A_327 = arith.subi %add3A_324, %sub3A_326 : vector<16xi32>
    %select_n3A_328 = arith.select %eq3A_319, %sub3A_327, %select_n3A_314 : vector<16xi1>, vector<16xi32>
    %all_reduce_population_count3A_329 = tpu.all_reduce %eq3A_319 {dim = 0 : i64, kind = #tpu.reduction_kind<sum>} : vector<16xi1> -> vector<16xi32>
    %add3A_330 = arith.addi %add3A_212, %all_reduce_population_count3A_329 : vector<16xi32>
    %eq3A_331 = arith.constant 6 : i32
    %eq3A_332 = vector.broadcast %eq3A_331 : i32 to vector<16xi32>
    %eq3A_333 = arith.cmpi eq, %get3A_244, %eq3A_332 : vector<16xi32>
    %convert_element_type3A_334 = arith.extui %eq3A_333 : vector<16xi1> to vector<16xi32>
    %broadcast_in_dim3A_335 = arith.constant true
    %broadcast_in_dim3A_336 = vector.broadcast %broadcast_in_dim3A_335 : i1 to vector<16xi1>
    %masked_cumsum3A_337 = tpu.scan <sum>, %convert_element_type3A_334 masked %broadcast_in_dim3A_336 : vector<16xi32>, vector<16xi1> -> vector<16xi32>
    %add3A_338 = arith.addi %add3A_226, %masked_cumsum3A_337 : vector<16xi32>
    %sub3A_339 = arith.constant 1 : i32
    %sub3A_340 = vector.broadcast %sub3A_339 : i32 to vector<16xi32>
    %sub3A_341 = arith.subi %add3A_338, %sub3A_340 : vector<16xi32>
    %select_n3A_342 = arith.select %eq3A_333, %sub3A_341, %select_n3A_328 : vector<16xi1>, vector<16xi32>
    %all_reduce_population_count3A_343 = tpu.all_reduce %eq3A_333 {dim = 0 : i64, kind = #tpu.reduction_kind<sum>} : vector<16xi1> -> vector<16xi32>
    %add3A_344 = arith.addi %add3A_226, %all_reduce_population_count3A_343 : vector<16xi32>
    %eq3A_345 = arith.constant 7 : i32
    %eq3A_346 = vector.broadcast %eq3A_345 : i32 to vector<16xi32>
    %eq3A_347 = arith.cmpi eq, %get3A_244, %eq3A_346 : vector<16xi32>
    %convert_element_type3A_348 = arith.extui %eq3A_347 : vector<16xi1> to vector<16xi32>
    %broadcast_in_dim3A_349 = arith.constant true
    %broadcast_in_dim3A_350 = vector.broadcast %broadcast_in_dim3A_349 : i1 to vector<16xi1>
    %masked_cumsum3A_351 = tpu.scan <sum>, %convert_element_type3A_348 masked %broadcast_in_dim3A_350 : vector<16xi32>, vector<16xi1> -> vector<16xi32>
    %add3A_352 = arith.addi %add3A_240, %masked_cumsum3A_351 : vector<16xi32>
    %sub3A_353 = arith.constant 1 : i32
    %sub3A_354 = vector.broadcast %sub3A_353 : i32 to vector<16xi32>
    %sub3A_355 = arith.subi %add3A_352, %sub3A_354 : vector<16xi32>
    %select_n3A_356 = arith.select %eq3A_347, %sub3A_355, %select_n3A_342 : vector<16xi1>, vector<16xi32>
    %all_reduce_population_count3A_357 = tpu.all_reduce %eq3A_347 {dim = 0 : i64, kind = #tpu.reduction_kind<sum>} : vector<16xi1> -> vector<16xi32>
    %add3A_358 = arith.addi %add3A_240, %all_reduce_population_count3A_357 : vector<16xi32>
    %swap3A_359 = arith.constant 32 : index
    %swap3A_360 = tpu.vector_load %arg8[%swap3A_359] {strides = array<i32>} : memref<256xi32, #tpu.memory_space<vmem>>, vector<16xi32>,
    tpu.vector_store %arg8[%swap3A_359], %select_n3A_356 {strides = array<i32>} : memref<256xi32, #tpu.memory_space<vmem>>, vector<16xi32>,
    %get3A_361 = arith.constant 48 : index
    %get3A_362 = tpu.vector_load %arg7[%get3A_361] {strides = array<i32>} : memref<256xi32, #tpu.memory_space<vmem>>, vector<16xi32>,
    %broadcast_in_dim3A_363 = arith.constant 0 : i32
    %broadcast_in_dim3A_364 = vector.broadcast %broadcast_in_dim3A_363 : i32 to vector<16xi32>
    %eq3A_365 = arith.constant 0 : i32
    %eq3A_366 = vector.broadcast %eq3A_365 : i32 to vector<16xi32>
    %eq3A_367 = arith.cmpi eq, %get3A_362, %eq3A_366 : vector<16xi32>
    %convert_element_type3A_368 = arith.extui %eq3A_367 : vector<16xi1> to vector<16xi32>
    %broadcast_in_dim3A_369 = arith.constant true
    %broadcast_in_dim3A_370 = vector.broadcast %broadcast_in_dim3A_369 : i1 to vector<16xi1>
    %masked_cumsum3A_371 = tpu.scan <sum>, %convert_element_type3A_368 masked %broadcast_in_dim3A_370 : vector<16xi32>, vector<16xi1> -> vector<16xi32>
    %add3A_372 = arith.addi %add3A_260, %masked_cumsum3A_371 : vector<16xi32>
    %sub3A_373 = arith.constant 1 : i32
    %sub3A_374 = vector.broadcast %sub3A_373 : i32 to vector<16xi32>
    %sub3A_375 = arith.subi %add3A_372, %sub3A_374 : vector<16xi32>
    %select_n3A_376 = arith.select %eq3A_367, %sub3A_375, %broadcast_in_dim3A_364 : vector<16xi1>, vector<16xi32>
    %all_reduce_population_count3A_377 = tpu.all_reduce %eq3A_367 {dim = 0 : i64, kind = #tpu.reduction_kind<sum>} : vector<16xi1> -> vector<16xi32>
    %add3A_378 = arith.addi %add3A_260, %all_reduce_population_count3A_377 : vector<16xi32>
    %eq3A_379 = arith.constant 1 : i32
    %eq3A_380 = vector.broadcast %eq3A_379 : i32 to vector<16xi32>
    %eq3A_381 = arith.cmpi eq, %get3A_362, %eq3A_380 : vector<16xi32>
    %convert_element_type3A_382 = arith.extui %eq3A_381 : vector<16xi1> to vector<16xi32>
    %broadcast_in_dim3A_383 = arith.constant true
    %broadcast_in_dim3A_384 = vector.broadcast %broadcast_in_dim3A_383 : i1 to vector<16xi1>
    %masked_cumsum3A_385 = tpu.scan <sum>, %convert_element_type3A_382 masked %broadcast_in_dim3A_384 : vector<16xi32>, vector<16xi1> -> vector<16xi32>
    %add3A_386 = arith.addi %add3A_274, %masked_cumsum3A_385 : vector<16xi32>
    %sub3A_387 = arith.constant 1 : i32
    %sub3A_388 = vector.broadcast %sub3A_387 : i32 to vector<16xi32>
    %sub3A_389 = arith.subi %add3A_386, %sub3A_388 : vector<16xi32>
    %select_n3A_390 = arith.select %eq3A_381, %sub3A_389, %select_n3A_376 : vector<16xi1>, vector<16xi32>
    %all_reduce_population_count3A_391 = tpu.all_reduce %eq3A_381 {dim = 0 : i64, kind = #tpu.reduction_kind<sum>} : vector<16xi1> -> vector<16xi32>
    %add3A_392 = arith.addi %add3A_274, %all_reduce_population_count3A_391 : vector<16xi32>
    %eq3A_393 = arith.constant 2 : i32
    %eq3A_394 = vector.broadcast %eq3A_393 : i32 to vector<16xi32>
    %eq3A_395 = arith.cmpi eq, %get3A_362, %eq3A_394 : vector<16xi32>
    %convert_element_type3A_396 = arith.extui %eq3A_395 : vector<16xi1> to vector<16xi32>
    %broadcast_in_dim3A_397 = arith.constant true
    %broadcast_in_dim3A_398 = vector.broadcast %broadcast_in_dim3A_397 : i1 to vector<16xi1>
    %masked_cumsum3A_399 = tpu.scan <sum>, %convert_element_type3A_396 masked %broadcast_in_dim3A_398 : vector<16xi32>, vector<16xi1> -> vector<16xi32>
    %add3A_400 = arith.addi %add3A_288, %masked_cumsum3A_399 : vector<16xi32>
    %sub3A_401 = arith.constant 1 : i32
    %sub3A_402 = vector.broadcast %sub3A_401 : i32 to vector<16xi32>
    %sub3A_403 = arith.subi %add3A_400, %sub3A_402 : vector<16xi32>
    %select_n3A_404 = arith.select %eq3A_395, %sub3A_403, %select_n3A_390 : vector<16xi1>, vector<16xi32>
    %all_reduce_population_count3A_405 = tpu.all_reduce %eq3A_395 {dim = 0 : i64, kind = #tpu.reduction_kind<sum>} : vector<16xi1> -> vector<16xi32>
    %add3A_406 = arith.addi %add3A_288, %all_reduce_population_count3A_405 : vector<16xi32>
    %eq3A_407 = arith.constant 3 : i32
    %eq3A_408 = vector.broadcast %eq3A_407 : i32 to vector<16xi32>
    %eq3A_409 = arith.cmpi eq, %get3A_362, %eq3A_408 : vector<16xi32>
    %convert_element_type3A_410 = arith.extui %eq3A_409 : vector<16xi1> to vector<16xi32>
    %broadcast_in_dim3A_411 = arith.constant true
    %broadcast_in_dim3A_412 = vector.broadcast %broadcast_in_dim3A_411 : i1 to vector<16xi1>
    %masked_cumsum3A_413 = tpu.scan <sum>, %convert_element_type3A_410 masked %broadcast_in_dim3A_412 : vector<16xi32>, vector<16xi1> -> vector<16xi32>
    %add3A_414 = arith.addi %add3A_302, %masked_cumsum3A_413 : vector<16xi32>
    %sub3A_415 = arith.constant 1 : i32
    %sub3A_416 = vector.broadcast %sub3A_415 : i32 to vector<16xi32>
    %sub3A_417 = arith.subi %add3A_414, %sub3A_416 : vector<16xi32>
    %select_n3A_418 = arith.select %eq3A_409, %sub3A_417, %select_n3A_404 : vector<16xi1>, vector<16xi32>
    %all_reduce_population_count3A_419 = tpu.all_reduce %eq3A_409 {dim = 0 : i64, kind = #tpu.reduction_kind<sum>} : vector<16xi1> -> vector<16xi32>
    %add3A_420 = arith.addi %add3A_302, %all_reduce_population_count3A_419 : vector<16xi32>
    %eq3A_421 = arith.constant 4 : i32
    %eq3A_422 = vector.broadcast %eq3A_421 : i32 to vector<16xi32>
    %eq3A_423 = arith.cmpi eq, %get3A_362, %eq3A_422 : vector<16xi32>
    %convert_element_type3A_424 = arith.extui %eq3A_423 : vector<16xi1> to vector<16xi32>
    %broadcast_in_dim3A_425 = arith.constant true
    %broadcast_in_dim3A_426 = vector.broadcast %broadcast_in_dim3A_425 : i1 to vector<16xi1>
    %masked_cumsum3A_427 = tpu.scan <sum>, %convert_element_type3A_424 masked %broadcast_in_dim3A_426 : vector<16xi32>, vector<16xi1> -> vector<16xi32>
    %add3A_428 = arith.addi %add3A_316, %masked_cumsum3A_427 : vector<16xi32>
    %sub3A_429 = arith.constant 1 : i32
    %sub3A_430 = vector.broadcast %sub3A_429 : i32 to vector<16xi32>
    %sub3A_431 = arith.subi %add3A_428, %sub3A_430 : vector<16xi32>
    %select_n3A_432 = arith.select %eq3A_423, %sub3A_431, %select_n3A_418 : vector<16xi1>, vector<16xi32>
    %all_reduce_population_count3A_433 = tpu.all_reduce %eq3A_423 {dim = 0 : i64, kind = #tpu.reduction_kind<sum>} : vector<16xi1> -> vector<16xi32>
    %add3A_434 = arith.addi %add3A_316, %all_reduce_population_count3A_433 : vector<16xi32>
    %eq3A_435 = arith.constant 5 : i32
    %eq3A_436 = vector.broadcast %eq3A_435 : i32 to vector<16xi32>
    %eq3A_437 = arith.cmpi eq, %get3A_362, %eq3A_436 : vector<16xi32>
    %convert_element_type3A_438 = arith.extui %eq3A_437 : vector<16xi1> to vector<16xi32>
    %broadcast_in_dim3A_439 = arith.constant true
    %broadcast_in_dim3A_440 = vector.broadcast %broadcast_in_dim3A_439 : i1 to vector<16xi1>
    %masked_cumsum3A_441 = tpu.scan <sum>, %convert_element_type3A_438 masked %broadcast_in_dim3A_440 : vector<16xi32>, vector<16xi1> -> vector<16xi32>
    %add3A_442 = arith.addi %add3A_330, %masked_cumsum3A_441 : vector<16xi32>
    %sub3A_443 = arith.constant 1 : i32
    %sub3A_444 = vector.broadcast %sub3A_443 : i32 to vector<16xi32>
    %sub3A_445 = arith.subi %add3A_442, %sub3A_444 : vector<16xi32>
    %select_n3A_446 = arith.select %eq3A_437, %sub3A_445, %select_n3A_432 : vector<16xi1>, vector<16xi32>
    %all_reduce_population_count3A_447 = tpu.all_reduce %eq3A_437 {dim = 0 : i64, kind = #tpu.reduction_kind<sum>} : vector<16xi1> -> vector<16xi32>
    %add3A_448 = arith.addi %add3A_330, %all_reduce_population_count3A_447 : vector<16xi32>
    %eq3A_449 = arith.constant 6 : i32
    %eq3A_450 = vector.broadcast %eq3A_449 : i32 to vector<16xi32>
    %eq3A_451 = arith.cmpi eq, %get3A_362, %eq3A_450 : vector<16xi32>
    %convert_element_type3A_452 = arith.extui %eq3A_451 : vector<16xi1> to vector<16xi32>
    %broadcast_in_dim3A_453 = arith.constant true
    %broadcast_in_dim3A_454 = vector.broadcast %broadcast_in_dim3A_453 : i1 to vector<16xi1>
    %masked_cumsum3A_455 = tpu.scan <sum>, %convert_element_type3A_452 masked %broadcast_in_dim3A_454 : vector<16xi32>, vector<16xi1> -> vector<16xi32>
    %add3A_456 = arith.addi %add3A_344, %masked_cumsum3A_455 : vector<16xi32>
    %sub3A_457 = arith.constant 1 : i32
    %sub3A_458 = vector.broadcast %sub3A_457 : i32 to vector<16xi32>
    %sub3A_459 = arith.subi %add3A_456, %sub3A_458 : vector<16xi32>
    %select_n3A_460 = arith.select %eq3A_451, %sub3A_459, %select_n3A_446 : vector<16xi1>, vector<16xi32>
    %all_reduce_population_count3A_461 = tpu.all_reduce %eq3A_451 {dim = 0 : i64, kind = #tpu.reduction_kind<sum>} : vector<16xi1> -> vector<16xi32>
    %add3A_462 = arith.addi %add3A_344, %all_reduce_population_count3A_461 : vector<16xi32>
    %eq3A_463 = arith.constant 7 : i32
    %eq3A_464 = vector.broadcast %eq3A_463 : i32 to vector<16xi32>
    %eq3A_465 = arith.cmpi eq, %get3A_362, %eq3A_464 : vector<16xi32>
    %convert_element_type3A_466 = arith.extui %eq3A_465 : vector<16xi1> to vector<16xi32>
    %broadcast_in_dim3A_467 = arith.constant true
    %broadcast_in_dim3A_468 = vector.broadcast %broadcast_in_dim3A_467 : i1 to vector<16xi1>
    %masked_cumsum3A_469 = tpu.scan <sum>, %convert_element_type3A_466 masked %broadcast_in_dim3A_468 : vector<16xi32>, vector<16xi1> -> vector<16xi32>
    %add3A_470 = arith.addi %add3A_358, %masked_cumsum3A_469 : vector<16xi32>
    %sub3A_471 = arith.constant 1 : i32
    %sub3A_472 = vector.broadcast %sub3A_471 : i32 to vector<16xi32>
    %sub3A_473 = arith.subi %add3A_470, %sub3A_472 : vector<16xi32>
    %select_n3A_474 = arith.select %eq3A_465, %sub3A_473, %select_n3A_460 : vector<16xi1>, vector<16xi32>
    %all_reduce_population_count3A_475 = tpu.all_reduce %eq3A_465 {dim = 0 : i64, kind = #tpu.reduction_kind<sum>} : vector<16xi1> -> vector<16xi32>
    %add3A_476 = arith.addi %add3A_358, %all_reduce_population_count3A_475 : vector<16xi32>
    %swap3A_477 = arith.constant 48 : index
    %swap3A_478 = tpu.vector_load %arg8[%swap3A_477] {strides = array<i32>} : memref<256xi32, #tpu.memory_space<vmem>>, vector<16xi32>,
    tpu.vector_store %arg8[%swap3A_477], %select_n3A_474 {strides = array<i32>} : memref<256xi32, #tpu.memory_space<vmem>>, vector<16xi32>,
    %get3A_479 = arith.constant 64 : index
    %get3A_480 = tpu.vector_load %arg7[%get3A_479] {strides = array<i32>} : memref<256xi32, #tpu.memory_space<vmem>>, vector<16xi32>,
    %broadcast_in_dim3A_481 = arith.constant 0 : i32
    %broadcast_in_dim3A_482 = vector.broadcast %broadcast_in_dim3A_481 : i32 to vector<16xi32>
    %eq3A_483 = arith.constant 0 : i32
    %eq3A_484 = vector.broadcast %eq3A_483 : i32 to vector<16xi32>
    %eq3A_485 = arith.cmpi eq, %get3A_480, %eq3A_484 : vector<16xi32>
    %convert_element_type3A_486 = arith.extui %eq3A_485 : vector<16xi1> to vector<16xi32>
    %broadcast_in_dim3A_487 = arith.constant true
    %broadcast_in_dim3A_488 = vector.broadcast %broadcast_in_dim3A_487 : i1 to vector<16xi1>
    %masked_cumsum3A_489 = tpu.scan <sum>, %convert_element_type3A_486 masked %broadcast_in_dim3A_488 : vector<16xi32>, vector<16xi1> -> vector<16xi32>
    %add3A_490 = arith.addi %add3A_378, %masked_cumsum3A_489 : vector<16xi32>
    %sub3A_491 = arith.constant 1 : i32
    %sub3A_492 = vector.broadcast %sub3A_491 : i32 to vector<16xi32>
    %sub3A_493 = arith.subi %add3A_490, %sub3A_492 : vector<16xi32>
    %select_n3A_494 = arith.select %eq3A_485, %sub3A_493, %broadcast_in_dim3A_482 : vector<16xi1>, vector<16xi32>
    %all_reduce_population_count3A_495 = tpu.all_reduce %eq3A_485 {dim = 0 : i64, kind = #tpu.reduction_kind<sum>} : vector<16xi1> -> vector<16xi32>
    %add3A_496 = arith.addi %add3A_378, %all_reduce_population_count3A_495 : vector<16xi32>
    %eq3A_497 = arith.constant 1 : i32
    %eq3A_498 = vector.broadcast %eq3A_497 : i32 to vector<16xi32>
    %eq3A_499 = arith.cmpi eq, %get3A_480, %eq3A_498 : vector<16xi32>
    %convert_element_type3A_500 = arith.extui %eq3A_499 : vector<16xi1> to vector<16xi32>
    %broadcast_in_dim3A_501 = arith.constant true
    %broadcast_in_dim3A_502 = vector.broadcast %broadcast_in_dim3A_501 : i1 to vector<16xi1>
    %masked_cumsum3A_503 = tpu.scan <sum>, %convert_element_type3A_500 masked %broadcast_in_dim3A_502 : vector<16xi32>, vector<16xi1> -> vector<16xi32>
    %add3A_504 = arith.addi %add3A_392, %masked_cumsum3A_503 : vector<16xi32>
    %sub3A_505 = arith.constant 1 : i32
    %sub3A_506 = vector.broadcast %sub3A_505 : i32 to vector<16xi32>
    %sub3A_507 = arith.subi %add3A_504, %sub3A_506 : vector<16xi32>
    %select_n3A_508 = arith.select %eq3A_499, %sub3A_507, %select_n3A_494 : vector<16xi1>, vector<16xi32>
    %all_reduce_population_count3A_509 = tpu.all_reduce %eq3A_499 {dim = 0 : i64, kind = #tpu.reduction_kind<sum>} : vector<16xi1> -> vector<16xi32>
    %add3A_510 = arith.addi %add3A_392, %all_reduce_population_count3A_509 : vector<16xi32>
    %eq3A_511 = arith.constant 2 : i32
    %eq3A_512 = vector.broadcast %eq3A_511 : i32 to vector<16xi32>
    %eq3A_513 = arith.cmpi eq, %get3A_480, %eq3A_512 : vector<16xi32>
    %convert_element_type3A_514 = arith.extui %eq3A_513 : vector<16xi1> to vector<16xi32>
    %broadcast_in_dim3A_515 = arith.constant true
    %broadcast_in_dim3A_516 = vector.broadcast %broadcast_in_dim3A_515 : i1 to vector<16xi1>
    %masked_cumsum3A_517 = tpu.scan <sum>, %convert_element_type3A_514 masked %broadcast_in_dim3A_516 : vector<16xi32>, vector<16xi1> -> vector<16xi32>
    %add3A_518 = arith.addi %add3A_406, %masked_cumsum3A_517 : vector<16xi32>
    %sub3A_519 = arith.constant 1 : i32
    %sub3A_520 = vector.broadcast %sub3A_519 : i32 to vector<16xi32>
    %sub3A_521 = arith.subi %add3A_518, %sub3A_520 : vector<16xi32>
    %select_n3A_522 = arith.select %eq3A_513, %sub3A_521, %select_n3A_508 : vector<16xi1>, vector<16xi32>
    %all_reduce_population_count3A_523 = tpu.all_reduce %eq3A_513 {dim = 0 : i64, kind = #tpu.reduction_kind<sum>} : vector<16xi1> -> vector<16xi32>
    %add3A_524 = arith.addi %add3A_406, %all_reduce_population_count3A_523 : vector<16xi32>
    %eq3A_525 = arith.constant 3 : i32
    %eq3A_526 = vector.broadcast %eq3A_525 : i32 to vector<16xi32>
    %eq3A_527 = arith.cmpi eq, %get3A_480, %eq3A_526 : vector<16xi32>
    %convert_element_type3A_528 = arith.extui %eq3A_527 : vector<16xi1> to vector<16xi32>
    %broadcast_in_dim3A_529 = arith.constant true
    %broadcast_in_dim3A_530 = vector.broadcast %broadcast_in_dim3A_529 : i1 to vector<16xi1>
    %masked_cumsum3A_531 = tpu.scan <sum>, %convert_element_type3A_528 masked %broadcast_in_dim3A_530 : vector<16xi32>, vector<16xi1> -> vector<16xi32>
    %add3A_532 = arith.addi %add3A_420, %masked_cumsum3A_531 : vector<16xi32>
    %sub3A_533 = arith.constant 1 : i32
    %sub3A_534 = vector.broadcast %sub3A_533 : i32 to vector<16xi32>
    %sub3A_535 = arith.subi %add3A_532, %sub3A_534 : vector<16xi32>
    %select_n3A_536 = arith.select %eq3A_527, %sub3A_535, %select_n3A_522 : vector<16xi1>, vector<16xi32>
    %all_reduce_population_count3A_537 = tpu.all_reduce %eq3A_527 {dim = 0 : i64, kind = #tpu.reduction_kind<sum>} : vector<16xi1> -> vector<16xi32>
    %add3A_538 = arith.addi %add3A_420, %all_reduce_population_count3A_537 : vector<16xi32>
    %eq3A_539 = arith.constant 4 : i32
    %eq3A_540 = vector.broadcast %eq3A_539 : i32 to vector<16xi32>
    %eq3A_541 = arith.cmpi eq, %get3A_480, %eq3A_540 : vector<16xi32>
    %convert_element_type3A_542 = arith.extui %eq3A_541 : vector<16xi1> to vector<16xi32>
    %broadcast_in_dim3A_543 = arith.constant true
    %broadcast_in_dim3A_544 = vector.broadcast %broadcast_in_dim3A_543 : i1 to vector<16xi1>
    %masked_cumsum3A_545 = tpu.scan <sum>, %convert_element_type3A_542 masked %broadcast_in_dim3A_544 : vector<16xi32>, vector<16xi1> -> vector<16xi32>
    %add3A_546 = arith.addi %add3A_434, %masked_cumsum3A_545 : vector<16xi32>
    %sub3A_547 = arith.constant 1 : i32
    %sub3A_548 = vector.broadcast %sub3A_547 : i32 to vector<16xi32>
    %sub3A_549 = arith.subi %add3A_546, %sub3A_548 : vector<16xi32>
    %select_n3A_550 = arith.select %eq3A_541, %sub3A_549, %select_n3A_536 : vector<16xi1>, vector<16xi32>
    %all_reduce_population_count3A_551 = tpu.all_reduce %eq3A_541 {dim = 0 : i64, kind = #tpu.reduction_kind<sum>} : vector<16xi1> -> vector<16xi32>
    %add3A_552 = arith.addi %add3A_434, %all_reduce_population_count3A_551 : vector<16xi32>
    %eq3A_553 = arith.constant 5 : i32
    %eq3A_554 = vector.broadcast %eq3A_553 : i32 to vector<16xi32>
    %eq3A_555 = arith.cmpi eq, %get3A_480, %eq3A_554 : vector<16xi32>
    %convert_element_type3A_556 = arith.extui %eq3A_555 : vector<16xi1> to vector<16xi32>
    %broadcast_in_dim3A_557 = arith.constant true
    %broadcast_in_dim3A_558 = vector.broadcast %broadcast_in_dim3A_557 : i1 to vector<16xi1>
    %masked_cumsum3A_559 = tpu.scan <sum>, %convert_element_type3A_556 masked %broadcast_in_dim3A_558 : vector<16xi32>, vector<16xi1> -> vector<16xi32>
    %add3A_560 = arith.addi %add3A_448, %masked_cumsum3A_559 : vector<16xi32>
    %sub3A_561 = arith.constant 1 : i32
    %sub3A_562 = vector.broadcast %sub3A_561 : i32 to vector<16xi32>
    %sub3A_563 = arith.subi %add3A_560, %sub3A_562 : vector<16xi32>
    %select_n3A_564 = arith.select %eq3A_555, %sub3A_563, %select_n3A_550 : vector<16xi1>, vector<16xi32>
    %all_reduce_population_count3A_565 = tpu.all_reduce %eq3A_555 {dim = 0 : i64, kind = #tpu.reduction_kind<sum>} : vector<16xi1> -> vector<16xi32>
    %add3A_566 = arith.addi %add3A_448, %all_reduce_population_count3A_565 : vector<16xi32>
    %eq3A_567 = arith.constant 6 : i32
    %eq3A_568 = vector.broadcast %eq3A_567 : i32 to vector<16xi32>
    %eq3A_569 = arith.cmpi eq, %get3A_480, %eq3A_568 : vector<16xi32>
    %convert_element_type3A_570 = arith.extui %eq3A_569 : vector<16xi1> to vector<16xi32>
    %broadcast_in_dim3A_571 = arith.constant true
    %broadcast_in_dim3A_572 = vector.broadcast %broadcast_in_dim3A_571 : i1 to vector<16xi1>
    %masked_cumsum3A_573 = tpu.scan <sum>, %convert_element_type3A_570 masked %broadcast_in_dim3A_572 : vector<16xi32>, vector<16xi1> -> vector<16xi32>
    %add3A_574 = arith.addi %add3A_462, %masked_cumsum3A_573 : vector<16xi32>
    %sub3A_575 = arith.constant 1 : i32
    %sub3A_576 = vector.broadcast %sub3A_575 : i32 to vector<16xi32>
    %sub3A_577 = arith.subi %add3A_574, %sub3A_576 : vector<16xi32>
    %select_n3A_578 = arith.select %eq3A_569, %sub3A_577, %select_n3A_564 : vector<16xi1>, vector<16xi32>
    %all_reduce_population_count3A_579 = tpu.all_reduce %eq3A_569 {dim = 0 : i64, kind = #tpu.reduction_kind<sum>} : vector<16xi1> -> vector<16xi32>
    %add3A_580 = arith.addi %add3A_462, %all_reduce_population_count3A_579 : vector<16xi32>
    %eq3A_581 = arith.constant 7 : i32
    %eq3A_582 = vector.broadcast %eq3A_581 : i32 to vector<16xi32>
    %eq3A_583 = arith.cmpi eq, %get3A_480, %eq3A_582 : vector<16xi32>
    %convert_element_type3A_584 = arith.extui %eq3A_583 : vector<16xi1> to vector<16xi32>
    %broadcast_in_dim3A_585 = arith.constant true
    %broadcast_in_dim3A_586 = vector.broadcast %broadcast_in_dim3A_585 : i1 to vector<16xi1>
    %masked_cumsum3A_587 = tpu.scan <sum>, %convert_element_type3A_584 masked %broadcast_in_dim3A_586 : vector<16xi32>, vector<16xi1> -> vector<16xi32>
    %add3A_588 = arith.addi %add3A_476, %masked_cumsum3A_587 : vector<16xi32>
    %sub3A_589 = arith.constant 1 : i32
    %sub3A_590 = vector.broadcast %sub3A_589 : i32 to vector<16xi32>
    %sub3A_591 = arith.subi %add3A_588, %sub3A_590 : vector<16xi32>
    %select_n3A_592 = arith.select %eq3A_583, %sub3A_591, %select_n3A_578 : vector<16xi1>, vector<16xi32>
    %all_reduce_population_count3A_593 = tpu.all_reduce %eq3A_583 {dim = 0 : i64, kind = #tpu.reduction_kind<sum>} : vector<16xi1> -> vector<16xi32>
    %add3A_594 = arith.addi %add3A_476, %all_reduce_population_count3A_593 : vector<16xi32>
    %swap3A_595 = arith.constant 64 : index
    %swap3A_596 = tpu.vector_load %arg8[%swap3A_595] {strides = array<i32>} : memref<256xi32, #tpu.memory_space<vmem>>, vector<16xi32>,
    tpu.vector_store %arg8[%swap3A_595], %select_n3A_592 {strides = array<i32>} : memref<256xi32, #tpu.memory_space<vmem>>, vector<16xi32>,
    %get3A_597 = arith.constant 80 : index
    %get3A_598 = tpu.vector_load %arg7[%get3A_597] {strides = array<i32>} : memref<256xi32, #tpu.memory_space<vmem>>, vector<16xi32>,
    %broadcast_in_dim3A_599 = arith.constant 0 : i32
    %broadcast_in_dim3A_600 = vector.broadcast %broadcast_in_dim3A_599 : i32 to vector<16xi32>
    %eq3A_601 = arith.constant 0 : i32
    %eq3A_602 = vector.broadcast %eq3A_601 : i32 to vector<16xi32>
    %eq3A_603 = arith.cmpi eq, %get3A_598, %eq3A_602 : vector<16xi32>
    %convert_element_type3A_604 = arith.extui %eq3A_603 : vector<16xi1> to vector<16xi32>
    %broadcast_in_dim3A_605 = arith.constant true
    %broadcast_in_dim3A_606 = vector.broadcast %broadcast_in_dim3A_605 : i1 to vector<16xi1>
    %masked_cumsum3A_607 = tpu.scan <sum>, %convert_element_type3A_604 masked %broadcast_in_dim3A_606 : vector<16xi32>, vector<16xi1> -> vector<16xi32>
    %add3A_608 = arith.addi %add3A_496, %masked_cumsum3A_607 : vector<16xi32>
    %sub3A_609 = arith.constant 1 : i32
    %sub3A_610 = vector.broadcast %sub3A_609 : i32 to vector<16xi32>
    %sub3A_611 = arith.subi %add3A_608, %sub3A_610 : vector<16xi32>
    %select_n3A_612 = arith.select %eq3A_603, %sub3A_611, %broadcast_in_dim3A_600 : vector<16xi1>, vector<16xi32>
    %all_reduce_population_count3A_613 = tpu.all_reduce %eq3A_603 {dim = 0 : i64, kind = #tpu.reduction_kind<sum>} : vector<16xi1> -> vector<16xi32>
    %add3A_614 = arith.addi %add3A_496, %all_reduce_population_count3A_613 : vector<16xi32>
    %eq3A_615 = arith.constant 1 : i32
    %eq3A_616 = vector.broadcast %eq3A_615 : i32 to vector<16xi32>
    %eq3A_617 = arith.cmpi eq, %get3A_598, %eq3A_616 : vector<16xi32>
    %convert_element_type3A_618 = arith.extui %eq3A_617 : vector<16xi1> to vector<16xi32>
    %broadcast_in_dim3A_619 = arith.constant true
    %broadcast_in_dim3A_620 = vector.broadcast %broadcast_in_dim3A_619 : i1 to vector<16xi1>
    %masked_cumsum3A_621 = tpu.scan <sum>, %convert_element_type3A_618 masked %broadcast_in_dim3A_620 : vector<16xi32>, vector<16xi1> -> vector<16xi32>
    %add3A_622 = arith.addi %add3A_510, %masked_cumsum3A_621 : vector<16xi32>
    %sub3A_623 = arith.constant 1 : i32
    %sub3A_624 = vector.broadcast %sub3A_623 : i32 to vector<16xi32>
    %sub3A_625 = arith.subi %add3A_622, %sub3A_624 : vector<16xi32>
    %select_n3A_626 = arith.select %eq3A_617, %sub3A_625, %select_n3A_612 : vector<16xi1>, vector<16xi32>
    %all_reduce_population_count3A_627 = tpu.all_reduce %eq3A_617 {dim = 0 : i64, kind = #tpu.reduction_kind<sum>} : vector<16xi1> -> vector<16xi32>
    %add3A_628 = arith.addi %add3A_510, %all_reduce_population_count3A_627 : vector<16xi32>
    %eq3A_629 = arith.constant 2 : i32
    %eq3A_630 = vector.broadcast %eq3A_629 : i32 to vector<16xi32>
    %eq3A_631 = arith.cmpi eq, %get3A_598, %eq3A_630 : vector<16xi32>
    %convert_element_type3A_632 = arith.extui %eq3A_631 : vector<16xi1> to vector<16xi32>
    %broadcast_in_dim3A_633 = arith.constant true
    %broadcast_in_dim3A_634 = vector.broadcast %broadcast_in_dim3A_633 : i1 to vector<16xi1>
    %masked_cumsum3A_635 = tpu.scan <sum>, %convert_element_type3A_632 masked %broadcast_in_dim3A_634 : vector<16xi32>, vector<16xi1> -> vector<16xi32>
    %add3A_636 = arith.addi %add3A_524, %masked_cumsum3A_635 : vector<16xi32>
    %sub3A_637 = arith.constant 1 : i32
    %sub3A_638 = vector.broadcast %sub3A_637 : i32 to vector<16xi32>
    %sub3A_639 = arith.subi %add3A_636, %sub3A_638 : vector<16xi32>
    %select_n3A_640 = arith.select %eq3A_631, %sub3A_639, %select_n3A_626 : vector<16xi1>, vector<16xi32>
    %all_reduce_population_count3A_641 = tpu.all_reduce %eq3A_631 {dim = 0 : i64, kind = #tpu.reduction_kind<sum>} : vector<16xi1> -> vector<16xi32>
    %add3A_642 = arith.addi %add3A_524, %all_reduce_population_count3A_641 : vector<16xi32>
    %eq3A_643 = arith.constant 3 : i32
    %eq3A_644 = vector.broadcast %eq3A_643 : i32 to vector<16xi32>
    %eq3A_645 = arith.cmpi eq, %get3A_598, %eq3A_644 : vector<16xi32>
    %convert_element_type3A_646 = arith.extui %eq3A_645 : vector<16xi1> to vector<16xi32>
    %broadcast_in_dim3A_647 = arith.constant true
    %broadcast_in_dim3A_648 = vector.broadcast %broadcast_in_dim3A_647 : i1 to vector<16xi1>
    %masked_cumsum3A_649 = tpu.scan <sum>, %convert_element_type3A_646 masked %broadcast_in_dim3A_648 : vector<16xi32>, vector<16xi1> -> vector<16xi32>
    %add3A_650 = arith.addi %add3A_538, %masked_cumsum3A_649 : vector<16xi32>
    %sub3A_651 = arith.constant 1 : i32
    %sub3A_652 = vector.broadcast %sub3A_651 : i32 to vector<16xi32>
    %sub3A_653 = arith.subi %add3A_650, %sub3A_652 : vector<16xi32>
    %select_n3A_654 = arith.select %eq3A_645, %sub3A_653, %select_n3A_640 : vector<16xi1>, vector<16xi32>
    %all_reduce_population_count3A_655 = tpu.all_reduce %eq3A_645 {dim = 0 : i64, kind = #tpu.reduction_kind<sum>} : vector<16xi1> -> vector<16xi32>
    %add3A_656 = arith.addi %add3A_538, %all_reduce_population_count3A_655 : vector<16xi32>
    %eq3A_657 = arith.constant 4 : i32
    %eq3A_658 = vector.broadcast %eq3A_657 : i32 to vector<16xi32>
    %eq3A_659 = arith.cmpi eq, %get3A_598, %eq3A_658 : vector<16xi32>
    %convert_element_type3A_660 = arith.extui %eq3A_659 : vector<16xi1> to vector<16xi32>
    %broadcast_in_dim3A_661 = arith.constant true
    %broadcast_in_dim3A_662 = vector.broadcast %broadcast_in_dim3A_661 : i1 to vector<16xi1>
    %masked_cumsum3A_663 = tpu.scan <sum>, %convert_element_type3A_660 masked %broadcast_in_dim3A_662 : vector<16xi32>, vector<16xi1> -> vector<16xi32>
    %add3A_664 = arith.addi %add3A_552, %masked_cumsum3A_663 : vector<16xi32>
    %sub3A_665 = arith.constant 1 : i32
    %sub3A_666 = vector.broadcast %sub3A_665 : i32 to vector<16xi32>
    %sub3A_667 = arith.subi %add3A_664, %sub3A_666 : vector<16xi32>
    %select_n3A_668 = arith.select %eq3A_659, %sub3A_667, %select_n3A_654 : vector<16xi1>, vector<16xi32>
    %all_reduce_population_count3A_669 = tpu.all_reduce %eq3A_659 {dim = 0 : i64, kind = #tpu.reduction_kind<sum>} : vector<16xi1> -> vector<16xi32>
    %add3A_670 = arith.addi %add3A_552, %all_reduce_population_count3A_669 : vector<16xi32>
    %eq3A_671 = arith.constant 5 : i32
    %eq3A_672 = vector.broadcast %eq3A_671 : i32 to vector<16xi32>
    %eq3A_673 = arith.cmpi eq, %get3A_598, %eq3A_672 : vector<16xi32>
    %convert_element_type3A_674 = arith.extui %eq3A_673 : vector<16xi1> to vector<16xi32>
    %broadcast_in_dim3A_675 = arith.constant true
    %broadcast_in_dim3A_676 = vector.broadcast %broadcast_in_dim3A_675 : i1 to vector<16xi1>
    %masked_cumsum3A_677 = tpu.scan <sum>, %convert_element_type3A_674 masked %broadcast_in_dim3A_676 : vector<16xi32>, vector<16xi1> -> vector<16xi32>
    %add3A_678 = arith.addi %add3A_566, %masked_cumsum3A_677 : vector<16xi32>
    %sub3A_679 = arith.constant 1 : i32
    %sub3A_680 = vector.broadcast %sub3A_679 : i32 to vector<16xi32>
    %sub3A_681 = arith.subi %add3A_678, %sub3A_680 : vector<16xi32>
    %select_n3A_682 = arith.select %eq3A_673, %sub3A_681, %select_n3A_668 : vector<16xi1>, vector<16xi32>
    %all_reduce_population_count3A_683 = tpu.all_reduce %eq3A_673 {dim = 0 : i64, kind = #tpu.reduction_kind<sum>} : vector<16xi1> -> vector<16xi32>
    %add3A_684 = arith.addi %add3A_566, %all_reduce_population_count3A_683 : vector<16xi32>
    %eq3A_685 = arith.constant 6 : i32
    %eq3A_686 = vector.broadcast %eq3A_685 : i32 to vector<16xi32>
    %eq3A_687 = arith.cmpi eq, %get3A_598, %eq3A_686 : vector<16xi32>
    %convert_element_type3A_688 = arith.extui %eq3A_687 : vector<16xi1> to vector<16xi32>
    %broadcast_in_dim3A_689 = arith.constant true
    %broadcast_in_dim3A_690 = vector.broadcast %broadcast_in_dim3A_689 : i1 to vector<16xi1>
    %masked_cumsum3A_691 = tpu.scan <sum>, %convert_element_type3A_688 masked %broadcast_in_dim3A_690 : vector<16xi32>, vector<16xi1> -> vector<16xi32>
    %add3A_692 = arith.addi %add3A_580, %masked_cumsum3A_691 : vector<16xi32>
    %sub3A_693 = arith.constant 1 : i32
    %sub3A_694 = vector.broadcast %sub3A_693 : i32 to vector<16xi32>
    %sub3A_695 = arith.subi %add3A_692, %sub3A_694 : vector<16xi32>
    %select_n3A_696 = arith.select %eq3A_687, %sub3A_695, %select_n3A_682 : vector<16xi1>, vector<16xi32>
    %all_reduce_population_count3A_697 = tpu.all_reduce %eq3A_687 {dim = 0 : i64, kind = #tpu.reduction_kind<sum>} : vector<16xi1> -> vector<16xi32>
    %add3A_698 = arith.addi %add3A_580, %all_reduce_population_count3A_697 : vector<16xi32>
    %eq3A_699 = arith.constant 7 : i32
    %eq3A_700 = vector.broadcast %eq3A_699 : i32 to vector<16xi32>
    %eq3A_701 = arith.cmpi eq, %get3A_598, %eq3A_700 : vector<16xi32>
    %convert_element_type3A_702 = arith.extui %eq3A_701 : vector<16xi1> to vector<16xi32>
    %broadcast_in_dim3A_703 = arith.constant true
    %broadcast_in_dim3A_704 = vector.broadcast %broadcast_in_dim3A_703 : i1 to vector<16xi1>
    %masked_cumsum3A_705 = tpu.scan <sum>, %convert_element_type3A_702 masked %broadcast_in_dim3A_704 : vector<16xi32>, vector<16xi1> -> vector<16xi32>
    %add3A_706 = arith.addi %add3A_594, %masked_cumsum3A_705 : vector<16xi32>
    %sub3A_707 = arith.constant 1 : i32
    %sub3A_708 = vector.broadcast %sub3A_707 : i32 to vector<16xi32>
    %sub3A_709 = arith.subi %add3A_706, %sub3A_708 : vector<16xi32>
    %select_n3A_710 = arith.select %eq3A_701, %sub3A_709, %select_n3A_696 : vector<16xi1>, vector<16xi32>
    %all_reduce_population_count3A_711 = tpu.all_reduce %eq3A_701 {dim = 0 : i64, kind = #tpu.reduction_kind<sum>} : vector<16xi1> -> vector<16xi32>
    %add3A_712 = arith.addi %add3A_594, %all_reduce_population_count3A_711 : vector<16xi32>
    %swap3A_713 = arith.constant 80 : index
    %swap3A_714 = tpu.vector_load %arg8[%swap3A_713] {strides = array<i32>} : memref<256xi32, #tpu.memory_space<vmem>>, vector<16xi32>,
    tpu.vector_store %arg8[%swap3A_713], %select_n3A_710 {strides = array<i32>} : memref<256xi32, #tpu.memory_space<vmem>>, vector<16xi32>,
    %get3A_715 = arith.constant 96 : index
    %get3A_716 = tpu.vector_load %arg7[%get3A_715] {strides = array<i32>} : memref<256xi32, #tpu.memory_space<vmem>>, vector<16xi32>,
    %broadcast_in_dim3A_717 = arith.constant 0 : i32
    %broadcast_in_dim3A_718 = vector.broadcast %broadcast_in_dim3A_717 : i32 to vector<16xi32>
    %eq3A_719 = arith.constant 0 : i32
    %eq3A_720 = vector.broadcast %eq3A_719 : i32 to vector<16xi32>
    %eq3A_721 = arith.cmpi eq, %get3A_716, %eq3A_720 : vector<16xi32>
    %convert_element_type3A_722 = arith.extui %eq3A_721 : vector<16xi1> to vector<16xi32>
    %broadcast_in_dim3A_723 = arith.constant true
    %broadcast_in_dim3A_724 = vector.broadcast %broadcast_in_dim3A_723 : i1 to vector<16xi1>
    %masked_cumsum3A_725 = tpu.scan <sum>, %convert_element_type3A_722 masked %broadcast_in_dim3A_724 : vector<16xi32>, vector<16xi1> -> vector<16xi32>
    %add3A_726 = arith.addi %add3A_614, %masked_cumsum3A_725 : vector<16xi32>
    %sub3A_727 = arith.constant 1 : i32
    %sub3A_728 = vector.broadcast %sub3A_727 : i32 to vector<16xi32>
    %sub3A_729 = arith.subi %add3A_726, %sub3A_728 : vector<16xi32>
    %select_n3A_730 = arith.select %eq3A_721, %sub3A_729, %broadcast_in_dim3A_718 : vector<16xi1>, vector<16xi32>
    %all_reduce_population_count3A_731 = tpu.all_reduce %eq3A_721 {dim = 0 : i64, kind = #tpu.reduction_kind<sum>} : vector<16xi1> -> vector<16xi32>
    %add3A_732 = arith.addi %add3A_614, %all_reduce_population_count3A_731 : vector<16xi32>
    %eq3A_733 = arith.constant 1 : i32
    %eq3A_734 = vector.broadcast %eq3A_733 : i32 to vector<16xi32>
    %eq3A_735 = arith.cmpi eq, %get3A_716, %eq3A_734 : vector<16xi32>
    %convert_element_type3A_736 = arith.extui %eq3A_735 : vector<16xi1> to vector<16xi32>
    %broadcast_in_dim3A_737 = arith.constant true
    %broadcast_in_dim3A_738 = vector.broadcast %broadcast_in_dim3A_737 : i1 to vector<16xi1>
    %masked_cumsum3A_739 = tpu.scan <sum>, %convert_element_type3A_736 masked %broadcast_in_dim3A_738 : vector<16xi32>, vector<16xi1> -> vector<16xi32>
    %add3A_740 = arith.addi %add3A_628, %masked_cumsum3A_739 : vector<16xi32>
    %sub3A_741 = arith.constant 1 : i32
    %sub3A_742 = vector.broadcast %sub3A_741 : i32 to vector<16xi32>
    %sub3A_743 = arith.subi %add3A_740, %sub3A_742 : vector<16xi32>
    %select_n3A_744 = arith.select %eq3A_735, %sub3A_743, %select_n3A_730 : vector<16xi1>, vector<16xi32>
    %all_reduce_population_count3A_745 = tpu.all_reduce %eq3A_735 {dim = 0 : i64, kind = #tpu.reduction_kind<sum>} : vector<16xi1> -> vector<16xi32>
    %add3A_746 = arith.addi %add3A_628, %all_reduce_population_count3A_745 : vector<16xi32>
    %eq3A_747 = arith.constant 2 : i32
    %eq3A_748 = vector.broadcast %eq3A_747 : i32 to vector<16xi32>
    %eq3A_749 = arith.cmpi eq, %get3A_716, %eq3A_748 : vector<16xi32>
    %convert_element_type3A_750 = arith.extui %eq3A_749 : vector<16xi1> to vector<16xi32>
    %broadcast_in_dim3A_751 = arith.constant true
    %broadcast_in_dim3A_752 = vector.broadcast %broadcast_in_dim3A_751 : i1 to vector<16xi1>
    %masked_cumsum3A_753 = tpu.scan <sum>, %convert_element_type3A_750 masked %broadcast_in_dim3A_752 : vector<16xi32>, vector<16xi1> -> vector<16xi32>
    %add3A_754 = arith.addi %add3A_642, %masked_cumsum3A_753 : vector<16xi32>
    %sub3A_755 = arith.constant 1 : i32
    %sub3A_756 = vector.broadcast %sub3A_755 : i32 to vector<16xi32>
    %sub3A_757 = arith.subi %add3A_754, %sub3A_756 : vector<16xi32>
    %select_n3A_758 = arith.select %eq3A_749, %sub3A_757, %select_n3A_744 : vector<16xi1>, vector<16xi32>
    %all_reduce_population_count3A_759 = tpu.all_reduce %eq3A_749 {dim = 0 : i64, kind = #tpu.reduction_kind<sum>} : vector<16xi1> -> vector<16xi32>
    %add3A_760 = arith.addi %add3A_642, %all_reduce_population_count3A_759 : vector<16xi32>
    %eq3A_761 = arith.constant 3 : i32
    %eq3A_762 = vector.broadcast %eq3A_761 : i32 to vector<16xi32>
    %eq3A_763 = arith.cmpi eq, %get3A_716, %eq3A_762 : vector<16xi32>
    %convert_element_type3A_764 = arith.extui %eq3A_763 : vector<16xi1> to vector<16xi32>
    %broadcast_in_dim3A_765 = arith.constant true
    %broadcast_in_dim3A_766 = vector.broadcast %broadcast_in_dim3A_765 : i1 to vector<16xi1>
    %masked_cumsum3A_767 = tpu.scan <sum>, %convert_element_type3A_764 masked %broadcast_in_dim3A_766 : vector<16xi32>, vector<16xi1> -> vector<16xi32>
    %add3A_768 = arith.addi %add3A_656, %masked_cumsum3A_767 : vector<16xi32>
    %sub3A_769 = arith.constant 1 : i32
    %sub3A_770 = vector.broadcast %sub3A_769 : i32 to vector<16xi32>
    %sub3A_771 = arith.subi %add3A_768, %sub3A_770 : vector<16xi32>
    %select_n3A_772 = arith.select %eq3A_763, %sub3A_771, %select_n3A_758 : vector<16xi1>, vector<16xi32>
    %all_reduce_population_count3A_773 = tpu.all_reduce %eq3A_763 {dim = 0 : i64, kind = #tpu.reduction_kind<sum>} : vector<16xi1> -> vector<16xi32>
    %add3A_774 = arith.addi %add3A_656, %all_reduce_population_count3A_773 : vector<16xi32>
    %eq3A_775 = arith.constant 4 : i32
    %eq3A_776 = vector.broadcast %eq3A_775 : i32 to vector<16xi32>
    %eq3A_777 = arith.cmpi eq, %get3A_716, %eq3A_776 : vector<16xi32>
    %convert_element_type3A_778 = arith.extui %eq3A_777 : vector<16xi1> to vector<16xi32>
    %broadcast_in_dim3A_779 = arith.constant true
    %broadcast_in_dim3A_780 = vector.broadcast %broadcast_in_dim3A_779 : i1 to vector<16xi1>
    %masked_cumsum3A_781 = tpu.scan <sum>, %convert_element_type3A_778 masked %broadcast_in_dim3A_780 : vector<16xi32>, vector<16xi1> -> vector<16xi32>
    %add3A_782 = arith.addi %add3A_670, %masked_cumsum3A_781 : vector<16xi32>
    %sub3A_783 = arith.constant 1 : i32
    %sub3A_784 = vector.broadcast %sub3A_783 : i32 to vector<16xi32>
    %sub3A_785 = arith.subi %add3A_782, %sub3A_784 : vector<16xi32>
    %select_n3A_786 = arith.select %eq3A_777, %sub3A_785, %select_n3A_772 : vector<16xi1>, vector<16xi32>
    %all_reduce_population_count3A_787 = tpu.all_reduce %eq3A_777 {dim = 0 : i64, kind = #tpu.reduction_kind<sum>} : vector<16xi1> -> vector<16xi32>
    %add3A_788 = arith.addi %add3A_670, %all_reduce_population_count3A_787 : vector<16xi32>
    %eq3A_789 = arith.constant 5 : i32
    %eq3A_790 = vector.broadcast %eq3A_789 : i32 to vector<16xi32>
    %eq3A_791 = arith.cmpi eq, %get3A_716, %eq3A_790 : vector<16xi32>
    %convert_element_type3A_792 = arith.extui %eq3A_791 : vector<16xi1> to vector<16xi32>
    %broadcast_in_dim3A_793 = arith.constant true
    %broadcast_in_dim3A_794 = vector.broadcast %broadcast_in_dim3A_793 : i1 to vector<16xi1>
    %masked_cumsum3A_795 = tpu.scan <sum>, %convert_element_type3A_792 masked %broadcast_in_dim3A_794 : vector<16xi32>, vector<16xi1> -> vector<16xi32>
    %add3A_796 = arith.addi %add3A_684, %masked_cumsum3A_795 : vector<16xi32>
    %sub3A_797 = arith.constant 1 : i32
    %sub3A_798 = vector.broadcast %sub3A_797 : i32 to vector<16xi32>
    %sub3A_799 = arith.subi %add3A_796, %sub3A_798 : vector<16xi32>
    %select_n3A_800 = arith.select %eq3A_791, %sub3A_799, %select_n3A_786 : vector<16xi1>, vector<16xi32>
    %all_reduce_population_count3A_801 = tpu.all_reduce %eq3A_791 {dim = 0 : i64, kind = #tpu.reduction_kind<sum>} : vector<16xi1> -> vector<16xi32>
    %add3A_802 = arith.addi %add3A_684, %all_reduce_population_count3A_801 : vector<16xi32>
    %eq3A_803 = arith.constant 6 : i32
    %eq3A_804 = vector.broadcast %eq3A_803 : i32 to vector<16xi32>
    %eq3A_805 = arith.cmpi eq, %get3A_716, %eq3A_804 : vector<16xi32>
    %convert_element_type3A_806 = arith.extui %eq3A_805 : vector<16xi1> to vector<16xi32>
    %broadcast_in_dim3A_807 = arith.constant true
    %broadcast_in_dim3A_808 = vector.broadcast %broadcast_in_dim3A_807 : i1 to vector<16xi1>
    %masked_cumsum3A_809 = tpu.scan <sum>, %convert_element_type3A_806 masked %broadcast_in_dim3A_808 : vector<16xi32>, vector<16xi1> -> vector<16xi32>
    %add3A_810 = arith.addi %add3A_698, %masked_cumsum3A_809 : vector<16xi32>
    %sub3A_811 = arith.constant 1 : i32
    %sub3A_812 = vector.broadcast %sub3A_811 : i32 to vector<16xi32>
    %sub3A_813 = arith.subi %add3A_810, %sub3A_812 : vector<16xi32>
    %select_n3A_814 = arith.select %eq3A_805, %sub3A_813, %select_n3A_800 : vector<16xi1>, vector<16xi32>
    %all_reduce_population_count3A_815 = tpu.all_reduce %eq3A_805 {dim = 0 : i64, kind = #tpu.reduction_kind<sum>} : vector<16xi1> -> vector<16xi32>
    %add3A_816 = arith.addi %add3A_698, %all_reduce_population_count3A_815 : vector<16xi32>
    %eq3A_817 = arith.constant 7 : i32
    %eq3A_818 = vector.broadcast %eq3A_817 : i32 to vector<16xi32>
    %eq3A_819 = arith.cmpi eq, %get3A_716, %eq3A_818 : vector<16xi32>
    %convert_element_type3A_820 = arith.extui %eq3A_819 : vector<16xi1> to vector<16xi32>
    %broadcast_in_dim3A_821 = arith.constant true
    %broadcast_in_dim3A_822 = vector.broadcast %broadcast_in_dim3A_821 : i1 to vector<16xi1>
    %masked_cumsum3A_823 = tpu.scan <sum>, %convert_element_type3A_820 masked %broadcast_in_dim3A_822 : vector<16xi32>, vector<16xi1> -> vector<16xi32>
    %add3A_824 = arith.addi %add3A_712, %masked_cumsum3A_823 : vector<16xi32>
    %sub3A_825 = arith.constant 1 : i32
    %sub3A_826 = vector.broadcast %sub3A_825 : i32 to vector<16xi32>
    %sub3A_827 = arith.subi %add3A_824, %sub3A_826 : vector<16xi32>
    %select_n3A_828 = arith.select %eq3A_819, %sub3A_827, %select_n3A_814 : vector<16xi1>, vector<16xi32>
    %all_reduce_population_count3A_829 = tpu.all_reduce %eq3A_819 {dim = 0 : i64, kind = #tpu.reduction_kind<sum>} : vector<16xi1> -> vector<16xi32>
    %add3A_830 = arith.addi %add3A_712, %all_reduce_population_count3A_829 : vector<16xi32>
    %swap3A_831 = arith.constant 96 : index
    %swap3A_832 = tpu.vector_load %arg8[%swap3A_831] {strides = array<i32>} : memref<256xi32, #tpu.memory_space<vmem>>, vector<16xi32>,
    tpu.vector_store %arg8[%swap3A_831], %select_n3A_828 {strides = array<i32>} : memref<256xi32, #tpu.memory_space<vmem>>, vector<16xi32>,
    %get3A_833 = arith.constant 112 : index
    %get3A_834 = tpu.vector_load %arg7[%get3A_833] {strides = array<i32>} : memref<256xi32, #tpu.memory_space<vmem>>, vector<16xi32>,
    %broadcast_in_dim3A_835 = arith.constant 0 : i32
    %broadcast_in_dim3A_836 = vector.broadcast %broadcast_in_dim3A_835 : i32 to vector<16xi32>
    %eq3A_837 = arith.constant 0 : i32
    %eq3A_838 = vector.broadcast %eq3A_837 : i32 to vector<16xi32>
    %eq3A_839 = arith.cmpi eq, %get3A_834, %eq3A_838 : vector<16xi32>
    %convert_element_type3A_840 = arith.extui %eq3A_839 : vector<16xi1> to vector<16xi32>
    %broadcast_in_dim3A_841 = arith.constant true
    %broadcast_in_dim3A_842 = vector.broadcast %broadcast_in_dim3A_841 : i1 to vector<16xi1>
    %masked_cumsum3A_843 = tpu.scan <sum>, %convert_element_type3A_840 masked %broadcast_in_dim3A_842 : vector<16xi32>, vector<16xi1> -> vector<16xi32>
    %add3A_844 = arith.addi %add3A_732, %masked_cumsum3A_843 : vector<16xi32>
    %sub3A_845 = arith.constant 1 : i32
    %sub3A_846 = vector.broadcast %sub3A_845 : i32 to vector<16xi32>
    %sub3A_847 = arith.subi %add3A_844, %sub3A_846 : vector<16xi32>
    %select_n3A_848 = arith.select %eq3A_839, %sub3A_847, %broadcast_in_dim3A_836 : vector<16xi1>, vector<16xi32>
    %all_reduce_population_count3A_849 = tpu.all_reduce %eq3A_839 {dim = 0 : i64, kind = #tpu.reduction_kind<sum>} : vector<16xi1> -> vector<16xi32>
    %add3A_850 = arith.addi %add3A_732, %all_reduce_population_count3A_849 : vector<16xi32>
    %eq3A_851 = arith.constant 1 : i32
    %eq3A_852 = vector.broadcast %eq3A_851 : i32 to vector<16xi32>
    %eq3A_853 = arith.cmpi eq, %get3A_834, %eq3A_852 : vector<16xi32>
    %convert_element_type3A_854 = arith.extui %eq3A_853 : vector<16xi1> to vector<16xi32>
    %broadcast_in_dim3A_855 = arith.constant true
    %broadcast_in_dim3A_856 = vector.broadcast %broadcast_in_dim3A_855 : i1 to vector<16xi1>
    %masked_cumsum3A_857 = tpu.scan <sum>, %convert_element_type3A_854 masked %broadcast_in_dim3A_856 : vector<16xi32>, vector<16xi1> -> vector<16xi32>
    %add3A_858 = arith.addi %add3A_746, %masked_cumsum3A_857 : vector<16xi32>
    %sub3A_859 = arith.constant 1 : i32
    %sub3A_860 = vector.broadcast %sub3A_859 : i32 to vector<16xi32>
    %sub3A_861 = arith.subi %add3A_858, %sub3A_860 : vector<16xi32>
    %select_n3A_862 = arith.select %eq3A_853, %sub3A_861, %select_n3A_848 : vector<16xi1>, vector<16xi32>
    %all_reduce_population_count3A_863 = tpu.all_reduce %eq3A_853 {dim = 0 : i64, kind = #tpu.reduction_kind<sum>} : vector<16xi1> -> vector<16xi32>
    %add3A_864 = arith.addi %add3A_746, %all_reduce_population_count3A_863 : vector<16xi32>
    %eq3A_865 = arith.constant 2 : i32
    %eq3A_866 = vector.broadcast %eq3A_865 : i32 to vector<16xi32>
    %eq3A_867 = arith.cmpi eq, %get3A_834, %eq3A_866 : vector<16xi32>
    %convert_element_type3A_868 = arith.extui %eq3A_867 : vector<16xi1> to vector<16xi32>
    %broadcast_in_dim3A_869 = arith.constant true
    %broadcast_in_dim3A_870 = vector.broadcast %broadcast_in_dim3A_869 : i1 to vector<16xi1>
    %masked_cumsum3A_871 = tpu.scan <sum>, %convert_element_type3A_868 masked %broadcast_in_dim3A_870 : vector<16xi32>, vector<16xi1> -> vector<16xi32>
    %add3A_872 = arith.addi %add3A_760, %masked_cumsum3A_871 : vector<16xi32>
    %sub3A_873 = arith.constant 1 : i32
    %sub3A_874 = vector.broadcast %sub3A_873 : i32 to vector<16xi32>
    %sub3A_875 = arith.subi %add3A_872, %sub3A_874 : vector<16xi32>
    %select_n3A_876 = arith.select %eq3A_867, %sub3A_875, %select_n3A_862 : vector<16xi1>, vector<16xi32>
    %all_reduce_population_count3A_877 = tpu.all_reduce %eq3A_867 {dim = 0 : i64, kind = #tpu.reduction_kind<sum>} : vector<16xi1> -> vector<16xi32>
    %add3A_878 = arith.addi %add3A_760, %all_reduce_population_count3A_877 : vector<16xi32>
    %eq3A_879 = arith.constant 3 : i32
    %eq3A_880 = vector.broadcast %eq3A_879 : i32 to vector<16xi32>
    %eq3A_881 = arith.cmpi eq, %get3A_834, %eq3A_880 : vector<16xi32>
    %convert_element_type3A_882 = arith.extui %eq3A_881 : vector<16xi1> to vector<16xi32>
    %broadcast_in_dim3A_883 = arith.constant true
    %broadcast_in_dim3A_884 = vector.broadcast %broadcast_in_dim3A_883 : i1 to vector<16xi1>
    %masked_cumsum3A_885 = tpu.scan <sum>, %convert_element_type3A_882 masked %broadcast_in_dim3A_884 : vector<16xi32>, vector<16xi1> -> vector<16xi32>
    %add3A_886 = arith.addi %add3A_774, %masked_cumsum3A_885 : vector<16xi32>
    %sub3A_887 = arith.constant 1 : i32
    %sub3A_888 = vector.broadcast %sub3A_887 : i32 to vector<16xi32>
    %sub3A_889 = arith.subi %add3A_886, %sub3A_888 : vector<16xi32>
    %select_n3A_890 = arith.select %eq3A_881, %sub3A_889, %select_n3A_876 : vector<16xi1>, vector<16xi32>
    %all_reduce_population_count3A_891 = tpu.all_reduce %eq3A_881 {dim = 0 : i64, kind = #tpu.reduction_kind<sum>} : vector<16xi1> -> vector<16xi32>
    %add3A_892 = arith.addi %add3A_774, %all_reduce_population_count3A_891 : vector<16xi32>
    %eq3A_893 = arith.constant 4 : i32
    %eq3A_894 = vector.broadcast %eq3A_893 : i32 to vector<16xi32>
    %eq3A_895 = arith.cmpi eq, %get3A_834, %eq3A_894 : vector<16xi32>
    %convert_element_type3A_896 = arith.extui %eq3A_895 : vector<16xi1> to vector<16xi32>
    %broadcast_in_dim3A_897 = arith.constant true
    %broadcast_in_dim3A_898 = vector.broadcast %broadcast_in_dim3A_897 : i1 to vector<16xi1>
    %masked_cumsum3A_899 = tpu.scan <sum>, %convert_element_type3A_896 masked %broadcast_in_dim3A_898 : vector<16xi32>, vector<16xi1> -> vector<16xi32>
    %add3A_900 = arith.addi %add3A_788, %masked_cumsum3A_899 : vector<16xi32>
    %sub3A_901 = arith.constant 1 : i32
    %sub3A_902 = vector.broadcast %sub3A_901 : i32 to vector<16xi32>
    %sub3A_903 = arith.subi %add3A_900, %sub3A_902 : vector<16xi32>
    %select_n3A_904 = arith.select %eq3A_895, %sub3A_903, %select_n3A_890 : vector<16xi1>, vector<16xi32>
    %all_reduce_population_count3A_905 = tpu.all_reduce %eq3A_895 {dim = 0 : i64, kind = #tpu.reduction_kind<sum>} : vector<16xi1> -> vector<16xi32>
    %add3A_906 = arith.addi %add3A_788, %all_reduce_population_count3A_905 : vector<16xi32>
    %eq3A_907 = arith.constant 5 : i32
    %eq3A_908 = vector.broadcast %eq3A_907 : i32 to vector<16xi32>
    %eq3A_909 = arith.cmpi eq, %get3A_834, %eq3A_908 : vector<16xi32>
    %convert_element_type3A_910 = arith.extui %eq3A_909 : vector<16xi1> to vector<16xi32>
    %broadcast_in_dim3A_911 = arith.constant true
    %broadcast_in_dim3A_912 = vector.broadcast %broadcast_in_dim3A_911 : i1 to vector<16xi1>
    %masked_cumsum3A_913 = tpu.scan <sum>, %convert_element_type3A_910 masked %broadcast_in_dim3A_912 : vector<16xi32>, vector<16xi1> -> vector<16xi32>
    %add3A_914 = arith.addi %add3A_802, %masked_cumsum3A_913 : vector<16xi32>
    %sub3A_915 = arith.constant 1 : i32
    %sub3A_916 = vector.broadcast %sub3A_915 : i32 to vector<16xi32>
    %sub3A_917 = arith.subi %add3A_914, %sub3A_916 : vector<16xi32>
    %select_n3A_918 = arith.select %eq3A_909, %sub3A_917, %select_n3A_904 : vector<16xi1>, vector<16xi32>
    %all_reduce_population_count3A_919 = tpu.all_reduce %eq3A_909 {dim = 0 : i64, kind = #tpu.reduction_kind<sum>} : vector<16xi1> -> vector<16xi32>
    %add3A_920 = arith.addi %add3A_802, %all_reduce_population_count3A_919 : vector<16xi32>
    %eq3A_921 = arith.constant 6 : i32
    %eq3A_922 = vector.broadcast %eq3A_921 : i32 to vector<16xi32>
    %eq3A_923 = arith.cmpi eq, %get3A_834, %eq3A_922 : vector<16xi32>
    %convert_element_type3A_924 = arith.extui %eq3A_923 : vector<16xi1> to vector<16xi32>
    %broadcast_in_dim3A_925 = arith.constant true
    %broadcast_in_dim3A_926 = vector.broadcast %broadcast_in_dim3A_925 : i1 to vector<16xi1>
    %masked_cumsum3A_927 = tpu.scan <sum>, %convert_element_type3A_924 masked %broadcast_in_dim3A_926 : vector<16xi32>, vector<16xi1> -> vector<16xi32>
    %add3A_928 = arith.addi %add3A_816, %masked_cumsum3A_927 : vector<16xi32>
    %sub3A_929 = arith.constant 1 : i32
    %sub3A_930 = vector.broadcast %sub3A_929 : i32 to vector<16xi32>
    %sub3A_931 = arith.subi %add3A_928, %sub3A_930 : vector<16xi32>
    %select_n3A_932 = arith.select %eq3A_923, %sub3A_931, %select_n3A_918 : vector<16xi1>, vector<16xi32>
    %all_reduce_population_count3A_933 = tpu.all_reduce %eq3A_923 {dim = 0 : i64, kind = #tpu.reduction_kind<sum>} : vector<16xi1> -> vector<16xi32>
    %add3A_934 = arith.addi %add3A_816, %all_reduce_population_count3A_933 : vector<16xi32>
    %eq3A_935 = arith.constant 7 : i32
    %eq3A_936 = vector.broadcast %eq3A_935 : i32 to vector<16xi32>
    %eq3A_937 = arith.cmpi eq, %get3A_834, %eq3A_936 : vector<16xi32>
    %convert_element_type3A_938 = arith.extui %eq3A_937 : vector<16xi1> to vector<16xi32>
    %broadcast_in_dim3A_939 = arith.constant true
    %broadcast_in_dim3A_940 = vector.broadcast %broadcast_in_dim3A_939 : i1 to vector<16xi1>
    %masked_cumsum3A_941 = tpu.scan <sum>, %convert_element_type3A_938 masked %broadcast_in_dim3A_940 : vector<16xi32>, vector<16xi1> -> vector<16xi32>
    %add3A_942 = arith.addi %add3A_830, %masked_cumsum3A_941 : vector<16xi32>
    %sub3A_943 = arith.constant 1 : i32
    %sub3A_944 = vector.broadcast %sub3A_943 : i32 to vector<16xi32>
    %sub3A_945 = arith.subi %add3A_942, %sub3A_944 : vector<16xi32>
    %select_n3A_946 = arith.select %eq3A_937, %sub3A_945, %select_n3A_932 : vector<16xi1>, vector<16xi32>
    %all_reduce_population_count3A_947 = tpu.all_reduce %eq3A_937 {dim = 0 : i64, kind = #tpu.reduction_kind<sum>} : vector<16xi1> -> vector<16xi32>
    %add3A_948 = arith.addi %add3A_830, %all_reduce_population_count3A_947 : vector<16xi32>
    %swap3A_949 = arith.constant 112 : index
    %swap3A_950 = tpu.vector_load %arg8[%swap3A_949] {strides = array<i32>} : memref<256xi32, #tpu.memory_space<vmem>>, vector<16xi32>,
    tpu.vector_store %arg8[%swap3A_949], %select_n3A_946 {strides = array<i32>} : memref<256xi32, #tpu.memory_space<vmem>>, vector<16xi32>,
    %get3A_951 = arith.constant 128 : index
    %get3A_952 = tpu.vector_load %arg7[%get3A_951] {strides = array<i32>} : memref<256xi32, #tpu.memory_space<vmem>>, vector<16xi32>,
    %broadcast_in_dim3A_953 = arith.constant 0 : i32
    %broadcast_in_dim3A_954 = vector.broadcast %broadcast_in_dim3A_953 : i32 to vector<16xi32>
    %eq3A_955 = arith.constant 0 : i32
    %eq3A_956 = vector.broadcast %eq3A_955 : i32 to vector<16xi32>
    %eq3A_957 = arith.cmpi eq, %get3A_952, %eq3A_956 : vector<16xi32>
    %convert_element_type3A_958 = arith.extui %eq3A_957 : vector<16xi1> to vector<16xi32>
    %broadcast_in_dim3A_959 = arith.constant true
    %broadcast_in_dim3A_960 = vector.broadcast %broadcast_in_dim3A_959 : i1 to vector<16xi1>
    %masked_cumsum3A_961 = tpu.scan <sum>, %convert_element_type3A_958 masked %broadcast_in_dim3A_960 : vector<16xi32>, vector<16xi1> -> vector<16xi32>
    %add3A_962 = arith.addi %add3A_850, %masked_cumsum3A_961 : vector<16xi32>
    %sub3A_963 = arith.constant 1 : i32
    %sub3A_964 = vector.broadcast %sub3A_963 : i32 to vector<16xi32>
    %sub3A_965 = arith.subi %add3A_962, %sub3A_964 : vector<16xi32>
    %select_n3A_966 = arith.select %eq3A_957, %sub3A_965, %broadcast_in_dim3A_954 : vector<16xi1>, vector<16xi32>
    %all_reduce_population_count3A_967 = tpu.all_reduce %eq3A_957 {dim = 0 : i64, kind = #tpu.reduction_kind<sum>} : vector<16xi1> -> vector<16xi32>
    %add3A_968 = arith.addi %add3A_850, %all_reduce_population_count3A_967 : vector<16xi32>
    %eq3A_969 = arith.constant 1 : i32
    %eq3A_970 = vector.broadcast %eq3A_969 : i32 to vector<16xi32>
    %eq3A_971 = arith.cmpi eq, %get3A_952, %eq3A_970 : vector<16xi32>
    %convert_element_type3A_972 = arith.extui %eq3A_971 : vector<16xi1> to vector<16xi32>
    %broadcast_in_dim3A_973 = arith.constant true
    %broadcast_in_dim3A_974 = vector.broadcast %broadcast_in_dim3A_973 : i1 to vector<16xi1>
    %masked_cumsum3A_975 = tpu.scan <sum>, %convert_element_type3A_972 masked %broadcast_in_dim3A_974 : vector<16xi32>, vector<16xi1> -> vector<16xi32>
    %add3A_976 = arith.addi %add3A_864, %masked_cumsum3A_975 : vector<16xi32>
    %sub3A_977 = arith.constant 1 : i32
    %sub3A_978 = vector.broadcast %sub3A_977 : i32 to vector<16xi32>
    %sub3A_979 = arith.subi %add3A_976, %sub3A_978 : vector<16xi32>
    %select_n3A_980 = arith.select %eq3A_971, %sub3A_979, %select_n3A_966 : vector<16xi1>, vector<16xi32>
    %all_reduce_population_count3A_981 = tpu.all_reduce %eq3A_971 {dim = 0 : i64, kind = #tpu.reduction_kind<sum>} : vector<16xi1> -> vector<16xi32>
    %add3A_982 = arith.addi %add3A_864, %all_reduce_population_count3A_981 : vector<16xi32>
    %eq3A_983 = arith.constant 2 : i32
    %eq3A_984 = vector.broadcast %eq3A_983 : i32 to vector<16xi32>
    %eq3A_985 = arith.cmpi eq, %get3A_952, %eq3A_984 : vector<16xi32>
    %convert_element_type3A_986 = arith.extui %eq3A_985 : vector<16xi1> to vector<16xi32>
    %broadcast_in_dim3A_987 = arith.constant true
    %broadcast_in_dim3A_988 = vector.broadcast %broadcast_in_dim3A_987 : i1 to vector<16xi1>
    %masked_cumsum3A_989 = tpu.scan <sum>, %convert_element_type3A_986 masked %broadcast_in_dim3A_988 : vector<16xi32>, vector<16xi1> -> vector<16xi32>
    %add3A_990 = arith.addi %add3A_878, %masked_cumsum3A_989 : vector<16xi32>
    %sub3A_991 = arith.constant 1 : i32
    %sub3A_992 = vector.broadcast %sub3A_991 : i32 to vector<16xi32>
    %sub3A_993 = arith.subi %add3A_990, %sub3A_992 : vector<16xi32>
    %select_n3A_994 = arith.select %eq3A_985, %sub3A_993, %select_n3A_980 : vector<16xi1>, vector<16xi32>
    %all_reduce_population_count3A_995 = tpu.all_reduce %eq3A_985 {dim = 0 : i64, kind = #tpu.reduction_kind<sum>} : vector<16xi1> -> vector<16xi32>
    %add3A_996 = arith.addi %add3A_878, %all_reduce_population_count3A_995 : vector<16xi32>
    %eq3A_997 = arith.constant 3 : i32
    %eq3A_998 = vector.broadcast %eq3A_997 : i32 to vector<16xi32>
    %eq3A_999 = arith.cmpi eq, %get3A_952, %eq3A_998 : vector<16xi32>
    %convert_element_type3A_1000 = arith.extui %eq3A_999 : vector<16xi1> to vector<16xi32>
    %broadcast_in_dim3A_1001 = arith.constant true
    %broadcast_in_dim3A_1002 = vector.broadcast %broadcast_in_dim3A_1001 : i1 to vector<16xi1>
    %masked_cumsum3A_1003 = tpu.scan <sum>, %convert_element_type3A_1000 masked %broadcast_in_dim3A_1002 : vector<16xi32>, vector<16xi1> -> vector<16xi32>
    %add3A_1004 = arith.addi %add3A_892, %masked_cumsum3A_1003 : vector<16xi32>
    %sub3A_1005 = arith.constant 1 : i32
    %sub3A_1006 = vector.broadcast %sub3A_1005 : i32 to vector<16xi32>
    %sub3A_1007 = arith.subi %add3A_1004, %sub3A_1006 : vector<16xi32>
    %select_n3A_1008 = arith.select %eq3A_999, %sub3A_1007, %select_n3A_994 : vector<16xi1>, vector<16xi32>
    %all_reduce_population_count3A_1009 = tpu.all_reduce %eq3A_999 {dim = 0 : i64, kind = #tpu.reduction_kind<sum>} : vector<16xi1> -> vector<16xi32>
    %add3A_1010 = arith.addi %add3A_892, %all_reduce_population_count3A_1009 : vector<16xi32>
    %eq3A_1011 = arith.constant 4 : i32
    %eq3A_1012 = vector.broadcast %eq3A_1011 : i32 to vector<16xi32>
    %eq3A_1013 = arith.cmpi eq, %get3A_952, %eq3A_1012 : vector<16xi32>
    %convert_element_type3A_1014 = arith.extui %eq3A_1013 : vector<16xi1> to vector<16xi32>
    %broadcast_in_dim3A_1015 = arith.constant true
    %broadcast_in_dim3A_1016 = vector.broadcast %broadcast_in_dim3A_1015 : i1 to vector<16xi1>
    %masked_cumsum3A_1017 = tpu.scan <sum>, %convert_element_type3A_1014 masked %broadcast_in_dim3A_1016 : vector<16xi32>, vector<16xi1> -> vector<16xi32>
    %add3A_1018 = arith.addi %add3A_906, %masked_cumsum3A_1017 : vector<16xi32>
    %sub3A_1019 = arith.constant 1 : i32
    %sub3A_1020 = vector.broadcast %sub3A_1019 : i32 to vector<16xi32>
    %sub3A_1021 = arith.subi %add3A_1018, %sub3A_1020 : vector<16xi32>
    %select_n3A_1022 = arith.select %eq3A_1013, %sub3A_1021, %select_n3A_1008 : vector<16xi1>, vector<16xi32>
    %all_reduce_population_count3A_1023 = tpu.all_reduce %eq3A_1013 {dim = 0 : i64, kind = #tpu.reduction_kind<sum>} : vector<16xi1> -> vector<16xi32>
    %add3A_1024 = arith.addi %add3A_906, %all_reduce_population_count3A_1023 : vector<16xi32>
    %eq3A_1025 = arith.constant 5 : i32
    %eq3A_1026 = vector.broadcast %eq3A_1025 : i32 to vector<16xi32>
    %eq3A_1027 = arith.cmpi eq, %get3A_952, %eq3A_1026 : vector<16xi32>
    %convert_element_type3A_1028 = arith.extui %eq3A_1027 : vector<16xi1> to vector<16xi32>
    %broadcast_in_dim3A_1029 = arith.constant true
    %broadcast_in_dim3A_1030 = vector.broadcast %broadcast_in_dim3A_1029 : i1 to vector<16xi1>
    %masked_cumsum3A_1031 = tpu.scan <sum>, %convert_element_type3A_1028 masked %broadcast_in_dim3A_1030 : vector<16xi32>, vector<16xi1> -> vector<16xi32>
    %add3A_1032 = arith.addi %add3A_920, %masked_cumsum3A_1031 : vector<16xi32>
    %sub3A_1033 = arith.constant 1 : i32
    %sub3A_1034 = vector.broadcast %sub3A_1033 : i32 to vector<16xi32>
    %sub3A_1035 = arith.subi %add3A_1032, %sub3A_1034 : vector<16xi32>
    %select_n3A_1036 = arith.select %eq3A_1027, %sub3A_1035, %select_n3A_1022 : vector<16xi1>, vector<16xi32>
    %all_reduce_population_count3A_1037 = tpu.all_reduce %eq3A_1027 {dim = 0 : i64, kind = #tpu.reduction_kind<sum>} : vector<16xi1> -> vector<16xi32>
    %add3A_1038 = arith.addi %add3A_920, %all_reduce_population_count3A_1037 : vector<16xi32>
    %eq3A_1039 = arith.constant 6 : i32
    %eq3A_1040 = vector.broadcast %eq3A_1039 : i32 to vector<16xi32>
    %eq3A_1041 = arith.cmpi eq, %get3A_952, %eq3A_1040 : vector<16xi32>
    %convert_element_type3A_1042 = arith.extui %eq3A_1041 : vector<16xi1> to vector<16xi32>
    %broadcast_in_dim3A_1043 = arith.constant true
    %broadcast_in_dim3A_1044 = vector.broadcast %broadcast_in_dim3A_1043 : i1 to vector<16xi1>
    %masked_cumsum3A_1045 = tpu.scan <sum>, %convert_element_type3A_1042 masked %broadcast_in_dim3A_1044 : vector<16xi32>, vector<16xi1> -> vector<16xi32>
    %add3A_1046 = arith.addi %add3A_934, %masked_cumsum3A_1045 : vector<16xi32>
    %sub3A_1047 = arith.constant 1 : i32
    %sub3A_1048 = vector.broadcast %sub3A_1047 : i32 to vector<16xi32>
    %sub3A_1049 = arith.subi %add3A_1046, %sub3A_1048 : vector<16xi32>
    %select_n3A_1050 = arith.select %eq3A_1041, %sub3A_1049, %select_n3A_1036 : vector<16xi1>, vector<16xi32>
    %all_reduce_population_count3A_1051 = tpu.all_reduce %eq3A_1041 {dim = 0 : i64, kind = #tpu.reduction_kind<sum>} : vector<16xi1> -> vector<16xi32>
    %add3A_1052 = arith.addi %add3A_934, %all_reduce_population_count3A_1051 : vector<16xi32>
    %eq3A_1053 = arith.constant 7 : i32
    %eq3A_1054 = vector.broadcast %eq3A_1053 : i32 to vector<16xi32>
    %eq3A_1055 = arith.cmpi eq, %get3A_952, %eq3A_1054 : vector<16xi32>
    %convert_element_type3A_1056 = arith.extui %eq3A_1055 : vector<16xi1> to vector<16xi32>
    %broadcast_in_dim3A_1057 = arith.constant true
    %broadcast_in_dim3A_1058 = vector.broadcast %broadcast_in_dim3A_1057 : i1 to vector<16xi1>
    %masked_cumsum3A_1059 = tpu.scan <sum>, %convert_element_type3A_1056 masked %broadcast_in_dim3A_1058 : vector<16xi32>, vector<16xi1> -> vector<16xi32>
    %add3A_1060 = arith.addi %add3A_948, %masked_cumsum3A_1059 : vector<16xi32>
    %sub3A_1061 = arith.constant 1 : i32
    %sub3A_1062 = vector.broadcast %sub3A_1061 : i32 to vector<16xi32>
    %sub3A_1063 = arith.subi %add3A_1060, %sub3A_1062 : vector<16xi32>
    %select_n3A_1064 = arith.select %eq3A_1055, %sub3A_1063, %select_n3A_1050 : vector<16xi1>, vector<16xi32>
    %all_reduce_population_count3A_1065 = tpu.all_reduce %eq3A_1055 {dim = 0 : i64, kind = #tpu.reduction_kind<sum>} : vector<16xi1> -> vector<16xi32>
    %add3A_1066 = arith.addi %add3A_948, %all_reduce_population_count3A_1065 : vector<16xi32>
    %swap3A_1067 = arith.constant 128 : index
    %swap3A_1068 = tpu.vector_load %arg8[%swap3A_1067] {strides = array<i32>} : memref<256xi32, #tpu.memory_space<vmem>>, vector<16xi32>,
    tpu.vector_store %arg8[%swap3A_1067], %select_n3A_1064 {strides = array<i32>} : memref<256xi32, #tpu.memory_space<vmem>>, vector<16xi32>,
    %get3A_1069 = arith.constant 144 : index
    %get3A_1070 = tpu.vector_load %arg7[%get3A_1069] {strides = array<i32>} : memref<256xi32, #tpu.memory_space<vmem>>, vector<16xi32>,
    %broadcast_in_dim3A_1071 = arith.constant 0 : i32
    %broadcast_in_dim3A_1072 = vector.broadcast %broadcast_in_dim3A_1071 : i32 to vector<16xi32>
    %eq3A_1073 = arith.constant 0 : i32
    %eq3A_1074 = vector.broadcast %eq3A_1073 : i32 to vector<16xi32>
    %eq3A_1075 = arith.cmpi eq, %get3A_1070, %eq3A_1074 : vector<16xi32>
    %convert_element_type3A_1076 = arith.extui %eq3A_1075 : vector<16xi1> to vector<16xi32>
    %broadcast_in_dim3A_1077 = arith.constant true
    %broadcast_in_dim3A_1078 = vector.broadcast %broadcast_in_dim3A_1077 : i1 to vector<16xi1>
    %masked_cumsum3A_1079 = tpu.scan <sum>, %convert_element_type3A_1076 masked %broadcast_in_dim3A_1078 : vector<16xi32>, vector<16xi1> -> vector<16xi32>
    %add3A_1080 = arith.addi %add3A_968, %masked_cumsum3A_1079 : vector<16xi32>
    %sub3A_1081 = arith.constant 1 : i32
    %sub3A_1082 = vector.broadcast %sub3A_1081 : i32 to vector<16xi32>
    %sub3A_1083 = arith.subi %add3A_1080, %sub3A_1082 : vector<16xi32>
    %select_n3A_1084 = arith.select %eq3A_1075, %sub3A_1083, %broadcast_in_dim3A_1072 : vector<16xi1>, vector<16xi32>
    %all_reduce_population_count3A_1085 = tpu.all_reduce %eq3A_1075 {dim = 0 : i64, kind = #tpu.reduction_kind<sum>} : vector<16xi1> -> vector<16xi32>
    %add3A_1086 = arith.addi %add3A_968, %all_reduce_population_count3A_1085 : vector<16xi32>
    %eq3A_1087 = arith.constant 1 : i32
    %eq3A_1088 = vector.broadcast %eq3A_1087 : i32 to vector<16xi32>
    %eq3A_1089 = arith.cmpi eq, %get3A_1070, %eq3A_1088 : vector<16xi32>
    %convert_element_type3A_1090 = arith.extui %eq3A_1089 : vector<16xi1> to vector<16xi32>
    %broadcast_in_dim3A_1091 = arith.constant true
    %broadcast_in_dim3A_1092 = vector.broadcast %broadcast_in_dim3A_1091 : i1 to vector<16xi1>
    %masked_cumsum3A_1093 = tpu.scan <sum>, %convert_element_type3A_1090 masked %broadcast_in_dim3A_1092 : vector<16xi32>, vector<16xi1> -> vector<16xi32>
    %add3A_1094 = arith.addi %add3A_982, %masked_cumsum3A_1093 : vector<16xi32>
    %sub3A_1095 = arith.constant 1 : i32
    %sub3A_1096 = vector.broadcast %sub3A_1095 : i32 to vector<16xi32>
    %sub3A_1097 = arith.subi %add3A_1094, %sub3A_1096 : vector<16xi32>
    %select_n3A_1098 = arith.select %eq3A_1089, %sub3A_1097, %select_n3A_1084 : vector<16xi1>, vector<16xi32>
    %all_reduce_population_count3A_1099 = tpu.all_reduce %eq3A_1089 {dim = 0 : i64, kind = #tpu.reduction_kind<sum>} : vector<16xi1> -> vector<16xi32>
    %add3A_1100 = arith.addi %add3A_982, %all_reduce_population_count3A_1099 : vector<16xi32>
    %eq3A_1101 = arith.constant 2 : i32
    %eq3A_1102 = vector.broadcast %eq3A_1101 : i32 to vector<16xi32>
    %eq3A_1103 = arith.cmpi eq, %get3A_1070, %eq3A_1102 : vector<16xi32>
    %convert_element_type3A_1104 = arith.extui %eq3A_1103 : vector<16xi1> to vector<16xi32>
    %broadcast_in_dim3A_1105 = arith.constant true
    %broadcast_in_dim3A_1106 = vector.broadcast %broadcast_in_dim3A_1105 : i1 to vector<16xi1>
    %masked_cumsum3A_1107 = tpu.scan <sum>, %convert_element_type3A_1104 masked %broadcast_in_dim3A_1106 : vector<16xi32>, vector<16xi1> -> vector<16xi32>
    %add3A_1108 = arith.addi %add3A_996, %masked_cumsum3A_1107 : vector<16xi32>
    %sub3A_1109 = arith.constant 1 : i32
    %sub3A_1110 = vector.broadcast %sub3A_1109 : i32 to vector<16xi32>
    %sub3A_1111 = arith.subi %add3A_1108, %sub3A_1110 : vector<16xi32>
    %select_n3A_1112 = arith.select %eq3A_1103, %sub3A_1111, %select_n3A_1098 : vector<16xi1>, vector<16xi32>
    %all_reduce_population_count3A_1113 = tpu.all_reduce %eq3A_1103 {dim = 0 : i64, kind = #tpu.reduction_kind<sum>} : vector<16xi1> -> vector<16xi32>
    %add3A_1114 = arith.addi %add3A_996, %all_reduce_population_count3A_1113 : vector<16xi32>
    %eq3A_1115 = arith.constant 3 : i32
    %eq3A_1116 = vector.broadcast %eq3A_1115 : i32 to vector<16xi32>
    %eq3A_1117 = arith.cmpi eq, %get3A_1070, %eq3A_1116 : vector<16xi32>
    %convert_element_type3A_1118 = arith.extui %eq3A_1117 : vector<16xi1> to vector<16xi32>
    %broadcast_in_dim3A_1119 = arith.constant true
    %broadcast_in_dim3A_1120 = vector.broadcast %broadcast_in_dim3A_1119 : i1 to vector<16xi1>
    %masked_cumsum3A_1121 = tpu.scan <sum>, %convert_element_type3A_1118 masked %broadcast_in_dim3A_1120 : vector<16xi32>, vector<16xi1> -> vector<16xi32>
    %add3A_1122 = arith.addi %add3A_1010, %masked_cumsum3A_1121 : vector<16xi32>
    %sub3A_1123 = arith.constant 1 : i32
    %sub3A_1124 = vector.broadcast %sub3A_1123 : i32 to vector<16xi32>
    %sub3A_1125 = arith.subi %add3A_1122, %sub3A_1124 : vector<16xi32>
    %select_n3A_1126 = arith.select %eq3A_1117, %sub3A_1125, %select_n3A_1112 : vector<16xi1>, vector<16xi32>
    %all_reduce_population_count3A_1127 = tpu.all_reduce %eq3A_1117 {dim = 0 : i64, kind = #tpu.reduction_kind<sum>} : vector<16xi1> -> vector<16xi32>
    %add3A_1128 = arith.addi %add3A_1010, %all_reduce_population_count3A_1127 : vector<16xi32>
    %eq3A_1129 = arith.constant 4 : i32
    %eq3A_1130 = vector.broadcast %eq3A_1129 : i32 to vector<16xi32>
    %eq3A_1131 = arith.cmpi eq, %get3A_1070, %eq3A_1130 : vector<16xi32>
    %convert_element_type3A_1132 = arith.extui %eq3A_1131 : vector<16xi1> to vector<16xi32>
    %broadcast_in_dim3A_1133 = arith.constant true
    %broadcast_in_dim3A_1134 = vector.broadcast %broadcast_in_dim3A_1133 : i1 to vector<16xi1>
    %masked_cumsum3A_1135 = tpu.scan <sum>, %convert_element_type3A_1132 masked %broadcast_in_dim3A_1134 : vector<16xi32>, vector<16xi1> -> vector<16xi32>
    %add3A_1136 = arith.addi %add3A_1024, %masked_cumsum3A_1135 : vector<16xi32>
    %sub3A_1137 = arith.constant 1 : i32
    %sub3A_1138 = vector.broadcast %sub3A_1137 : i32 to vector<16xi32>
    %sub3A_1139 = arith.subi %add3A_1136, %sub3A_1138 : vector<16xi32>
    %select_n3A_1140 = arith.select %eq3A_1131, %sub3A_1139, %select_n3A_1126 : vector<16xi1>, vector<16xi32>
    %all_reduce_population_count3A_1141 = tpu.all_reduce %eq3A_1131 {dim = 0 : i64, kind = #tpu.reduction_kind<sum>} : vector<16xi1> -> vector<16xi32>
    %add3A_1142 = arith.addi %add3A_1024, %all_reduce_population_count3A_1141 : vector<16xi32>
    %eq3A_1143 = arith.constant 5 : i32
    %eq3A_1144 = vector.broadcast %eq3A_1143 : i32 to vector<16xi32>
    %eq3A_1145 = arith.cmpi eq, %get3A_1070, %eq3A_1144 : vector<16xi32>
    %convert_element_type3A_1146 = arith.extui %eq3A_1145 : vector<16xi1> to vector<16xi32>
    %broadcast_in_dim3A_1147 = arith.constant true
    %broadcast_in_dim3A_1148 = vector.broadcast %broadcast_in_dim3A_1147 : i1 to vector<16xi1>
    %masked_cumsum3A_1149 = tpu.scan <sum>, %convert_element_type3A_1146 masked %broadcast_in_dim3A_1148 : vector<16xi32>, vector<16xi1> -> vector<16xi32>
    %add3A_1150 = arith.addi %add3A_1038, %masked_cumsum3A_1149 : vector<16xi32>
    %sub3A_1151 = arith.constant 1 : i32
    %sub3A_1152 = vector.broadcast %sub3A_1151 : i32 to vector<16xi32>
    %sub3A_1153 = arith.subi %add3A_1150, %sub3A_1152 : vector<16xi32>
    %select_n3A_1154 = arith.select %eq3A_1145, %sub3A_1153, %select_n3A_1140 : vector<16xi1>, vector<16xi32>
    %all_reduce_population_count3A_1155 = tpu.all_reduce %eq3A_1145 {dim = 0 : i64, kind = #tpu.reduction_kind<sum>} : vector<16xi1> -> vector<16xi32>
    %add3A_1156 = arith.addi %add3A_1038, %all_reduce_population_count3A_1155 : vector<16xi32>
    %eq3A_1157 = arith.constant 6 : i32
    %eq3A_1158 = vector.broadcast %eq3A_1157 : i32 to vector<16xi32>
    %eq3A_1159 = arith.cmpi eq, %get3A_1070, %eq3A_1158 : vector<16xi32>
    %convert_element_type3A_1160 = arith.extui %eq3A_1159 : vector<16xi1> to vector<16xi32>
    %broadcast_in_dim3A_1161 = arith.constant true
    %broadcast_in_dim3A_1162 = vector.broadcast %broadcast_in_dim3A_1161 : i1 to vector<16xi1>
    %masked_cumsum3A_1163 = tpu.scan <sum>, %convert_element_type3A_1160 masked %broadcast_in_dim3A_1162 : vector<16xi32>, vector<16xi1> -> vector<16xi32>
    %add3A_1164 = arith.addi %add3A_1052, %masked_cumsum3A_1163 : vector<16xi32>
    %sub3A_1165 = arith.constant 1 : i32
    %sub3A_1166 = vector.broadcast %sub3A_1165 : i32 to vector<16xi32>
    %sub3A_1167 = arith.subi %add3A_1164, %sub3A_1166 : vector<16xi32>
    %select_n3A_1168 = arith.select %eq3A_1159, %sub3A_1167, %select_n3A_1154 : vector<16xi1>, vector<16xi32>
    %all_reduce_population_count3A_1169 = tpu.all_reduce %eq3A_1159 {dim = 0 : i64, kind = #tpu.reduction_kind<sum>} : vector<16xi1> -> vector<16xi32>
    %add3A_1170 = arith.addi %add3A_1052, %all_reduce_population_count3A_1169 : vector<16xi32>
    %eq3A_1171 = arith.constant 7 : i32
    %eq3A_1172 = vector.broadcast %eq3A_1171 : i32 to vector<16xi32>
    %eq3A_1173 = arith.cmpi eq, %get3A_1070, %eq3A_1172 : vector<16xi32>
    %convert_element_type3A_1174 = arith.extui %eq3A_1173 : vector<16xi1> to vector<16xi32>
    %broadcast_in_dim3A_1175 = arith.constant true
    %broadcast_in_dim3A_1176 = vector.broadcast %broadcast_in_dim3A_1175 : i1 to vector<16xi1>
    %masked_cumsum3A_1177 = tpu.scan <sum>, %convert_element_type3A_1174 masked %broadcast_in_dim3A_1176 : vector<16xi32>, vector<16xi1> -> vector<16xi32>
    %add3A_1178 = arith.addi %add3A_1066, %masked_cumsum3A_1177 : vector<16xi32>
    %sub3A_1179 = arith.constant 1 : i32
    %sub3A_1180 = vector.broadcast %sub3A_1179 : i32 to vector<16xi32>
    %sub3A_1181 = arith.subi %add3A_1178, %sub3A_1180 : vector<16xi32>
    %select_n3A_1182 = arith.select %eq3A_1173, %sub3A_1181, %select_n3A_1168 : vector<16xi1>, vector<16xi32>
    %all_reduce_population_count3A_1183 = tpu.all_reduce %eq3A_1173 {dim = 0 : i64, kind = #tpu.reduction_kind<sum>} : vector<16xi1> -> vector<16xi32>
    %add3A_1184 = arith.addi %add3A_1066, %all_reduce_population_count3A_1183 : vector<16xi32>
    %swap3A_1185 = arith.constant 144 : index
    %swap3A_1186 = tpu.vector_load %arg8[%swap3A_1185] {strides = array<i32>} : memref<256xi32, #tpu.memory_space<vmem>>, vector<16xi32>,
    tpu.vector_store %arg8[%swap3A_1185], %select_n3A_1182 {strides = array<i32>} : memref<256xi32, #tpu.memory_space<vmem>>, vector<16xi32>,
    %get3A_1187 = arith.constant 160 : index
    %get3A_1188 = tpu.vector_load %arg7[%get3A_1187] {strides = array<i32>} : memref<256xi32, #tpu.memory_space<vmem>>, vector<16xi32>,
    %broadcast_in_dim3A_1189 = arith.constant 0 : i32
    %broadcast_in_dim3A_1190 = vector.broadcast %broadcast_in_dim3A_1189 : i32 to vector<16xi32>
    %eq3A_1191 = arith.constant 0 : i32
    %eq3A_1192 = vector.broadcast %eq3A_1191 : i32 to vector<16xi32>
    %eq3A_1193 = arith.cmpi eq, %get3A_1188, %eq3A_1192 : vector<16xi32>
    %convert_element_type3A_1194 = arith.extui %eq3A_1193 : vector<16xi1> to vector<16xi32>
    %broadcast_in_dim3A_1195 = arith.constant true
    %broadcast_in_dim3A_1196 = vector.broadcast %broadcast_in_dim3A_1195 : i1 to vector<16xi1>
    %masked_cumsum3A_1197 = tpu.scan <sum>, %convert_element_type3A_1194 masked %broadcast_in_dim3A_1196 : vector<16xi32>, vector<16xi1> -> vector<16xi32>
    %add3A_1198 = arith.addi %add3A_1086, %masked_cumsum3A_1197 : vector<16xi32>
    %sub3A_1199 = arith.constant 1 : i32
    %sub3A_1200 = vector.broadcast %sub3A_1199 : i32 to vector<16xi32>
    %sub3A_1201 = arith.subi %add3A_1198, %sub3A_1200 : vector<16xi32>
    %select_n3A_1202 = arith.select %eq3A_1193, %sub3A_1201, %broadcast_in_dim3A_1190 : vector<16xi1>, vector<16xi32>
    %all_reduce_population_count3A_1203 = tpu.all_reduce %eq3A_1193 {dim = 0 : i64, kind = #tpu.reduction_kind<sum>} : vector<16xi1> -> vector<16xi32>
    %add3A_1204 = arith.addi %add3A_1086, %all_reduce_population_count3A_1203 : vector<16xi32>
    %eq3A_1205 = arith.constant 1 : i32
    %eq3A_1206 = vector.broadcast %eq3A_1205 : i32 to vector<16xi32>
    %eq3A_1207 = arith.cmpi eq, %get3A_1188, %eq3A_1206 : vector<16xi32>
    %convert_element_type3A_1208 = arith.extui %eq3A_1207 : vector<16xi1> to vector<16xi32>
    %broadcast_in_dim3A_1209 = arith.constant true
    %broadcast_in_dim3A_1210 = vector.broadcast %broadcast_in_dim3A_1209 : i1 to vector<16xi1>
    %masked_cumsum3A_1211 = tpu.scan <sum>, %convert_element_type3A_1208 masked %broadcast_in_dim3A_1210 : vector<16xi32>, vector<16xi1> -> vector<16xi32>
    %add3A_1212 = arith.addi %add3A_1100, %masked_cumsum3A_1211 : vector<16xi32>
    %sub3A_1213 = arith.constant 1 : i32
    %sub3A_1214 = vector.broadcast %sub3A_1213 : i32 to vector<16xi32>
    %sub3A_1215 = arith.subi %add3A_1212, %sub3A_1214 : vector<16xi32>
    %select_n3A_1216 = arith.select %eq3A_1207, %sub3A_1215, %select_n3A_1202 : vector<16xi1>, vector<16xi32>
    %all_reduce_population_count3A_1217 = tpu.all_reduce %eq3A_1207 {dim = 0 : i64, kind = #tpu.reduction_kind<sum>} : vector<16xi1> -> vector<16xi32>
    %add3A_1218 = arith.addi %add3A_1100, %all_reduce_population_count3A_1217 : vector<16xi32>
    %eq3A_1219 = arith.constant 2 : i32
    %eq3A_1220 = vector.broadcast %eq3A_1219 : i32 to vector<16xi32>
    %eq3A_1221 = arith.cmpi eq, %get3A_1188, %eq3A_1220 : vector<16xi32>
    %convert_element_type3A_1222 = arith.extui %eq3A_1221 : vector<16xi1> to vector<16xi32>
    %broadcast_in_dim3A_1223 = arith.constant true
    %broadcast_in_dim3A_1224 = vector.broadcast %broadcast_in_dim3A_1223 : i1 to vector<16xi1>
    %masked_cumsum3A_1225 = tpu.scan <sum>, %convert_element_type3A_1222 masked %broadcast_in_dim3A_1224 : vector<16xi32>, vector<16xi1> -> vector<16xi32>
    %add3A_1226 = arith.addi %add3A_1114, %masked_cumsum3A_1225 : vector<16xi32>
    %sub3A_1227 = arith.constant 1 : i32
    %sub3A_1228 = vector.broadcast %sub3A_1227 : i32 to vector<16xi32>
    %sub3A_1229 = arith.subi %add3A_1226, %sub3A_1228 : vector<16xi32>
    %select_n3A_1230 = arith.select %eq3A_1221, %sub3A_1229, %select_n3A_1216 : vector<16xi1>, vector<16xi32>
    %all_reduce_population_count3A_1231 = tpu.all_reduce %eq3A_1221 {dim = 0 : i64, kind = #tpu.reduction_kind<sum>} : vector<16xi1> -> vector<16xi32>
    %add3A_1232 = arith.addi %add3A_1114, %all_reduce_population_count3A_1231 : vector<16xi32>
    %eq3A_1233 = arith.constant 3 : i32
    %eq3A_1234 = vector.broadcast %eq3A_1233 : i32 to vector<16xi32>
    %eq3A_1235 = arith.cmpi eq, %get3A_1188, %eq3A_1234 : vector<16xi32>
    %convert_element_type3A_1236 = arith.extui %eq3A_1235 : vector<16xi1> to vector<16xi32>
    %broadcast_in_dim3A_1237 = arith.constant true
    %broadcast_in_dim3A_1238 = vector.broadcast %broadcast_in_dim3A_1237 : i1 to vector<16xi1>
    %masked_cumsum3A_1239 = tpu.scan <sum>, %convert_element_type3A_1236 masked %broadcast_in_dim3A_1238 : vector<16xi32>, vector<16xi1> -> vector<16xi32>
    %add3A_1240 = arith.addi %add3A_1128, %masked_cumsum3A_1239 : vector<16xi32>
    %sub3A_1241 = arith.constant 1 : i32
    %sub3A_1242 = vector.broadcast %sub3A_1241 : i32 to vector<16xi32>
    %sub3A_1243 = arith.subi %add3A_1240, %sub3A_1242 : vector<16xi32>
    %select_n3A_1244 = arith.select %eq3A_1235, %sub3A_1243, %select_n3A_1230 : vector<16xi1>, vector<16xi32>
    %all_reduce_population_count3A_1245 = tpu.all_reduce %eq3A_1235 {dim = 0 : i64, kind = #tpu.reduction_kind<sum>} : vector<16xi1> -> vector<16xi32>
    %add3A_1246 = arith.addi %add3A_1128, %all_reduce_population_count3A_1245 : vector<16xi32>
    %eq3A_1247 = arith.constant 4 : i32
    %eq3A_1248 = vector.broadcast %eq3A_1247 : i32 to vector<16xi32>
    %eq3A_1249 = arith.cmpi eq, %get3A_1188, %eq3A_1248 : vector<16xi32>
    %convert_element_type3A_1250 = arith.extui %eq3A_1249 : vector<16xi1> to vector<16xi32>
    %broadcast_in_dim3A_1251 = arith.constant true
    %broadcast_in_dim3A_1252 = vector.broadcast %broadcast_in_dim3A_1251 : i1 to vector<16xi1>
    %masked_cumsum3A_1253 = tpu.scan <sum>, %convert_element_type3A_1250 masked %broadcast_in_dim3A_1252 : vector<16xi32>, vector<16xi1> -> vector<16xi32>
    %add3A_1254 = arith.addi %add3A_1142, %masked_cumsum3A_1253 : vector<16xi32>
    %sub3A_1255 = arith.constant 1 : i32
    %sub3A_1256 = vector.broadcast %sub3A_1255 : i32 to vector<16xi32>
    %sub3A_1257 = arith.subi %add3A_1254, %sub3A_1256 : vector<16xi32>
    %select_n3A_1258 = arith.select %eq3A_1249, %sub3A_1257, %select_n3A_1244 : vector<16xi1>, vector<16xi32>
    %all_reduce_population_count3A_1259 = tpu.all_reduce %eq3A_1249 {dim = 0 : i64, kind = #tpu.reduction_kind<sum>} : vector<16xi1> -> vector<16xi32>
    %add3A_1260 = arith.addi %add3A_1142, %all_reduce_population_count3A_1259 : vector<16xi32>
    %eq3A_1261 = arith.constant 5 : i32
    %eq3A_1262 = vector.broadcast %eq3A_1261 : i32 to vector<16xi32>
    %eq3A_1263 = arith.cmpi eq, %get3A_1188, %eq3A_1262 : vector<16xi32>
    %convert_element_type3A_1264 = arith.extui %eq3A_1263 : vector<16xi1> to vector<16xi32>
    %broadcast_in_dim3A_1265 = arith.constant true
    %broadcast_in_dim3A_1266 = vector.broadcast %broadcast_in_dim3A_1265 : i1 to vector<16xi1>
    %masked_cumsum3A_1267 = tpu.scan <sum>, %convert_element_type3A_1264 masked %broadcast_in_dim3A_1266 : vector<16xi32>, vector<16xi1> -> vector<16xi32>
    %add3A_1268 = arith.addi %add3A_1156, %masked_cumsum3A_1267 : vector<16xi32>
    %sub3A_1269 = arith.constant 1 : i32
    %sub3A_1270 = vector.broadcast %sub3A_1269 : i32 to vector<16xi32>
    %sub3A_1271 = arith.subi %add3A_1268, %sub3A_1270 : vector<16xi32>
    %select_n3A_1272 = arith.select %eq3A_1263, %sub3A_1271, %select_n3A_1258 : vector<16xi1>, vector<16xi32>
    %all_reduce_population_count3A_1273 = tpu.all_reduce %eq3A_1263 {dim = 0 : i64, kind = #tpu.reduction_kind<sum>} : vector<16xi1> -> vector<16xi32>
    %add3A_1274 = arith.addi %add3A_1156, %all_reduce_population_count3A_1273 : vector<16xi32>
    %eq3A_1275 = arith.constant 6 : i32
    %eq3A_1276 = vector.broadcast %eq3A_1275 : i32 to vector<16xi32>
    %eq3A_1277 = arith.cmpi eq, %get3A_1188, %eq3A_1276 : vector<16xi32>
    %convert_element_type3A_1278 = arith.extui %eq3A_1277 : vector<16xi1> to vector<16xi32>
    %broadcast_in_dim3A_1279 = arith.constant true
    %broadcast_in_dim3A_1280 = vector.broadcast %broadcast_in_dim3A_1279 : i1 to vector<16xi1>
    %masked_cumsum3A_1281 = tpu.scan <sum>, %convert_element_type3A_1278 masked %broadcast_in_dim3A_1280 : vector<16xi32>, vector<16xi1> -> vector<16xi32>
    %add3A_1282 = arith.addi %add3A_1170, %masked_cumsum3A_1281 : vector<16xi32>
    %sub3A_1283 = arith.constant 1 : i32
    %sub3A_1284 = vector.broadcast %sub3A_1283 : i32 to vector<16xi32>
    %sub3A_1285 = arith.subi %add3A_1282, %sub3A_1284 : vector<16xi32>
    %select_n3A_1286 = arith.select %eq3A_1277, %sub3A_1285, %select_n3A_1272 : vector<16xi1>, vector<16xi32>
    %all_reduce_population_count3A_1287 = tpu.all_reduce %eq3A_1277 {dim = 0 : i64, kind = #tpu.reduction_kind<sum>} : vector<16xi1> -> vector<16xi32>
    %add3A_1288 = arith.addi %add3A_1170, %all_reduce_population_count3A_1287 : vector<16xi32>
    %eq3A_1289 = arith.constant 7 : i32
    %eq3A_1290 = vector.broadcast %eq3A_1289 : i32 to vector<16xi32>
    %eq3A_1291 = arith.cmpi eq, %get3A_1188, %eq3A_1290 : vector<16xi32>
    %convert_element_type3A_1292 = arith.extui %eq3A_1291 : vector<16xi1> to vector<16xi32>
    %broadcast_in_dim3A_1293 = arith.constant true
    %broadcast_in_dim3A_1294 = vector.broadcast %broadcast_in_dim3A_1293 : i1 to vector<16xi1>
    %masked_cumsum3A_1295 = tpu.scan <sum>, %convert_element_type3A_1292 masked %broadcast_in_dim3A_1294 : vector<16xi32>, vector<16xi1> -> vector<16xi32>
    %add3A_1296 = arith.addi %add3A_1184, %masked_cumsum3A_1295 : vector<16xi32>
    %sub3A_1297 = arith.constant 1 : i32
    %sub3A_1298 = vector.broadcast %sub3A_1297 : i32 to vector<16xi32>
    %sub3A_1299 = arith.subi %add3A_1296, %sub3A_1298 : vector<16xi32>
    %select_n3A_1300 = arith.select %eq3A_1291, %sub3A_1299, %select_n3A_1286 : vector<16xi1>, vector<16xi32>
    %all_reduce_population_count3A_1301 = tpu.all_reduce %eq3A_1291 {dim = 0 : i64, kind = #tpu.reduction_kind<sum>} : vector<16xi1> -> vector<16xi32>
    %add3A_1302 = arith.addi %add3A_1184, %all_reduce_population_count3A_1301 : vector<16xi32>
    %swap3A_1303 = arith.constant 160 : index
    %swap3A_1304 = tpu.vector_load %arg8[%swap3A_1303] {strides = array<i32>} : memref<256xi32, #tpu.memory_space<vmem>>, vector<16xi32>,
    tpu.vector_store %arg8[%swap3A_1303], %select_n3A_1300 {strides = array<i32>} : memref<256xi32, #tpu.memory_space<vmem>>, vector<16xi32>,
    %get3A_1305 = arith.constant 176 : index
    %get3A_1306 = tpu.vector_load %arg7[%get3A_1305] {strides = array<i32>} : memref<256xi32, #tpu.memory_space<vmem>>, vector<16xi32>,
    %broadcast_in_dim3A_1307 = arith.constant 0 : i32
    %broadcast_in_dim3A_1308 = vector.broadcast %broadcast_in_dim3A_1307 : i32 to vector<16xi32>
    %eq3A_1309 = arith.constant 0 : i32
    %eq3A_1310 = vector.broadcast %eq3A_1309 : i32 to vector<16xi32>
    %eq3A_1311 = arith.cmpi eq, %get3A_1306, %eq3A_1310 : vector<16xi32>
    %convert_element_type3A_1312 = arith.extui %eq3A_1311 : vector<16xi1> to vector<16xi32>
    %broadcast_in_dim3A_1313 = arith.constant true
    %broadcast_in_dim3A_1314 = vector.broadcast %broadcast_in_dim3A_1313 : i1 to vector<16xi1>
    %masked_cumsum3A_1315 = tpu.scan <sum>, %convert_element_type3A_1312 masked %broadcast_in_dim3A_1314 : vector<16xi32>, vector<16xi1> -> vector<16xi32>
    %add3A_1316 = arith.addi %add3A_1204, %masked_cumsum3A_1315 : vector<16xi32>
    %sub3A_1317 = arith.constant 1 : i32
    %sub3A_1318 = vector.broadcast %sub3A_1317 : i32 to vector<16xi32>
    %sub3A_1319 = arith.subi %add3A_1316, %sub3A_1318 : vector<16xi32>
    %select_n3A_1320 = arith.select %eq3A_1311, %sub3A_1319, %broadcast_in_dim3A_1308 : vector<16xi1>, vector<16xi32>
    %all_reduce_population_count3A_1321 = tpu.all_reduce %eq3A_1311 {dim = 0 : i64, kind = #tpu.reduction_kind<sum>} : vector<16xi1> -> vector<16xi32>
    %add3A_1322 = arith.addi %add3A_1204, %all_reduce_population_count3A_1321 : vector<16xi32>
    %eq3A_1323 = arith.constant 1 : i32
    %eq3A_1324 = vector.broadcast %eq3A_1323 : i32 to vector<16xi32>
    %eq3A_1325 = arith.cmpi eq, %get3A_1306, %eq3A_1324 : vector<16xi32>
    %convert_element_type3A_1326 = arith.extui %eq3A_1325 : vector<16xi1> to vector<16xi32>
    %broadcast_in_dim3A_1327 = arith.constant true
    %broadcast_in_dim3A_1328 = vector.broadcast %broadcast_in_dim3A_1327 : i1 to vector<16xi1>
    %masked_cumsum3A_1329 = tpu.scan <sum>, %convert_element_type3A_1326 masked %broadcast_in_dim3A_1328 : vector<16xi32>, vector<16xi1> -> vector<16xi32>
    %add3A_1330 = arith.addi %add3A_1218, %masked_cumsum3A_1329 : vector<16xi32>
    %sub3A_1331 = arith.constant 1 : i32
    %sub3A_1332 = vector.broadcast %sub3A_1331 : i32 to vector<16xi32>
    %sub3A_1333 = arith.subi %add3A_1330, %sub3A_1332 : vector<16xi32>
    %select_n3A_1334 = arith.select %eq3A_1325, %sub3A_1333, %select_n3A_1320 : vector<16xi1>, vector<16xi32>
    %all_reduce_population_count3A_1335 = tpu.all_reduce %eq3A_1325 {dim = 0 : i64, kind = #tpu.reduction_kind<sum>} : vector<16xi1> -> vector<16xi32>
    %add3A_1336 = arith.addi %add3A_1218, %all_reduce_population_count3A_1335 : vector<16xi32>
    %eq3A_1337 = arith.constant 2 : i32
    %eq3A_1338 = vector.broadcast %eq3A_1337 : i32 to vector<16xi32>
    %eq3A_1339 = arith.cmpi eq, %get3A_1306, %eq3A_1338 : vector<16xi32>
    %convert_element_type3A_1340 = arith.extui %eq3A_1339 : vector<16xi1> to vector<16xi32>
    %broadcast_in_dim3A_1341 = arith.constant true
    %broadcast_in_dim3A_1342 = vector.broadcast %broadcast_in_dim3A_1341 : i1 to vector<16xi1>
    %masked_cumsum3A_1343 = tpu.scan <sum>, %convert_element_type3A_1340 masked %broadcast_in_dim3A_1342 : vector<16xi32>, vector<16xi1> -> vector<16xi32>
    %add3A_1344 = arith.addi %add3A_1232, %masked_cumsum3A_1343 : vector<16xi32>
    %sub3A_1345 = arith.constant 1 : i32
    %sub3A_1346 = vector.broadcast %sub3A_1345 : i32 to vector<16xi32>
    %sub3A_1347 = arith.subi %add3A_1344, %sub3A_1346 : vector<16xi32>
    %select_n3A_1348 = arith.select %eq3A_1339, %sub3A_1347, %select_n3A_1334 : vector<16xi1>, vector<16xi32>
    %all_reduce_population_count3A_1349 = tpu.all_reduce %eq3A_1339 {dim = 0 : i64, kind = #tpu.reduction_kind<sum>} : vector<16xi1> -> vector<16xi32>
    %add3A_1350 = arith.addi %add3A_1232, %all_reduce_population_count3A_1349 : vector<16xi32>
    %eq3A_1351 = arith.constant 3 : i32
    %eq3A_1352 = vector.broadcast %eq3A_1351 : i32 to vector<16xi32>
    %eq3A_1353 = arith.cmpi eq, %get3A_1306, %eq3A_1352 : vector<16xi32>
    %convert_element_type3A_1354 = arith.extui %eq3A_1353 : vector<16xi1> to vector<16xi32>
    %broadcast_in_dim3A_1355 = arith.constant true
    %broadcast_in_dim3A_1356 = vector.broadcast %broadcast_in_dim3A_1355 : i1 to vector<16xi1>
    %masked_cumsum3A_1357 = tpu.scan <sum>, %convert_element_type3A_1354 masked %broadcast_in_dim3A_1356 : vector<16xi32>, vector<16xi1> -> vector<16xi32>
    %add3A_1358 = arith.addi %add3A_1246, %masked_cumsum3A_1357 : vector<16xi32>
    %sub3A_1359 = arith.constant 1 : i32
    %sub3A_1360 = vector.broadcast %sub3A_1359 : i32 to vector<16xi32>
    %sub3A_1361 = arith.subi %add3A_1358, %sub3A_1360 : vector<16xi32>
    %select_n3A_1362 = arith.select %eq3A_1353, %sub3A_1361, %select_n3A_1348 : vector<16xi1>, vector<16xi32>
    %all_reduce_population_count3A_1363 = tpu.all_reduce %eq3A_1353 {dim = 0 : i64, kind = #tpu.reduction_kind<sum>} : vector<16xi1> -> vector<16xi32>
    %add3A_1364 = arith.addi %add3A_1246, %all_reduce_population_count3A_1363 : vector<16xi32>
    %eq3A_1365 = arith.constant 4 : i32
    %eq3A_1366 = vector.broadcast %eq3A_1365 : i32 to vector<16xi32>
    %eq3A_1367 = arith.cmpi eq, %get3A_1306, %eq3A_1366 : vector<16xi32>
    %convert_element_type3A_1368 = arith.extui %eq3A_1367 : vector<16xi1> to vector<16xi32>
    %broadcast_in_dim3A_1369 = arith.constant true
    %broadcast_in_dim3A_1370 = vector.broadcast %broadcast_in_dim3A_1369 : i1 to vector<16xi1>
    %masked_cumsum3A_1371 = tpu.scan <sum>, %convert_element_type3A_1368 masked %broadcast_in_dim3A_1370 : vector<16xi32>, vector<16xi1> -> vector<16xi32>
    %add3A_1372 = arith.addi %add3A_1260, %masked_cumsum3A_1371 : vector<16xi32>
    %sub3A_1373 = arith.constant 1 : i32
    %sub3A_1374 = vector.broadcast %sub3A_1373 : i32 to vector<16xi32>
    %sub3A_1375 = arith.subi %add3A_1372, %sub3A_1374 : vector<16xi32>
    %select_n3A_1376 = arith.select %eq3A_1367, %sub3A_1375, %select_n3A_1362 : vector<16xi1>, vector<16xi32>
    %all_reduce_population_count3A_1377 = tpu.all_reduce %eq3A_1367 {dim = 0 : i64, kind = #tpu.reduction_kind<sum>} : vector<16xi1> -> vector<16xi32>
    %add3A_1378 = arith.addi %add3A_1260, %all_reduce_population_count3A_1377 : vector<16xi32>
    %eq3A_1379 = arith.constant 5 : i32
    %eq3A_1380 = vector.broadcast %eq3A_1379 : i32 to vector<16xi32>
    %eq3A_1381 = arith.cmpi eq, %get3A_1306, %eq3A_1380 : vector<16xi32>
    %convert_element_type3A_1382 = arith.extui %eq3A_1381 : vector<16xi1> to vector<16xi32>
    %broadcast_in_dim3A_1383 = arith.constant true
    %broadcast_in_dim3A_1384 = vector.broadcast %broadcast_in_dim3A_1383 : i1 to vector<16xi1>
    %masked_cumsum3A_1385 = tpu.scan <sum>, %convert_element_type3A_1382 masked %broadcast_in_dim3A_1384 : vector<16xi32>, vector<16xi1> -> vector<16xi32>
    %add3A_1386 = arith.addi %add3A_1274, %masked_cumsum3A_1385 : vector<16xi32>
    %sub3A_1387 = arith.constant 1 : i32
    %sub3A_1388 = vector.broadcast %sub3A_1387 : i32 to vector<16xi32>
    %sub3A_1389 = arith.subi %add3A_1386, %sub3A_1388 : vector<16xi32>
    %select_n3A_1390 = arith.select %eq3A_1381, %sub3A_1389, %select_n3A_1376 : vector<16xi1>, vector<16xi32>
    %all_reduce_population_count3A_1391 = tpu.all_reduce %eq3A_1381 {dim = 0 : i64, kind = #tpu.reduction_kind<sum>} : vector<16xi1> -> vector<16xi32>
    %add3A_1392 = arith.addi %add3A_1274, %all_reduce_population_count3A_1391 : vector<16xi32>
    %eq3A_1393 = arith.constant 6 : i32
    %eq3A_1394 = vector.broadcast %eq3A_1393 : i32 to vector<16xi32>
    %eq3A_1395 = arith.cmpi eq, %get3A_1306, %eq3A_1394 : vector<16xi32>
    %convert_element_type3A_1396 = arith.extui %eq3A_1395 : vector<16xi1> to vector<16xi32>
    %broadcast_in_dim3A_1397 = arith.constant true
    %broadcast_in_dim3A_1398 = vector.broadcast %broadcast_in_dim3A_1397 : i1 to vector<16xi1>
    %masked_cumsum3A_1399 = tpu.scan <sum>, %convert_element_type3A_1396 masked %broadcast_in_dim3A_1398 : vector<16xi32>, vector<16xi1> -> vector<16xi32>
    %add3A_1400 = arith.addi %add3A_1288, %masked_cumsum3A_1399 : vector<16xi32>
    %sub3A_1401 = arith.constant 1 : i32
    %sub3A_1402 = vector.broadcast %sub3A_1401 : i32 to vector<16xi32>
    %sub3A_1403 = arith.subi %add3A_1400, %sub3A_1402 : vector<16xi32>
    %select_n3A_1404 = arith.select %eq3A_1395, %sub3A_1403, %select_n3A_1390 : vector<16xi1>, vector<16xi32>
    %all_reduce_population_count3A_1405 = tpu.all_reduce %eq3A_1395 {dim = 0 : i64, kind = #tpu.reduction_kind<sum>} : vector<16xi1> -> vector<16xi32>
    %add3A_1406 = arith.addi %add3A_1288, %all_reduce_population_count3A_1405 : vector<16xi32>
    %eq3A_1407 = arith.constant 7 : i32
    %eq3A_1408 = vector.broadcast %eq3A_1407 : i32 to vector<16xi32>
    %eq3A_1409 = arith.cmpi eq, %get3A_1306, %eq3A_1408 : vector<16xi32>
    %convert_element_type3A_1410 = arith.extui %eq3A_1409 : vector<16xi1> to vector<16xi32>
    %broadcast_in_dim3A_1411 = arith.constant true
    %broadcast_in_dim3A_1412 = vector.broadcast %broadcast_in_dim3A_1411 : i1 to vector<16xi1>
    %masked_cumsum3A_1413 = tpu.scan <sum>, %convert_element_type3A_1410 masked %broadcast_in_dim3A_1412 : vector<16xi32>, vector<16xi1> -> vector<16xi32>
    %add3A_1414 = arith.addi %add3A_1302, %masked_cumsum3A_1413 : vector<16xi32>
    %sub3A_1415 = arith.constant 1 : i32
    %sub3A_1416 = vector.broadcast %sub3A_1415 : i32 to vector<16xi32>
    %sub3A_1417 = arith.subi %add3A_1414, %sub3A_1416 : vector<16xi32>
    %select_n3A_1418 = arith.select %eq3A_1409, %sub3A_1417, %select_n3A_1404 : vector<16xi1>, vector<16xi32>
    %all_reduce_population_count3A_1419 = tpu.all_reduce %eq3A_1409 {dim = 0 : i64, kind = #tpu.reduction_kind<sum>} : vector<16xi1> -> vector<16xi32>
    %add3A_1420 = arith.addi %add3A_1302, %all_reduce_population_count3A_1419 : vector<16xi32>
    %swap3A_1421 = arith.constant 176 : index
    %swap3A_1422 = tpu.vector_load %arg8[%swap3A_1421] {strides = array<i32>} : memref<256xi32, #tpu.memory_space<vmem>>, vector<16xi32>,
    tpu.vector_store %arg8[%swap3A_1421], %select_n3A_1418 {strides = array<i32>} : memref<256xi32, #tpu.memory_space<vmem>>, vector<16xi32>,
    %get3A_1423 = arith.constant 192 : index
    %get3A_1424 = tpu.vector_load %arg7[%get3A_1423] {strides = array<i32>} : memref<256xi32, #tpu.memory_space<vmem>>, vector<16xi32>,
    %broadcast_in_dim3A_1425 = arith.constant 0 : i32
    %broadcast_in_dim3A_1426 = vector.broadcast %broadcast_in_dim3A_1425 : i32 to vector<16xi32>
    %eq3A_1427 = arith.constant 0 : i32
    %eq3A_1428 = vector.broadcast %eq3A_1427 : i32 to vector<16xi32>
    %eq3A_1429 = arith.cmpi eq, %get3A_1424, %eq3A_1428 : vector<16xi32>
    %convert_element_type3A_1430 = arith.extui %eq3A_1429 : vector<16xi1> to vector<16xi32>
    %broadcast_in_dim3A_1431 = arith.constant true
    %broadcast_in_dim3A_1432 = vector.broadcast %broadcast_in_dim3A_1431 : i1 to vector<16xi1>
    %masked_cumsum3A_1433 = tpu.scan <sum>, %convert_element_type3A_1430 masked %broadcast_in_dim3A_1432 : vector<16xi32>, vector<16xi1> -> vector<16xi32>
    %add3A_1434 = arith.addi %add3A_1322, %masked_cumsum3A_1433 : vector<16xi32>
    %sub3A_1435 = arith.constant 1 : i32
    %sub3A_1436 = vector.broadcast %sub3A_1435 : i32 to vector<16xi32>
    %sub3A_1437 = arith.subi %add3A_1434, %sub3A_1436 : vector<16xi32>
    %select_n3A_1438 = arith.select %eq3A_1429, %sub3A_1437, %broadcast_in_dim3A_1426 : vector<16xi1>, vector<16xi32>
    %all_reduce_population_count3A_1439 = tpu.all_reduce %eq3A_1429 {dim = 0 : i64, kind = #tpu.reduction_kind<sum>} : vector<16xi1> -> vector<16xi32>
    %add3A_1440 = arith.addi %add3A_1322, %all_reduce_population_count3A_1439 : vector<16xi32>
    %eq3A_1441 = arith.constant 1 : i32
    %eq3A_1442 = vector.broadcast %eq3A_1441 : i32 to vector<16xi32>
    %eq3A_1443 = arith.cmpi eq, %get3A_1424, %eq3A_1442 : vector<16xi32>
    %convert_element_type3A_1444 = arith.extui %eq3A_1443 : vector<16xi1> to vector<16xi32>
    %broadcast_in_dim3A_1445 = arith.constant true
    %broadcast_in_dim3A_1446 = vector.broadcast %broadcast_in_dim3A_1445 : i1 to vector<16xi1>
    %masked_cumsum3A_1447 = tpu.scan <sum>, %convert_element_type3A_1444 masked %broadcast_in_dim3A_1446 : vector<16xi32>, vector<16xi1> -> vector<16xi32>
    %add3A_1448 = arith.addi %add3A_1336, %masked_cumsum3A_1447 : vector<16xi32>
    %sub3A_1449 = arith.constant 1 : i32
    %sub3A_1450 = vector.broadcast %sub3A_1449 : i32 to vector<16xi32>
    %sub3A_1451 = arith.subi %add3A_1448, %sub3A_1450 : vector<16xi32>
    %select_n3A_1452 = arith.select %eq3A_1443, %sub3A_1451, %select_n3A_1438 : vector<16xi1>, vector<16xi32>
    %all_reduce_population_count3A_1453 = tpu.all_reduce %eq3A_1443 {dim = 0 : i64, kind = #tpu.reduction_kind<sum>} : vector<16xi1> -> vector<16xi32>
    %add3A_1454 = arith.addi %add3A_1336, %all_reduce_population_count3A_1453 : vector<16xi32>
    %eq3A_1455 = arith.constant 2 : i32
    %eq3A_1456 = vector.broadcast %eq3A_1455 : i32 to vector<16xi32>
    %eq3A_1457 = arith.cmpi eq, %get3A_1424, %eq3A_1456 : vector<16xi32>
    %convert_element_type3A_1458 = arith.extui %eq3A_1457 : vector<16xi1> to vector<16xi32>
    %broadcast_in_dim3A_1459 = arith.constant true
    %broadcast_in_dim3A_1460 = vector.broadcast %broadcast_in_dim3A_1459 : i1 to vector<16xi1>
    %masked_cumsum3A_1461 = tpu.scan <sum>, %convert_element_type3A_1458 masked %broadcast_in_dim3A_1460 : vector<16xi32>, vector<16xi1> -> vector<16xi32>
    %add3A_1462 = arith.addi %add3A_1350, %masked_cumsum3A_1461 : vector<16xi32>
    %sub3A_1463 = arith.constant 1 : i32
    %sub3A_1464 = vector.broadcast %sub3A_1463 : i32 to vector<16xi32>
    %sub3A_1465 = arith.subi %add3A_1462, %sub3A_1464 : vector<16xi32>
    %select_n3A_1466 = arith.select %eq3A_1457, %sub3A_1465, %select_n3A_1452 : vector<16xi1>, vector<16xi32>
    %all_reduce_population_count3A_1467 = tpu.all_reduce %eq3A_1457 {dim = 0 : i64, kind = #tpu.reduction_kind<sum>} : vector<16xi1> -> vector<16xi32>
    %add3A_1468 = arith.addi %add3A_1350, %all_reduce_population_count3A_1467 : vector<16xi32>
    %eq3A_1469 = arith.constant 3 : i32
    %eq3A_1470 = vector.broadcast %eq3A_1469 : i32 to vector<16xi32>
    %eq3A_1471 = arith.cmpi eq, %get3A_1424, %eq3A_1470 : vector<16xi32>
    %convert_element_type3A_1472 = arith.extui %eq3A_1471 : vector<16xi1> to vector<16xi32>
    %broadcast_in_dim3A_1473 = arith.constant true
    %broadcast_in_dim3A_1474 = vector.broadcast %broadcast_in_dim3A_1473 : i1 to vector<16xi1>
    %masked_cumsum3A_1475 = tpu.scan <sum>, %convert_element_type3A_1472 masked %broadcast_in_dim3A_1474 : vector<16xi32>, vector<16xi1> -> vector<16xi32>
    %add3A_1476 = arith.addi %add3A_1364, %masked_cumsum3A_1475 : vector<16xi32>
    %sub3A_1477 = arith.constant 1 : i32
    %sub3A_1478 = vector.broadcast %sub3A_1477 : i32 to vector<16xi32>
    %sub3A_1479 = arith.subi %add3A_1476, %sub3A_1478 : vector<16xi32>
    %select_n3A_1480 = arith.select %eq3A_1471, %sub3A_1479, %select_n3A_1466 : vector<16xi1>, vector<16xi32>
    %all_reduce_population_count3A_1481 = tpu.all_reduce %eq3A_1471 {dim = 0 : i64, kind = #tpu.reduction_kind<sum>} : vector<16xi1> -> vector<16xi32>
    %add3A_1482 = arith.addi %add3A_1364, %all_reduce_population_count3A_1481 : vector<16xi32>
    %eq3A_1483 = arith.constant 4 : i32
    %eq3A_1484 = vector.broadcast %eq3A_1483 : i32 to vector<16xi32>
    %eq3A_1485 = arith.cmpi eq, %get3A_1424, %eq3A_1484 : vector<16xi32>
    %convert_element_type3A_1486 = arith.extui %eq3A_1485 : vector<16xi1> to vector<16xi32>
    %broadcast_in_dim3A_1487 = arith.constant true
    %broadcast_in_dim3A_1488 = vector.broadcast %broadcast_in_dim3A_1487 : i1 to vector<16xi1>
    %masked_cumsum3A_1489 = tpu.scan <sum>, %convert_element_type3A_1486 masked %broadcast_in_dim3A_1488 : vector<16xi32>, vector<16xi1> -> vector<16xi32>
    %add3A_1490 = arith.addi %add3A_1378, %masked_cumsum3A_1489 : vector<16xi32>
    %sub3A_1491 = arith.constant 1 : i32
    %sub3A_1492 = vector.broadcast %sub3A_1491 : i32 to vector<16xi32>
    %sub3A_1493 = arith.subi %add3A_1490, %sub3A_1492 : vector<16xi32>
    %select_n3A_1494 = arith.select %eq3A_1485, %sub3A_1493, %select_n3A_1480 : vector<16xi1>, vector<16xi32>
    %all_reduce_population_count3A_1495 = tpu.all_reduce %eq3A_1485 {dim = 0 : i64, kind = #tpu.reduction_kind<sum>} : vector<16xi1> -> vector<16xi32>
    %add3A_1496 = arith.addi %add3A_1378, %all_reduce_population_count3A_1495 : vector<16xi32>
    %eq3A_1497 = arith.constant 5 : i32
    %eq3A_1498 = vector.broadcast %eq3A_1497 : i32 to vector<16xi32>
    %eq3A_1499 = arith.cmpi eq, %get3A_1424, %eq3A_1498 : vector<16xi32>
    %convert_element_type3A_1500 = arith.extui %eq3A_1499 : vector<16xi1> to vector<16xi32>
    %broadcast_in_dim3A_1501 = arith.constant true
    %broadcast_in_dim3A_1502 = vector.broadcast %broadcast_in_dim3A_1501 : i1 to vector<16xi1>
    %masked_cumsum3A_1503 = tpu.scan <sum>, %convert_element_type3A_1500 masked %broadcast_in_dim3A_1502 : vector<16xi32>, vector<16xi1> -> vector<16xi32>
    %add3A_1504 = arith.addi %add3A_1392, %masked_cumsum3A_1503 : vector<16xi32>
    %sub3A_1505 = arith.constant 1 : i32
    %sub3A_1506 = vector.broadcast %sub3A_1505 : i32 to vector<16xi32>
    %sub3A_1507 = arith.subi %add3A_1504, %sub3A_1506 : vector<16xi32>
    %select_n3A_1508 = arith.select %eq3A_1499, %sub3A_1507, %select_n3A_1494 : vector<16xi1>, vector<16xi32>
    %all_reduce_population_count3A_1509 = tpu.all_reduce %eq3A_1499 {dim = 0 : i64, kind = #tpu.reduction_kind<sum>} : vector<16xi1> -> vector<16xi32>
    %add3A_1510 = arith.addi %add3A_1392, %all_reduce_population_count3A_1509 : vector<16xi32>
    %eq3A_1511 = arith.constant 6 : i32
    %eq3A_1512 = vector.broadcast %eq3A_1511 : i32 to vector<16xi32>
    %eq3A_1513 = arith.cmpi eq, %get3A_1424, %eq3A_1512 : vector<16xi32>
    %convert_element_type3A_1514 = arith.extui %eq3A_1513 : vector<16xi1> to vector<16xi32>
    %broadcast_in_dim3A_1515 = arith.constant true
    %broadcast_in_dim3A_1516 = vector.broadcast %broadcast_in_dim3A_1515 : i1 to vector<16xi1>
    %masked_cumsum3A_1517 = tpu.scan <sum>, %convert_element_type3A_1514 masked %broadcast_in_dim3A_1516 : vector<16xi32>, vector<16xi1> -> vector<16xi32>
    %add3A_1518 = arith.addi %add3A_1406, %masked_cumsum3A_1517 : vector<16xi32>
    %sub3A_1519 = arith.constant 1 : i32
    %sub3A_1520 = vector.broadcast %sub3A_1519 : i32 to vector<16xi32>
    %sub3A_1521 = arith.subi %add3A_1518, %sub3A_1520 : vector<16xi32>
    %select_n3A_1522 = arith.select %eq3A_1513, %sub3A_1521, %select_n3A_1508 : vector<16xi1>, vector<16xi32>
    %all_reduce_population_count3A_1523 = tpu.all_reduce %eq3A_1513 {dim = 0 : i64, kind = #tpu.reduction_kind<sum>} : vector<16xi1> -> vector<16xi32>
    %add3A_1524 = arith.addi %add3A_1406, %all_reduce_population_count3A_1523 : vector<16xi32>
    %eq3A_1525 = arith.constant 7 : i32
    %eq3A_1526 = vector.broadcast %eq3A_1525 : i32 to vector<16xi32>
    %eq3A_1527 = arith.cmpi eq, %get3A_1424, %eq3A_1526 : vector<16xi32>
    %convert_element_type3A_1528 = arith.extui %eq3A_1527 : vector<16xi1> to vector<16xi32>
    %broadcast_in_dim3A_1529 = arith.constant true
    %broadcast_in_dim3A_1530 = vector.broadcast %broadcast_in_dim3A_1529 : i1 to vector<16xi1>
    %masked_cumsum3A_1531 = tpu.scan <sum>, %convert_element_type3A_1528 masked %broadcast_in_dim3A_1530 : vector<16xi32>, vector<16xi1> -> vector<16xi32>
    %add3A_1532 = arith.addi %add3A_1420, %masked_cumsum3A_1531 : vector<16xi32>
    %sub3A_1533 = arith.constant 1 : i32
    %sub3A_1534 = vector.broadcast %sub3A_1533 : i32 to vector<16xi32>
    %sub3A_1535 = arith.subi %add3A_1532, %sub3A_1534 : vector<16xi32>
    %select_n3A_1536 = arith.select %eq3A_1527, %sub3A_1535, %select_n3A_1522 : vector<16xi1>, vector<16xi32>
    %all_reduce_population_count3A_1537 = tpu.all_reduce %eq3A_1527 {dim = 0 : i64, kind = #tpu.reduction_kind<sum>} : vector<16xi1> -> vector<16xi32>
    %add3A_1538 = arith.addi %add3A_1420, %all_reduce_population_count3A_1537 : vector<16xi32>
    %swap3A_1539 = arith.constant 192 : index
    %swap3A_1540 = tpu.vector_load %arg8[%swap3A_1539] {strides = array<i32>} : memref<256xi32, #tpu.memory_space<vmem>>, vector<16xi32>,
    tpu.vector_store %arg8[%swap3A_1539], %select_n3A_1536 {strides = array<i32>} : memref<256xi32, #tpu.memory_space<vmem>>, vector<16xi32>,
    %get3A_1541 = arith.constant 208 : index
    %get3A_1542 = tpu.vector_load %arg7[%get3A_1541] {strides = array<i32>} : memref<256xi32, #tpu.memory_space<vmem>>, vector<16xi32>,
    %broadcast_in_dim3A_1543 = arith.constant 0 : i32
    %broadcast_in_dim3A_1544 = vector.broadcast %broadcast_in_dim3A_1543 : i32 to vector<16xi32>
    %eq3A_1545 = arith.constant 0 : i32
    %eq3A_1546 = vector.broadcast %eq3A_1545 : i32 to vector<16xi32>
    %eq3A_1547 = arith.cmpi eq, %get3A_1542, %eq3A_1546 : vector<16xi32>
    %convert_element_type3A_1548 = arith.extui %eq3A_1547 : vector<16xi1> to vector<16xi32>
    %broadcast_in_dim3A_1549 = arith.constant true
    %broadcast_in_dim3A_1550 = vector.broadcast %broadcast_in_dim3A_1549 : i1 to vector<16xi1>
    %masked_cumsum3A_1551 = tpu.scan <sum>, %convert_element_type3A_1548 masked %broadcast_in_dim3A_1550 : vector<16xi32>, vector<16xi1> -> vector<16xi32>
    %add3A_1552 = arith.addi %add3A_1440, %masked_cumsum3A_1551 : vector<16xi32>
    %sub3A_1553 = arith.constant 1 : i32
    %sub3A_1554 = vector.broadcast %sub3A_1553 : i32 to vector<16xi32>
    %sub3A_1555 = arith.subi %add3A_1552, %sub3A_1554 : vector<16xi32>
    %select_n3A_1556 = arith.select %eq3A_1547, %sub3A_1555, %broadcast_in_dim3A_1544 : vector<16xi1>, vector<16xi32>
    %all_reduce_population_count3A_1557 = tpu.all_reduce %eq3A_1547 {dim = 0 : i64, kind = #tpu.reduction_kind<sum>} : vector<16xi1> -> vector<16xi32>
    %add3A_1558 = arith.addi %add3A_1440, %all_reduce_population_count3A_1557 : vector<16xi32>
    %eq3A_1559 = arith.constant 1 : i32
    %eq3A_1560 = vector.broadcast %eq3A_1559 : i32 to vector<16xi32>
    %eq3A_1561 = arith.cmpi eq, %get3A_1542, %eq3A_1560 : vector<16xi32>
    %convert_element_type3A_1562 = arith.extui %eq3A_1561 : vector<16xi1> to vector<16xi32>
    %broadcast_in_dim3A_1563 = arith.constant true
    %broadcast_in_dim3A_1564 = vector.broadcast %broadcast_in_dim3A_1563 : i1 to vector<16xi1>
    %masked_cumsum3A_1565 = tpu.scan <sum>, %convert_element_type3A_1562 masked %broadcast_in_dim3A_1564 : vector<16xi32>, vector<16xi1> -> vector<16xi32>
    %add3A_1566 = arith.addi %add3A_1454, %masked_cumsum3A_1565 : vector<16xi32>
    %sub3A_1567 = arith.constant 1 : i32
    %sub3A_1568 = vector.broadcast %sub3A_1567 : i32 to vector<16xi32>
    %sub3A_1569 = arith.subi %add3A_1566, %sub3A_1568 : vector<16xi32>
    %select_n3A_1570 = arith.select %eq3A_1561, %sub3A_1569, %select_n3A_1556 : vector<16xi1>, vector<16xi32>
    %all_reduce_population_count3A_1571 = tpu.all_reduce %eq3A_1561 {dim = 0 : i64, kind = #tpu.reduction_kind<sum>} : vector<16xi1> -> vector<16xi32>
    %add3A_1572 = arith.addi %add3A_1454, %all_reduce_population_count3A_1571 : vector<16xi32>
    %eq3A_1573 = arith.constant 2 : i32
    %eq3A_1574 = vector.broadcast %eq3A_1573 : i32 to vector<16xi32>
    %eq3A_1575 = arith.cmpi eq, %get3A_1542, %eq3A_1574 : vector<16xi32>
    %convert_element_type3A_1576 = arith.extui %eq3A_1575 : vector<16xi1> to vector<16xi32>
    %broadcast_in_dim3A_1577 = arith.constant true
    %broadcast_in_dim3A_1578 = vector.broadcast %broadcast_in_dim3A_1577 : i1 to vector<16xi1>
    %masked_cumsum3A_1579 = tpu.scan <sum>, %convert_element_type3A_1576 masked %broadcast_in_dim3A_1578 : vector<16xi32>, vector<16xi1> -> vector<16xi32>
    %add3A_1580 = arith.addi %add3A_1468, %masked_cumsum3A_1579 : vector<16xi32>
    %sub3A_1581 = arith.constant 1 : i32
    %sub3A_1582 = vector.broadcast %sub3A_1581 : i32 to vector<16xi32>
    %sub3A_1583 = arith.subi %add3A_1580, %sub3A_1582 : vector<16xi32>
    %select_n3A_1584 = arith.select %eq3A_1575, %sub3A_1583, %select_n3A_1570 : vector<16xi1>, vector<16xi32>
    %all_reduce_population_count3A_1585 = tpu.all_reduce %eq3A_1575 {dim = 0 : i64, kind = #tpu.reduction_kind<sum>} : vector<16xi1> -> vector<16xi32>
    %add3A_1586 = arith.addi %add3A_1468, %all_reduce_population_count3A_1585 : vector<16xi32>
    %eq3A_1587 = arith.constant 3 : i32
    %eq3A_1588 = vector.broadcast %eq3A_1587 : i32 to vector<16xi32>
    %eq3A_1589 = arith.cmpi eq, %get3A_1542, %eq3A_1588 : vector<16xi32>
    %convert_element_type3A_1590 = arith.extui %eq3A_1589 : vector<16xi1> to vector<16xi32>
    %broadcast_in_dim3A_1591 = arith.constant true
    %broadcast_in_dim3A_1592 = vector.broadcast %broadcast_in_dim3A_1591 : i1 to vector<16xi1>
    %masked_cumsum3A_1593 = tpu.scan <sum>, %convert_element_type3A_1590 masked %broadcast_in_dim3A_1592 : vector<16xi32>, vector<16xi1> -> vector<16xi32>
    %add3A_1594 = arith.addi %add3A_1482, %masked_cumsum3A_1593 : vector<16xi32>
    %sub3A_1595 = arith.constant 1 : i32
    %sub3A_1596 = vector.broadcast %sub3A_1595 : i32 to vector<16xi32>
    %sub3A_1597 = arith.subi %add3A_1594, %sub3A_1596 : vector<16xi32>
    %select_n3A_1598 = arith.select %eq3A_1589, %sub3A_1597, %select_n3A_1584 : vector<16xi1>, vector<16xi32>
    %all_reduce_population_count3A_1599 = tpu.all_reduce %eq3A_1589 {dim = 0 : i64, kind = #tpu.reduction_kind<sum>} : vector<16xi1> -> vector<16xi32>
    %add3A_1600 = arith.addi %add3A_1482, %all_reduce_population_count3A_1599 : vector<16xi32>
    %eq3A_1601 = arith.constant 4 : i32
    %eq3A_1602 = vector.broadcast %eq3A_1601 : i32 to vector<16xi32>
    %eq3A_1603 = arith.cmpi eq, %get3A_1542, %eq3A_1602 : vector<16xi32>
    %convert_element_type3A_1604 = arith.extui %eq3A_1603 : vector<16xi1> to vector<16xi32>
    %broadcast_in_dim3A_1605 = arith.constant true
    %broadcast_in_dim3A_1606 = vector.broadcast %broadcast_in_dim3A_1605 : i1 to vector<16xi1>
    %masked_cumsum3A_1607 = tpu.scan <sum>, %convert_element_type3A_1604 masked %broadcast_in_dim3A_1606 : vector<16xi32>, vector<16xi1> -> vector<16xi32>
    %add3A_1608 = arith.addi %add3A_1496, %masked_cumsum3A_1607 : vector<16xi32>
    %sub3A_1609 = arith.constant 1 : i32
    %sub3A_1610 = vector.broadcast %sub3A_1609 : i32 to vector<16xi32>
    %sub3A_1611 = arith.subi %add3A_1608, %sub3A_1610 : vector<16xi32>
    %select_n3A_1612 = arith.select %eq3A_1603, %sub3A_1611, %select_n3A_1598 : vector<16xi1>, vector<16xi32>
    %all_reduce_population_count3A_1613 = tpu.all_reduce %eq3A_1603 {dim = 0 : i64, kind = #tpu.reduction_kind<sum>} : vector<16xi1> -> vector<16xi32>
    %add3A_1614 = arith.addi %add3A_1496, %all_reduce_population_count3A_1613 : vector<16xi32>
    %eq3A_1615 = arith.constant 5 : i32
    %eq3A_1616 = vector.broadcast %eq3A_1615 : i32 to vector<16xi32>
    %eq3A_1617 = arith.cmpi eq, %get3A_1542, %eq3A_1616 : vector<16xi32>
    %convert_element_type3A_1618 = arith.extui %eq3A_1617 : vector<16xi1> to vector<16xi32>
    %broadcast_in_dim3A_1619 = arith.constant true
    %broadcast_in_dim3A_1620 = vector.broadcast %broadcast_in_dim3A_1619 : i1 to vector<16xi1>
    %masked_cumsum3A_1621 = tpu.scan <sum>, %convert_element_type3A_1618 masked %broadcast_in_dim3A_1620 : vector<16xi32>, vector<16xi1> -> vector<16xi32>
    %add3A_1622 = arith.addi %add3A_1510, %masked_cumsum3A_1621 : vector<16xi32>
    %sub3A_1623 = arith.constant 1 : i32
    %sub3A_1624 = vector.broadcast %sub3A_1623 : i32 to vector<16xi32>
    %sub3A_1625 = arith.subi %add3A_1622, %sub3A_1624 : vector<16xi32>
    %select_n3A_1626 = arith.select %eq3A_1617, %sub3A_1625, %select_n3A_1612 : vector<16xi1>, vector<16xi32>
    %all_reduce_population_count3A_1627 = tpu.all_reduce %eq3A_1617 {dim = 0 : i64, kind = #tpu.reduction_kind<sum>} : vector<16xi1> -> vector<16xi32>
    %add3A_1628 = arith.addi %add3A_1510, %all_reduce_population_count3A_1627 : vector<16xi32>
    %eq3A_1629 = arith.constant 6 : i32
    %eq3A_1630 = vector.broadcast %eq3A_1629 : i32 to vector<16xi32>
    %eq3A_1631 = arith.cmpi eq, %get3A_1542, %eq3A_1630 : vector<16xi32>
    %convert_element_type3A_1632 = arith.extui %eq3A_1631 : vector<16xi1> to vector<16xi32>
    %broadcast_in_dim3A_1633 = arith.constant true
    %broadcast_in_dim3A_1634 = vector.broadcast %broadcast_in_dim3A_1633 : i1 to vector<16xi1>
    %masked_cumsum3A_1635 = tpu.scan <sum>, %convert_element_type3A_1632 masked %broadcast_in_dim3A_1634 : vector<16xi32>, vector<16xi1> -> vector<16xi32>
    %add3A_1636 = arith.addi %add3A_1524, %masked_cumsum3A_1635 : vector<16xi32>
    %sub3A_1637 = arith.constant 1 : i32
    %sub3A_1638 = vector.broadcast %sub3A_1637 : i32 to vector<16xi32>
    %sub3A_1639 = arith.subi %add3A_1636, %sub3A_1638 : vector<16xi32>
    %select_n3A_1640 = arith.select %eq3A_1631, %sub3A_1639, %select_n3A_1626 : vector<16xi1>, vector<16xi32>
    %all_reduce_population_count3A_1641 = tpu.all_reduce %eq3A_1631 {dim = 0 : i64, kind = #tpu.reduction_kind<sum>} : vector<16xi1> -> vector<16xi32>
    %add3A_1642 = arith.addi %add3A_1524, %all_reduce_population_count3A_1641 : vector<16xi32>
    %eq3A_1643 = arith.constant 7 : i32
    %eq3A_1644 = vector.broadcast %eq3A_1643 : i32 to vector<16xi32>
    %eq3A_1645 = arith.cmpi eq, %get3A_1542, %eq3A_1644 : vector<16xi32>
    %convert_element_type3A_1646 = arith.extui %eq3A_1645 : vector<16xi1> to vector<16xi32>
    %broadcast_in_dim3A_1647 = arith.constant true
    %broadcast_in_dim3A_1648 = vector.broadcast %broadcast_in_dim3A_1647 : i1 to vector<16xi1>
    %masked_cumsum3A_1649 = tpu.scan <sum>, %convert_element_type3A_1646 masked %broadcast_in_dim3A_1648 : vector<16xi32>, vector<16xi1> -> vector<16xi32>
    %add3A_1650 = arith.addi %add3A_1538, %masked_cumsum3A_1649 : vector<16xi32>
    %sub3A_1651 = arith.constant 1 : i32
    %sub3A_1652 = vector.broadcast %sub3A_1651 : i32 to vector<16xi32>
    %sub3A_1653 = arith.subi %add3A_1650, %sub3A_1652 : vector<16xi32>
    %select_n3A_1654 = arith.select %eq3A_1645, %sub3A_1653, %select_n3A_1640 : vector<16xi1>, vector<16xi32>
    %all_reduce_population_count3A_1655 = tpu.all_reduce %eq3A_1645 {dim = 0 : i64, kind = #tpu.reduction_kind<sum>} : vector<16xi1> -> vector<16xi32>
    %add3A_1656 = arith.addi %add3A_1538, %all_reduce_population_count3A_1655 : vector<16xi32>
    %swap3A_1657 = arith.constant 208 : index
    %swap3A_1658 = tpu.vector_load %arg8[%swap3A_1657] {strides = array<i32>} : memref<256xi32, #tpu.memory_space<vmem>>, vector<16xi32>,
    tpu.vector_store %arg8[%swap3A_1657], %select_n3A_1654 {strides = array<i32>} : memref<256xi32, #tpu.memory_space<vmem>>, vector<16xi32>,
    %get3A_1659 = arith.constant 224 : index
    %get3A_1660 = tpu.vector_load %arg7[%get3A_1659] {strides = array<i32>} : memref<256xi32, #tpu.memory_space<vmem>>, vector<16xi32>,
    %broadcast_in_dim3A_1661 = arith.constant 0 : i32
    %broadcast_in_dim3A_1662 = vector.broadcast %broadcast_in_dim3A_1661 : i32 to vector<16xi32>
    %eq3A_1663 = arith.constant 0 : i32
    %eq3A_1664 = vector.broadcast %eq3A_1663 : i32 to vector<16xi32>
    %eq3A_1665 = arith.cmpi eq, %get3A_1660, %eq3A_1664 : vector<16xi32>
    %convert_element_type3A_1666 = arith.extui %eq3A_1665 : vector<16xi1> to vector<16xi32>
    %broadcast_in_dim3A_1667 = arith.constant true
    %broadcast_in_dim3A_1668 = vector.broadcast %broadcast_in_dim3A_1667 : i1 to vector<16xi1>
    %masked_cumsum3A_1669 = tpu.scan <sum>, %convert_element_type3A_1666 masked %broadcast_in_dim3A_1668 : vector<16xi32>, vector<16xi1> -> vector<16xi32>
    %add3A_1670 = arith.addi %add3A_1558, %masked_cumsum3A_1669 : vector<16xi32>
    %sub3A_1671 = arith.constant 1 : i32
    %sub3A_1672 = vector.broadcast %sub3A_1671 : i32 to vector<16xi32>
    %sub3A_1673 = arith.subi %add3A_1670, %sub3A_1672 : vector<16xi32>
    %select_n3A_1674 = arith.select %eq3A_1665, %sub3A_1673, %broadcast_in_dim3A_1662 : vector<16xi1>, vector<16xi32>
    %all_reduce_population_count3A_1675 = tpu.all_reduce %eq3A_1665 {dim = 0 : i64, kind = #tpu.reduction_kind<sum>} : vector<16xi1> -> vector<16xi32>
    %add3A_1676 = arith.addi %add3A_1558, %all_reduce_population_count3A_1675 : vector<16xi32>
    %eq3A_1677 = arith.constant 1 : i32
    %eq3A_1678 = vector.broadcast %eq3A_1677 : i32 to vector<16xi32>
    %eq3A_1679 = arith.cmpi eq, %get3A_1660, %eq3A_1678 : vector<16xi32>
    %convert_element_type3A_1680 = arith.extui %eq3A_1679 : vector<16xi1> to vector<16xi32>
    %broadcast_in_dim3A_1681 = arith.constant true
    %broadcast_in_dim3A_1682 = vector.broadcast %broadcast_in_dim3A_1681 : i1 to vector<16xi1>
    %masked_cumsum3A_1683 = tpu.scan <sum>, %convert_element_type3A_1680 masked %broadcast_in_dim3A_1682 : vector<16xi32>, vector<16xi1> -> vector<16xi32>
    %add3A_1684 = arith.addi %add3A_1572, %masked_cumsum3A_1683 : vector<16xi32>
    %sub3A_1685 = arith.constant 1 : i32
    %sub3A_1686 = vector.broadcast %sub3A_1685 : i32 to vector<16xi32>
    %sub3A_1687 = arith.subi %add3A_1684, %sub3A_1686 : vector<16xi32>
    %select_n3A_1688 = arith.select %eq3A_1679, %sub3A_1687, %select_n3A_1674 : vector<16xi1>, vector<16xi32>
    %all_reduce_population_count3A_1689 = tpu.all_reduce %eq3A_1679 {dim = 0 : i64, kind = #tpu.reduction_kind<sum>} : vector<16xi1> -> vector<16xi32>
    %add3A_1690 = arith.addi %add3A_1572, %all_reduce_population_count3A_1689 : vector<16xi32>
    %eq3A_1691 = arith.constant 2 : i32
    %eq3A_1692 = vector.broadcast %eq3A_1691 : i32 to vector<16xi32>
    %eq3A_1693 = arith.cmpi eq, %get3A_1660, %eq3A_1692 : vector<16xi32>
    %convert_element_type3A_1694 = arith.extui %eq3A_1693 : vector<16xi1> to vector<16xi32>
    %broadcast_in_dim3A_1695 = arith.constant true
    %broadcast_in_dim3A_1696 = vector.broadcast %broadcast_in_dim3A_1695 : i1 to vector<16xi1>
    %masked_cumsum3A_1697 = tpu.scan <sum>, %convert_element_type3A_1694 masked %broadcast_in_dim3A_1696 : vector<16xi32>, vector<16xi1> -> vector<16xi32>
    %add3A_1698 = arith.addi %add3A_1586, %masked_cumsum3A_1697 : vector<16xi32>
    %sub3A_1699 = arith.constant 1 : i32
    %sub3A_1700 = vector.broadcast %sub3A_1699 : i32 to vector<16xi32>
    %sub3A_1701 = arith.subi %add3A_1698, %sub3A_1700 : vector<16xi32>
    %select_n3A_1702 = arith.select %eq3A_1693, %sub3A_1701, %select_n3A_1688 : vector<16xi1>, vector<16xi32>
    %all_reduce_population_count3A_1703 = tpu.all_reduce %eq3A_1693 {dim = 0 : i64, kind = #tpu.reduction_kind<sum>} : vector<16xi1> -> vector<16xi32>
    %add3A_1704 = arith.addi %add3A_1586, %all_reduce_population_count3A_1703 : vector<16xi32>
    %eq3A_1705 = arith.constant 3 : i32
    %eq3A_1706 = vector.broadcast %eq3A_1705 : i32 to vector<16xi32>
    %eq3A_1707 = arith.cmpi eq, %get3A_1660, %eq3A_1706 : vector<16xi32>
    %convert_element_type3A_1708 = arith.extui %eq3A_1707 : vector<16xi1> to vector<16xi32>
    %broadcast_in_dim3A_1709 = arith.constant true
    %broadcast_in_dim3A_1710 = vector.broadcast %broadcast_in_dim3A_1709 : i1 to vector<16xi1>
    %masked_cumsum3A_1711 = tpu.scan <sum>, %convert_element_type3A_1708 masked %broadcast_in_dim3A_1710 : vector<16xi32>, vector<16xi1> -> vector<16xi32>
    %add3A_1712 = arith.addi %add3A_1600, %masked_cumsum3A_1711 : vector<16xi32>
    %sub3A_1713 = arith.constant 1 : i32
    %sub3A_1714 = vector.broadcast %sub3A_1713 : i32 to vector<16xi32>
    %sub3A_1715 = arith.subi %add3A_1712, %sub3A_1714 : vector<16xi32>
    %select_n3A_1716 = arith.select %eq3A_1707, %sub3A_1715, %select_n3A_1702 : vector<16xi1>, vector<16xi32>
    %all_reduce_population_count3A_1717 = tpu.all_reduce %eq3A_1707 {dim = 0 : i64, kind = #tpu.reduction_kind<sum>} : vector<16xi1> -> vector<16xi32>
    %add3A_1718 = arith.addi %add3A_1600, %all_reduce_population_count3A_1717 : vector<16xi32>
    %eq3A_1719 = arith.constant 4 : i32
    %eq3A_1720 = vector.broadcast %eq3A_1719 : i32 to vector<16xi32>
    %eq3A_1721 = arith.cmpi eq, %get3A_1660, %eq3A_1720 : vector<16xi32>
    %convert_element_type3A_1722 = arith.extui %eq3A_1721 : vector<16xi1> to vector<16xi32>
    %broadcast_in_dim3A_1723 = arith.constant true
    %broadcast_in_dim3A_1724 = vector.broadcast %broadcast_in_dim3A_1723 : i1 to vector<16xi1>
    %masked_cumsum3A_1725 = tpu.scan <sum>, %convert_element_type3A_1722 masked %broadcast_in_dim3A_1724 : vector<16xi32>, vector<16xi1> -> vector<16xi32>
    %add3A_1726 = arith.addi %add3A_1614, %masked_cumsum3A_1725 : vector<16xi32>
    %sub3A_1727 = arith.constant 1 : i32
    %sub3A_1728 = vector.broadcast %sub3A_1727 : i32 to vector<16xi32>
    %sub3A_1729 = arith.subi %add3A_1726, %sub3A_1728 : vector<16xi32>
    %select_n3A_1730 = arith.select %eq3A_1721, %sub3A_1729, %select_n3A_1716 : vector<16xi1>, vector<16xi32>
    %all_reduce_population_count3A_1731 = tpu.all_reduce %eq3A_1721 {dim = 0 : i64, kind = #tpu.reduction_kind<sum>} : vector<16xi1> -> vector<16xi32>
    %add3A_1732 = arith.addi %add3A_1614, %all_reduce_population_count3A_1731 : vector<16xi32>
    %eq3A_1733 = arith.constant 5 : i32
    %eq3A_1734 = vector.broadcast %eq3A_1733 : i32 to vector<16xi32>
    %eq3A_1735 = arith.cmpi eq, %get3A_1660, %eq3A_1734 : vector<16xi32>
    %convert_element_type3A_1736 = arith.extui %eq3A_1735 : vector<16xi1> to vector<16xi32>
    %broadcast_in_dim3A_1737 = arith.constant true
    %broadcast_in_dim3A_1738 = vector.broadcast %broadcast_in_dim3A_1737 : i1 to vector<16xi1>
    %masked_cumsum3A_1739 = tpu.scan <sum>, %convert_element_type3A_1736 masked %broadcast_in_dim3A_1738 : vector<16xi32>, vector<16xi1> -> vector<16xi32>
    %add3A_1740 = arith.addi %add3A_1628, %masked_cumsum3A_1739 : vector<16xi32>
    %sub3A_1741 = arith.constant 1 : i32
    %sub3A_1742 = vector.broadcast %sub3A_1741 : i32 to vector<16xi32>
    %sub3A_1743 = arith.subi %add3A_1740, %sub3A_1742 : vector<16xi32>
    %select_n3A_1744 = arith.select %eq3A_1735, %sub3A_1743, %select_n3A_1730 : vector<16xi1>, vector<16xi32>
    %all_reduce_population_count3A_1745 = tpu.all_reduce %eq3A_1735 {dim = 0 : i64, kind = #tpu.reduction_kind<sum>} : vector<16xi1> -> vector<16xi32>
    %add3A_1746 = arith.addi %add3A_1628, %all_reduce_population_count3A_1745 : vector<16xi32>
    %eq3A_1747 = arith.constant 6 : i32
    %eq3A_1748 = vector.broadcast %eq3A_1747 : i32 to vector<16xi32>
    %eq3A_1749 = arith.cmpi eq, %get3A_1660, %eq3A_1748 : vector<16xi32>
    %convert_element_type3A_1750 = arith.extui %eq3A_1749 : vector<16xi1> to vector<16xi32>
    %broadcast_in_dim3A_1751 = arith.constant true
    %broadcast_in_dim3A_1752 = vector.broadcast %broadcast_in_dim3A_1751 : i1 to vector<16xi1>
    %masked_cumsum3A_1753 = tpu.scan <sum>, %convert_element_type3A_1750 masked %broadcast_in_dim3A_1752 : vector<16xi32>, vector<16xi1> -> vector<16xi32>
    %add3A_1754 = arith.addi %add3A_1642, %masked_cumsum3A_1753 : vector<16xi32>
    %sub3A_1755 = arith.constant 1 : i32
    %sub3A_1756 = vector.broadcast %sub3A_1755 : i32 to vector<16xi32>
    %sub3A_1757 = arith.subi %add3A_1754, %sub3A_1756 : vector<16xi32>
    %select_n3A_1758 = arith.select %eq3A_1749, %sub3A_1757, %select_n3A_1744 : vector<16xi1>, vector<16xi32>
    %all_reduce_population_count3A_1759 = tpu.all_reduce %eq3A_1749 {dim = 0 : i64, kind = #tpu.reduction_kind<sum>} : vector<16xi1> -> vector<16xi32>
    %add3A_1760 = arith.addi %add3A_1642, %all_reduce_population_count3A_1759 : vector<16xi32>
    %eq3A_1761 = arith.constant 7 : i32
    %eq3A_1762 = vector.broadcast %eq3A_1761 : i32 to vector<16xi32>
    %eq3A_1763 = arith.cmpi eq, %get3A_1660, %eq3A_1762 : vector<16xi32>
    %convert_element_type3A_1764 = arith.extui %eq3A_1763 : vector<16xi1> to vector<16xi32>
    %broadcast_in_dim3A_1765 = arith.constant true
    %broadcast_in_dim3A_1766 = vector.broadcast %broadcast_in_dim3A_1765 : i1 to vector<16xi1>
    %masked_cumsum3A_1767 = tpu.scan <sum>, %convert_element_type3A_1764 masked %broadcast_in_dim3A_1766 : vector<16xi32>, vector<16xi1> -> vector<16xi32>
    %add3A_1768 = arith.addi %add3A_1656, %masked_cumsum3A_1767 : vector<16xi32>
    %sub3A_1769 = arith.constant 1 : i32
    %sub3A_1770 = vector.broadcast %sub3A_1769 : i32 to vector<16xi32>
    %sub3A_1771 = arith.subi %add3A_1768, %sub3A_1770 : vector<16xi32>
    %select_n3A_1772 = arith.select %eq3A_1763, %sub3A_1771, %select_n3A_1758 : vector<16xi1>, vector<16xi32>
    %all_reduce_population_count3A_1773 = tpu.all_reduce %eq3A_1763 {dim = 0 : i64, kind = #tpu.reduction_kind<sum>} : vector<16xi1> -> vector<16xi32>
    %add3A_1774 = arith.addi %add3A_1656, %all_reduce_population_count3A_1773 : vector<16xi32>
    %swap3A_1775 = arith.constant 224 : index
    %swap3A_1776 = tpu.vector_load %arg8[%swap3A_1775] {strides = array<i32>} : memref<256xi32, #tpu.memory_space<vmem>>, vector<16xi32>,
    tpu.vector_store %arg8[%swap3A_1775], %select_n3A_1772 {strides = array<i32>} : memref<256xi32, #tpu.memory_space<vmem>>, vector<16xi32>,
    %get3A_1777 = arith.constant 240 : index
    %get3A_1778 = tpu.vector_load %arg7[%get3A_1777] {strides = array<i32>} : memref<256xi32, #tpu.memory_space<vmem>>, vector<16xi32>,
    %broadcast_in_dim3A_1779 = arith.constant 0 : i32
    %broadcast_in_dim3A_1780 = vector.broadcast %broadcast_in_dim3A_1779 : i32 to vector<16xi32>
    %eq3A_1781 = arith.constant 0 : i32
    %eq3A_1782 = vector.broadcast %eq3A_1781 : i32 to vector<16xi32>
    %eq3A_1783 = arith.cmpi eq, %get3A_1778, %eq3A_1782 : vector<16xi32>
    %convert_element_type3A_1784 = arith.extui %eq3A_1783 : vector<16xi1> to vector<16xi32>
    %broadcast_in_dim3A_1785 = arith.constant true
    %broadcast_in_dim3A_1786 = vector.broadcast %broadcast_in_dim3A_1785 : i1 to vector<16xi1>
    %masked_cumsum3A_1787 = tpu.scan <sum>, %convert_element_type3A_1784 masked %broadcast_in_dim3A_1786 : vector<16xi32>, vector<16xi1> -> vector<16xi32>
    %add3A_1788 = arith.addi %add3A_1676, %masked_cumsum3A_1787 : vector<16xi32>
    %sub3A_1789 = arith.constant 1 : i32
    %sub3A_1790 = vector.broadcast %sub3A_1789 : i32 to vector<16xi32>
    %sub3A_1791 = arith.subi %add3A_1788, %sub3A_1790 : vector<16xi32>
    %select_n3A_1792 = arith.select %eq3A_1783, %sub3A_1791, %broadcast_in_dim3A_1780 : vector<16xi1>, vector<16xi32>
    %all_reduce_population_count3A_1793 = tpu.all_reduce %eq3A_1783 {dim = 0 : i64, kind = #tpu.reduction_kind<sum>} : vector<16xi1> -> vector<16xi32>
    %add3A_1794 = arith.addi %add3A_1676, %all_reduce_population_count3A_1793 : vector<16xi32>
    %eq3A_1795 = arith.constant 1 : i32
    %eq3A_1796 = vector.broadcast %eq3A_1795 : i32 to vector<16xi32>
    %eq3A_1797 = arith.cmpi eq, %get3A_1778, %eq3A_1796 : vector<16xi32>
    %convert_element_type3A_1798 = arith.extui %eq3A_1797 : vector<16xi1> to vector<16xi32>
    %broadcast_in_dim3A_1799 = arith.constant true
    %broadcast_in_dim3A_1800 = vector.broadcast %broadcast_in_dim3A_1799 : i1 to vector<16xi1>
    %masked_cumsum3A_1801 = tpu.scan <sum>, %convert_element_type3A_1798 masked %broadcast_in_dim3A_1800 : vector<16xi32>, vector<16xi1> -> vector<16xi32>
    %add3A_1802 = arith.addi %add3A_1690, %masked_cumsum3A_1801 : vector<16xi32>
    %sub3A_1803 = arith.constant 1 : i32
    %sub3A_1804 = vector.broadcast %sub3A_1803 : i32 to vector<16xi32>
    %sub3A_1805 = arith.subi %add3A_1802, %sub3A_1804 : vector<16xi32>
    %select_n3A_1806 = arith.select %eq3A_1797, %sub3A_1805, %select_n3A_1792 : vector<16xi1>, vector<16xi32>
    %all_reduce_population_count3A_1807 = tpu.all_reduce %eq3A_1797 {dim = 0 : i64, kind = #tpu.reduction_kind<sum>} : vector<16xi1> -> vector<16xi32>
    %add3A_1808 = arith.addi %add3A_1690, %all_reduce_population_count3A_1807 : vector<16xi32>
    %eq3A_1809 = arith.constant 2 : i32
    %eq3A_1810 = vector.broadcast %eq3A_1809 : i32 to vector<16xi32>
    %eq3A_1811 = arith.cmpi eq, %get3A_1778, %eq3A_1810 : vector<16xi32>
    %convert_element_type3A_1812 = arith.extui %eq3A_1811 : vector<16xi1> to vector<16xi32>
    %broadcast_in_dim3A_1813 = arith.constant true
    %broadcast_in_dim3A_1814 = vector.broadcast %broadcast_in_dim3A_1813 : i1 to vector<16xi1>
    %masked_cumsum3A_1815 = tpu.scan <sum>, %convert_element_type3A_1812 masked %broadcast_in_dim3A_1814 : vector<16xi32>, vector<16xi1> -> vector<16xi32>
    %add3A_1816 = arith.addi %add3A_1704, %masked_cumsum3A_1815 : vector<16xi32>
    %sub3A_1817 = arith.constant 1 : i32
    %sub3A_1818 = vector.broadcast %sub3A_1817 : i32 to vector<16xi32>
    %sub3A_1819 = arith.subi %add3A_1816, %sub3A_1818 : vector<16xi32>
    %select_n3A_1820 = arith.select %eq3A_1811, %sub3A_1819, %select_n3A_1806 : vector<16xi1>, vector<16xi32>
    %all_reduce_population_count3A_1821 = tpu.all_reduce %eq3A_1811 {dim = 0 : i64, kind = #tpu.reduction_kind<sum>} : vector<16xi1> -> vector<16xi32>
    %add3A_1822 = arith.addi %add3A_1704, %all_reduce_population_count3A_1821 : vector<16xi32>
    %eq3A_1823 = arith.constant 3 : i32
    %eq3A_1824 = vector.broadcast %eq3A_1823 : i32 to vector<16xi32>
    %eq3A_1825 = arith.cmpi eq, %get3A_1778, %eq3A_1824 : vector<16xi32>
    %convert_element_type3A_1826 = arith.extui %eq3A_1825 : vector<16xi1> to vector<16xi32>
    %broadcast_in_dim3A_1827 = arith.constant true
    %broadcast_in_dim3A_1828 = vector.broadcast %broadcast_in_dim3A_1827 : i1 to vector<16xi1>
    %masked_cumsum3A_1829 = tpu.scan <sum>, %convert_element_type3A_1826 masked %broadcast_in_dim3A_1828 : vector<16xi32>, vector<16xi1> -> vector<16xi32>
    %add3A_1830 = arith.addi %add3A_1718, %masked_cumsum3A_1829 : vector<16xi32>
    %sub3A_1831 = arith.constant 1 : i32
    %sub3A_1832 = vector.broadcast %sub3A_1831 : i32 to vector<16xi32>
    %sub3A_1833 = arith.subi %add3A_1830, %sub3A_1832 : vector<16xi32>
    %select_n3A_1834 = arith.select %eq3A_1825, %sub3A_1833, %select_n3A_1820 : vector<16xi1>, vector<16xi32>
    %all_reduce_population_count3A_1835 = tpu.all_reduce %eq3A_1825 {dim = 0 : i64, kind = #tpu.reduction_kind<sum>} : vector<16xi1> -> vector<16xi32>
    %add3A_1836 = arith.addi %add3A_1718, %all_reduce_population_count3A_1835 : vector<16xi32>
    %eq3A_1837 = arith.constant 4 : i32
    %eq3A_1838 = vector.broadcast %eq3A_1837 : i32 to vector<16xi32>
    %eq3A_1839 = arith.cmpi eq, %get3A_1778, %eq3A_1838 : vector<16xi32>
    %convert_element_type3A_1840 = arith.extui %eq3A_1839 : vector<16xi1> to vector<16xi32>
    %broadcast_in_dim3A_1841 = arith.constant true
    %broadcast_in_dim3A_1842 = vector.broadcast %broadcast_in_dim3A_1841 : i1 to vector<16xi1>
    %masked_cumsum3A_1843 = tpu.scan <sum>, %convert_element_type3A_1840 masked %broadcast_in_dim3A_1842 : vector<16xi32>, vector<16xi1> -> vector<16xi32>
    %add3A_1844 = arith.addi %add3A_1732, %masked_cumsum3A_1843 : vector<16xi32>
    %sub3A_1845 = arith.constant 1 : i32
    %sub3A_1846 = vector.broadcast %sub3A_1845 : i32 to vector<16xi32>
    %sub3A_1847 = arith.subi %add3A_1844, %sub3A_1846 : vector<16xi32>
    %select_n3A_1848 = arith.select %eq3A_1839, %sub3A_1847, %select_n3A_1834 : vector<16xi1>, vector<16xi32>
    %all_reduce_population_count3A_1849 = tpu.all_reduce %eq3A_1839 {dim = 0 : i64, kind = #tpu.reduction_kind<sum>} : vector<16xi1> -> vector<16xi32>
    %add3A_1850 = arith.addi %add3A_1732, %all_reduce_population_count3A_1849 : vector<16xi32>
    %eq3A_1851 = arith.constant 5 : i32
    %eq3A_1852 = vector.broadcast %eq3A_1851 : i32 to vector<16xi32>
    %eq3A_1853 = arith.cmpi eq, %get3A_1778, %eq3A_1852 : vector<16xi32>
    %convert_element_type3A_1854 = arith.extui %eq3A_1853 : vector<16xi1> to vector<16xi32>
    %broadcast_in_dim3A_1855 = arith.constant true
    %broadcast_in_dim3A_1856 = vector.broadcast %broadcast_in_dim3A_1855 : i1 to vector<16xi1>
    %masked_cumsum3A_1857 = tpu.scan <sum>, %convert_element_type3A_1854 masked %broadcast_in_dim3A_1856 : vector<16xi32>, vector<16xi1> -> vector<16xi32>
    %add3A_1858 = arith.addi %add3A_1746, %masked_cumsum3A_1857 : vector<16xi32>
    %sub3A_1859 = arith.constant 1 : i32
    %sub3A_1860 = vector.broadcast %sub3A_1859 : i32 to vector<16xi32>
    %sub3A_1861 = arith.subi %add3A_1858, %sub3A_1860 : vector<16xi32>
    %select_n3A_1862 = arith.select %eq3A_1853, %sub3A_1861, %select_n3A_1848 : vector<16xi1>, vector<16xi32>
    %all_reduce_population_count3A_1863 = tpu.all_reduce %eq3A_1853 {dim = 0 : i64, kind = #tpu.reduction_kind<sum>} : vector<16xi1> -> vector<16xi32>
    %add3A_1864 = arith.addi %add3A_1746, %all_reduce_population_count3A_1863 : vector<16xi32>
    %eq3A_1865 = arith.constant 6 : i32
    %eq3A_1866 = vector.broadcast %eq3A_1865 : i32 to vector<16xi32>
    %eq3A_1867 = arith.cmpi eq, %get3A_1778, %eq3A_1866 : vector<16xi32>
    %convert_element_type3A_1868 = arith.extui %eq3A_1867 : vector<16xi1> to vector<16xi32>
    %broadcast_in_dim3A_1869 = arith.constant true
    %broadcast_in_dim3A_1870 = vector.broadcast %broadcast_in_dim3A_1869 : i1 to vector<16xi1>
    %masked_cumsum3A_1871 = tpu.scan <sum>, %convert_element_type3A_1868 masked %broadcast_in_dim3A_1870 : vector<16xi32>, vector<16xi1> -> vector<16xi32>
    %add3A_1872 = arith.addi %add3A_1760, %masked_cumsum3A_1871 : vector<16xi32>
    %sub3A_1873 = arith.constant 1 : i32
    %sub3A_1874 = vector.broadcast %sub3A_1873 : i32 to vector<16xi32>
    %sub3A_1875 = arith.subi %add3A_1872, %sub3A_1874 : vector<16xi32>
    %select_n3A_1876 = arith.select %eq3A_1867, %sub3A_1875, %select_n3A_1862 : vector<16xi1>, vector<16xi32>
    %all_reduce_population_count3A_1877 = tpu.all_reduce %eq3A_1867 {dim = 0 : i64, kind = #tpu.reduction_kind<sum>} : vector<16xi1> -> vector<16xi32>
    %add3A_1878 = arith.addi %add3A_1760, %all_reduce_population_count3A_1877 : vector<16xi32>
    %eq3A_1879 = arith.constant 7 : i32
    %eq3A_1880 = vector.broadcast %eq3A_1879 : i32 to vector<16xi32>
    %eq3A_1881 = arith.cmpi eq, %get3A_1778, %eq3A_1880 : vector<16xi32>
    %convert_element_type3A_1882 = arith.extui %eq3A_1881 : vector<16xi1> to vector<16xi32>
    %broadcast_in_dim3A_1883 = arith.constant true
    %broadcast_in_dim3A_1884 = vector.broadcast %broadcast_in_dim3A_1883 : i1 to vector<16xi1>
    %masked_cumsum3A_1885 = tpu.scan <sum>, %convert_element_type3A_1882 masked %broadcast_in_dim3A_1884 : vector<16xi32>, vector<16xi1> -> vector<16xi32>
    %add3A_1886 = arith.addi %add3A_1774, %masked_cumsum3A_1885 : vector<16xi32>
    %sub3A_1887 = arith.constant 1 : i32
    %sub3A_1888 = vector.broadcast %sub3A_1887 : i32 to vector<16xi32>
    %sub3A_1889 = arith.subi %add3A_1886, %sub3A_1888 : vector<16xi32>
    %select_n3A_1890 = arith.select %eq3A_1881, %sub3A_1889, %select_n3A_1876 : vector<16xi1>, vector<16xi32>
    %all_reduce_population_count3A_1891 = tpu.all_reduce %eq3A_1881 {dim = 0 : i64, kind = #tpu.reduction_kind<sum>} : vector<16xi1> -> vector<16xi32>
    %add3A_1892 = arith.addi %add3A_1774, %all_reduce_population_count3A_1891 : vector<16xi32>
    %swap3A_1893 = arith.constant 240 : index
    %swap3A_1894 = tpu.vector_load %arg8[%swap3A_1893] {strides = array<i32>} : memref<256xi32, #tpu.memory_space<vmem>>, vector<16xi32>,
    tpu.vector_store %arg8[%swap3A_1893], %select_n3A_1890 {strides = array<i32>} : memref<256xi32, #tpu.memory_space<vmem>>, vector<16xi32>,
    %broadcast_in_dim3A_1895 = arith.constant 0 : i32
    %broadcast_in_dim3A_1896 = vector.broadcast %broadcast_in_dim3A_1895 : i32 to vector<16xi32>
    %eq3A_1897 = arith.constant 0 : i32
    %eq3A_1898 = vector.broadcast %eq3A_1897 : i32 to vector<16xi32>
    %eq3A_1899 = arith.cmpi eq, %iota3A, %eq3A_1898 : vector<16xi32>
    %select_n3A_1900 = arith.select %eq3A_1899, %add3A_1794, %broadcast_in_dim3A_1896 : vector<16xi1>, vector<16xi32>
    %eq3A_1901 = arith.constant 1 : i32
    %eq3A_1902 = vector.broadcast %eq3A_1901 : i32 to vector<16xi32>
    %eq3A_1903 = arith.cmpi eq, %iota3A, %eq3A_1902 : vector<16xi32>
    %select_n3A_1904 = arith.select %eq3A_1903, %add3A_1808, %select_n3A_1900 : vector<16xi1>, vector<16xi32>
    %eq3A_1905 = arith.constant 2 : i32
    %eq3A_1906 = vector.broadcast %eq3A_1905 : i32 to vector<16xi32>
    %eq3A_1907 = arith.cmpi eq, %iota3A, %eq3A_1906 : vector<16xi32>
    %select_n3A_1908 = arith.select %eq3A_1907, %add3A_1822, %select_n3A_1904 : vector<16xi1>, vector<16xi32>
    %eq3A_1909 = arith.constant 3 : i32
    %eq3A_1910 = vector.broadcast %eq3A_1909 : i32 to vector<16xi32>
    %eq3A_1911 = arith.cmpi eq, %iota3A, %eq3A_1910 : vector<16xi32>
    %select_n3A_1912 = arith.select %eq3A_1911, %add3A_1836, %select_n3A_1908 : vector<16xi1>, vector<16xi32>
    %eq3A_1913 = arith.constant 4 : i32
    %eq3A_1914 = vector.broadcast %eq3A_1913 : i32 to vector<16xi32>
    %eq3A_1915 = arith.cmpi eq, %iota3A, %eq3A_1914 : vector<16xi32>
    %select_n3A_1916 = arith.select %eq3A_1915, %add3A_1850, %select_n3A_1912 : vector<16xi1>, vector<16xi32>
    %eq3A_1917 = arith.constant 5 : i32
    %eq3A_1918 = vector.broadcast %eq3A_1917 : i32 to vector<16xi32>
    %eq3A_1919 = arith.cmpi eq, %iota3A, %eq3A_1918 : vector<16xi32>
    %select_n3A_1920 = arith.select %eq3A_1919, %add3A_1864, %select_n3A_1916 : vector<16xi1>, vector<16xi32>
    %eq3A_1921 = arith.constant 6 : i32
    %eq3A_1922 = vector.broadcast %eq3A_1921 : i32 to vector<16xi32>
    %eq3A_1923 = arith.cmpi eq, %iota3A, %eq3A_1922 : vector<16xi32>
    %select_n3A_1924 = arith.select %eq3A_1923, %add3A_1878, %select_n3A_1920 : vector<16xi1>, vector<16xi32>
    %eq3A_1925 = arith.constant 7 : i32
    %eq3A_1926 = vector.broadcast %eq3A_1925 : i32 to vector<16xi32>
    %eq3A_1927 = arith.cmpi eq, %iota3A, %eq3A_1926 : vector<16xi32>
    %select_n3A_1928 = arith.select %eq3A_1927, %add3A_1892, %select_n3A_1924 : vector<16xi1>, vector<16xi32>
    %swap3A_1929 = arith.constant 0 : index
    %swap3A_1930 = tpu.vector_load %arg10[%swap3A_1929] {strides = array<i32>} : memref<16xi32, #tpu.memory_space<vmem>>, vector<16xi32>,
    tpu.vector_store %arg10[%swap3A_1929], %select_n3A_1928 {strides = array<i32>} : memref<16xi32, #tpu.memory_space<vmem>>, vector<16xi32>,
    %mul3A_1931 = arith.constant 16 : i32
    %mul3A_1932 = arith.muli %arg1, %mul3A_1931 : i32
    "tpu.region"() ({
      %run_scoped3A = tpu.sem_alloc : memref<!tpu.dma_semaphore, #tpu.memory_space<semaphore_mem>>
      %dma_start3A = tpu.memref_slice %arg18[%mul3A_1932] : memref<256xi32, #tpu.memory_space<vmem_shared>> -> memref<16xi32, #tpu.memory_space<vmem_shared>>
      %dma_start3A_2393 = tpu.memref_slice %arg18[%mul3A_1932] : memref<256xi32, #tpu.memory_space<vmem_shared>> -> memref<16xi32, #tpu.memory_space<vmem_shared>>
      tpu.enqueue_dma source(%arg10 : memref<16xi32, #tpu.memory_space<vmem>>) target(%dma_start3A_2393 : memref<16xi32, #tpu.memory_space<vmem_shared>>) target_semaphore(%run_scoped3A : memref<!tpu.dma_semaphore, #tpu.memory_space<semaphore_mem>>)
      %dma_wait3A = tpu.memref_slice %arg18[%mul3A_1932] : memref<256xi32, #tpu.memory_space<vmem_shared>> -> memref<16xi32, #tpu.memory_space<vmem_shared>>
      %dma_wait3A_2394 = tpu.memref_slice %arg18[%mul3A_1932] : memref<256xi32, #tpu.memory_space<vmem_shared>> -> memref<16xi32, #tpu.memory_space<vmem_shared>>
      tpu.wait_dma2 semaphore(%run_scoped3A : memref<!tpu.dma_semaphore, #tpu.memory_space<semaphore_mem>>) src(%arg10 : memref<16xi32, #tpu.memory_space<vmem>>) dst(%dma_wait3A_2394 : memref<16xi32, #tpu.memory_space<vmem_shared>>)
      tpu.yield
    }) : () -> ()
    %barrier3A = arith.constant 0 : index
    tpu.barrier barrier_id(%barrier3A)
    "tpu.region"() ({
      %run_scoped3A = tpu.sem_alloc : memref<!tpu.dma_semaphore, #tpu.memory_space<semaphore_mem>>
      tpu.enqueue_dma source(%arg18 : memref<256xi32, #tpu.memory_space<vmem_shared>>) target(%arg11 : memref<256xi32, #tpu.memory_space<vmem>>) target_semaphore(%run_scoped3A : memref<!tpu.dma_semaphore, #tpu.memory_space<semaphore_mem>>)
      tpu.wait_dma2 semaphore(%run_scoped3A : memref<!tpu.dma_semaphore, #tpu.memory_space<semaphore_mem>>) src(%arg18 : memref<256xi32, #tpu.memory_space<vmem_shared>>) dst(%arg11 : memref<256xi32, #tpu.memory_space<vmem>>)
      tpu.yield
    }) : () -> ()
    %broadcast_in_dim3A_1933 = arith.constant 0 : i32
    %broadcast_in_dim3A_1934 = vector.broadcast %broadcast_in_dim3A_1933 : i32 to vector<16xi32>
    %broadcast_in_dim3A_1935 = arith.constant 0 : i32
    %broadcast_in_dim3A_1936 = vector.broadcast %broadcast_in_dim3A_1935 : i32 to vector<16xi32>
    %get3A_1937 = arith.constant 0 : index
    %get3A_1938 = tpu.vector_load %arg11[%get3A_1937] {strides = array<i32>} : memref<256xi32, #tpu.memory_space<vmem>>, vector<16xi32>,
    %add3A_1939 = arith.addi %broadcast_in_dim3A_1934, %get3A_1938 : vector<16xi32>
    %broadcast_in_dim3A_1940 = arith.constant 0 : i32
    %broadcast_in_dim3A_1941 = vector.broadcast %broadcast_in_dim3A_1940 : i32 to vector<16xi32>
    %lt3A = vector.broadcast %arg1 : i32 to vector<16xi32>
    %lt3A_1942 = arith.cmpi slt, %broadcast_in_dim3A_1941, %lt3A : vector<16xi32>
    %broadcast_in_dim3A_1943 = arith.constant 0 : i32
    %broadcast_in_dim3A_1944 = vector.broadcast %broadcast_in_dim3A_1943 : i32 to vector<16xi32>
    %select_n3A_1945 = arith.select %lt3A_1942, %get3A_1938, %broadcast_in_dim3A_1944 : vector<16xi1>, vector<16xi32>
    %add3A_1946 = arith.addi %broadcast_in_dim3A_1936, %select_n3A_1945 : vector<16xi32>
    %get3A_1947 = arith.constant 16 : index
    %get3A_1948 = tpu.vector_load %arg11[%get3A_1947] {strides = array<i32>} : memref<256xi32, #tpu.memory_space<vmem>>, vector<16xi32>,
    %add3A_1949 = arith.addi %add3A_1939, %get3A_1948 : vector<16xi32>
    %broadcast_in_dim3A_1950 = arith.constant 1 : i32
    %broadcast_in_dim3A_1951 = vector.broadcast %broadcast_in_dim3A_1950 : i32 to vector<16xi32>
    %lt3A_1952 = vector.broadcast %arg1 : i32 to vector<16xi32>
    %lt3A_1953 = arith.cmpi slt, %broadcast_in_dim3A_1951, %lt3A_1952 : vector<16xi32>
    %broadcast_in_dim3A_1954 = arith.constant 0 : i32
    %broadcast_in_dim3A_1955 = vector.broadcast %broadcast_in_dim3A_1954 : i32 to vector<16xi32>
    %select_n3A_1956 = arith.select %lt3A_1953, %get3A_1948, %broadcast_in_dim3A_1955 : vector<16xi1>, vector<16xi32>
    %add3A_1957 = arith.addi %add3A_1946, %select_n3A_1956 : vector<16xi32>
    %get3A_1958 = arith.constant 32 : index
    %get3A_1959 = tpu.vector_load %arg11[%get3A_1958] {strides = array<i32>} : memref<256xi32, #tpu.memory_space<vmem>>, vector<16xi32>,
    %add3A_1960 = arith.addi %add3A_1949, %get3A_1959 : vector<16xi32>
    %broadcast_in_dim3A_1961 = arith.constant 2 : i32
    %broadcast_in_dim3A_1962 = vector.broadcast %broadcast_in_dim3A_1961 : i32 to vector<16xi32>
    %lt3A_1963 = vector.broadcast %arg1 : i32 to vector<16xi32>
    %lt3A_1964 = arith.cmpi slt, %broadcast_in_dim3A_1962, %lt3A_1963 : vector<16xi32>
    %broadcast_in_dim3A_1965 = arith.constant 0 : i32
    %broadcast_in_dim3A_1966 = vector.broadcast %broadcast_in_dim3A_1965 : i32 to vector<16xi32>
    %select_n3A_1967 = arith.select %lt3A_1964, %get3A_1959, %broadcast_in_dim3A_1966 : vector<16xi1>, vector<16xi32>
    %add3A_1968 = arith.addi %add3A_1957, %select_n3A_1967 : vector<16xi32>
    %get3A_1969 = arith.constant 48 : index
    %get3A_1970 = tpu.vector_load %arg11[%get3A_1969] {strides = array<i32>} : memref<256xi32, #tpu.memory_space<vmem>>, vector<16xi32>,
    %add3A_1971 = arith.addi %add3A_1960, %get3A_1970 : vector<16xi32>
    %broadcast_in_dim3A_1972 = arith.constant 3 : i32
    %broadcast_in_dim3A_1973 = vector.broadcast %broadcast_in_dim3A_1972 : i32 to vector<16xi32>
    %lt3A_1974 = vector.broadcast %arg1 : i32 to vector<16xi32>
    %lt3A_1975 = arith.cmpi slt, %broadcast_in_dim3A_1973, %lt3A_1974 : vector<16xi32>
    %broadcast_in_dim3A_1976 = arith.constant 0 : i32
    %broadcast_in_dim3A_1977 = vector.broadcast %broadcast_in_dim3A_1976 : i32 to vector<16xi32>
    %select_n3A_1978 = arith.select %lt3A_1975, %get3A_1970, %broadcast_in_dim3A_1977 : vector<16xi1>, vector<16xi32>
    %add3A_1979 = arith.addi %add3A_1968, %select_n3A_1978 : vector<16xi32>
    %get3A_1980 = arith.constant 64 : index
    %get3A_1981 = tpu.vector_load %arg11[%get3A_1980] {strides = array<i32>} : memref<256xi32, #tpu.memory_space<vmem>>, vector<16xi32>,
    %add3A_1982 = arith.addi %add3A_1971, %get3A_1981 : vector<16xi32>
    %broadcast_in_dim3A_1983 = arith.constant 4 : i32
    %broadcast_in_dim3A_1984 = vector.broadcast %broadcast_in_dim3A_1983 : i32 to vector<16xi32>
    %lt3A_1985 = vector.broadcast %arg1 : i32 to vector<16xi32>
    %lt3A_1986 = arith.cmpi slt, %broadcast_in_dim3A_1984, %lt3A_1985 : vector<16xi32>
    %broadcast_in_dim3A_1987 = arith.constant 0 : i32
    %broadcast_in_dim3A_1988 = vector.broadcast %broadcast_in_dim3A_1987 : i32 to vector<16xi32>
    %select_n3A_1989 = arith.select %lt3A_1986, %get3A_1981, %broadcast_in_dim3A_1988 : vector<16xi1>, vector<16xi32>
    %add3A_1990 = arith.addi %add3A_1979, %select_n3A_1989 : vector<16xi32>
    %get3A_1991 = arith.constant 80 : index
    %get3A_1992 = tpu.vector_load %arg11[%get3A_1991] {strides = array<i32>} : memref<256xi32, #tpu.memory_space<vmem>>, vector<16xi32>,
    %add3A_1993 = arith.addi %add3A_1982, %get3A_1992 : vector<16xi32>
    %broadcast_in_dim3A_1994 = arith.constant 5 : i32
    %broadcast_in_dim3A_1995 = vector.broadcast %broadcast_in_dim3A_1994 : i32 to vector<16xi32>
    %lt3A_1996 = vector.broadcast %arg1 : i32 to vector<16xi32>
    %lt3A_1997 = arith.cmpi slt, %broadcast_in_dim3A_1995, %lt3A_1996 : vector<16xi32>
    %broadcast_in_dim3A_1998 = arith.constant 0 : i32
    %broadcast_in_dim3A_1999 = vector.broadcast %broadcast_in_dim3A_1998 : i32 to vector<16xi32>
    %select_n3A_2000 = arith.select %lt3A_1997, %get3A_1992, %broadcast_in_dim3A_1999 : vector<16xi1>, vector<16xi32>
    %add3A_2001 = arith.addi %add3A_1990, %select_n3A_2000 : vector<16xi32>
    %get3A_2002 = arith.constant 96 : index
    %get3A_2003 = tpu.vector_load %arg11[%get3A_2002] {strides = array<i32>} : memref<256xi32, #tpu.memory_space<vmem>>, vector<16xi32>,
    %add3A_2004 = arith.addi %add3A_1993, %get3A_2003 : vector<16xi32>
    %broadcast_in_dim3A_2005 = arith.constant 6 : i32
    %broadcast_in_dim3A_2006 = vector.broadcast %broadcast_in_dim3A_2005 : i32 to vector<16xi32>
    %lt3A_2007 = vector.broadcast %arg1 : i32 to vector<16xi32>
    %lt3A_2008 = arith.cmpi slt, %broadcast_in_dim3A_2006, %lt3A_2007 : vector<16xi32>
    %broadcast_in_dim3A_2009 = arith.constant 0 : i32
    %broadcast_in_dim3A_2010 = vector.broadcast %broadcast_in_dim3A_2009 : i32 to vector<16xi32>
    %select_n3A_2011 = arith.select %lt3A_2008, %get3A_2003, %broadcast_in_dim3A_2010 : vector<16xi1>, vector<16xi32>
    %add3A_2012 = arith.addi %add3A_2001, %select_n3A_2011 : vector<16xi32>
    %get3A_2013 = arith.constant 112 : index
    %get3A_2014 = tpu.vector_load %arg11[%get3A_2013] {strides = array<i32>} : memref<256xi32, #tpu.memory_space<vmem>>, vector<16xi32>,
    %add3A_2015 = arith.addi %add3A_2004, %get3A_2014 : vector<16xi32>
    %broadcast_in_dim3A_2016 = arith.constant 7 : i32
    %broadcast_in_dim3A_2017 = vector.broadcast %broadcast_in_dim3A_2016 : i32 to vector<16xi32>
    %lt3A_2018 = vector.broadcast %arg1 : i32 to vector<16xi32>
    %lt3A_2019 = arith.cmpi slt, %broadcast_in_dim3A_2017, %lt3A_2018 : vector<16xi32>
    %broadcast_in_dim3A_2020 = arith.constant 0 : i32
    %broadcast_in_dim3A_2021 = vector.broadcast %broadcast_in_dim3A_2020 : i32 to vector<16xi32>
    %select_n3A_2022 = arith.select %lt3A_2019, %get3A_2014, %broadcast_in_dim3A_2021 : vector<16xi1>, vector<16xi32>
    %add3A_2023 = arith.addi %add3A_2012, %select_n3A_2022 : vector<16xi32>
    %get3A_2024 = arith.constant 128 : index
    %get3A_2025 = tpu.vector_load %arg11[%get3A_2024] {strides = array<i32>} : memref<256xi32, #tpu.memory_space<vmem>>, vector<16xi32>,
    %add3A_2026 = arith.addi %add3A_2015, %get3A_2025 : vector<16xi32>
    %broadcast_in_dim3A_2027 = arith.constant 8 : i32
    %broadcast_in_dim3A_2028 = vector.broadcast %broadcast_in_dim3A_2027 : i32 to vector<16xi32>
    %lt3A_2029 = vector.broadcast %arg1 : i32 to vector<16xi32>
    %lt3A_2030 = arith.cmpi slt, %broadcast_in_dim3A_2028, %lt3A_2029 : vector<16xi32>
    %broadcast_in_dim3A_2031 = arith.constant 0 : i32
    %broadcast_in_dim3A_2032 = vector.broadcast %broadcast_in_dim3A_2031 : i32 to vector<16xi32>
    %select_n3A_2033 = arith.select %lt3A_2030, %get3A_2025, %broadcast_in_dim3A_2032 : vector<16xi1>, vector<16xi32>
    %add3A_2034 = arith.addi %add3A_2023, %select_n3A_2033 : vector<16xi32>
    %get3A_2035 = arith.constant 144 : index
    %get3A_2036 = tpu.vector_load %arg11[%get3A_2035] {strides = array<i32>} : memref<256xi32, #tpu.memory_space<vmem>>, vector<16xi32>,
    %add3A_2037 = arith.addi %add3A_2026, %get3A_2036 : vector<16xi32>
    %broadcast_in_dim3A_2038 = arith.constant 9 : i32
    %broadcast_in_dim3A_2039 = vector.broadcast %broadcast_in_dim3A_2038 : i32 to vector<16xi32>
    %lt3A_2040 = vector.broadcast %arg1 : i32 to vector<16xi32>
    %lt3A_2041 = arith.cmpi slt, %broadcast_in_dim3A_2039, %lt3A_2040 : vector<16xi32>
    %broadcast_in_dim3A_2042 = arith.constant 0 : i32
    %broadcast_in_dim3A_2043 = vector.broadcast %broadcast_in_dim3A_2042 : i32 to vector<16xi32>
    %select_n3A_2044 = arith.select %lt3A_2041, %get3A_2036, %broadcast_in_dim3A_2043 : vector<16xi1>, vector<16xi32>
    %add3A_2045 = arith.addi %add3A_2034, %select_n3A_2044 : vector<16xi32>
    %get3A_2046 = arith.constant 160 : index
    %get3A_2047 = tpu.vector_load %arg11[%get3A_2046] {strides = array<i32>} : memref<256xi32, #tpu.memory_space<vmem>>, vector<16xi32>,
    %add3A_2048 = arith.addi %add3A_2037, %get3A_2047 : vector<16xi32>
    %broadcast_in_dim3A_2049 = arith.constant 10 : i32
    %broadcast_in_dim3A_2050 = vector.broadcast %broadcast_in_dim3A_2049 : i32 to vector<16xi32>
    %lt3A_2051 = vector.broadcast %arg1 : i32 to vector<16xi32>
    %lt3A_2052 = arith.cmpi slt, %broadcast_in_dim3A_2050, %lt3A_2051 : vector<16xi32>
    %broadcast_in_dim3A_2053 = arith.constant 0 : i32
    %broadcast_in_dim3A_2054 = vector.broadcast %broadcast_in_dim3A_2053 : i32 to vector<16xi32>
    %select_n3A_2055 = arith.select %lt3A_2052, %get3A_2047, %broadcast_in_dim3A_2054 : vector<16xi1>, vector<16xi32>
    %add3A_2056 = arith.addi %add3A_2045, %select_n3A_2055 : vector<16xi32>
    %get3A_2057 = arith.constant 176 : index
    %get3A_2058 = tpu.vector_load %arg11[%get3A_2057] {strides = array<i32>} : memref<256xi32, #tpu.memory_space<vmem>>, vector<16xi32>,
    %add3A_2059 = arith.addi %add3A_2048, %get3A_2058 : vector<16xi32>
    %broadcast_in_dim3A_2060 = arith.constant 11 : i32
    %broadcast_in_dim3A_2061 = vector.broadcast %broadcast_in_dim3A_2060 : i32 to vector<16xi32>
    %lt3A_2062 = vector.broadcast %arg1 : i32 to vector<16xi32>
    %lt3A_2063 = arith.cmpi slt, %broadcast_in_dim3A_2061, %lt3A_2062 : vector<16xi32>
    %broadcast_in_dim3A_2064 = arith.constant 0 : i32
    %broadcast_in_dim3A_2065 = vector.broadcast %broadcast_in_dim3A_2064 : i32 to vector<16xi32>
    %select_n3A_2066 = arith.select %lt3A_2063, %get3A_2058, %broadcast_in_dim3A_2065 : vector<16xi1>, vector<16xi32>
    %add3A_2067 = arith.addi %add3A_2056, %select_n3A_2066 : vector<16xi32>
    %get3A_2068 = arith.constant 192 : index
    %get3A_2069 = tpu.vector_load %arg11[%get3A_2068] {strides = array<i32>} : memref<256xi32, #tpu.memory_space<vmem>>, vector<16xi32>,
    %add3A_2070 = arith.addi %add3A_2059, %get3A_2069 : vector<16xi32>
    %broadcast_in_dim3A_2071 = arith.constant 12 : i32
    %broadcast_in_dim3A_2072 = vector.broadcast %broadcast_in_dim3A_2071 : i32 to vector<16xi32>
    %lt3A_2073 = vector.broadcast %arg1 : i32 to vector<16xi32>
    %lt3A_2074 = arith.cmpi slt, %broadcast_in_dim3A_2072, %lt3A_2073 : vector<16xi32>
    %broadcast_in_dim3A_2075 = arith.constant 0 : i32
    %broadcast_in_dim3A_2076 = vector.broadcast %broadcast_in_dim3A_2075 : i32 to vector<16xi32>
    %select_n3A_2077 = arith.select %lt3A_2074, %get3A_2069, %broadcast_in_dim3A_2076 : vector<16xi1>, vector<16xi32>
    %add3A_2078 = arith.addi %add3A_2067, %select_n3A_2077 : vector<16xi32>
    %get3A_2079 = arith.constant 208 : index
    %get3A_2080 = tpu.vector_load %arg11[%get3A_2079] {strides = array<i32>} : memref<256xi32, #tpu.memory_space<vmem>>, vector<16xi32>,
    %add3A_2081 = arith.addi %add3A_2070, %get3A_2080 : vector<16xi32>
    %broadcast_in_dim3A_2082 = arith.constant 13 : i32
    %broadcast_in_dim3A_2083 = vector.broadcast %broadcast_in_dim3A_2082 : i32 to vector<16xi32>
    %lt3A_2084 = vector.broadcast %arg1 : i32 to vector<16xi32>
    %lt3A_2085 = arith.cmpi slt, %broadcast_in_dim3A_2083, %lt3A_2084 : vector<16xi32>
    %broadcast_in_dim3A_2086 = arith.constant 0 : i32
    %broadcast_in_dim3A_2087 = vector.broadcast %broadcast_in_dim3A_2086 : i32 to vector<16xi32>
    %select_n3A_2088 = arith.select %lt3A_2085, %get3A_2080, %broadcast_in_dim3A_2087 : vector<16xi1>, vector<16xi32>
    %add3A_2089 = arith.addi %add3A_2078, %select_n3A_2088 : vector<16xi32>
    %get3A_2090 = arith.constant 224 : index
    %get3A_2091 = tpu.vector_load %arg11[%get3A_2090] {strides = array<i32>} : memref<256xi32, #tpu.memory_space<vmem>>, vector<16xi32>,
    %add3A_2092 = arith.addi %add3A_2081, %get3A_2091 : vector<16xi32>
    %broadcast_in_dim3A_2093 = arith.constant 14 : i32
    %broadcast_in_dim3A_2094 = vector.broadcast %broadcast_in_dim3A_2093 : i32 to vector<16xi32>
    %lt3A_2095 = vector.broadcast %arg1 : i32 to vector<16xi32>
    %lt3A_2096 = arith.cmpi slt, %broadcast_in_dim3A_2094, %lt3A_2095 : vector<16xi32>
    %broadcast_in_dim3A_2097 = arith.constant 0 : i32
    %broadcast_in_dim3A_2098 = vector.broadcast %broadcast_in_dim3A_2097 : i32 to vector<16xi32>
    %select_n3A_2099 = arith.select %lt3A_2096, %get3A_2091, %broadcast_in_dim3A_2098 : vector<16xi1>, vector<16xi32>
    %add3A_2100 = arith.addi %add3A_2089, %select_n3A_2099 : vector<16xi32>
    %get3A_2101 = arith.constant 240 : index
    %get3A_2102 = tpu.vector_load %arg11[%get3A_2101] {strides = array<i32>} : memref<256xi32, #tpu.memory_space<vmem>>, vector<16xi32>,
    %add3A_2103 = arith.addi %add3A_2092, %get3A_2102 : vector<16xi32>
    %broadcast_in_dim3A_2104 = arith.constant 15 : i32
    %broadcast_in_dim3A_2105 = vector.broadcast %broadcast_in_dim3A_2104 : i32 to vector<16xi32>
    %lt3A_2106 = vector.broadcast %arg1 : i32 to vector<16xi32>
    %lt3A_2107 = arith.cmpi slt, %broadcast_in_dim3A_2105, %lt3A_2106 : vector<16xi32>
    %broadcast_in_dim3A_2108 = arith.constant 0 : i32
    %broadcast_in_dim3A_2109 = vector.broadcast %broadcast_in_dim3A_2108 : i32 to vector<16xi32>
    %select_n3A_2110 = arith.select %lt3A_2107, %get3A_2102, %broadcast_in_dim3A_2109 : vector<16xi1>, vector<16xi32>
    %add3A_2111 = arith.addi %add3A_2100, %select_n3A_2110 : vector<16xi32>
    %add3A_2112 = arith.constant 255 : i32
    %add3A_2113 = vector.broadcast %add3A_2112 : i32 to vector<16xi32>
    %add3A_2114 = arith.addi %add3A_2103, %add3A_2113 : vector<16xi32>
    %shift_right_arithmetic3A = arith.constant 8 : i32
    %shift_right_arithmetic3A_2115 = vector.broadcast %shift_right_arithmetic3A : i32 to vector<16xi32>
    %shift_right_arithmetic3A_2116 = arith.shrsi %add3A_2114, %shift_right_arithmetic3A_2115 : vector<16xi32>
    %shift_left3A = arith.constant 8 : i32
    %shift_left3A_2117 = vector.broadcast %shift_left3A : i32 to vector<16xi32>
    %shift_left3A_2118 = arith.shli %shift_right_arithmetic3A_2116, %shift_left3A_2117 : vector<16xi32>
    %broadcast_in_dim3A_2119 = arith.constant true
    %broadcast_in_dim3A_2120 = vector.broadcast %broadcast_in_dim3A_2119 : i1 to vector<16xi1>
    %masked_cumsum3A_2121 = tpu.scan <sum>, %shift_left3A_2118 masked %broadcast_in_dim3A_2120 : vector<16xi32>, vector<16xi1> -> vector<16xi32>
    %sub3A_2122 = arith.subi %masked_cumsum3A_2121, %shift_left3A_2118 : vector<16xi32>
    %add3A_2123 = arith.addi %sub3A_2122, %add3A_2111 : vector<16xi32>
    %swap3A_2124 = arith.constant 0 : index
    %swap3A_2125 = tpu.vector_load %arg12[%swap3A_2124] {strides = array<i32>} : memref<16xi32, #tpu.memory_space<vmem>>, vector<16xi32>,
    tpu.vector_store %arg12[%swap3A_2124], %add3A_2123 {strides = array<i32>} : memref<16xi32, #tpu.memory_space<vmem>>, vector<16xi32>,
    %swap3A_2126 = arith.constant 0 : index
    %swap3A_2127 = tpu.vector_load %arg13[%swap3A_2126] {strides = array<i32>} : memref<16xi32, #tpu.memory_space<vmem>>, vector<16xi32>,
    tpu.vector_store %arg13[%swap3A_2126], %sub3A_2122 {strides = array<i32>} : memref<16xi32, #tpu.memory_space<vmem>>, vector<16xi32>,
    %add3A_2128 = arith.addi %sub3A_2122, %shift_left3A_2118 : vector<16xi32>
    %swap3A_2129 = arith.constant 0 : index
    %swap3A_2130 = tpu.vector_load %arg14[%swap3A_2129] {strides = array<i32>} : memref<16xi32, #tpu.memory_space<vmem>>, vector<16xi32>,
    tpu.vector_store %arg14[%swap3A_2129], %add3A_2128 {strides = array<i32>} : memref<16xi32, #tpu.memory_space<vmem>>, vector<16xi32>,
    %get3A_2131 = arith.constant 0 : index
    %get3A_2132 = tpu.vector_load %arg7[%get3A_2131] {strides = array<i32>} : memref<256xi32, #tpu.memory_space<vmem>>, vector<16xi32>,
    %gather3A = tpu.vector_load_idx %arg12[%get3A_2132] : memref<16xi32, #tpu.memory_space<vmem>>[vector<16xi32>], vector<16xi32>,
    %get3A_2133 = arith.constant 0 : index
    %get3A_2134 = tpu.vector_load %arg8[%get3A_2133] {strides = array<i32>} : memref<256xi32, #tpu.memory_space<vmem>>, vector<16xi32>,
    %add3A_2135 = arith.addi %gather3A, %get3A_2134 : vector<16xi32>
    %swap3A_2136 = arith.constant 0 : index
    %swap3A_2137 = tpu.vector_load %arg9[%swap3A_2136] {strides = array<i32>} : memref<256xi32, #tpu.memory_space<vmem>>, vector<16xi32>,
    tpu.vector_store %arg9[%swap3A_2136], %add3A_2135 {strides = array<i32>} : memref<256xi32, #tpu.memory_space<vmem>>, vector<16xi32>,
    %get3A_2138 = arith.constant 16 : index
    %get3A_2139 = tpu.vector_load %arg7[%get3A_2138] {strides = array<i32>} : memref<256xi32, #tpu.memory_space<vmem>>, vector<16xi32>,
    %gather3A_2140 = tpu.vector_load_idx %arg12[%get3A_2139] : memref<16xi32, #tpu.memory_space<vmem>>[vector<16xi32>], vector<16xi32>,
    %get3A_2141 = arith.constant 16 : index
    %get3A_2142 = tpu.vector_load %arg8[%get3A_2141] {strides = array<i32>} : memref<256xi32, #tpu.memory_space<vmem>>, vector<16xi32>,
    %add3A_2143 = arith.addi %gather3A_2140, %get3A_2142 : vector<16xi32>
    %swap3A_2144 = arith.constant 16 : index
    %swap3A_2145 = tpu.vector_load %arg9[%swap3A_2144] {strides = array<i32>} : memref<256xi32, #tpu.memory_space<vmem>>, vector<16xi32>,
    tpu.vector_store %arg9[%swap3A_2144], %add3A_2143 {strides = array<i32>} : memref<256xi32, #tpu.memory_space<vmem>>, vector<16xi32>,
    %get3A_2146 = arith.constant 32 : index
    %get3A_2147 = tpu.vector_load %arg7[%get3A_2146] {strides = array<i32>} : memref<256xi32, #tpu.memory_space<vmem>>, vector<16xi32>,
    %gather3A_2148 = tpu.vector_load_idx %arg12[%get3A_2147] : memref<16xi32, #tpu.memory_space<vmem>>[vector<16xi32>], vector<16xi32>,
    %get3A_2149 = arith.constant 32 : index
    %get3A_2150 = tpu.vector_load %arg8[%get3A_2149] {strides = array<i32>} : memref<256xi32, #tpu.memory_space<vmem>>, vector<16xi32>,
    %add3A_2151 = arith.addi %gather3A_2148, %get3A_2150 : vector<16xi32>
    %swap3A_2152 = arith.constant 32 : index
    %swap3A_2153 = tpu.vector_load %arg9[%swap3A_2152] {strides = array<i32>} : memref<256xi32, #tpu.memory_space<vmem>>, vector<16xi32>,
    tpu.vector_store %arg9[%swap3A_2152], %add3A_2151 {strides = array<i32>} : memref<256xi32, #tpu.memory_space<vmem>>, vector<16xi32>,
    %get3A_2154 = arith.constant 48 : index
    %get3A_2155 = tpu.vector_load %arg7[%get3A_2154] {strides = array<i32>} : memref<256xi32, #tpu.memory_space<vmem>>, vector<16xi32>,
    %gather3A_2156 = tpu.vector_load_idx %arg12[%get3A_2155] : memref<16xi32, #tpu.memory_space<vmem>>[vector<16xi32>], vector<16xi32>,
    %get3A_2157 = arith.constant 48 : index
    %get3A_2158 = tpu.vector_load %arg8[%get3A_2157] {strides = array<i32>} : memref<256xi32, #tpu.memory_space<vmem>>, vector<16xi32>,
    %add3A_2159 = arith.addi %gather3A_2156, %get3A_2158 : vector<16xi32>
    %swap3A_2160 = arith.constant 48 : index
    %swap3A_2161 = tpu.vector_load %arg9[%swap3A_2160] {strides = array<i32>} : memref<256xi32, #tpu.memory_space<vmem>>, vector<16xi32>,
    tpu.vector_store %arg9[%swap3A_2160], %add3A_2159 {strides = array<i32>} : memref<256xi32, #tpu.memory_space<vmem>>, vector<16xi32>,
    %get3A_2162 = arith.constant 64 : index
    %get3A_2163 = tpu.vector_load %arg7[%get3A_2162] {strides = array<i32>} : memref<256xi32, #tpu.memory_space<vmem>>, vector<16xi32>,
    %gather3A_2164 = tpu.vector_load_idx %arg12[%get3A_2163] : memref<16xi32, #tpu.memory_space<vmem>>[vector<16xi32>], vector<16xi32>,
    %get3A_2165 = arith.constant 64 : index
    %get3A_2166 = tpu.vector_load %arg8[%get3A_2165] {strides = array<i32>} : memref<256xi32, #tpu.memory_space<vmem>>, vector<16xi32>,
    %add3A_2167 = arith.addi %gather3A_2164, %get3A_2166 : vector<16xi32>
    %swap3A_2168 = arith.constant 64 : index
    %swap3A_2169 = tpu.vector_load %arg9[%swap3A_2168] {strides = array<i32>} : memref<256xi32, #tpu.memory_space<vmem>>, vector<16xi32>,
    tpu.vector_store %arg9[%swap3A_2168], %add3A_2167 {strides = array<i32>} : memref<256xi32, #tpu.memory_space<vmem>>, vector<16xi32>,
    %get3A_2170 = arith.constant 80 : index
    %get3A_2171 = tpu.vector_load %arg7[%get3A_2170] {strides = array<i32>} : memref<256xi32, #tpu.memory_space<vmem>>, vector<16xi32>,
    %gather3A_2172 = tpu.vector_load_idx %arg12[%get3A_2171] : memref<16xi32, #tpu.memory_space<vmem>>[vector<16xi32>], vector<16xi32>,
    %get3A_2173 = arith.constant 80 : index
    %get3A_2174 = tpu.vector_load %arg8[%get3A_2173] {strides = array<i32>} : memref<256xi32, #tpu.memory_space<vmem>>, vector<16xi32>,
    %add3A_2175 = arith.addi %gather3A_2172, %get3A_2174 : vector<16xi32>
    %swap3A_2176 = arith.constant 80 : index
    %swap3A_2177 = tpu.vector_load %arg9[%swap3A_2176] {strides = array<i32>} : memref<256xi32, #tpu.memory_space<vmem>>, vector<16xi32>,
    tpu.vector_store %arg9[%swap3A_2176], %add3A_2175 {strides = array<i32>} : memref<256xi32, #tpu.memory_space<vmem>>, vector<16xi32>,
    %get3A_2178 = arith.constant 96 : index
    %get3A_2179 = tpu.vector_load %arg7[%get3A_2178] {strides = array<i32>} : memref<256xi32, #tpu.memory_space<vmem>>, vector<16xi32>,
    %gather3A_2180 = tpu.vector_load_idx %arg12[%get3A_2179] : memref<16xi32, #tpu.memory_space<vmem>>[vector<16xi32>], vector<16xi32>,
    %get3A_2181 = arith.constant 96 : index
    %get3A_2182 = tpu.vector_load %arg8[%get3A_2181] {strides = array<i32>} : memref<256xi32, #tpu.memory_space<vmem>>, vector<16xi32>,
    %add3A_2183 = arith.addi %gather3A_2180, %get3A_2182 : vector<16xi32>
    %swap3A_2184 = arith.constant 96 : index
    %swap3A_2185 = tpu.vector_load %arg9[%swap3A_2184] {strides = array<i32>} : memref<256xi32, #tpu.memory_space<vmem>>, vector<16xi32>,
    tpu.vector_store %arg9[%swap3A_2184], %add3A_2183 {strides = array<i32>} : memref<256xi32, #tpu.memory_space<vmem>>, vector<16xi32>,
    %get3A_2186 = arith.constant 112 : index
    %get3A_2187 = tpu.vector_load %arg7[%get3A_2186] {strides = array<i32>} : memref<256xi32, #tpu.memory_space<vmem>>, vector<16xi32>,
    %gather3A_2188 = tpu.vector_load_idx %arg12[%get3A_2187] : memref<16xi32, #tpu.memory_space<vmem>>[vector<16xi32>], vector<16xi32>,
    %get3A_2189 = arith.constant 112 : index
    %get3A_2190 = tpu.vector_load %arg8[%get3A_2189] {strides = array<i32>} : memref<256xi32, #tpu.memory_space<vmem>>, vector<16xi32>,
    %add3A_2191 = arith.addi %gather3A_2188, %get3A_2190 : vector<16xi32>
    %swap3A_2192 = arith.constant 112 : index
    %swap3A_2193 = tpu.vector_load %arg9[%swap3A_2192] {strides = array<i32>} : memref<256xi32, #tpu.memory_space<vmem>>, vector<16xi32>,
    tpu.vector_store %arg9[%swap3A_2192], %add3A_2191 {strides = array<i32>} : memref<256xi32, #tpu.memory_space<vmem>>, vector<16xi32>,
    %get3A_2194 = arith.constant 128 : index
    %get3A_2195 = tpu.vector_load %arg7[%get3A_2194] {strides = array<i32>} : memref<256xi32, #tpu.memory_space<vmem>>, vector<16xi32>,
    %gather3A_2196 = tpu.vector_load_idx %arg12[%get3A_2195] : memref<16xi32, #tpu.memory_space<vmem>>[vector<16xi32>], vector<16xi32>,
    %get3A_2197 = arith.constant 128 : index
    %get3A_2198 = tpu.vector_load %arg8[%get3A_2197] {strides = array<i32>} : memref<256xi32, #tpu.memory_space<vmem>>, vector<16xi32>,
    %add3A_2199 = arith.addi %gather3A_2196, %get3A_2198 : vector<16xi32>
    %swap3A_2200 = arith.constant 128 : index
    %swap3A_2201 = tpu.vector_load %arg9[%swap3A_2200] {strides = array<i32>} : memref<256xi32, #tpu.memory_space<vmem>>, vector<16xi32>,
    tpu.vector_store %arg9[%swap3A_2200], %add3A_2199 {strides = array<i32>} : memref<256xi32, #tpu.memory_space<vmem>>, vector<16xi32>,
    %get3A_2202 = arith.constant 144 : index
    %get3A_2203 = tpu.vector_load %arg7[%get3A_2202] {strides = array<i32>} : memref<256xi32, #tpu.memory_space<vmem>>, vector<16xi32>,
    %gather3A_2204 = tpu.vector_load_idx %arg12[%get3A_2203] : memref<16xi32, #tpu.memory_space<vmem>>[vector<16xi32>], vector<16xi32>,
    %get3A_2205 = arith.constant 144 : index
    %get3A_2206 = tpu.vector_load %arg8[%get3A_2205] {strides = array<i32>} : memref<256xi32, #tpu.memory_space<vmem>>, vector<16xi32>,
    %add3A_2207 = arith.addi %gather3A_2204, %get3A_2206 : vector<16xi32>
    %swap3A_2208 = arith.constant 144 : index
    %swap3A_2209 = tpu.vector_load %arg9[%swap3A_2208] {strides = array<i32>} : memref<256xi32, #tpu.memory_space<vmem>>, vector<16xi32>,
    tpu.vector_store %arg9[%swap3A_2208], %add3A_2207 {strides = array<i32>} : memref<256xi32, #tpu.memory_space<vmem>>, vector<16xi32>,
    %get3A_2210 = arith.constant 160 : index
    %get3A_2211 = tpu.vector_load %arg7[%get3A_2210] {strides = array<i32>} : memref<256xi32, #tpu.memory_space<vmem>>, vector<16xi32>,
    %gather3A_2212 = tpu.vector_load_idx %arg12[%get3A_2211] : memref<16xi32, #tpu.memory_space<vmem>>[vector<16xi32>], vector<16xi32>,
    %get3A_2213 = arith.constant 160 : index
    %get3A_2214 = tpu.vector_load %arg8[%get3A_2213] {strides = array<i32>} : memref<256xi32, #tpu.memory_space<vmem>>, vector<16xi32>,
    %add3A_2215 = arith.addi %gather3A_2212, %get3A_2214 : vector<16xi32>
    %swap3A_2216 = arith.constant 160 : index
    %swap3A_2217 = tpu.vector_load %arg9[%swap3A_2216] {strides = array<i32>} : memref<256xi32, #tpu.memory_space<vmem>>, vector<16xi32>,
    tpu.vector_store %arg9[%swap3A_2216], %add3A_2215 {strides = array<i32>} : memref<256xi32, #tpu.memory_space<vmem>>, vector<16xi32>,
    %get3A_2218 = arith.constant 176 : index
    %get3A_2219 = tpu.vector_load %arg7[%get3A_2218] {strides = array<i32>} : memref<256xi32, #tpu.memory_space<vmem>>, vector<16xi32>,
    %gather3A_2220 = tpu.vector_load_idx %arg12[%get3A_2219] : memref<16xi32, #tpu.memory_space<vmem>>[vector<16xi32>], vector<16xi32>,
    %get3A_2221 = arith.constant 176 : index
    %get3A_2222 = tpu.vector_load %arg8[%get3A_2221] {strides = array<i32>} : memref<256xi32, #tpu.memory_space<vmem>>, vector<16xi32>,
    %add3A_2223 = arith.addi %gather3A_2220, %get3A_2222 : vector<16xi32>
    %swap3A_2224 = arith.constant 176 : index
    %swap3A_2225 = tpu.vector_load %arg9[%swap3A_2224] {strides = array<i32>} : memref<256xi32, #tpu.memory_space<vmem>>, vector<16xi32>,
    tpu.vector_store %arg9[%swap3A_2224], %add3A_2223 {strides = array<i32>} : memref<256xi32, #tpu.memory_space<vmem>>, vector<16xi32>,
    %get3A_2226 = arith.constant 192 : index
    %get3A_2227 = tpu.vector_load %arg7[%get3A_2226] {strides = array<i32>} : memref<256xi32, #tpu.memory_space<vmem>>, vector<16xi32>,
    %gather3A_2228 = tpu.vector_load_idx %arg12[%get3A_2227] : memref<16xi32, #tpu.memory_space<vmem>>[vector<16xi32>], vector<16xi32>,
    %get3A_2229 = arith.constant 192 : index
    %get3A_2230 = tpu.vector_load %arg8[%get3A_2229] {strides = array<i32>} : memref<256xi32, #tpu.memory_space<vmem>>, vector<16xi32>,
    %add3A_2231 = arith.addi %gather3A_2228, %get3A_2230 : vector<16xi32>
    %swap3A_2232 = arith.constant 192 : index
    %swap3A_2233 = tpu.vector_load %arg9[%swap3A_2232] {strides = array<i32>} : memref<256xi32, #tpu.memory_space<vmem>>, vector<16xi32>,
    tpu.vector_store %arg9[%swap3A_2232], %add3A_2231 {strides = array<i32>} : memref<256xi32, #tpu.memory_space<vmem>>, vector<16xi32>,
    %get3A_2234 = arith.constant 208 : index
    %get3A_2235 = tpu.vector_load %arg7[%get3A_2234] {strides = array<i32>} : memref<256xi32, #tpu.memory_space<vmem>>, vector<16xi32>,
    %gather3A_2236 = tpu.vector_load_idx %arg12[%get3A_2235] : memref<16xi32, #tpu.memory_space<vmem>>[vector<16xi32>], vector<16xi32>,
    %get3A_2237 = arith.constant 208 : index
    %get3A_2238 = tpu.vector_load %arg8[%get3A_2237] {strides = array<i32>} : memref<256xi32, #tpu.memory_space<vmem>>, vector<16xi32>,
    %add3A_2239 = arith.addi %gather3A_2236, %get3A_2238 : vector<16xi32>
    %swap3A_2240 = arith.constant 208 : index
    %swap3A_2241 = tpu.vector_load %arg9[%swap3A_2240] {strides = array<i32>} : memref<256xi32, #tpu.memory_space<vmem>>, vector<16xi32>,
    tpu.vector_store %arg9[%swap3A_2240], %add3A_2239 {strides = array<i32>} : memref<256xi32, #tpu.memory_space<vmem>>, vector<16xi32>,
    %get3A_2242 = arith.constant 224 : index
    %get3A_2243 = tpu.vector_load %arg7[%get3A_2242] {strides = array<i32>} : memref<256xi32, #tpu.memory_space<vmem>>, vector<16xi32>,
    %gather3A_2244 = tpu.vector_load_idx %arg12[%get3A_2243] : memref<16xi32, #tpu.memory_space<vmem>>[vector<16xi32>], vector<16xi32>,
    %get3A_2245 = arith.constant 224 : index
    %get3A_2246 = tpu.vector_load %arg8[%get3A_2245] {strides = array<i32>} : memref<256xi32, #tpu.memory_space<vmem>>, vector<16xi32>,
    %add3A_2247 = arith.addi %gather3A_2244, %get3A_2246 : vector<16xi32>
    %swap3A_2248 = arith.constant 224 : index
    %swap3A_2249 = tpu.vector_load %arg9[%swap3A_2248] {strides = array<i32>} : memref<256xi32, #tpu.memory_space<vmem>>, vector<16xi32>,
    tpu.vector_store %arg9[%swap3A_2248], %add3A_2247 {strides = array<i32>} : memref<256xi32, #tpu.memory_space<vmem>>, vector<16xi32>,
    %get3A_2250 = arith.constant 240 : index
    %get3A_2251 = tpu.vector_load %arg7[%get3A_2250] {strides = array<i32>} : memref<256xi32, #tpu.memory_space<vmem>>, vector<16xi32>,
    %gather3A_2252 = tpu.vector_load_idx %arg12[%get3A_2251] : memref<16xi32, #tpu.memory_space<vmem>>[vector<16xi32>], vector<16xi32>,
    %get3A_2253 = arith.constant 240 : index
    %get3A_2254 = tpu.vector_load %arg8[%get3A_2253] {strides = array<i32>} : memref<256xi32, #tpu.memory_space<vmem>>, vector<16xi32>,
    %add3A_2255 = arith.addi %gather3A_2252, %get3A_2254 : vector<16xi32>
    %swap3A_2256 = arith.constant 240 : index
    %swap3A_2257 = tpu.vector_load %arg9[%swap3A_2256] {strides = array<i32>} : memref<256xi32, #tpu.memory_space<vmem>>, vector<16xi32>,
    tpu.vector_store %arg9[%swap3A_2256], %add3A_2255 {strides = array<i32>} : memref<256xi32, #tpu.memory_space<vmem>>, vector<16xi32>,
    %broadcast_in_dim3A_2258 = arith.constant 7 : i32
    %broadcast_in_dim3A_2259 = vector.broadcast %broadcast_in_dim3A_2258 : i32 to vector<16xi32>
    %gather3A_2260 = tpu.vector_load_idx %arg14[%broadcast_in_dim3A_2259] : memref<16xi32, #tpu.memory_space<vmem>>[vector<16xi32>], vector<16xi32>,
    %shift_right_arithmetic3A_2261 = arith.constant 8 : i32
    %shift_right_arithmetic3A_2262 = vector.broadcast %shift_right_arithmetic3A_2261 : i32 to vector<16xi32>
    %shift_right_arithmetic3A_2263 = arith.shrsi %gather3A_2260, %shift_right_arithmetic3A_2262 : vector<16xi32>
    %iota3A_2264 = tpu.iota {dimensions = array<i32: 0>} : vector<16xi32>
    %add3A_2265 = arith.constant 0 : i32
    %add3A_2266 = vector.broadcast %add3A_2265 : i32 to vector<16xi32>
    %add3A_2267 = arith.addi %iota3A_2264, %add3A_2266 : vector<16xi32>
    %mul3A_2268 = arith.constant 256 : i32
    %mul3A_2269 = vector.broadcast %mul3A_2268 : i32 to vector<16xi32>
    %mul3A_2270 = arith.muli %add3A_2267, %mul3A_2269 : vector<16xi32>
    %broadcast_in_dim3A_2271 = arith.constant 0 : i32
    %broadcast_in_dim3A_2272 = vector.broadcast %broadcast_in_dim3A_2271 : i32 to vector<16xi32>
    %broadcast_in_dim3A_2273 = arith.constant 1 : i32
    %broadcast_in_dim3A_2274 = vector.broadcast %broadcast_in_dim3A_2273 : i32 to vector<16xi32>
    %gather3A_2275 = tpu.vector_load_idx %arg13[%broadcast_in_dim3A_2274] : memref<16xi32, #tpu.memory_space<vmem>>[vector<16xi32>], vector<16xi32>,
    %ge3A = arith.cmpi sge, %mul3A_2270, %gather3A_2275 : vector<16xi32>
    %convert_element_type3A_2276 = arith.extui %ge3A : vector<16xi1> to vector<16xi32>
    %add3A_2277 = arith.addi %broadcast_in_dim3A_2272, %convert_element_type3A_2276 : vector<16xi32>
    %broadcast_in_dim3A_2278 = arith.constant 2 : i32
    %broadcast_in_dim3A_2279 = vector.broadcast %broadcast_in_dim3A_2278 : i32 to vector<16xi32>
    %gather3A_2280 = tpu.vector_load_idx %arg13[%broadcast_in_dim3A_2279] : memref<16xi32, #tpu.memory_space<vmem>>[vector<16xi32>], vector<16xi32>,
    %ge3A_2281 = arith.cmpi sge, %mul3A_2270, %gather3A_2280 : vector<16xi32>
    %convert_element_type3A_2282 = arith.extui %ge3A_2281 : vector<16xi1> to vector<16xi32>
    %add3A_2283 = arith.addi %add3A_2277, %convert_element_type3A_2282 : vector<16xi32>
    %broadcast_in_dim3A_2284 = arith.constant 3 : i32
    %broadcast_in_dim3A_2285 = vector.broadcast %broadcast_in_dim3A_2284 : i32 to vector<16xi32>
    %gather3A_2286 = tpu.vector_load_idx %arg13[%broadcast_in_dim3A_2285] : memref<16xi32, #tpu.memory_space<vmem>>[vector<16xi32>], vector<16xi32>,
    %ge3A_2287 = arith.cmpi sge, %mul3A_2270, %gather3A_2286 : vector<16xi32>
    %convert_element_type3A_2288 = arith.extui %ge3A_2287 : vector<16xi1> to vector<16xi32>
    %add3A_2289 = arith.addi %add3A_2283, %convert_element_type3A_2288 : vector<16xi32>
    %broadcast_in_dim3A_2290 = arith.constant 4 : i32
    %broadcast_in_dim3A_2291 = vector.broadcast %broadcast_in_dim3A_2290 : i32 to vector<16xi32>
    %gather3A_2292 = tpu.vector_load_idx %arg13[%broadcast_in_dim3A_2291] : memref<16xi32, #tpu.memory_space<vmem>>[vector<16xi32>], vector<16xi32>,
    %ge3A_2293 = arith.cmpi sge, %mul3A_2270, %gather3A_2292 : vector<16xi32>
    %convert_element_type3A_2294 = arith.extui %ge3A_2293 : vector<16xi1> to vector<16xi32>
    %add3A_2295 = arith.addi %add3A_2289, %convert_element_type3A_2294 : vector<16xi32>
    %broadcast_in_dim3A_2296 = arith.constant 5 : i32
    %broadcast_in_dim3A_2297 = vector.broadcast %broadcast_in_dim3A_2296 : i32 to vector<16xi32>
    %gather3A_2298 = tpu.vector_load_idx %arg13[%broadcast_in_dim3A_2297] : memref<16xi32, #tpu.memory_space<vmem>>[vector<16xi32>], vector<16xi32>,
    %ge3A_2299 = arith.cmpi sge, %mul3A_2270, %gather3A_2298 : vector<16xi32>
    %convert_element_type3A_2300 = arith.extui %ge3A_2299 : vector<16xi1> to vector<16xi32>
    %add3A_2301 = arith.addi %add3A_2295, %convert_element_type3A_2300 : vector<16xi32>
    %broadcast_in_dim3A_2302 = arith.constant 6 : i32
    %broadcast_in_dim3A_2303 = vector.broadcast %broadcast_in_dim3A_2302 : i32 to vector<16xi32>
    %gather3A_2304 = tpu.vector_load_idx %arg13[%broadcast_in_dim3A_2303] : memref<16xi32, #tpu.memory_space<vmem>>[vector<16xi32>], vector<16xi32>,
    %ge3A_2305 = arith.cmpi sge, %mul3A_2270, %gather3A_2304 : vector<16xi32>
    %convert_element_type3A_2306 = arith.extui %ge3A_2305 : vector<16xi1> to vector<16xi32>
    %add3A_2307 = arith.addi %add3A_2301, %convert_element_type3A_2306 : vector<16xi32>
    %broadcast_in_dim3A_2308 = arith.constant 7 : i32
    %broadcast_in_dim3A_2309 = vector.broadcast %broadcast_in_dim3A_2308 : i32 to vector<16xi32>
    %gather3A_2310 = tpu.vector_load_idx %arg13[%broadcast_in_dim3A_2309] : memref<16xi32, #tpu.memory_space<vmem>>[vector<16xi32>], vector<16xi32>,
    %ge3A_2311 = arith.cmpi sge, %mul3A_2270, %gather3A_2310 : vector<16xi32>
    %convert_element_type3A_2312 = arith.extui %ge3A_2311 : vector<16xi1> to vector<16xi32>
    %add3A_2313 = arith.addi %add3A_2307, %convert_element_type3A_2312 : vector<16xi32>
    %eq3A_2314 = arith.constant 31 : i32
    %eq3A_2315 = vector.broadcast %eq3A_2314 : i32 to vector<16xi32>
    %eq3A_2316 = arith.cmpi eq, %add3A_2267, %eq3A_2315 : vector<16xi32>
    %select_n3A_2317 = arith.select %eq3A_2316, %shift_right_arithmetic3A_2263, %add3A_2313 : vector<16xi1>, vector<16xi32>
    %swap3A_2318 = arith.constant 0 : index
    %swap3A_2319 = tpu.vector_load %arg15[%swap3A_2318] {strides = array<i32>} : memref<32xi32, #tpu.memory_space<vmem>>, vector<16xi32>,
    tpu.vector_store %arg15[%swap3A_2318], %select_n3A_2317 {strides = array<i32>} : memref<32xi32, #tpu.memory_space<vmem>>, vector<16xi32>,
    %iota3A_2320 = tpu.iota {dimensions = array<i32: 0>} : vector<16xi32>
    %add3A_2321 = arith.constant 16 : i32
    %add3A_2322 = vector.broadcast %add3A_2321 : i32 to vector<16xi32>
    %add3A_2323 = arith.addi %iota3A_2320, %add3A_2322 : vector<16xi32>
    %mul3A_2324 = arith.constant 256 : i32
    %mul3A_2325 = vector.broadcast %mul3A_2324 : i32 to vector<16xi32>
    %mul3A_2326 = arith.muli %add3A_2323, %mul3A_2325 : vector<16xi32>
    %broadcast_in_dim3A_2327 = arith.constant 0 : i32
    %broadcast_in_dim3A_2328 = vector.broadcast %broadcast_in_dim3A_2327 : i32 to vector<16xi32>
    %broadcast_in_dim3A_2329 = arith.constant 1 : i32
    %broadcast_in_dim3A_2330 = vector.broadcast %broadcast_in_dim3A_2329 : i32 to vector<16xi32>
    %gather3A_2331 = tpu.vector_load_idx %arg13[%broadcast_in_dim3A_2330] : memref<16xi32, #tpu.memory_space<vmem>>[vector<16xi32>], vector<16xi32>,
    %ge3A_2332 = arith.cmpi sge, %mul3A_2326, %gather3A_2331 : vector<16xi32>
    %convert_element_type3A_2333 = arith.extui %ge3A_2332 : vector<16xi1> to vector<16xi32>
    %add3A_2334 = arith.addi %broadcast_in_dim3A_2328, %convert_element_type3A_2333 : vector<16xi32>
    %broadcast_in_dim3A_2335 = arith.constant 2 : i32
    %broadcast_in_dim3A_2336 = vector.broadcast %broadcast_in_dim3A_2335 : i32 to vector<16xi32>
    %gather3A_2337 = tpu.vector_load_idx %arg13[%broadcast_in_dim3A_2336] : memref<16xi32, #tpu.memory_space<vmem>>[vector<16xi32>], vector<16xi32>,
    %ge3A_2338 = arith.cmpi sge, %mul3A_2326, %gather3A_2337 : vector<16xi32>
    %convert_element_type3A_2339 = arith.extui %ge3A_2338 : vector<16xi1> to vector<16xi32>
    %add3A_2340 = arith.addi %add3A_2334, %convert_element_type3A_2339 : vector<16xi32>
    %broadcast_in_dim3A_2341 = arith.constant 3 : i32
    %broadcast_in_dim3A_2342 = vector.broadcast %broadcast_in_dim3A_2341 : i32 to vector<16xi32>
    %gather3A_2343 = tpu.vector_load_idx %arg13[%broadcast_in_dim3A_2342] : memref<16xi32, #tpu.memory_space<vmem>>[vector<16xi32>], vector<16xi32>,
    %ge3A_2344 = arith.cmpi sge, %mul3A_2326, %gather3A_2343 : vector<16xi32>
    %convert_element_type3A_2345 = arith.extui %ge3A_2344 : vector<16xi1> to vector<16xi32>
    %add3A_2346 = arith.addi %add3A_2340, %convert_element_type3A_2345 : vector<16xi32>
    %broadcast_in_dim3A_2347 = arith.constant 4 : i32
    %broadcast_in_dim3A_2348 = vector.broadcast %broadcast_in_dim3A_2347 : i32 to vector<16xi32>
    %gather3A_2349 = tpu.vector_load_idx %arg13[%broadcast_in_dim3A_2348] : memref<16xi32, #tpu.memory_space<vmem>>[vector<16xi32>], vector<16xi32>,
    %ge3A_2350 = arith.cmpi sge, %mul3A_2326, %gather3A_2349 : vector<16xi32>
    %convert_element_type3A_2351 = arith.extui %ge3A_2350 : vector<16xi1> to vector<16xi32>
    %add3A_2352 = arith.addi %add3A_2346, %convert_element_type3A_2351 : vector<16xi32>
    %broadcast_in_dim3A_2353 = arith.constant 5 : i32
    %broadcast_in_dim3A_2354 = vector.broadcast %broadcast_in_dim3A_2353 : i32 to vector<16xi32>
    %gather3A_2355 = tpu.vector_load_idx %arg13[%broadcast_in_dim3A_2354] : memref<16xi32, #tpu.memory_space<vmem>>[vector<16xi32>], vector<16xi32>,
    %ge3A_2356 = arith.cmpi sge, %mul3A_2326, %gather3A_2355 : vector<16xi32>
    %convert_element_type3A_2357 = arith.extui %ge3A_2356 : vector<16xi1> to vector<16xi32>
    %add3A_2358 = arith.addi %add3A_2352, %convert_element_type3A_2357 : vector<16xi32>
    %broadcast_in_dim3A_2359 = arith.constant 6 : i32
    %broadcast_in_dim3A_2360 = vector.broadcast %broadcast_in_dim3A_2359 : i32 to vector<16xi32>
    %gather3A_2361 = tpu.vector_load_idx %arg13[%broadcast_in_dim3A_2360] : memref<16xi32, #tpu.memory_space<vmem>>[vector<16xi32>], vector<16xi32>,
    %ge3A_2362 = arith.cmpi sge, %mul3A_2326, %gather3A_2361 : vector<16xi32>
    %convert_element_type3A_2363 = arith.extui %ge3A_2362 : vector<16xi1> to vector<16xi32>
    %add3A_2364 = arith.addi %add3A_2358, %convert_element_type3A_2363 : vector<16xi32>
    %broadcast_in_dim3A_2365 = arith.constant 7 : i32
    %broadcast_in_dim3A_2366 = vector.broadcast %broadcast_in_dim3A_2365 : i32 to vector<16xi32>
    %gather3A_2367 = tpu.vector_load_idx %arg13[%broadcast_in_dim3A_2366] : memref<16xi32, #tpu.memory_space<vmem>>[vector<16xi32>], vector<16xi32>,
    %ge3A_2368 = arith.cmpi sge, %mul3A_2326, %gather3A_2367 : vector<16xi32>
    %convert_element_type3A_2369 = arith.extui %ge3A_2368 : vector<16xi1> to vector<16xi32>
    %add3A_2370 = arith.addi %add3A_2364, %convert_element_type3A_2369 : vector<16xi32>
    %eq3A_2371 = arith.constant 31 : i32
    %eq3A_2372 = vector.broadcast %eq3A_2371 : i32 to vector<16xi32>
    %eq3A_2373 = arith.cmpi eq, %add3A_2323, %eq3A_2372 : vector<16xi32>
    %select_n3A_2374 = arith.select %eq3A_2373, %shift_right_arithmetic3A_2263, %add3A_2370 : vector<16xi1>, vector<16xi32>
    %swap3A_2375 = arith.constant 16 : index
    %swap3A_2376 = tpu.vector_load %arg15[%swap3A_2375] {strides = array<i32>} : memref<32xi32, #tpu.memory_space<vmem>>, vector<16xi32>,
    tpu.vector_store %arg15[%swap3A_2375], %select_n3A_2374 {strides = array<i32>} : memref<32xi32, #tpu.memory_space<vmem>>, vector<16xi32>,
    %eq3A_2377 = arith.constant 0 : i32
    %eq3A_2378 = arith.cmpi eq, %arg0, %eq3A_2377 : i32
    %eq3A_2379 = arith.constant 0 : i32
    %eq3A_2380 = arith.cmpi eq, %arg1, %eq3A_2379 : i32
    %and3A = arith.andi %eq3A_2378, %eq3A_2380 : i1
    %convert_element_type3A_2381 = arith.extui %and3A : i1 to i32
    %cond3A = arith.constant 0 : i32
    %cond3A_2382 = arith.cmpi ne, %convert_element_type3A_2381, %cond3A : i32
    scf.if %cond3A_2382 {
      "tpu.region"() ({
        %run_scoped3A = tpu.sem_alloc : memref<!tpu.dma_semaphore, #tpu.memory_space<semaphore_mem>>
        tpu.enqueue_dma source(%arg15 : memref<32xi32, #tpu.memory_space<vmem>>) target(%arg6 : memref<32xi32, #tpu.memory_space<hbm>>) target_semaphore(%run_scoped3A : memref<!tpu.dma_semaphore, #tpu.memory_space<semaphore_mem>>)
        tpu.wait_dma2 semaphore(%run_scoped3A : memref<!tpu.dma_semaphore, #tpu.memory_space<semaphore_mem>>) src(%arg15 : memref<32xi32, #tpu.memory_space<vmem>>) dst(%arg6 : memref<32xi32, #tpu.memory_space<hbm>>)
        tpu.yield
      }) : () -> ()
    } else {
    }
    %eq3A_2383 = arith.constant 0 : i32
    %eq3A_2384 = arith.cmpi eq, %arg0, %eq3A_2383 : i32
    %convert_element_type3A_2385 = arith.extui %eq3A_2384 : i1 to i32
    %cond3A_2386 = arith.constant 0 : i32
    %cond3A_2387 = arith.cmpi ne, %convert_element_type3A_2385, %cond3A_2386 : i32
    scf.if %cond3A_2387 {
      %add3A_2393 = arith.constant 0 : i32
      %add3A_2394 = arith.addi %mul3A_0, %add3A_2393 : i32
      "tpu.region"() ({
        %run_scoped3A = tpu.sem_alloc : memref<!tpu.dma_semaphore, #tpu.memory_space<semaphore_mem>>
        %dma_start3A_2551 = arith.constant 0 : i32
        %dma_start3A_2552 = tpu.memref_slice %arg9[%dma_start3A_2551] : memref<256xi32, #tpu.memory_space<vmem>> -> memref<128xi32, #tpu.memory_space<vmem>>
        %dma_start3A_2553 = tpu.memref_slice %arg5[%add3A_2394] : memref<4096xi32, #tpu.memory_space<hbm>> -> memref<128xi32, #tpu.memory_space<hbm>>
        %dma_start3A_2554 = tpu.memref_slice %arg5[%add3A_2394] : memref<4096xi32, #tpu.memory_space<hbm>> -> memref<128xi32, #tpu.memory_space<hbm>>
        %dma_start3A_2555 = arith.constant 0 : i32
        %dma_start3A_2556 = tpu.memref_slice %arg9[%dma_start3A_2555] : memref<256xi32, #tpu.memory_space<vmem>> -> memref<128xi32, #tpu.memory_space<vmem>>
        tpu.enqueue_dma source(%dma_start3A_2556 : memref<128xi32, #tpu.memory_space<vmem>>) target(%dma_start3A_2554 : memref<128xi32, #tpu.memory_space<hbm>>) target_semaphore(%run_scoped3A : memref<!tpu.dma_semaphore, #tpu.memory_space<semaphore_mem>>)
        %dma_wait3A_2557 = arith.constant 0 : i32
        %dma_wait3A_2558 = tpu.memref_slice %arg9[%dma_wait3A_2557] : memref<256xi32, #tpu.memory_space<vmem>> -> memref<128xi32, #tpu.memory_space<vmem>>
        %dma_wait3A_2559 = tpu.memref_slice %arg5[%add3A_2394] : memref<4096xi32, #tpu.memory_space<hbm>> -> memref<128xi32, #tpu.memory_space<hbm>>
        %dma_wait3A_2560 = tpu.memref_slice %arg5[%add3A_2394] : memref<4096xi32, #tpu.memory_space<hbm>> -> memref<128xi32, #tpu.memory_space<hbm>>
        %dma_wait3A_2561 = arith.constant 0 : i32
        %dma_wait3A_2562 = tpu.memref_slice %arg9[%dma_wait3A_2561] : memref<256xi32, #tpu.memory_space<vmem>> -> memref<128xi32, #tpu.memory_space<vmem>>
        tpu.wait_dma2 semaphore(%run_scoped3A : memref<!tpu.dma_semaphore, #tpu.memory_space<semaphore_mem>>) src(%dma_wait3A_2562 : memref<128xi32, #tpu.memory_space<vmem>>) dst(%dma_wait3A_2560 : memref<128xi32, #tpu.memory_space<hbm>>)
        tpu.yield
      }) : () -> ()
      %add3A_2395 = arith.constant 0 : i32
      %add3A_2396 = arith.addi %mul3A_0, %add3A_2395 : i32
      %dma_start3A = arith.constant 0 : i32
      %dma_start3A_2397 = tpu.memref_slice %arg3[%add3A_2396, %dma_start3A] : memref<4096x1024xf32, #tpu.memory_space<hbm>> -> memref<16x1024xf32, #tpu.memory_space<hbm>>
      %dma_start3A_2398 = arith.constant 0 : i32
      %dma_start3A_2399 = tpu.memref_slice %arg3[%add3A_2396, %dma_start3A_2398] : memref<4096x1024xf32, #tpu.memory_space<hbm>> -> memref<16x1024xf32, #tpu.memory_space<hbm>>
      tpu.enqueue_dma source(%dma_start3A_2399 : memref<16x1024xf32, #tpu.memory_space<hbm>>) target(%arg16 : memref<16x1024xf32, #tpu.memory_space<vmem>>) target_semaphore(%arg19 : memref<!tpu.dma_semaphore, #tpu.memory_space<semaphore_mem>>)
      %add3A_2400 = arith.constant 0 : i32
      %add3A_2401 = arith.addi %mul3A_0, %add3A_2400 : i32
      %add3A_2402 = arith.constant 16 : i32
      %add3A_2403 = arith.addi %add3A_2401, %add3A_2402 : i32
      %dma_start3A_2404 = arith.constant 0 : i32
      %dma_start3A_2405 = tpu.memref_slice %arg3[%add3A_2403, %dma_start3A_2404] : memref<4096x1024xf32, #tpu.memory_space<hbm>> -> memref<16x1024xf32, #tpu.memory_space<hbm>>
      %dma_start3A_2406 = arith.constant 0 : i32
      %dma_start3A_2407 = tpu.memref_slice %arg3[%add3A_2403, %dma_start3A_2406] : memref<4096x1024xf32, #tpu.memory_space<hbm>> -> memref<16x1024xf32, #tpu.memory_space<hbm>>
      tpu.enqueue_dma source(%dma_start3A_2407 : memref<16x1024xf32, #tpu.memory_space<hbm>>) target(%arg17 : memref<16x1024xf32, #tpu.memory_space<vmem>>) target_semaphore(%arg20 : memref<!tpu.dma_semaphore, #tpu.memory_space<semaphore_mem>>)
      %dma_wait3A = arith.constant 0 : i32
      %dma_wait3A_2408 = tpu.memref_slice %arg3[%add3A_2396, %dma_wait3A] : memref<4096x1024xf32, #tpu.memory_space<hbm>> -> memref<16x1024xf32, #tpu.memory_space<hbm>>
      %dma_wait3A_2409 = arith.constant 0 : i32
      %dma_wait3A_2410 = tpu.memref_slice %arg3[%add3A_2396, %dma_wait3A_2409] : memref<4096x1024xf32, #tpu.memory_space<hbm>> -> memref<16x1024xf32, #tpu.memory_space<hbm>>
      tpu.wait_dma2 semaphore(%arg19 : memref<!tpu.dma_semaphore, #tpu.memory_space<semaphore_mem>>) src(%dma_wait3A_2410 : memref<16x1024xf32, #tpu.memory_space<hbm>>) dst(%arg16 : memref<16x1024xf32, #tpu.memory_space<vmem>>)
      %get3A_2411 = arith.constant 0 : index
      %get3A_2412 = tpu.vector_load %arg9[%get3A_2411] {strides = array<i32>} : memref<256xi32, #tpu.memory_space<vmem>>, vector<16xi32>,
      %dma_start3A_2413 = arith.constant 0 : i32
      %dma_start3A_2414 = arith.constant 0 : i32
      %dma_start3A_2415 = tpu.memref_slice %arg4[%dma_start3A_2413, %dma_start3A_2414] : memref<6144x1024xf32, #tpu.memory_space<hbm>> -> memref<6144x1024xf32, #tpu.memory_space<hbm>>
      tpu.enqueue_indirect_dma source(%arg16 : memref<16x1024xf32, #tpu.memory_space<vmem>>) target(%dma_start3A_2415 : memref<6144x1024xf32, #tpu.memory_space<hbm>>) offsets(%get3A_2412 : vector<16xi32>) semaphore(%arg19 : memref<!tpu.dma_semaphore, #tpu.memory_space<semaphore_mem>>)
      %dma_wait3A_2416 = arith.constant 0 : i32
      %dma_wait3A_2417 = arith.constant 0 : i32
      %dma_wait3A_2418 = tpu.memref_slice %arg4[%dma_wait3A_2416, %dma_wait3A_2417] : memref<6144x1024xf32, #tpu.memory_space<hbm>> -> memref<6144x1024xf32, #tpu.memory_space<hbm>>
      tpu.wait_indirect_dma semaphore(%arg19 : memref<!tpu.dma_semaphore, #tpu.memory_space<semaphore_mem>>) src(%arg16 : memref<16x1024xf32, #tpu.memory_space<vmem>>) dst(%dma_wait3A_2418 : memref<6144x1024xf32, #tpu.memory_space<hbm>>)
      %add3A_2419 = arith.constant 0 : i32
      %add3A_2420 = arith.addi %mul3A_0, %add3A_2419 : i32
      %add3A_2421 = arith.constant 32 : i32
      %add3A_2422 = arith.addi %add3A_2420, %add3A_2421 : i32
      %dma_start3A_2423 = arith.constant 0 : i32
      %dma_start3A_2424 = tpu.memref_slice %arg3[%add3A_2422, %dma_start3A_2423] : memref<4096x1024xf32, #tpu.memory_space<hbm>> -> memref<16x1024xf32, #tpu.memory_space<hbm>>
      %dma_start3A_2425 = arith.constant 0 : i32
      %dma_start3A_2426 = tpu.memref_slice %arg3[%add3A_2422, %dma_start3A_2425] : memref<4096x1024xf32, #tpu.memory_space<hbm>> -> memref<16x1024xf32, #tpu.memory_space<hbm>>
      tpu.enqueue_dma source(%dma_start3A_2426 : memref<16x1024xf32, #tpu.memory_space<hbm>>) target(%arg16 : memref<16x1024xf32, #tpu.memory_space<vmem>>) target_semaphore(%arg19 : memref<!tpu.dma_semaphore, #tpu.memory_space<semaphore_mem>>)
      %dma_wait3A_2427 = arith.constant 0 : i32
      %dma_wait3A_2428 = tpu.memref_slice %arg3[%add3A_2403, %dma_wait3A_2427] : memref<4096x1024xf32, #tpu.memory_space<hbm>> -> memref<16x1024xf32, #tpu.memory_space<hbm>>
      %dma_wait3A_2429 = arith.constant 0 : i32
      %dma_wait3A_2430 = tpu.memref_slice %arg3[%add3A_2403, %dma_wait3A_2429] : memref<4096x1024xf32, #tpu.memory_space<hbm>> -> memref<16x1024xf32, #tpu.memory_space<hbm>>
      tpu.wait_dma2 semaphore(%arg20 : memref<!tpu.dma_semaphore, #tpu.memory_space<semaphore_mem>>) src(%dma_wait3A_2430 : memref<16x1024xf32, #tpu.memory_space<hbm>>) dst(%arg17 : memref<16x1024xf32, #tpu.memory_space<vmem>>)
      %get3A_2431 = arith.constant 16 : index
      %get3A_2432 = tpu.vector_load %arg9[%get3A_2431] {strides = array<i32>} : memref<256xi32, #tpu.memory_space<vmem>>, vector<16xi32>,
      %dma_start3A_2433 = arith.constant 0 : i32
      %dma_start3A_2434 = arith.constant 0 : i32
      %dma_start3A_2435 = tpu.memref_slice %arg4[%dma_start3A_2433, %dma_start3A_2434] : memref<6144x1024xf32, #tpu.memory_space<hbm>> -> memref<6144x1024xf32, #tpu.memory_space<hbm>>
      tpu.enqueue_indirect_dma source(%arg17 : memref<16x1024xf32, #tpu.memory_space<vmem>>) target(%dma_start3A_2435 : memref<6144x1024xf32, #tpu.memory_space<hbm>>) offsets(%get3A_2432 : vector<16xi32>) semaphore(%arg20 : memref<!tpu.dma_semaphore, #tpu.memory_space<semaphore_mem>>)
      %dma_wait3A_2436 = arith.constant 0 : i32
      %dma_wait3A_2437 = arith.constant 0 : i32
      %dma_wait3A_2438 = tpu.memref_slice %arg4[%dma_wait3A_2436, %dma_wait3A_2437] : memref<6144x1024xf32, #tpu.memory_space<hbm>> -> memref<6144x1024xf32, #tpu.memory_space<hbm>>
      tpu.wait_indirect_dma semaphore(%arg20 : memref<!tpu.dma_semaphore, #tpu.memory_space<semaphore_mem>>) src(%arg17 : memref<16x1024xf32, #tpu.memory_space<vmem>>) dst(%dma_wait3A_2438 : memref<6144x1024xf32, #tpu.memory_space<hbm>>)
      %add3A_2439 = arith.constant 0 : i32
      %add3A_2440 = arith.addi %mul3A_0, %add3A_2439 : i32
      %add3A_2441 = arith.constant 48 : i32
      %add3A_2442 = arith.addi %add3A_2440, %add3A_2441 : i32
      %dma_start3A_2443 = arith.constant 0 : i32
      %dma_start3A_2444 = tpu.memref_slice %arg3[%add3A_2442, %dma_start3A_2443] : memref<4096x1024xf32, #tpu.memory_space<hbm>> -> memref<16x1024xf32, #tpu.memory_space<hbm>>
      %dma_start3A_2445 = arith.constant 0 : i32
      %dma_start3A_2446 = tpu.memref_slice %arg3[%add3A_2442, %dma_start3A_2445] : memref<4096x1024xf32, #tpu.memory_space<hbm>> -> memref<16x1024xf32, #tpu.memory_space<hbm>>
      tpu.enqueue_dma source(%dma_start3A_2446 : memref<16x1024xf32, #tpu.memory_space<hbm>>) target(%arg17 : memref<16x1024xf32, #tpu.memory_space<vmem>>) target_semaphore(%arg20 : memref<!tpu.dma_semaphore, #tpu.memory_space<semaphore_mem>>)
      %dma_wait3A_2447 = arith.constant 0 : i32
      %dma_wait3A_2448 = tpu.memref_slice %arg3[%add3A_2422, %dma_wait3A_2447] : memref<4096x1024xf32, #tpu.memory_space<hbm>> -> memref<16x1024xf32, #tpu.memory_space<hbm>>
      %dma_wait3A_2449 = arith.constant 0 : i32
      %dma_wait3A_2450 = tpu.memref_slice %arg3[%add3A_2422, %dma_wait3A_2449] : memref<4096x1024xf32, #tpu.memory_space<hbm>> -> memref<16x1024xf32, #tpu.memory_space<hbm>>
      tpu.wait_dma2 semaphore(%arg19 : memref<!tpu.dma_semaphore, #tpu.memory_space<semaphore_mem>>) src(%dma_wait3A_2450 : memref<16x1024xf32, #tpu.memory_space<hbm>>) dst(%arg16 : memref<16x1024xf32, #tpu.memory_space<vmem>>)
      %get3A_2451 = arith.constant 32 : index
      %get3A_2452 = tpu.vector_load %arg9[%get3A_2451] {strides = array<i32>} : memref<256xi32, #tpu.memory_space<vmem>>, vector<16xi32>,
      %dma_start3A_2453 = arith.constant 0 : i32
      %dma_start3A_2454 = arith.constant 0 : i32
      %dma_start3A_2455 = tpu.memref_slice %arg4[%dma_start3A_2453, %dma_start3A_2454] : memref<6144x1024xf32, #tpu.memory_space<hbm>> -> memref<6144x1024xf32, #tpu.memory_space<hbm>>
      tpu.enqueue_indirect_dma source(%arg16 : memref<16x1024xf32, #tpu.memory_space<vmem>>) target(%dma_start3A_2455 : memref<6144x1024xf32, #tpu.memory_space<hbm>>) offsets(%get3A_2452 : vector<16xi32>) semaphore(%arg19 : memref<!tpu.dma_semaphore, #tpu.memory_space<semaphore_mem>>)
      %dma_wait3A_2456 = arith.constant 0 : i32
      %dma_wait3A_2457 = arith.constant 0 : i32
      %dma_wait3A_2458 = tpu.memref_slice %arg4[%dma_wait3A_2456, %dma_wait3A_2457] : memref<6144x1024xf32, #tpu.memory_space<hbm>> -> memref<6144x1024xf32, #tpu.memory_space<hbm>>
      tpu.wait_indirect_dma semaphore(%arg19 : memref<!tpu.dma_semaphore, #tpu.memory_space<semaphore_mem>>) src(%arg16 : memref<16x1024xf32, #tpu.memory_space<vmem>>) dst(%dma_wait3A_2458 : memref<6144x1024xf32, #tpu.memory_space<hbm>>)
      %add3A_2459 = arith.constant 0 : i32
      %add3A_2460 = arith.addi %mul3A_0, %add3A_2459 : i32
      %add3A_2461 = arith.constant 64 : i32
      %add3A_2462 = arith.addi %add3A_2460, %add3A_2461 : i32
      %dma_start3A_2463 = arith.constant 0 : i32
      %dma_start3A_2464 = tpu.memref_slice %arg3[%add3A_2462, %dma_start3A_2463] : memref<4096x1024xf32, #tpu.memory_space<hbm>> -> memref<16x1024xf32, #tpu.memory_space<hbm>>
      %dma_start3A_2465 = arith.constant 0 : i32
      %dma_start3A_2466 = tpu.memref_slice %arg3[%add3A_2462, %dma_start3A_2465] : memref<4096x1024xf32, #tpu.memory_space<hbm>> -> memref<16x1024xf32, #tpu.memory_space<hbm>>
      tpu.enqueue_dma source(%dma_start3A_2466 : memref<16x1024xf32, #tpu.memory_space<hbm>>) target(%arg16 : memref<16x1024xf32, #tpu.memory_space<vmem>>) target_semaphore(%arg19 : memref<!tpu.dma_semaphore, #tpu.memory_space<semaphore_mem>>)
      %dma_wait3A_2467 = arith.constant 0 : i32
      %dma_wait3A_2468 = tpu.memref_slice %arg3[%add3A_2442, %dma_wait3A_2467] : memref<4096x1024xf32, #tpu.memory_space<hbm>> -> memref<16x1024xf32, #tpu.memory_space<hbm>>
      %dma_wait3A_2469 = arith.constant 0 : i32
      %dma_wait3A_2470 = tpu.memref_slice %arg3[%add3A_2442, %dma_wait3A_2469] : memref<4096x1024xf32, #tpu.memory_space<hbm>> -> memref<16x1024xf32, #tpu.memory_space<hbm>>
      tpu.wait_dma2 semaphore(%arg20 : memref<!tpu.dma_semaphore, #tpu.memory_space<semaphore_mem>>) src(%dma_wait3A_2470 : memref<16x1024xf32, #tpu.memory_space<hbm>>) dst(%arg17 : memref<16x1024xf32, #tpu.memory_space<vmem>>)
      %get3A_2471 = arith.constant 48 : index
      %get3A_2472 = tpu.vector_load %arg9[%get3A_2471] {strides = array<i32>} : memref<256xi32, #tpu.memory_space<vmem>>, vector<16xi32>,
      %dma_start3A_2473 = arith.constant 0 : i32
      %dma_start3A_2474 = arith.constant 0 : i32
      %dma_start3A_2475 = tpu.memref_slice %arg4[%dma_start3A_2473, %dma_start3A_2474] : memref<6144x1024xf32, #tpu.memory_space<hbm>> -> memref<6144x1024xf32, #tpu.memory_space<hbm>>
      tpu.enqueue_indirect_dma source(%arg17 : memref<16x1024xf32, #tpu.memory_space<vmem>>) target(%dma_start3A_2475 : memref<6144x1024xf32, #tpu.memory_space<hbm>>) offsets(%get3A_2472 : vector<16xi32>) semaphore(%arg20 : memref<!tpu.dma_semaphore, #tpu.memory_space<semaphore_mem>>)
      %dma_wait3A_2476 = arith.constant 0 : i32
      %dma_wait3A_2477 = arith.constant 0 : i32
      %dma_wait3A_2478 = tpu.memref_slice %arg4[%dma_wait3A_2476, %dma_wait3A_2477] : memref<6144x1024xf32, #tpu.memory_space<hbm>> -> memref<6144x1024xf32, #tpu.memory_space<hbm>>
      tpu.wait_indirect_dma semaphore(%arg20 : memref<!tpu.dma_semaphore, #tpu.memory_space<semaphore_mem>>) src(%arg17 : memref<16x1024xf32, #tpu.memory_space<vmem>>) dst(%dma_wait3A_2478 : memref<6144x1024xf32, #tpu.memory_space<hbm>>)
      %add3A_2479 = arith.constant 0 : i32
      %add3A_2480 = arith.addi %mul3A_0, %add3A_2479 : i32
      %add3A_2481 = arith.constant 80 : i32
      %add3A_2482 = arith.addi %add3A_2480, %add3A_2481 : i32
      %dma_start3A_2483 = arith.constant 0 : i32
      %dma_start3A_2484 = tpu.memref_slice %arg3[%add3A_2482, %dma_start3A_2483] : memref<4096x1024xf32, #tpu.memory_space<hbm>> -> memref<16x1024xf32, #tpu.memory_space<hbm>>
      %dma_start3A_2485 = arith.constant 0 : i32
      %dma_start3A_2486 = tpu.memref_slice %arg3[%add3A_2482, %dma_start3A_2485] : memref<4096x1024xf32, #tpu.memory_space<hbm>> -> memref<16x1024xf32, #tpu.memory_space<hbm>>
      tpu.enqueue_dma source(%dma_start3A_2486 : memref<16x1024xf32, #tpu.memory_space<hbm>>) target(%arg17 : memref<16x1024xf32, #tpu.memory_space<vmem>>) target_semaphore(%arg20 : memref<!tpu.dma_semaphore, #tpu.memory_space<semaphore_mem>>)
      %dma_wait3A_2487 = arith.constant 0 : i32
      %dma_wait3A_2488 = tpu.memref_slice %arg3[%add3A_2462, %dma_wait3A_2487] : memref<4096x1024xf32, #tpu.memory_space<hbm>> -> memref<16x1024xf32, #tpu.memory_space<hbm>>
      %dma_wait3A_2489 = arith.constant 0 : i32
      %dma_wait3A_2490 = tpu.memref_slice %arg3[%add3A_2462, %dma_wait3A_2489] : memref<4096x1024xf32, #tpu.memory_space<hbm>> -> memref<16x1024xf32, #tpu.memory_space<hbm>>
      tpu.wait_dma2 semaphore(%arg19 : memref<!tpu.dma_semaphore, #tpu.memory_space<semaphore_mem>>) src(%dma_wait3A_2490 : memref<16x1024xf32, #tpu.memory_space<hbm>>) dst(%arg16 : memref<16x1024xf32, #tpu.memory_space<vmem>>)
      %get3A_2491 = arith.constant 64 : index
      %get3A_2492 = tpu.vector_load %arg9[%get3A_2491] {strides = array<i32>} : memref<256xi32, #tpu.memory_space<vmem>>, vector<16xi32>,
      %dma_start3A_2493 = arith.constant 0 : i32
      %dma_start3A_2494 = arith.constant 0 : i32
      %dma_start3A_2495 = tpu.memref_slice %arg4[%dma_start3A_2493, %dma_start3A_2494] : memref<6144x1024xf32, #tpu.memory_space<hbm>> -> memref<6144x1024xf32, #tpu.memory_space<hbm>>
      tpu.enqueue_indirect_dma source(%arg16 : memref<16x1024xf32, #tpu.memory_space<vmem>>) target(%dma_start3A_2495 : memref<6144x1024xf32, #tpu.memory_space<hbm>>) offsets(%get3A_2492 : vector<16xi32>) semaphore(%arg19 : memref<!tpu.dma_semaphore, #tpu.memory_space<semaphore_mem>>)
      %dma_wait3A_2496 = arith.constant 0 : i32
      %dma_wait3A_2497 = arith.constant 0 : i32
      %dma_wait3A_2498 = tpu.memref_slice %arg4[%dma_wait3A_2496, %dma_wait3A_2497] : memref<6144x1024xf32, #tpu.memory_space<hbm>> -> memref<6144x1024xf32, #tpu.memory_space<hbm>>
      tpu.wait_indirect_dma semaphore(%arg19 : memref<!tpu.dma_semaphore, #tpu.memory_space<semaphore_mem>>) src(%arg16 : memref<16x1024xf32, #tpu.memory_space<vmem>>) dst(%dma_wait3A_2498 : memref<6144x1024xf32, #tpu.memory_space<hbm>>)
      %add3A_2499 = arith.constant 0 : i32
      %add3A_2500 = arith.addi %mul3A_0, %add3A_2499 : i32
      %add3A_2501 = arith.constant 96 : i32
      %add3A_2502 = arith.addi %add3A_2500, %add3A_2501 : i32
      %dma_start3A_2503 = arith.constant 0 : i32
      %dma_start3A_2504 = tpu.memref_slice %arg3[%add3A_2502, %dma_start3A_2503] : memref<4096x1024xf32, #tpu.memory_space<hbm>> -> memref<16x1024xf32, #tpu.memory_space<hbm>>
      %dma_start3A_2505 = arith.constant 0 : i32
      %dma_start3A_2506 = tpu.memref_slice %arg3[%add3A_2502, %dma_start3A_2505] : memref<4096x1024xf32, #tpu.memory_space<hbm>> -> memref<16x1024xf32, #tpu.memory_space<hbm>>
      tpu.enqueue_dma source(%dma_start3A_2506 : memref<16x1024xf32, #tpu.memory_space<hbm>>) target(%arg16 : memref<16x1024xf32, #tpu.memory_space<vmem>>) target_semaphore(%arg19 : memref<!tpu.dma_semaphore, #tpu.memory_space<semaphore_mem>>)
      %dma_wait3A_2507 = arith.constant 0 : i32
      %dma_wait3A_2508 = tpu.memref_slice %arg3[%add3A_2482, %dma_wait3A_2507] : memref<4096x1024xf32, #tpu.memory_space<hbm>> -> memref<16x1024xf32, #tpu.memory_space<hbm>>
      %dma_wait3A_2509 = arith.constant 0 : i32
      %dma_wait3A_2510 = tpu.memref_slice %arg3[%add3A_2482, %dma_wait3A_2509] : memref<4096x1024xf32, #tpu.memory_space<hbm>> -> memref<16x1024xf32, #tpu.memory_space<hbm>>
      tpu.wait_dma2 semaphore(%arg20 : memref<!tpu.dma_semaphore, #tpu.memory_space<semaphore_mem>>) src(%dma_wait3A_2510 : memref<16x1024xf32, #tpu.memory_space<hbm>>) dst(%arg17 : memref<16x1024xf32, #tpu.memory_space<vmem>>)
      %get3A_2511 = arith.constant 80 : index
      %get3A_2512 = tpu.vector_load %arg9[%get3A_2511] {strides = array<i32>} : memref<256xi32, #tpu.memory_space<vmem>>, vector<16xi32>,
      %dma_start3A_2513 = arith.constant 0 : i32
      %dma_start3A_2514 = arith.constant 0 : i32
      %dma_start3A_2515 = tpu.memref_slice %arg4[%dma_start3A_2513, %dma_start3A_2514] : memref<6144x1024xf32, #tpu.memory_space<hbm>> -> memref<6144x1024xf32, #tpu.memory_space<hbm>>
      tpu.enqueue_indirect_dma source(%arg17 : memref<16x1024xf32, #tpu.memory_space<vmem>>) target(%dma_start3A_2515 : memref<6144x1024xf32, #tpu.memory_space<hbm>>) offsets(%get3A_2512 : vector<16xi32>) semaphore(%arg20 : memref<!tpu.dma_semaphore, #tpu.memory_space<semaphore_mem>>)
      %dma_wait3A_2516 = arith.constant 0 : i32
      %dma_wait3A_2517 = arith.constant 0 : i32
      %dma_wait3A_2518 = tpu.memref_slice %arg4[%dma_wait3A_2516, %dma_wait3A_2517] : memref<6144x1024xf32, #tpu.memory_space<hbm>> -> memref<6144x1024xf32, #tpu.memory_space<hbm>>
      tpu.wait_indirect_dma semaphore(%arg20 : memref<!tpu.dma_semaphore, #tpu.memory_space<semaphore_mem>>) src(%arg17 : memref<16x1024xf32, #tpu.memory_space<vmem>>) dst(%dma_wait3A_2518 : memref<6144x1024xf32, #tpu.memory_space<hbm>>)
      %add3A_2519 = arith.constant 0 : i32
      %add3A_2520 = arith.addi %mul3A_0, %add3A_2519 : i32
      %add3A_2521 = arith.constant 112 : i32
      %add3A_2522 = arith.addi %add3A_2520, %add3A_2521 : i32
      %dma_start3A_2523 = arith.constant 0 : i32
      %dma_start3A_2524 = tpu.memref_slice %arg3[%add3A_2522, %dma_start3A_2523] : memref<4096x1024xf32, #tpu.memory_space<hbm>> -> memref<16x1024xf32, #tpu.memory_space<hbm>>
      %dma_start3A_2525 = arith.constant 0 : i32
      %dma_start3A_2526 = tpu.memref_slice %arg3[%add3A_2522, %dma_start3A_2525] : memref<4096x1024xf32, #tpu.memory_space<hbm>> -> memref<16x1024xf32, #tpu.memory_space<hbm>>
      tpu.enqueue_dma source(%dma_start3A_2526 : memref<16x1024xf32, #tpu.memory_space<hbm>>) target(%arg17 : memref<16x1024xf32, #tpu.memory_space<vmem>>) target_semaphore(%arg20 : memref<!tpu.dma_semaphore, #tpu.memory_space<semaphore_mem>>)
      %dma_wait3A_2527 = arith.constant 0 : i32
      %dma_wait3A_2528 = tpu.memref_slice %arg3[%add3A_2502, %dma_wait3A_2527] : memref<4096x1024xf32, #tpu.memory_space<hbm>> -> memref<16x1024xf32, #tpu.memory_space<hbm>>
      %dma_wait3A_2529 = arith.constant 0 : i32
      %dma_wait3A_2530 = tpu.memref_slice %arg3[%add3A_2502, %dma_wait3A_2529] : memref<4096x1024xf32, #tpu.memory_space<hbm>> -> memref<16x1024xf32, #tpu.memory_space<hbm>>
      tpu.wait_dma2 semaphore(%arg19 : memref<!tpu.dma_semaphore, #tpu.memory_space<semaphore_mem>>) src(%dma_wait3A_2530 : memref<16x1024xf32, #tpu.memory_space<hbm>>) dst(%arg16 : memref<16x1024xf32, #tpu.memory_space<vmem>>)
      %get3A_2531 = arith.constant 96 : index
      %get3A_2532 = tpu.vector_load %arg9[%get3A_2531] {strides = array<i32>} : memref<256xi32, #tpu.memory_space<vmem>>, vector<16xi32>,
      %dma_start3A_2533 = arith.constant 0 : i32
      %dma_start3A_2534 = arith.constant 0 : i32
      %dma_start3A_2535 = tpu.memref_slice %arg4[%dma_start3A_2533, %dma_start3A_2534] : memref<6144x1024xf32, #tpu.memory_space<hbm>> -> memref<6144x1024xf32, #tpu.memory_space<hbm>>
      tpu.enqueue_indirect_dma source(%arg16 : memref<16x1024xf32, #tpu.memory_space<vmem>>) target(%dma_start3A_2535 : memref<6144x1024xf32, #tpu.memory_space<hbm>>) offsets(%get3A_2532 : vector<16xi32>) semaphore(%arg19 : memref<!tpu.dma_semaphore, #tpu.memory_space<semaphore_mem>>)
      %dma_wait3A_2536 = arith.constant 0 : i32
      %dma_wait3A_2537 = arith.constant 0 : i32
      %dma_wait3A_2538 = tpu.memref_slice %arg4[%dma_wait3A_2536, %dma_wait3A_2537] : memref<6144x1024xf32, #tpu.memory_space<hbm>> -> memref<6144x1024xf32, #tpu.memory_space<hbm>>
      tpu.wait_indirect_dma semaphore(%arg19 : memref<!tpu.dma_semaphore, #tpu.memory_space<semaphore_mem>>) src(%arg16 : memref<16x1024xf32, #tpu.memory_space<vmem>>) dst(%dma_wait3A_2538 : memref<6144x1024xf32, #tpu.memory_space<hbm>>)
      %dma_wait3A_2539 = arith.constant 0 : i32
      %dma_wait3A_2540 = tpu.memref_slice %arg3[%add3A_2522, %dma_wait3A_2539] : memref<4096x1024xf32, #tpu.memory_space<hbm>> -> memref<16x1024xf32, #tpu.memory_space<hbm>>
      %dma_wait3A_2541 = arith.constant 0 : i32
      %dma_wait3A_2542 = tpu.memref_slice %arg3[%add3A_2522, %dma_wait3A_2541] : memref<4096x1024xf32, #tpu.memory_space<hbm>> -> memref<16x1024xf32, #tpu.memory_space<hbm>>
      tpu.wait_dma2 semaphore(%arg20 : memref<!tpu.dma_semaphore, #tpu.memory_space<semaphore_mem>>) src(%dma_wait3A_2542 : memref<16x1024xf32, #tpu.memory_space<hbm>>) dst(%arg17 : memref<16x1024xf32, #tpu.memory_space<vmem>>)
      %get3A_2543 = arith.constant 112 : index
      %get3A_2544 = tpu.vector_load %arg9[%get3A_2543] {strides = array<i32>} : memref<256xi32, #tpu.memory_space<vmem>>, vector<16xi32>,
      %dma_start3A_2545 = arith.constant 0 : i32
      %dma_start3A_2546 = arith.constant 0 : i32
      %dma_start3A_2547 = tpu.memref_slice %arg4[%dma_start3A_2545, %dma_start3A_2546] : memref<6144x1024xf32, #tpu.memory_space<hbm>> -> memref<6144x1024xf32, #tpu.memory_space<hbm>>
      tpu.enqueue_indirect_dma source(%arg17 : memref<16x1024xf32, #tpu.memory_space<vmem>>) target(%dma_start3A_2547 : memref<6144x1024xf32, #tpu.memory_space<hbm>>) offsets(%get3A_2544 : vector<16xi32>) semaphore(%arg20 : memref<!tpu.dma_semaphore, #tpu.memory_space<semaphore_mem>>)
      %dma_wait3A_2548 = arith.constant 0 : i32
      %dma_wait3A_2549 = arith.constant 0 : i32
      %dma_wait3A_2550 = tpu.memref_slice %arg4[%dma_wait3A_2548, %dma_wait3A_2549] : memref<6144x1024xf32, #tpu.memory_space<hbm>> -> memref<6144x1024xf32, #tpu.memory_space<hbm>>
      tpu.wait_indirect_dma semaphore(%arg20 : memref<!tpu.dma_semaphore, #tpu.memory_space<semaphore_mem>>) src(%arg17 : memref<16x1024xf32, #tpu.memory_space<vmem>>) dst(%dma_wait3A_2550 : memref<6144x1024xf32, #tpu.memory_space<hbm>>)
    } else {
    }
    %eq3A_2388 = arith.constant 1 : i32
    %eq3A_2389 = arith.cmpi eq, %arg0, %eq3A_2388 : i32
    %convert_element_type3A_2390 = arith.extui %eq3A_2389 : i1 to i32
    %cond3A_2391 = arith.constant 0 : i32
    %cond3A_2392 = arith.cmpi ne, %convert_element_type3A_2390, %cond3A_2391 : i32
    scf.if %cond3A_2392 {
      %add3A_2393 = arith.constant 128 : i32
      %add3A_2394 = arith.addi %mul3A_0, %add3A_2393 : i32
      "tpu.region"() ({
        %run_scoped3A = tpu.sem_alloc : memref<!tpu.dma_semaphore, #tpu.memory_space<semaphore_mem>>
        %dma_start3A_2551 = arith.constant 128 : i32
        %dma_start3A_2552 = tpu.memref_slice %arg9[%dma_start3A_2551] : memref<256xi32, #tpu.memory_space<vmem>> -> memref<128xi32, #tpu.memory_space<vmem>>
        %dma_start3A_2553 = tpu.memref_slice %arg5[%add3A_2394] : memref<4096xi32, #tpu.memory_space<hbm>> -> memref<128xi32, #tpu.memory_space<hbm>>
        %dma_start3A_2554 = tpu.memref_slice %arg5[%add3A_2394] : memref<4096xi32, #tpu.memory_space<hbm>> -> memref<128xi32, #tpu.memory_space<hbm>>
        %dma_start3A_2555 = arith.constant 128 : i32
        %dma_start3A_2556 = tpu.memref_slice %arg9[%dma_start3A_2555] : memref<256xi32, #tpu.memory_space<vmem>> -> memref<128xi32, #tpu.memory_space<vmem>>
        tpu.enqueue_dma source(%dma_start3A_2556 : memref<128xi32, #tpu.memory_space<vmem>>) target(%dma_start3A_2554 : memref<128xi32, #tpu.memory_space<hbm>>) target_semaphore(%run_scoped3A : memref<!tpu.dma_semaphore, #tpu.memory_space<semaphore_mem>>)
        %dma_wait3A_2557 = arith.constant 128 : i32
        %dma_wait3A_2558 = tpu.memref_slice %arg9[%dma_wait3A_2557] : memref<256xi32, #tpu.memory_space<vmem>> -> memref<128xi32, #tpu.memory_space<vmem>>
        %dma_wait3A_2559 = tpu.memref_slice %arg5[%add3A_2394] : memref<4096xi32, #tpu.memory_space<hbm>> -> memref<128xi32, #tpu.memory_space<hbm>>
        %dma_wait3A_2560 = tpu.memref_slice %arg5[%add3A_2394] : memref<4096xi32, #tpu.memory_space<hbm>> -> memref<128xi32, #tpu.memory_space<hbm>>
        %dma_wait3A_2561 = arith.constant 128 : i32
        %dma_wait3A_2562 = tpu.memref_slice %arg9[%dma_wait3A_2561] : memref<256xi32, #tpu.memory_space<vmem>> -> memref<128xi32, #tpu.memory_space<vmem>>
        tpu.wait_dma2 semaphore(%run_scoped3A : memref<!tpu.dma_semaphore, #tpu.memory_space<semaphore_mem>>) src(%dma_wait3A_2562 : memref<128xi32, #tpu.memory_space<vmem>>) dst(%dma_wait3A_2560 : memref<128xi32, #tpu.memory_space<hbm>>)
        tpu.yield
      }) : () -> ()
      %add3A_2395 = arith.constant 128 : i32
      %add3A_2396 = arith.addi %mul3A_0, %add3A_2395 : i32
      %dma_start3A = arith.constant 0 : i32
      %dma_start3A_2397 = tpu.memref_slice %arg3[%add3A_2396, %dma_start3A] : memref<4096x1024xf32, #tpu.memory_space<hbm>> -> memref<16x1024xf32, #tpu.memory_space<hbm>>
      %dma_start3A_2398 = arith.constant 0 : i32
      %dma_start3A_2399 = tpu.memref_slice %arg3[%add3A_2396, %dma_start3A_2398] : memref<4096x1024xf32, #tpu.memory_space<hbm>> -> memref<16x1024xf32, #tpu.memory_space<hbm>>
      tpu.enqueue_dma source(%dma_start3A_2399 : memref<16x1024xf32, #tpu.memory_space<hbm>>) target(%arg16 : memref<16x1024xf32, #tpu.memory_space<vmem>>) target_semaphore(%arg19 : memref<!tpu.dma_semaphore, #tpu.memory_space<semaphore_mem>>)
      %add3A_2400 = arith.constant 128 : i32
      %add3A_2401 = arith.addi %mul3A_0, %add3A_2400 : i32
      %add3A_2402 = arith.constant 16 : i32
      %add3A_2403 = arith.addi %add3A_2401, %add3A_2402 : i32
      %dma_start3A_2404 = arith.constant 0 : i32
      %dma_start3A_2405 = tpu.memref_slice %arg3[%add3A_2403, %dma_start3A_2404] : memref<4096x1024xf32, #tpu.memory_space<hbm>> -> memref<16x1024xf32, #tpu.memory_space<hbm>>
      %dma_start3A_2406 = arith.constant 0 : i32
      %dma_start3A_2407 = tpu.memref_slice %arg3[%add3A_2403, %dma_start3A_2406] : memref<4096x1024xf32, #tpu.memory_space<hbm>> -> memref<16x1024xf32, #tpu.memory_space<hbm>>
      tpu.enqueue_dma source(%dma_start3A_2407 : memref<16x1024xf32, #tpu.memory_space<hbm>>) target(%arg17 : memref<16x1024xf32, #tpu.memory_space<vmem>>) target_semaphore(%arg20 : memref<!tpu.dma_semaphore, #tpu.memory_space<semaphore_mem>>)
      %dma_wait3A = arith.constant 0 : i32
      %dma_wait3A_2408 = tpu.memref_slice %arg3[%add3A_2396, %dma_wait3A] : memref<4096x1024xf32, #tpu.memory_space<hbm>> -> memref<16x1024xf32, #tpu.memory_space<hbm>>
      %dma_wait3A_2409 = arith.constant 0 : i32
      %dma_wait3A_2410 = tpu.memref_slice %arg3[%add3A_2396, %dma_wait3A_2409] : memref<4096x1024xf32, #tpu.memory_space<hbm>> -> memref<16x1024xf32, #tpu.memory_space<hbm>>
      tpu.wait_dma2 semaphore(%arg19 : memref<!tpu.dma_semaphore, #tpu.memory_space<semaphore_mem>>) src(%dma_wait3A_2410 : memref<16x1024xf32, #tpu.memory_space<hbm>>) dst(%arg16 : memref<16x1024xf32, #tpu.memory_space<vmem>>)
      %get3A_2411 = arith.constant 128 : index
      %get3A_2412 = tpu.vector_load %arg9[%get3A_2411] {strides = array<i32>} : memref<256xi32, #tpu.memory_space<vmem>>, vector<16xi32>,
      %dma_start3A_2413 = arith.constant 0 : i32
      %dma_start3A_2414 = arith.constant 0 : i32
      %dma_start3A_2415 = tpu.memref_slice %arg4[%dma_start3A_2413, %dma_start3A_2414] : memref<6144x1024xf32, #tpu.memory_space<hbm>> -> memref<6144x1024xf32, #tpu.memory_space<hbm>>
      tpu.enqueue_indirect_dma source(%arg16 : memref<16x1024xf32, #tpu.memory_space<vmem>>) target(%dma_start3A_2415 : memref<6144x1024xf32, #tpu.memory_space<hbm>>) offsets(%get3A_2412 : vector<16xi32>) semaphore(%arg19 : memref<!tpu.dma_semaphore, #tpu.memory_space<semaphore_mem>>)
      %dma_wait3A_2416 = arith.constant 0 : i32
      %dma_wait3A_2417 = arith.constant 0 : i32
      %dma_wait3A_2418 = tpu.memref_slice %arg4[%dma_wait3A_2416, %dma_wait3A_2417] : memref<6144x1024xf32, #tpu.memory_space<hbm>> -> memref<6144x1024xf32, #tpu.memory_space<hbm>>
      tpu.wait_indirect_dma semaphore(%arg19 : memref<!tpu.dma_semaphore, #tpu.memory_space<semaphore_mem>>) src(%arg16 : memref<16x1024xf32, #tpu.memory_space<vmem>>) dst(%dma_wait3A_2418 : memref<6144x1024xf32, #tpu.memory_space<hbm>>)
      %add3A_2419 = arith.constant 128 : i32
      %add3A_2420 = arith.addi %mul3A_0, %add3A_2419 : i32
      %add3A_2421 = arith.constant 32 : i32
      %add3A_2422 = arith.addi %add3A_2420, %add3A_2421 : i32
      %dma_start3A_2423 = arith.constant 0 : i32
      %dma_start3A_2424 = tpu.memref_slice %arg3[%add3A_2422, %dma_start3A_2423] : memref<4096x1024xf32, #tpu.memory_space<hbm>> -> memref<16x1024xf32, #tpu.memory_space<hbm>>
      %dma_start3A_2425 = arith.constant 0 : i32
      %dma_start3A_2426 = tpu.memref_slice %arg3[%add3A_2422, %dma_start3A_2425] : memref<4096x1024xf32, #tpu.memory_space<hbm>> -> memref<16x1024xf32, #tpu.memory_space<hbm>>
      tpu.enqueue_dma source(%dma_start3A_2426 : memref<16x1024xf32, #tpu.memory_space<hbm>>) target(%arg16 : memref<16x1024xf32, #tpu.memory_space<vmem>>) target_semaphore(%arg19 : memref<!tpu.dma_semaphore, #tpu.memory_space<semaphore_mem>>)
      %dma_wait3A_2427 = arith.constant 0 : i32
      %dma_wait3A_2428 = tpu.memref_slice %arg3[%add3A_2403, %dma_wait3A_2427] : memref<4096x1024xf32, #tpu.memory_space<hbm>> -> memref<16x1024xf32, #tpu.memory_space<hbm>>
      %dma_wait3A_2429 = arith.constant 0 : i32
      %dma_wait3A_2430 = tpu.memref_slice %arg3[%add3A_2403, %dma_wait3A_2429] : memref<4096x1024xf32, #tpu.memory_space<hbm>> -> memref<16x1024xf32, #tpu.memory_space<hbm>>
      tpu.wait_dma2 semaphore(%arg20 : memref<!tpu.dma_semaphore, #tpu.memory_space<semaphore_mem>>) src(%dma_wait3A_2430 : memref<16x1024xf32, #tpu.memory_space<hbm>>) dst(%arg17 : memref<16x1024xf32, #tpu.memory_space<vmem>>)
      %get3A_2431 = arith.constant 144 : index
      %get3A_2432 = tpu.vector_load %arg9[%get3A_2431] {strides = array<i32>} : memref<256xi32, #tpu.memory_space<vmem>>, vector<16xi32>,
      %dma_start3A_2433 = arith.constant 0 : i32
      %dma_start3A_2434 = arith.constant 0 : i32
      %dma_start3A_2435 = tpu.memref_slice %arg4[%dma_start3A_2433, %dma_start3A_2434] : memref<6144x1024xf32, #tpu.memory_space<hbm>> -> memref<6144x1024xf32, #tpu.memory_space<hbm>>
      tpu.enqueue_indirect_dma source(%arg17 : memref<16x1024xf32, #tpu.memory_space<vmem>>) target(%dma_start3A_2435 : memref<6144x1024xf32, #tpu.memory_space<hbm>>) offsets(%get3A_2432 : vector<16xi32>) semaphore(%arg20 : memref<!tpu.dma_semaphore, #tpu.memory_space<semaphore_mem>>)
      %dma_wait3A_2436 = arith.constant 0 : i32
      %dma_wait3A_2437 = arith.constant 0 : i32
      %dma_wait3A_2438 = tpu.memref_slice %arg4[%dma_wait3A_2436, %dma_wait3A_2437] : memref<6144x1024xf32, #tpu.memory_space<hbm>> -> memref<6144x1024xf32, #tpu.memory_space<hbm>>
      tpu.wait_indirect_dma semaphore(%arg20 : memref<!tpu.dma_semaphore, #tpu.memory_space<semaphore_mem>>) src(%arg17 : memref<16x1024xf32, #tpu.memory_space<vmem>>) dst(%dma_wait3A_2438 : memref<6144x1024xf32, #tpu.memory_space<hbm>>)
      %add3A_2439 = arith.constant 128 : i32
      %add3A_2440 = arith.addi %mul3A_0, %add3A_2439 : i32
      %add3A_2441 = arith.constant 48 : i32
      %add3A_2442 = arith.addi %add3A_2440, %add3A_2441 : i32
      %dma_start3A_2443 = arith.constant 0 : i32
      %dma_start3A_2444 = tpu.memref_slice %arg3[%add3A_2442, %dma_start3A_2443] : memref<4096x1024xf32, #tpu.memory_space<hbm>> -> memref<16x1024xf32, #tpu.memory_space<hbm>>
      %dma_start3A_2445 = arith.constant 0 : i32
      %dma_start3A_2446 = tpu.memref_slice %arg3[%add3A_2442, %dma_start3A_2445] : memref<4096x1024xf32, #tpu.memory_space<hbm>> -> memref<16x1024xf32, #tpu.memory_space<hbm>>
      tpu.enqueue_dma source(%dma_start3A_2446 : memref<16x1024xf32, #tpu.memory_space<hbm>>) target(%arg17 : memref<16x1024xf32, #tpu.memory_space<vmem>>) target_semaphore(%arg20 : memref<!tpu.dma_semaphore, #tpu.memory_space<semaphore_mem>>)
      %dma_wait3A_2447 = arith.constant 0 : i32
      %dma_wait3A_2448 = tpu.memref_slice %arg3[%add3A_2422, %dma_wait3A_2447] : memref<4096x1024xf32, #tpu.memory_space<hbm>> -> memref<16x1024xf32, #tpu.memory_space<hbm>>
      %dma_wait3A_2449 = arith.constant 0 : i32
      %dma_wait3A_2450 = tpu.memref_slice %arg3[%add3A_2422, %dma_wait3A_2449] : memref<4096x1024xf32, #tpu.memory_space<hbm>> -> memref<16x1024xf32, #tpu.memory_space<hbm>>
      tpu.wait_dma2 semaphore(%arg19 : memref<!tpu.dma_semaphore, #tpu.memory_space<semaphore_mem>>) src(%dma_wait3A_2450 : memref<16x1024xf32, #tpu.memory_space<hbm>>) dst(%arg16 : memref<16x1024xf32, #tpu.memory_space<vmem>>)
      %get3A_2451 = arith.constant 160 : index
      %get3A_2452 = tpu.vector_load %arg9[%get3A_2451] {strides = array<i32>} : memref<256xi32, #tpu.memory_space<vmem>>, vector<16xi32>,
      %dma_start3A_2453 = arith.constant 0 : i32
      %dma_start3A_2454 = arith.constant 0 : i32
      %dma_start3A_2455 = tpu.memref_slice %arg4[%dma_start3A_2453, %dma_start3A_2454] : memref<6144x1024xf32, #tpu.memory_space<hbm>> -> memref<6144x1024xf32, #tpu.memory_space<hbm>>
      tpu.enqueue_indirect_dma source(%arg16 : memref<16x1024xf32, #tpu.memory_space<vmem>>) target(%dma_start3A_2455 : memref<6144x1024xf32, #tpu.memory_space<hbm>>) offsets(%get3A_2452 : vector<16xi32>) semaphore(%arg19 : memref<!tpu.dma_semaphore, #tpu.memory_space<semaphore_mem>>)
      %dma_wait3A_2456 = arith.constant 0 : i32
      %dma_wait3A_2457 = arith.constant 0 : i32
      %dma_wait3A_2458 = tpu.memref_slice %arg4[%dma_wait3A_2456, %dma_wait3A_2457] : memref<6144x1024xf32, #tpu.memory_space<hbm>> -> memref<6144x1024xf32, #tpu.memory_space<hbm>>
      tpu.wait_indirect_dma semaphore(%arg19 : memref<!tpu.dma_semaphore, #tpu.memory_space<semaphore_mem>>) src(%arg16 : memref<16x1024xf32, #tpu.memory_space<vmem>>) dst(%dma_wait3A_2458 : memref<6144x1024xf32, #tpu.memory_space<hbm>>)
      %add3A_2459 = arith.constant 128 : i32
      %add3A_2460 = arith.addi %mul3A_0, %add3A_2459 : i32
      %add3A_2461 = arith.constant 64 : i32
      %add3A_2462 = arith.addi %add3A_2460, %add3A_2461 : i32
      %dma_start3A_2463 = arith.constant 0 : i32
      %dma_start3A_2464 = tpu.memref_slice %arg3[%add3A_2462, %dma_start3A_2463] : memref<4096x1024xf32, #tpu.memory_space<hbm>> -> memref<16x1024xf32, #tpu.memory_space<hbm>>
      %dma_start3A_2465 = arith.constant 0 : i32
      %dma_start3A_2466 = tpu.memref_slice %arg3[%add3A_2462, %dma_start3A_2465] : memref<4096x1024xf32, #tpu.memory_space<hbm>> -> memref<16x1024xf32, #tpu.memory_space<hbm>>
      tpu.enqueue_dma source(%dma_start3A_2466 : memref<16x1024xf32, #tpu.memory_space<hbm>>) target(%arg16 : memref<16x1024xf32, #tpu.memory_space<vmem>>) target_semaphore(%arg19 : memref<!tpu.dma_semaphore, #tpu.memory_space<semaphore_mem>>)
      %dma_wait3A_2467 = arith.constant 0 : i32
      %dma_wait3A_2468 = tpu.memref_slice %arg3[%add3A_2442, %dma_wait3A_2467] : memref<4096x1024xf32, #tpu.memory_space<hbm>> -> memref<16x1024xf32, #tpu.memory_space<hbm>>
      %dma_wait3A_2469 = arith.constant 0 : i32
      %dma_wait3A_2470 = tpu.memref_slice %arg3[%add3A_2442, %dma_wait3A_2469] : memref<4096x1024xf32, #tpu.memory_space<hbm>> -> memref<16x1024xf32, #tpu.memory_space<hbm>>
      tpu.wait_dma2 semaphore(%arg20 : memref<!tpu.dma_semaphore, #tpu.memory_space<semaphore_mem>>) src(%dma_wait3A_2470 : memref<16x1024xf32, #tpu.memory_space<hbm>>) dst(%arg17 : memref<16x1024xf32, #tpu.memory_space<vmem>>)
      %get3A_2471 = arith.constant 176 : index
      %get3A_2472 = tpu.vector_load %arg9[%get3A_2471] {strides = array<i32>} : memref<256xi32, #tpu.memory_space<vmem>>, vector<16xi32>,
      %dma_start3A_2473 = arith.constant 0 : i32
      %dma_start3A_2474 = arith.constant 0 : i32
      %dma_start3A_2475 = tpu.memref_slice %arg4[%dma_start3A_2473, %dma_start3A_2474] : memref<6144x1024xf32, #tpu.memory_space<hbm>> -> memref<6144x1024xf32, #tpu.memory_space<hbm>>
      tpu.enqueue_indirect_dma source(%arg17 : memref<16x1024xf32, #tpu.memory_space<vmem>>) target(%dma_start3A_2475 : memref<6144x1024xf32, #tpu.memory_space<hbm>>) offsets(%get3A_2472 : vector<16xi32>) semaphore(%arg20 : memref<!tpu.dma_semaphore, #tpu.memory_space<semaphore_mem>>)
      %dma_wait3A_2476 = arith.constant 0 : i32
      %dma_wait3A_2477 = arith.constant 0 : i32
      %dma_wait3A_2478 = tpu.memref_slice %arg4[%dma_wait3A_2476, %dma_wait3A_2477] : memref<6144x1024xf32, #tpu.memory_space<hbm>> -> memref<6144x1024xf32, #tpu.memory_space<hbm>>
      tpu.wait_indirect_dma semaphore(%arg20 : memref<!tpu.dma_semaphore, #tpu.memory_space<semaphore_mem>>) src(%arg17 : memref<16x1024xf32, #tpu.memory_space<vmem>>) dst(%dma_wait3A_2478 : memref<6144x1024xf32, #tpu.memory_space<hbm>>)
      %add3A_2479 = arith.constant 128 : i32
      %add3A_2480 = arith.addi %mul3A_0, %add3A_2479 : i32
      %add3A_2481 = arith.constant 80 : i32
      %add3A_2482 = arith.addi %add3A_2480, %add3A_2481 : i32
      %dma_start3A_2483 = arith.constant 0 : i32
      %dma_start3A_2484 = tpu.memref_slice %arg3[%add3A_2482, %dma_start3A_2483] : memref<4096x1024xf32, #tpu.memory_space<hbm>> -> memref<16x1024xf32, #tpu.memory_space<hbm>>
      %dma_start3A_2485 = arith.constant 0 : i32
      %dma_start3A_2486 = tpu.memref_slice %arg3[%add3A_2482, %dma_start3A_2485] : memref<4096x1024xf32, #tpu.memory_space<hbm>> -> memref<16x1024xf32, #tpu.memory_space<hbm>>
      tpu.enqueue_dma source(%dma_start3A_2486 : memref<16x1024xf32, #tpu.memory_space<hbm>>) target(%arg17 : memref<16x1024xf32, #tpu.memory_space<vmem>>) target_semaphore(%arg20 : memref<!tpu.dma_semaphore, #tpu.memory_space<semaphore_mem>>)
      %dma_wait3A_2487 = arith.constant 0 : i32
      %dma_wait3A_2488 = tpu.memref_slice %arg3[%add3A_2462, %dma_wait3A_2487] : memref<4096x1024xf32, #tpu.memory_space<hbm>> -> memref<16x1024xf32, #tpu.memory_space<hbm>>
      %dma_wait3A_2489 = arith.constant 0 : i32
      %dma_wait3A_2490 = tpu.memref_slice %arg3[%add3A_2462, %dma_wait3A_2489] : memref<4096x1024xf32, #tpu.memory_space<hbm>> -> memref<16x1024xf32, #tpu.memory_space<hbm>>
      tpu.wait_dma2 semaphore(%arg19 : memref<!tpu.dma_semaphore, #tpu.memory_space<semaphore_mem>>) src(%dma_wait3A_2490 : memref<16x1024xf32, #tpu.memory_space<hbm>>) dst(%arg16 : memref<16x1024xf32, #tpu.memory_space<vmem>>)
      %get3A_2491 = arith.constant 192 : index
      %get3A_2492 = tpu.vector_load %arg9[%get3A_2491] {strides = array<i32>} : memref<256xi32, #tpu.memory_space<vmem>>, vector<16xi32>,
      %dma_start3A_2493 = arith.constant 0 : i32
      %dma_start3A_2494 = arith.constant 0 : i32
      %dma_start3A_2495 = tpu.memref_slice %arg4[%dma_start3A_2493, %dma_start3A_2494] : memref<6144x1024xf32, #tpu.memory_space<hbm>> -> memref<6144x1024xf32, #tpu.memory_space<hbm>>
      tpu.enqueue_indirect_dma source(%arg16 : memref<16x1024xf32, #tpu.memory_space<vmem>>) target(%dma_start3A_2495 : memref<6144x1024xf32, #tpu.memory_space<hbm>>) offsets(%get3A_2492 : vector<16xi32>) semaphore(%arg19 : memref<!tpu.dma_semaphore, #tpu.memory_space<semaphore_mem>>)
      %dma_wait3A_2496 = arith.constant 0 : i32
      %dma_wait3A_2497 = arith.constant 0 : i32
      %dma_wait3A_2498 = tpu.memref_slice %arg4[%dma_wait3A_2496, %dma_wait3A_2497] : memref<6144x1024xf32, #tpu.memory_space<hbm>> -> memref<6144x1024xf32, #tpu.memory_space<hbm>>
      tpu.wait_indirect_dma semaphore(%arg19 : memref<!tpu.dma_semaphore, #tpu.memory_space<semaphore_mem>>) src(%arg16 : memref<16x1024xf32, #tpu.memory_space<vmem>>) dst(%dma_wait3A_2498 : memref<6144x1024xf32, #tpu.memory_space<hbm>>)
      %add3A_2499 = arith.constant 128 : i32
      %add3A_2500 = arith.addi %mul3A_0, %add3A_2499 : i32
      %add3A_2501 = arith.constant 96 : i32
      %add3A_2502 = arith.addi %add3A_2500, %add3A_2501 : i32
      %dma_start3A_2503 = arith.constant 0 : i32
      %dma_start3A_2504 = tpu.memref_slice %arg3[%add3A_2502, %dma_start3A_2503] : memref<4096x1024xf32, #tpu.memory_space<hbm>> -> memref<16x1024xf32, #tpu.memory_space<hbm>>
      %dma_start3A_2505 = arith.constant 0 : i32
      %dma_start3A_2506 = tpu.memref_slice %arg3[%add3A_2502, %dma_start3A_2505] : memref<4096x1024xf32, #tpu.memory_space<hbm>> -> memref<16x1024xf32, #tpu.memory_space<hbm>>
      tpu.enqueue_dma source(%dma_start3A_2506 : memref<16x1024xf32, #tpu.memory_space<hbm>>) target(%arg16 : memref<16x1024xf32, #tpu.memory_space<vmem>>) target_semaphore(%arg19 : memref<!tpu.dma_semaphore, #tpu.memory_space<semaphore_mem>>)
      %dma_wait3A_2507 = arith.constant 0 : i32
      %dma_wait3A_2508 = tpu.memref_slice %arg3[%add3A_2482, %dma_wait3A_2507] : memref<4096x1024xf32, #tpu.memory_space<hbm>> -> memref<16x1024xf32, #tpu.memory_space<hbm>>
      %dma_wait3A_2509 = arith.constant 0 : i32
      %dma_wait3A_2510 = tpu.memref_slice %arg3[%add3A_2482, %dma_wait3A_2509] : memref<4096x1024xf32, #tpu.memory_space<hbm>> -> memref<16x1024xf32, #tpu.memory_space<hbm>>
      tpu.wait_dma2 semaphore(%arg20 : memref<!tpu.dma_semaphore, #tpu.memory_space<semaphore_mem>>) src(%dma_wait3A_2510 : memref<16x1024xf32, #tpu.memory_space<hbm>>) dst(%arg17 : memref<16x1024xf32, #tpu.memory_space<vmem>>)
      %get3A_2511 = arith.constant 208 : index
      %get3A_2512 = tpu.vector_load %arg9[%get3A_2511] {strides = array<i32>} : memref<256xi32, #tpu.memory_space<vmem>>, vector<16xi32>,
      %dma_start3A_2513 = arith.constant 0 : i32
      %dma_start3A_2514 = arith.constant 0 : i32
      %dma_start3A_2515 = tpu.memref_slice %arg4[%dma_start3A_2513, %dma_start3A_2514] : memref<6144x1024xf32, #tpu.memory_space<hbm>> -> memref<6144x1024xf32, #tpu.memory_space<hbm>>
      tpu.enqueue_indirect_dma source(%arg17 : memref<16x1024xf32, #tpu.memory_space<vmem>>) target(%dma_start3A_2515 : memref<6144x1024xf32, #tpu.memory_space<hbm>>) offsets(%get3A_2512 : vector<16xi32>) semaphore(%arg20 : memref<!tpu.dma_semaphore, #tpu.memory_space<semaphore_mem>>)
      %dma_wait3A_2516 = arith.constant 0 : i32
      %dma_wait3A_2517 = arith.constant 0 : i32
      %dma_wait3A_2518 = tpu.memref_slice %arg4[%dma_wait3A_2516, %dma_wait3A_2517] : memref<6144x1024xf32, #tpu.memory_space<hbm>> -> memref<6144x1024xf32, #tpu.memory_space<hbm>>
      tpu.wait_indirect_dma semaphore(%arg20 : memref<!tpu.dma_semaphore, #tpu.memory_space<semaphore_mem>>) src(%arg17 : memref<16x1024xf32, #tpu.memory_space<vmem>>) dst(%dma_wait3A_2518 : memref<6144x1024xf32, #tpu.memory_space<hbm>>)
      %add3A_2519 = arith.constant 128 : i32
      %add3A_2520 = arith.addi %mul3A_0, %add3A_2519 : i32
      %add3A_2521 = arith.constant 112 : i32
      %add3A_2522 = arith.addi %add3A_2520, %add3A_2521 : i32
      %dma_start3A_2523 = arith.constant 0 : i32
      %dma_start3A_2524 = tpu.memref_slice %arg3[%add3A_2522, %dma_start3A_2523] : memref<4096x1024xf32, #tpu.memory_space<hbm>> -> memref<16x1024xf32, #tpu.memory_space<hbm>>
      %dma_start3A_2525 = arith.constant 0 : i32
      %dma_start3A_2526 = tpu.memref_slice %arg3[%add3A_2522, %dma_start3A_2525] : memref<4096x1024xf32, #tpu.memory_space<hbm>> -> memref<16x1024xf32, #tpu.memory_space<hbm>>
      tpu.enqueue_dma source(%dma_start3A_2526 : memref<16x1024xf32, #tpu.memory_space<hbm>>) target(%arg17 : memref<16x1024xf32, #tpu.memory_space<vmem>>) target_semaphore(%arg20 : memref<!tpu.dma_semaphore, #tpu.memory_space<semaphore_mem>>)
      %dma_wait3A_2527 = arith.constant 0 : i32
      %dma_wait3A_2528 = tpu.memref_slice %arg3[%add3A_2502, %dma_wait3A_2527] : memref<4096x1024xf32, #tpu.memory_space<hbm>> -> memref<16x1024xf32, #tpu.memory_space<hbm>>
      %dma_wait3A_2529 = arith.constant 0 : i32
      %dma_wait3A_2530 = tpu.memref_slice %arg3[%add3A_2502, %dma_wait3A_2529] : memref<4096x1024xf32, #tpu.memory_space<hbm>> -> memref<16x1024xf32, #tpu.memory_space<hbm>>
      tpu.wait_dma2 semaphore(%arg19 : memref<!tpu.dma_semaphore, #tpu.memory_space<semaphore_mem>>) src(%dma_wait3A_2530 : memref<16x1024xf32, #tpu.memory_space<hbm>>) dst(%arg16 : memref<16x1024xf32, #tpu.memory_space<vmem>>)
      %get3A_2531 = arith.constant 224 : index
      %get3A_2532 = tpu.vector_load %arg9[%get3A_2531] {strides = array<i32>} : memref<256xi32, #tpu.memory_space<vmem>>, vector<16xi32>,
      %dma_start3A_2533 = arith.constant 0 : i32
      %dma_start3A_2534 = arith.constant 0 : i32
      %dma_start3A_2535 = tpu.memref_slice %arg4[%dma_start3A_2533, %dma_start3A_2534] : memref<6144x1024xf32, #tpu.memory_space<hbm>> -> memref<6144x1024xf32, #tpu.memory_space<hbm>>
      tpu.enqueue_indirect_dma source(%arg16 : memref<16x1024xf32, #tpu.memory_space<vmem>>) target(%dma_start3A_2535 : memref<6144x1024xf32, #tpu.memory_space<hbm>>) offsets(%get3A_2532 : vector<16xi32>) semaphore(%arg19 : memref<!tpu.dma_semaphore, #tpu.memory_space<semaphore_mem>>)
      %dma_wait3A_2536 = arith.constant 0 : i32
      %dma_wait3A_2537 = arith.constant 0 : i32
      %dma_wait3A_2538 = tpu.memref_slice %arg4[%dma_wait3A_2536, %dma_wait3A_2537] : memref<6144x1024xf32, #tpu.memory_space<hbm>> -> memref<6144x1024xf32, #tpu.memory_space<hbm>>
      tpu.wait_indirect_dma semaphore(%arg19 : memref<!tpu.dma_semaphore, #tpu.memory_space<semaphore_mem>>) src(%arg16 : memref<16x1024xf32, #tpu.memory_space<vmem>>) dst(%dma_wait3A_2538 : memref<6144x1024xf32, #tpu.memory_space<hbm>>)
      %dma_wait3A_2539 = arith.constant 0 : i32
      %dma_wait3A_2540 = tpu.memref_slice %arg3[%add3A_2522, %dma_wait3A_2539] : memref<4096x1024xf32, #tpu.memory_space<hbm>> -> memref<16x1024xf32, #tpu.memory_space<hbm>>
      %dma_wait3A_2541 = arith.constant 0 : i32
      %dma_wait3A_2542 = tpu.memref_slice %arg3[%add3A_2522, %dma_wait3A_2541] : memref<4096x1024xf32, #tpu.memory_space<hbm>> -> memref<16x1024xf32, #tpu.memory_space<hbm>>
      tpu.wait_dma2 semaphore(%arg20 : memref<!tpu.dma_semaphore, #tpu.memory_space<semaphore_mem>>) src(%dma_wait3A_2542 : memref<16x1024xf32, #tpu.memory_space<hbm>>) dst(%arg17 : memref<16x1024xf32, #tpu.memory_space<vmem>>)
      %get3A_2543 = arith.constant 240 : index
      %get3A_2544 = tpu.vector_load %arg9[%get3A_2543] {strides = array<i32>} : memref<256xi32, #tpu.memory_space<vmem>>, vector<16xi32>,
      %dma_start3A_2545 = arith.constant 0 : i32
      %dma_start3A_2546 = arith.constant 0 : i32
      %dma_start3A_2547 = tpu.memref_slice %arg4[%dma_start3A_2545, %dma_start3A_2546] : memref<6144x1024xf32, #tpu.memory_space<hbm>> -> memref<6144x1024xf32, #tpu.memory_space<hbm>>
      tpu.enqueue_indirect_dma source(%arg17 : memref<16x1024xf32, #tpu.memory_space<vmem>>) target(%dma_start3A_2547 : memref<6144x1024xf32, #tpu.memory_space<hbm>>) offsets(%get3A_2544 : vector<16xi32>) semaphore(%arg20 : memref<!tpu.dma_semaphore, #tpu.memory_space<semaphore_mem>>)
      %dma_wait3A_2548 = arith.constant 0 : i32
      %dma_wait3A_2549 = arith.constant 0 : i32
      %dma_wait3A_2550 = tpu.memref_slice %arg4[%dma_wait3A_2548, %dma_wait3A_2549] : memref<6144x1024xf32, #tpu.memory_space<hbm>> -> memref<6144x1024xf32, #tpu.memory_space<hbm>>
      tpu.wait_indirect_dma semaphore(%arg20 : memref<!tpu.dma_semaphore, #tpu.memory_space<semaphore_mem>>) src(%arg17 : memref<16x1024xf32, #tpu.memory_space<vmem>>) dst(%dma_wait3A_2550 : memref<6144x1024xf32, #tpu.memory_space<hbm>>)
    } else {
    }
    return
  }
}

module attributes {stable_mosaic.version = 14 : i64} {
  func.func @_mm_body(%arg0: i32, %arg1: memref<32xi32, #tpu.memory_space<smem>>, %arg2: memref<256x1024xf32, #tpu.memory_space<vmem>>, %arg3: memref<1x1000x1024xf32, #tpu.memory_space<vmem>>, %arg4: memref<1x1x1000xf32, #tpu.memory_space<vmem>>, %arg5: memref<256x512xi32, #tpu.memory_space<vmem>>) attributes {dimension_semantics = [#tpu.dimension_semantics<arbitrary>], iteration_bounds = array<i64: 24>, scalar_prefetch = 1 : i64, scratch_operands = 0 : i64, tpu.core_type = #tpu.core_type<tc>, window_params = [{transform_indices = @transform_0, window_bounds = array<i64: 256, 1024>}, {transform_indices = @transform_1, window_bounds = array<i64: 1, 1000, 1024>}, {transform_indices = @transform_2, window_bounds = array<i64: 1, 1, 1000>}, {transform_indices = @transform_3, window_bounds = array<i64: 256, 512>}]} {
    %get3A = arith.constant 31 : index
    %get3A_0 = memref.load %arg1[%get3A] : memref<32xi32, #tpu.memory_space<smem>>
    %lt3A = arith.cmpi slt, %arg0, %get3A_0 : i32
    %convert_element_type3A = arith.extui %lt3A : i1 to i32
    %cond3A = arith.constant 0 : i32
    %cond3A_1 = arith.cmpi ne, %convert_element_type3A, %cond3A : i32
    scf.if %cond3A_1 {
      %get3A_2 = arith.constant 0 : index
      %get3A_3 = arith.constant 0 : index
      %get3A_4 = vector.load %arg2[%get3A_2, %get3A_3] : memref<256x1024xf32, #tpu.memory_space<vmem>>, vector<256x1024xf32>
      %convert_element_type3A_5 = arith.truncf %get3A_4 : vector<256x1024xf32> to vector<256x1024xbf16>
      %get3A_6 = arith.constant 0 : index
      %get3A_7 = arith.constant 0 : index
      %get3A_8 = arith.constant 0 : index
      %get3A_9 = vector.load %arg3[%get3A_6, %get3A_7, %get3A_8] : memref<1x1000x1024xf32, #tpu.memory_space<vmem>>, vector<1x1000x1024xf32>
      %get3A_10 = vector.shape_cast %get3A_9 : vector<1x1000x1024xf32> to vector<1000x1024xf32>
      %convert_element_type3A_11 = arith.truncf %get3A_10 : vector<1000x1024xf32> to vector<1000x1024xbf16>
      %dot_general3A = arith.constant dense<0.000000e+00> : vector<256x1000xf32>
      %dot_general3A_12 = tpu.matmul %convert_element_type3A_5, %convert_element_type3A_11, %dot_general3A {dimension_numbers = #tpu.dot_dimension_numbers<[1], [1], [0], [0], [0, 0, 1, 0], [], []>, transpose_lhs_hint = false} : vector<256x1024xbf16>, vector<1000x1024xbf16>, vector<256x1000xf32> -> vector<256x1000xf32>
      %get3A_13 = arith.constant 0 : index
      %get3A_14 = arith.constant 0 : index
      %get3A_15 = arith.constant 0 : index
      %get3A_16 = vector.load %arg4[%get3A_13, %get3A_14, %get3A_15] : memref<1x1x1000xf32, #tpu.memory_space<vmem>>, vector<1x1x1000xf32>
      %get3A_17 = vector.shape_cast %get3A_16 : vector<1x1x1000xf32> to vector<1x1000xf32>
      %add3A = vector.broadcast %get3A_17 : vector<1x1000xf32> to vector<256x1000xf32>
      %add3A_18 = arith.addf %dot_general3A_12, %add3A : vector<256x1000xf32>
      %broadcast_in_dim3A = arith.constant 0.000000e+00 : f32
      %broadcast_in_dim3A_19 = vector.broadcast %broadcast_in_dim3A : f32 to vector<256x24xf32>
      %concatenate3A = tpu.concatenate %add3A_18, %broadcast_in_dim3A_19 in 1 : vector<256x1000xf32>, vector<256x24xf32> -> vector<256x1024xf32>
      %convert_element_type3A_20 = arith.truncf %concatenate3A : vector<256x1024xf32> to vector<256x1024xbf16>
      %slice3A = vector.extract_strided_slice %convert_element_type3A_20 {offsets = [0, 0], sizes = [256, 512], strides = [1, 1]} : vector<256x1024xbf16> to vector<256x512xbf16>
      %bitcast_convert_type3A = tpu.bitcast %slice3A : vector<256x512xbf16> -> vector<256x512xi16>
      %convert_element_type3A_21 = arith.extui %bitcast_convert_type3A : vector<256x512xi16> to vector<256x512xi32>
      %slice3A_22 = vector.extract_strided_slice %convert_element_type3A_20 {offsets = [0, 512], sizes = [256, 512], strides = [1, 1]} : vector<256x1024xbf16> to vector<256x512xbf16>
      %bitcast_convert_type3A_23 = tpu.bitcast %slice3A_22 : vector<256x512xbf16> -> vector<256x512xi16>
      %convert_element_type3A_24 = arith.extui %bitcast_convert_type3A_23 : vector<256x512xi16> to vector<256x512xi32>
      %shift_left3A = arith.constant 16 : i32
      %shift_left3A_25 = vector.broadcast %shift_left3A : i32 to vector<256x512xi32>
      %shift_left3A_26 = arith.shli %convert_element_type3A_24, %shift_left3A_25 : vector<256x512xi32>
      %or3A = arith.ori %convert_element_type3A_21, %shift_left3A_26 : vector<256x512xi32>
      %swap3A = arith.constant 0 : index
      %swap3A_27 = arith.constant 0 : index
      %swap3A_28 = vector.load %arg5[%swap3A, %swap3A_27] : memref<256x512xi32, #tpu.memory_space<vmem>>, vector<256x512xi32>
      tpu.vector_store %arg5[%swap3A, %swap3A_27], %or3A {strides = array<i32>} : memref<256x512xi32, #tpu.memory_space<vmem>>, vector<256x512xi32>,
    } else {
    }
    return
  }
  func.func @transform_0(%arg0: i32, %arg1: memref<32xi32, #tpu.memory_space<smem>>) -> (i32, i32) {
    %c0_i32 = arith.constant 0 : i32
    %c0_i32_0 = arith.constant 0 : i32
    return %arg0, %c0_i32 : i32, i32
  }
  func.func @transform_1(%arg0: i32, %arg1: memref<32xi32, #tpu.memory_space<smem>>) -> (i32, i32, i32) {
    %get3A = arith.index_cast %arg0 : i32 to index
    %get3A_0 = memref.load %arg1[%get3A] : memref<32xi32, #tpu.memory_space<smem>>
    %c0_i32 = arith.constant 0 : i32
    %c0_i32_1 = arith.constant 0 : i32
    %c0_i32_2 = arith.constant 0 : i32
    return %get3A_0, %c0_i32, %c0_i32_1 : i32, i32, i32
  }
  func.func @transform_2(%arg0: i32, %arg1: memref<32xi32, #tpu.memory_space<smem>>) -> (i32, i32, i32) {
    %get3A = arith.index_cast %arg0 : i32 to index
    %get3A_0 = memref.load %arg1[%get3A] : memref<32xi32, #tpu.memory_space<smem>>
    %c0_i32 = arith.constant 0 : i32
    %c0_i32_1 = arith.constant 0 : i32
    %c0_i32_2 = arith.constant 0 : i32
    return %get3A_0, %c0_i32, %c0_i32_1 : i32, i32, i32
  }
  func.func @transform_3(%arg0: i32, %arg1: memref<32xi32, #tpu.memory_space<smem>>) -> (i32, i32) {
    %c0_i32 = arith.constant 0 : i32
    %c0_i32_0 = arith.constant 0 : i32
    return %arg0, %c0_i32 : i32, i32
  }
}

module attributes {stable_mosaic.version = 14 : i64} {
  func.func @_trim_body(%arg0: i32, %arg1: memref<2048x512xi32, #tpu.memory_space<vmem>>, %arg2: memref<2048x1000xf32, #tpu.memory_space<vmem>>) attributes {dimension_semantics = [#tpu.dimension_semantics<arbitrary>], iteration_bounds = array<i64: 2>, scalar_prefetch = 0 : i64, scratch_operands = 0 : i64, tpu.core_type = #tpu.core_type<tc>, window_params = [{transform_indices = @transform_0, window_bounds = array<i64: 2048, 512>}, {transform_indices = @transform_1, window_bounds = array<i64: 2048, 1000>}]} {
    %get3A = arith.constant 0 : index
    %get3A_0 = arith.constant 0 : index
    %get3A_1 = vector.load %arg1[%get3A, %get3A_0] : memref<2048x512xi32, #tpu.memory_space<vmem>>, vector<2048x512xi32>
    %and3A = arith.constant 65535 : i32
    %and3A_2 = vector.broadcast %and3A : i32 to vector<2048x512xi32>
    %and3A_3 = arith.andi %get3A_1, %and3A_2 : vector<2048x512xi32>
    %convert_element_type3A = arith.trunci %and3A_3 : vector<2048x512xi32> to vector<2048x512xi16>
    %bitcast_convert_type3A = tpu.bitcast %convert_element_type3A : vector<2048x512xi16> -> vector<2048x512xbf16>
    %shift_right_logical3A = arith.constant 16 : i32
    %shift_right_logical3A_4 = vector.broadcast %shift_right_logical3A : i32 to vector<2048x512xi32>
    %shift_right_logical3A_5 = arith.shrui %get3A_1, %shift_right_logical3A_4 : vector<2048x512xi32>
    %convert_element_type3A_6 = arith.trunci %shift_right_logical3A_5 : vector<2048x512xi32> to vector<2048x512xi16>
    %bitcast_convert_type3A_7 = tpu.bitcast %convert_element_type3A_6 : vector<2048x512xi16> -> vector<2048x512xbf16>
    %concatenate3A = tpu.concatenate %bitcast_convert_type3A, %bitcast_convert_type3A_7 in 1 : vector<2048x512xbf16>, vector<2048x512xbf16> -> vector<2048x1024xbf16>
    %convert_element_type3A_8 = arith.extf %concatenate3A : vector<2048x1024xbf16> to vector<2048x1024xf32>
    %slice3A = vector.extract_strided_slice %convert_element_type3A_8 {offsets = [0, 0], sizes = [2048, 1000], strides = [1, 1]} : vector<2048x1024xf32> to vector<2048x1000xf32>
    %swap3A = arith.constant 0 : index
    %swap3A_9 = arith.constant 0 : index
    %swap3A_10 = vector.load %arg2[%swap3A, %swap3A_9] : memref<2048x1000xf32, #tpu.memory_space<vmem>>, vector<2048x1000xf32>
    tpu.vector_store %arg2[%swap3A, %swap3A_9], %slice3A {strides = array<i32>} : memref<2048x1000xf32, #tpu.memory_space<vmem>>, vector<2048x1000xf32>,
    return
  }
  func.func @transform_0(%arg0: i32) -> (i32, i32) {
    %c0_i32 = arith.constant 0 : i32
    %c0_i32_0 = arith.constant 0 : i32
    return %arg0, %c0_i32 : i32, i32
  }
  func.func @transform_1(%arg0: i32) -> (i32, i32) {
    %c0_i32 = arith.constant 0 : i32
    %c0_i32_0 = arith.constant 0 : i32
    return %arg0, %c0_i32 : i32, i32
  }
}

</mosaic_0001>

<sc_bundles>
// kernel: kernel.6.cloned.1.call-start
scs
__scs_entry_jumppad:
0x0: {  	(pc) =	sbr.rel $0x88, $3  }
0x1: {  	(tag) =	ssettag $0x0;
	lr =	simm.s32 $0x1  }
0x2: {  	[smem:$0x3F9D] =	sst lr;
	_ =	strace $0xD0000000  }
0x3: {  	_ = 	snop  }
0x4: {  	_ = 	snop  }
0x5: {  	_ = 	snop  }
0x6: {  	_ = 	snop  }
0x7: {  	_ = 	snop  }
__scs_overlays_trampoline_lowered:
0x8: {  	[smem:$0x3FAC] =	sst s0  }
0x9: {  	[smem:$0x3FAD] =	sst s1  }
0xa: {  	[smem:$0x3FAE] =	sst s2  }
0xb: {  	[smem:$0x3FAF] =	sst s3  }
0xc: {  	[smem:$0x3FB0] =	sst s4  }
0xd: {  	[smem:$0x3FB1] =	sst s5  }
0xe: {  	[smem:$0x3FB2] =	sst s6  }
0xf: {  	[smem:$0x3FB3] =	sst s7  }
0x10: {  	[smem:$0x3FB4] =	sst s8  }
0x11: {  	[smem:$0x3FB5] =	sst s9;
	s0 =	simm.s32 @!p0 $0x0  }
0x12: {  	s1 =	sld [smem:$0x3F9B];
	s0 =	simm.s32 @p0 $0x1  }
0x13: {  	[smem:$0x3FB6] =	sst s0;
	s0 =	simm.s32 @!p1 $0x0  }
0x14: {  	s2 =	sld [smem:$0x3F9A];
	s0 =	simm.s32 @p1 $0x1  }
0x15: {  	[smem:$0x3FB7] =	sst s0;
	s0 =	simm.s32 @!p2 $0x0  }
0x16: {  	s3 =	sld [smem:$0x3FDB];
	s0 =	simm.s32 @p2 $0x1  }
0x17: {  	s4 =	simm.s32 $0x1BF5;
	[smem:$0x3FB9] =	sst s0  }
0x18: {  	s0 =	sld [smem:$0x3F9C];
	_ =	swait.ge [sflag:s4], $0x0  }
0x19: {  	s7 =	sld [smem:$0x3F9D]  }
0x1a: {  	s8 =	sadd.s32 $0xFFFFE003, lr  }
0x1b: {  	s9 =	sadd.s32 $0xFFFFFEF7, lr;
	s5 =	simm.s32 $0xFFFFFFFF;
	p2 =	slt.u32 s8, $0xFFFFF086  }
0x1c: {  	p1 =	slt.u32 s9, $0xF7A;
	s5 =	simm.s32 @!p2 $0x0  }
0x1d: {  	s5 =	simm.s32 @p1 $0x1;
	p0 =	seq.s32 s7, s2  }
0x1e: {  	s7 =	smul.u32 @!p0 $0xF7A, s2;
	p2 =	seq.s32 @!p0 s5, $0x0  }
0x1f: {  	s9 =	smul.u32 $0xF7A, s1;
	s8 =	simm.s32 @!p0 $0x1BF5;
	p2 =	por !p2, p0  }
0x20: {  	[sflag:s8] =	ssyncset.s32 @!p0 $0xFFFFF086;
	s6 =	sadd.s32 @!p0 s3, s7;
	s7 =	simm.s32 @!p0 $0x108  }
0x21: {  	s3 =	sadd.s32 s3, s9;
	s6 =	sadd.s32 @!p0 $0x88, s6;
	s7 =	simm.s32 @p2 $0x1082  }
0x22: {  	[simem:s7], [sflag:s8] =	dma.local @!p0 [hbm:s6], $0xF7A  }
0x23: {  	s9 =	sor.u32 $0xD0000000, s2;
	s6 =	simm.s32 $0x108;
	_ =	swait.ge @!p0 [sflag:s8], $0x0  }
0x24: {  	s3 =	sadd.s32 $0x88, s3;
	s6 =	simm.s32 @!p1 $0x1082;
	[sflag:s4] =	ssyncset.s32 $0xFFFFF086  }
0x25: {  	[simem:s6], [sflag:s4] =	dma.local [hbm:s3], $0xF7A  }
0x26: {  	[smem:$0x3F9D] =	sst s1;
	(tag) =	ssettag s2;
	_ =	strace s9  }
0x27: {  	s1 =	sld [smem:$0x3FAD]  }
0x28: {  	s2 =	sld [smem:$0x3FAE]  }
0x29: {  	s4 =	sld [smem:$0x3FB0]  }
0x2a: {  	p0 =	seq.s32 s5, $0x0;
	s5 =	sld [smem:$0x3FB1]  }
0x2b: {  	s6 =	sld [smem:$0x3FB2]  }
0x2c: {  	s7 =	sld [smem:$0x3FB3]  }
0x2d: {  	s3 =	simm.s32 $0x108;
	s8 =	sld [smem:$0x3FB4]  }
0x2e: {  	s3 =	simm.s32 @!p0 $0x1082;
	s9 =	sld [smem:$0x3FB5]  }
0x2f: {  	lr =	sadd.s32 s0, s3;
	s0 =	sld [smem:$0x3FAC]  }
0x30: {  	s3 =	sld [smem:$0x3FAF]  }
0x31: {  	[smem:$0x3FB8] =	sst s10  }
0x32: {  	s10 =	sld [smem:$0x3FB6];
	_ =	sdelay $0x3  }
0x33: {  	p0 =	seq.s32 s10, $0x1;
	s10 =	sld [smem:$0x3FB8];
	_ =	sdelay $0x3  }
0x34: {  	[smem:$0x3FB8] =	sst s10  }
0x35: {  	s10 =	sld [smem:$0x3FB7];
	_ =	sdelay $0x3  }
0x36: {  	p1 =	seq.s32 s10, $0x1;
	s10 =	sld [smem:$0x3FB8];
	_ =	sdelay $0x3  }
0x37: {  	[smem:$0x3FB8] =	sst s10  }
0x38: {  	s10 =	sld [smem:$0x3FB9]  }
0x39: {  	_ = 	snop;
	(pc) =	sbr.ind lr, $3  }
0x3a: {  	_ = 	snop  }
0x3b: {  	_ = 	snop  }
0x3c: {  	p2 =	seq.s32 s10, $0x1;
	s10 =	sld [smem:$0x3FB8]  }
0x3d: {  	_ =	shalt  }
0x3e: {  	_ =	shalt  }
0x3f: {  	_ =	shalt  }
0x40: {  	_ =	shalt  }
0x41: {  	_ =	shalt  }
0x42: {  	_ =	shalt  }
0x43: {  	_ =	shalt  }
0x44: {  	_ =	shalt  }
0x45: {  	_ =	shalt  }
0x46: {  	_ =	shalt  }
0x47: {  	_ =	shalt  }
0x48: {  	_ =	shalt  }
0x49: {  	_ =	shalt  }
0x4a: {  	_ =	shalt  }
0x4b: {  	_ =	shalt  }
0x4c: {  	_ =	shalt  }
0x4d: {  	_ =	shalt  }
0x4e: {  	_ =	shalt  }
0x4f: {  	_ =	shalt  }
0x50: {  	_ =	shalt  }
0x51: {  	_ =	shalt  }
0x52: {  	_ =	shalt  }
0x53: {  	_ =	shalt  }
0x54: {  	_ =	shalt  }
0x55: {  	_ =	shalt  }
0x56: {  	_ =	shalt  }
0x57: {  	_ =	shalt  }
0x58: {  	_ =	shalt  }
0x59: {  	_ =	shalt  }
0x5a: {  	_ =	shalt  }
0x5b: {  	_ =	shalt  }
0x5c: {  	_ =	shalt  }
0x5d: {  	_ =	shalt  }
0x5e: {  	_ =	shalt  }
0x5f: {  	_ =	shalt  }
0x60: {  	_ =	shalt  }
0x61: {  	_ =	shalt  }
0x62: {  	_ =	shalt  }
0x63: {  	_ =	shalt  }
0x64: {  	_ =	shalt  }
0x65: {  	_ =	shalt  }
0x66: {  	_ =	shalt  }
0x67: {  	_ =	shalt  }
0x68: {  	_ =	shalt  }
0x69: {  	_ =	shalt  }
0x6a: {  	_ =	shalt  }
0x6b: {  	_ =	shalt  }
0x6c: {  	_ =	shalt  }
0x6d: {  	_ =	shalt  }
0x6e: {  	_ =	shalt  }
0x6f: {  	_ =	shalt  }
0x70: {  	_ =	shalt  }
0x71: {  	_ =	shalt  }
0x72: {  	_ =	shalt  }
0x73: {  	_ =	shalt  }
0x74: {  	_ =	shalt  }
0x75: {  	_ =	shalt  }
0x76: {  	_ =	shalt  }
0x77: {  	_ =	shalt  }
0x78: {  	_ =	shalt  }
0x79: {  	_ =	shalt  }
0x7a: {  	_ =	shalt  }
0x7b: {  	_ =	shalt  }
0x7c: {  	_ =	shalt  }
0x7d: {  	_ =	shalt  }
0x7e: {  	_ =	shalt  }
0x7f: {  	_ =	shalt  }
0x80: {  	_ =	shalt  }
0x81: {  	_ =	shalt  }
0x82: {  	_ =	shalt  }
0x83: {  	_ =	shalt  }
0x84: {  	_ =	shalt  }
0x85: {  	_ =	shalt  }
0x86: {  	_ =	shalt  }
0x87: {  	_ =	shalt  }
.Lfunc_end0:
.L_simem_size_0:
called_computation_lowered:
.L_overlay_start_0:
0x88: {  	s2 =	sld [smem:$0x3FD9]  }
0x89: {  	s3 =	sld [smem:$0x3FFE];
	_ =	sdelay $0x1  }
0x8a: {  	s1 =	srdreg.scid  }
0x8b: {  	s0 =	sand.u32 $0x1, s1  }
0x8c: {  	s17 =	sshll.u32 s0, $0xA;
	s2 =	sadd.s32 s3, s2  }
0x8d: {  	s2 =	sadd.s32 s2, s17  }
0x8e: {  	[smem:$0x3FC4] =	sst s2  }
0x8f: {  	_ = 	snop  }
0x90: {  	s2 =	sld [smem:$0x3FC9]  }
0x91: {  	s18 =	sld [smem:$0x3FC8]  }
0x92: {  	s4 =	sld [smem:$0x3FD0];
	(tm) =	ssettm $0x1  }
0x93: {  	s5 =	sld [smem:$0x3FFB];
	_ =	sdelay $0x3  }
0x94: {  	_ =	strace s5  }
0x95: {  	s5 =	sld [smem:$0x3FFC];
	_ =	sdelay $0x3  }
0x96: {  	_ =	strace s5  }
0x97: {  	s5 =	sld [smem:$0x3FFD];
	_ =	sdelay $0x3  }
0x98: {  	_ =	strace s5  }
0x99: {  	_ =	strace $0x8FFFFFFF  }
0x9a: {  	s19 =	sld [smem:$0x3FDB];
	_ =	sdelay $0x1  }
0x9b: {  	s6 =	simm.s32 $_scs_section_size  }
0x9c: {  	s7 =	simm.s32 $_size__tile_overlayer_lowered;
	s8 =	simm.s32 $_tile_overlayer_lowered  }
0x9d: {  	s22 =	simm.s32 $0x1BFF;
	s21 =	sshll.u32 s8, $0x1;
	s5 =	sadd.s32 s6, s19  }
0x9e: {  	s9 =	simm.s32 $0x0;
	s20 =	sshll.u32 s7, $0x1;
	s7 =	sadd.s32 s21, s5  }
0x9f: {  	[timem:s9], [sflag:s22] =	dma.local [hbm:s7], s20  }
0xa0: {  	_ =	swait.ge [sflag:s22], s20  }
0xa1: {  	s6 =	ssub.s32 $0x0, s20;
	[sflag:s22] =	ssyncset.done $0x0  }
0xa2: {  	[sflag:s22] =	ssyncadd.s32 s6;
	_ =	sdelay $0x1  }
0xa3: {  	s23 =	simm.s32 $0x1B8B  }
0xa4: {  	_ =	swait.ge [sflag:s23], $0x1  }
0xa5: {  	[sflag:s23] =	ssyncset.done $0x0  }
0xa6: {  	s25 =	simm.s32 $0x1B8E;
	s24 =	sld [smem:$0x3FFE];
	[sflag:s23] =	ssyncadd.s32 $0xFFFFFFFF  }
0xa7: {  	s26 =	simm.s32 $execute0_lowered;
	[smem:$0x3FD2] =	sst s25  }
0xa8: {  	s7 =	sshll.u32 s26, $0x1;
	_ =	strace $0x80000046;
	[dreg:$0x1] =	wrdreg $0xFFFFFFFF  }
0xa9: {  	s28 =	simm.s32 $_size_execute0_lowered;
	s5 =	sadd.s32 s5, s7;
	[dreg:$0x0] =	wrdreg $0x0  }
0xaa: {  	s7 =	sshll.u32 s28, $0x1;
	[dreg:$0x2] =	wrdreg s5  }
0xab: {  	[dreg:$0x3] =	wrdreg s7  }
0xac: {  	[dreg:$0x4] =	wrdreg $0xC0  }
0xad: {  	_ =	task [dreg:s9], $0x5FFFF  }
0xae: {  	[dreg:$0x1] =	wrdreg $0xFFFFFFFF  }
0xaf: {  	[dreg:$0x0] =	wrdreg $0x60  }
0xb0: {  	[dreg:$0x2] =	wrdreg s18  }
0xb1: {  	[dreg:$0x3] =	wrdreg s2  }
0xb2: {  	[dreg:$0x4] =	wrdreg s24  }
0xb3: {  	[dreg:$0x5] =	wrdreg s4  }
0xb4: {  	[dreg:$0x6] =	wrdreg $0x86800  }
0xb5: {  	[dreg:$0x7] =	wrdreg $0x9  }
0xb6: {  	_ =	task.clear_ibuf [dreg:s9], $0x8FFFF;
	_ =	strace $0x90000046  }
0xb7: {  	s29 =	simm.s32 $0x9;
	_ =	strace $0x80000048  }
0xb8: {  	_ =	swait.ge [sflag:s29], $0x1  }
0xb9: {  	[sflag:s29] =	ssyncadd.s32 $0xFFFFFFFF  }
0xba: {  	_ =	strace $0x90000048  }
0xbb: {  	_ =	sfence  }
0xbc: {  	s30 =	sld [smem:$0x0];
	_ =	sdelay $0x2  }
0xbd: {  	s31 =	sshll.u32 s1, $0xD;
	s1 =	sshrl.u32 s1, $0x2  }
0xbe: {  	s3 =	sand.u32 $0x4000, s31;
	s1 =	sadd.s32 s1, s30  }
0xbf: {  	s0 =	sor.u32 s3, s0;
	s1 =	sshll.u32 s1, $0x11  }
0xc0: {  	s0 =	sor.u32 s1, s0  }
0xc1: {  	s0 =	sadd.s32 $0x8F2B, s0  }
0xc2: {  	[sflag:s0] =	ssyncadd.remote.s32 $0x1  }
0xc3: {  	_ =	sfence.sel $0xFFFF  }
0xc4: {  	[dreg:$0x0] =	wrdreg $0xFFFFFFFF;
	(pc) =	sbr.abs _section_cstart, $3  }
0xc5: {  	[dreg:$0x1] =	wrdreg $0xFFFFFFFF  }
0xc6: {  	_ =	task.clear_ibuf [dreg:s9], $0x2FFFF;
	_ =	strace $0x9FFFFFFF  }
0xc7: {  	(tm) =	ssettm $0x7FFFFFFF  }
tec
execute0_lowered:
.L_overlay_start_1:
0x0: {  	(tag) =	ssettag $0x1  }
0x1: {  	s0 =	rddreg [dreg:$0x0]  }
0x2: {  	s1 =	rddreg [dreg:$0x1]  }
0x3: {  	s2 =	rddreg [dreg:$0x2]  }
0x4: {  	s12 =	rddreg [dreg:$0x4];
	s4 =	srdreg.scid;
	s3 =	simm.s32 $0x0  }
0x5: {  	s15 =	stileid.u32;
	s31 =	simm.s32 $0x3;
	s28 =	simm.s32 $0x7680  }
0x6: {  	s29 =	simm.s32 $0x7E80;
	s4 =	sand.u32 $0x1, s4;
	[smem:$0x7FF] =	sst s3  }
0x7: {  	s5 =	sadd.s32 $0x1400, s2;
	s8 =	sadd.s32 $0xC1400, s2;
	s10 =	sshll.u32 s15, $0x8  }
0x8: {  	s11 =	sshll.u32 s15, $0x5;
	s21 =	sshll.u32 s15, $0x4;
	s13 =	sshll.u32 s15, $0xF  }
0x9: {  	s14 =	sadd.s32 $0x1700, s2;
	s6 =	ssub.s32 $0x2, s4;
	_ =	strace $0x80000047  }
0xa: {  	s0 =	sadd.s32 s0, s11;
	s22 =	sor.u32 $0x80, s10;
	s23 =	sor.u32 s15, s4  }
0xb: {  	s19 =	sadd.s32 s8, s11;
	[dreg:$0x6] =	wrdreg s0;
	s24 =	sshrl.u32 s22, $0x3  }
0xc: {  	s0 =	sshll.u32 s22, $0x7;
	[dreg:$0x11] =	wrdreg s19;
	s25 =	sadd.s32 s8, s24  }
0xd: {  	s7 =	sshrl.u32 s6, $0x1;
	s0 =	sadd.s32 s1, s0;
	[dreg:$0x7] =	wrdreg s25  }
0xe: {  	v7 =	vmov s15;
	s9 =	ssub.s32 s6, s7;
	s6 =	sadd.s32 s1, s13;
	[dreg:$0x9] =	wrdreg s0  }
0xf: {  	v0 =	vimm.s32 $0x0;
	vm0 =	veq.s32 v7, $0xF;
	p1 =	sne.s32 s4, $0x0;
	s26 =	sadd.s32 $0x4800, s6;
	[dreg:$0x8] =	wrdreg s6  }
0x10: {  	v0 =	vsel vm0, $0xFFFFFFFF, v0;
	s7 =	sadd.s32 s21, s12;
	s30 =	sadd.s32 $0x5000, s6;
	[dreg:$0xa] =	wrdreg s26  }
0x11: {  	vm0 =	vgt.u32 v7, $0xD;
	s12 =	sadd.s32 $0x1500, s2;
	[tilespmem:$0x1FF70] =	vst v0;
	v0 =	vimm.s32 $0x0;
	s1 =	sadd.s32 $0x5800, s6;
	[dreg:$0xb] =	wrdreg s30  }
0x12: {  	s13 =	sadd.s32 $0x1600, s2;
	s2 =	sadd.s32 $0x6000, s6;
	v0 =	vsel vm0, $0xFFFFFFFF, v0;
	[dreg:$0xc] =	wrdreg s1  }
0x13: {  	s4 =	simm.s32 $0x680;
	s16 =	sadd.s32 $0x6800, s6;
	vm0 =	vgt.u32 v7, $0xC;
	[dreg:$0xd] =	wrdreg s2;
	[tilespmem:$0x1FF80] =	vst v0;
	v0 =	vimm.s32 $0x0  }
0x14: {  	v1 =	vimm.s32 $0x0;
	v2 =	vimm.s32 $0x5;
	s10 =	simm.s32 $0xE80;
	s17 =	sadd.s32 $0x7000, s6;
	[dreg:$0xe] =	wrdreg s16;
	v0 =	vsel vm0, $0xFFFFFFFF, v0  }
0x15: {  	v3 =	vimm.s32 $0x4;
	s11 =	simm.s32 $0x1680;
	s18 =	sadd.s32 $0x7800, s6;
	[dreg:$0xf] =	wrdreg s17;
	vm0 =	vgt.u32 v7, $0xB;
	[tilespmem:$0x1FF90] =	vst v0;
	v0 =	vimm.s32 $0x0  }
0x16: {  	v4 =	vimm.s32 $0x3;
	v5 =	vlaneseq.u32;
	s15 =	simm.s32 $0x1E80;
	s20 =	sadd.s32 $0x800, s6;
	[dreg:$0x10] =	wrdreg s18;
	v0 =	vsel vm0, $0xFFFFFFFF, v0  }
0x17: {  	v6 =	vimm.s32 $0x2;
	p0 =	sne.s32 s23, $0x0;
	s21 =	sadd.s32 $0x1000, s6;
	[dreg:$0x12] =	wrdreg s20;
	vm0 =	vgt.u32 v7, $0xA;
	[tilespmem:$0x1FFA0] =	vst v0;
	v0 =	vimm.s32 $0x0  }
0x18: {  	vm15 =	vmmov $0x1;
	v8 =	vimm.s32 $0x1;
	s19 =	simm.s32 $0x3E80;
	s22 =	sadd.s32 $0x1800, s6;
	[dreg:$0x13] =	wrdreg s21;
	v0 =	vsel vm0, $0xFFFFFFFF, v0  }
0x19: {  	v10 =	vmul.u32 $0x100, v5;
	s8 =	simm.s32 $0x1;
	s23 =	sadd.s32 $0x2000, s6;
	[dreg:$0x14] =	wrdreg s22;
	vm0 =	vgt.u32 v7, $0x9;
	[tilespmem:$0x1FFB0] =	vst v0;
	v0 =	vimm.s32 $0x0  }
0x1a: {  	vm9 =	vgt.u32 v7, $0x5;
	vm10 =	vgt.u32 v7, $0x4;
	s25 =	smax.u32 s9, $0x1;
	s24 =	sadd.s32 $0x2800, s6;
	[dreg:$0x15] =	wrdreg s23;
	v0 =	vsel vm0, $0xFFFFFFFF, v0  }
0x1b: {  	vm11 =	vgt.u32 v7, $0x3;
	s0 =	simm.s32 $0x500;
	[dreg:$0x16] =	wrdreg s24;
	s26 =	sadd.s32 $0x3000, s6;
	vm0 =	vgt.u32 v7, $0x8;
	[tilespmem:$0x1FFC0] =	vst v0;
	v0 =	vimm.s32 $0x0  }
.Ltmp0:
0x1c: {  	vm12 =	vgt.u32 v7, $0x2;
	vm13 =	vgt.u32 v7, $0x1;
	s30 =	sadd.s32 $0x3800, s6;
	s1 =	simm.s32 $0x480;
	v0 =	vsel vm0, $0xFFFFFFFF, v0;
	(pc) =	sbr.rel .LBB2_1-.Ltmp0, $4  }
0x1d: {  	vm14 =	veq.s32 v7, $0x0;
	s2 =	simm.s32 $0x4680;
	s16 =	simm.s32 $0x2680;
	s17 =	simm.s32 $0x2E80;
	vm0 =	vgt.u32 v7, $0x7;
	[tilespmem:$0x1FFD0] =	vst v0;
	v0 =	vimm.s32 $0x0  }
0x1e: {  	v9 =	vor.u32 $0x1, v10;
	s18 =	simm.s32 $0x3680;
	s20 =	simm.s32 $0x2;
	s21 =	simm.s32 $0x4E80;
	v0 =	vsel vm0, $0xFFFFFFFF, v0;
	vm0 =	vgt.u32 v7, $0x6  }
0x1f: {  	v10 =	vor.u32 $0x1001, v10;
	s22 =	simm.s32 $0x5680;
	s23 =	simm.s32 $0x5E80;
	[dreg:$0x17] =	wrdreg s26;
	v7 =	vimm.s32 $0x0;
	[tilespmem:$0x1FFE0] =	vst v0;
	v1 =	vsel vm0, $0xFFFFFFFF, v1  }
0x20: {  	s24 =	simm.s32 $0x6680;
	[dreg:$0x18] =	wrdreg s30;
	s26 =	simm.s32 $0x6E80;
	v0 =	vimm.s32 $0x7;
	vm0 =	vmmov $0x7fff;
	[tilespmem:$0x1FFF0] =	vst v1;
	v1 =	vimm.s32 $0x6  }
.LBB2_3:
0x21: {  	s6 =	rddreg [dreg:$0x7];
	s9 =	simm.s32 $0x280  }
0x22: {  	[hbm4b:s6+s3] =	stream.linear.scatter [tilespmem:s9], [sflag:$0x3], $0x80, $0x38;
	[tilespmem:$0x8690] =	vst v63  }
0x23: {  	_ =	swait.ge [sflag:s31], $0x80  }
0x24: {  	[sflag:s31] =	ssyncset.done $0x0  }
0x25: {  	s9 =	rddreg [dreg:$0x9];
	[sflag:s31] =	ssyncadd.s32 $0xFFFFFF80  }
0x26: {  	[tilespmem:s4], [sflag:$0x1] =	stream.linear.gather [hbm4b:s9+s3], $0x4000, $0x38;
	[tilespmem:$0x8690] =	vst v63  }
0x27: {  	s9 =	rddreg [dreg:$0xa]  }
0x28: {  	[tilespmem:s2], [sflag:$0x2] =	stream.linear.gather [hbm4b:s9+s3], $0x4000, $0x38;
	[tilespmem:$0x8690] =	vst v63  }
0x29: {  	_ =	swait.ge [sflag:s8], $0x4000  }
0x2a: {  	[sflag:s8] =	ssyncset.done $0x0  }
0x2b: {  	[sflag:s8] =	ssyncadd.s32 $0xFFFFC000  }
0x2c: {  	v11 =	vld [tilespmem:$0x280];
	_ =	sdelay $0x4  }
0x2d: {  	v12 =	vshll.u32 v11, $0x3  }
0x2e: {  	v11 =	vand.u32 $0x7, v11;
	v12 =	vand.u32 $0xFFFFFFC0, v12  }
0x2f: {  	v58 =	vand.u32 $0x7, v5;
	v13 =	vshrl.u32 v5, $0x3;
	v11 =	vor.u32 v11, v12  }
0x30: {  	v13 =	vmul.u32 $0x8, v13;
	v14 =	vperm.xlane v11, v58;
	_ =	sdelay $0x1  }
0x31: {  	v14 =	vadd.s32 v13, v14;
	_ =	sdelay $0x3  }
0x32: {  	vm1 =	vmmov $0xffff  }
0x33: {  	v15 =	vor.u32 $0x8, v5;
	[hbm4b:s5+s3] =	stream.indirect_vreg.scatter [tilespmem:s4], [sflag:$0x1], $0x80, v14, vm1, $0xb8;
	[tilespmem:$0x8690] =	vst v63  }
0x34: {  	v11 =	vperm.xlane v11, v15  }
0x35: {  	[hbm4b:s12+s3] =	stream.indirect_vreg.scatter [tilespmem:s10], [sflag:$0x1], $0x80, v14, vm1, $0xb8;
	[tilespmem:$0x8690] =	vst v63  }
0x36: {  	v11 =	vadd.s32 v13, v11  }
0x37: {  	[hbm4b:s13+s3] =	stream.indirect_vreg.scatter [tilespmem:s11], [sflag:$0x1], $0x80, v14, vm1, $0xb8;
	[tilespmem:$0x8690] =	vst v63  }
0x38: {  	_ = 	snop  }
0x39: {  	[hbm4b:s14+s3] =	stream.indirect_vreg.scatter [tilespmem:s15], [sflag:$0x1], $0x80, v14, vm1, $0xb8;
	[tilespmem:$0x8690] =	vst v63  }
0x3a: {  	_ = 	snop  }
0x3b: {  	[hbm4b:s5+s3] =	stream.indirect_vreg.scatter [tilespmem:s16], [sflag:$0x1], $0x80, v11, vm1, $0xb8;
	[tilespmem:$0x8690] =	vst v63  }
0x3c: {  	_ = 	snop  }
0x3d: {  	[hbm4b:s12+s3] =	stream.indirect_vreg.scatter [tilespmem:s17], [sflag:$0x1], $0x80, v11, vm1, $0xb8;
	[tilespmem:$0x8690] =	vst v63  }
0x3e: {  	_ = 	snop  }
0x3f: {  	[hbm4b:s13+s3] =	stream.indirect_vreg.scatter [tilespmem:s18], [sflag:$0x1], $0x80, v11, vm1, $0xb8;
	[tilespmem:$0x8690] =	vst v63  }
0x40: {  	_ = 	snop  }
0x41: {  	[hbm4b:s14+s3] =	stream.indirect_vreg.scatter [tilespmem:s19], [sflag:$0x1], $0x80, v11, vm1, $0xb8;
	[tilespmem:$0x8690] =	vst v63  }
0x42: {  	_ =	swait.ge [sflag:s8], $0x4000  }
0x43: {  	[sflag:s8] =	ssyncset.done $0x0  }
0x44: {  	s9 =	rddreg [dreg:$0xb];
	[sflag:s8] =	ssyncadd.s32 $0xFFFFC000  }
0x45: {  	[tilespmem:s4], [sflag:$0x1] =	stream.linear.gather [hbm4b:s9+s3], $0x4000, $0x38;
	[tilespmem:$0x8690] =	vst v63  }
0x46: {  	_ =	swait.ge [sflag:s20], $0x4000  }
0x47: {  	[sflag:s20] =	ssyncset.done $0x0  }
0x48: {  	[sflag:s20] =	ssyncadd.s32 $0xFFFFC000  }
0x49: {  	v11 =	vld [tilespmem:$0x290];
	_ =	sdelay $0x4  }
0x4a: {  	v59 =	vshll.u32 v11, $0x3  }
0x4b: {  	v11 =	vand.u32 $0x7, v11;
	v14 =	vand.u32 $0xFFFFFFC0, v59  }
0x4c: {  	v11 =	vor.u32 v11, v14  }
0x4d: {  	v14 =	vperm.xlane v11, v58;
	_ =	sdelay $0x1  }
0x4e: {  	v14 =	vadd.s32 v13, v14;
	_ =	sdelay $0x4  }
0x4f: {  	[hbm4b:s5+s3] =	stream.indirect_vreg.scatter [tilespmem:s2], [sflag:$0x2], $0x80, v14, vm1, $0xb8;
	[tilespmem:$0x8690] =	vst v63  }
0x50: {  	v11 =	vperm.xlane v11, v15  }
0x51: {  	[hbm4b:s12+s3] =	stream.indirect_vreg.scatter [tilespmem:s21], [sflag:$0x2], $0x80, v14, vm1, $0xb8;
	[tilespmem:$0x8690] =	vst v63  }
0x52: {  	v11 =	vadd.s32 v13, v11  }
0x53: {  	[hbm4b:s13+s3] =	stream.indirect_vreg.scatter [tilespmem:s22], [sflag:$0x2], $0x80, v14, vm1, $0xb8;
	[tilespmem:$0x8690] =	vst v63  }
0x54: {  	_ = 	snop  }
0x55: {  	[hbm4b:s14+s3] =	stream.indirect_vreg.scatter [tilespmem:s23], [sflag:$0x2], $0x80, v14, vm1, $0xb8;
	[tilespmem:$0x8690] =	vst v63  }
0x56: {  	_ = 	snop  }
0x57: {  	[hbm4b:s5+s3] =	stream.indirect_vreg.scatter [tilespmem:s24], [sflag:$0x2], $0x80, v11, vm1, $0xb8;
	[tilespmem:$0x8690] =	vst v63  }
0x58: {  	_ = 	snop  }
0x59: {  	[hbm4b:s12+s3] =	stream.indirect_vreg.scatter [tilespmem:s26], [sflag:$0x2], $0x80, v11, vm1, $0xb8;
	[tilespmem:$0x8690] =	vst v63  }
0x5a: {  	_ = 	snop  }
0x5b: {  	[hbm4b:s13+s3] =	stream.indirect_vreg.scatter [tilespmem:s28], [sflag:$0x2], $0x80, v11, vm1, $0xb8;
	[tilespmem:$0x8690] =	vst v63  }
0x5c: {  	_ = 	snop  }
0x5d: {  	[hbm4b:s14+s3] =	stream.indirect_vreg.scatter [tilespmem:s29], [sflag:$0x2], $0x80, v11, vm1, $0xb8;
	[tilespmem:$0x8690] =	vst v63  }
0x5e: {  	_ =	swait.ge [sflag:s20], $0x4000  }
0x5f: {  	[sflag:s20] =	ssyncset.done $0x0  }
0x60: {  	s9 =	rddreg [dreg:$0xc];
	[sflag:s20] =	ssyncadd.s32 $0xFFFFC000  }
0x61: {  	[tilespmem:s2], [sflag:$0x2] =	stream.linear.gather [hbm4b:s9+s3], $0x4000, $0x38;
	[tilespmem:$0x8690] =	vst v63  }
0x62: {  	_ =	swait.ge [sflag:s8], $0x4000  }
0x63: {  	[sflag:s8] =	ssyncset.done $0x0  }
0x64: {  	[sflag:s8] =	ssyncadd.s32 $0xFFFFC000  }
0x65: {  	v11 =	vld [tilespmem:$0x2A0];
	_ =	sdelay $0x4  }
0x66: {  	v60 =	vshll.u32 v11, $0x3  }
0x67: {  	v11 =	vand.u32 $0x7, v11;
	v14 =	vand.u32 $0xFFFFFFC0, v60  }
0x68: {  	v11 =	vor.u32 v11, v14  }
0x69: {  	v14 =	vperm.xlane v11, v58;
	_ =	sdelay $0x1  }
0x6a: {  	v14 =	vadd.s32 v13, v14;
	_ =	sdelay $0x4  }
0x6b: {  	[hbm4b:s5+s3] =	stream.indirect_vreg.scatter [tilespmem:s4], [sflag:$0x1], $0x80, v14, vm1, $0xb8;
	[tilespmem:$0x8690] =	vst v63  }
0x6c: {  	v11 =	vperm.xlane v11, v15  }
0x6d: {  	[hbm4b:s12+s3] =	stream.indirect_vreg.scatter [tilespmem:s10], [sflag:$0x1], $0x80, v14, vm1, $0xb8;
	[tilespmem:$0x8690] =	vst v63  }
0x6e: {  	v11 =	vadd.s32 v13, v11  }
0x6f: {  	[hbm4b:s13+s3] =	stream.indirect_vreg.scatter [tilespmem:s11], [sflag:$0x1], $0x80, v14, vm1, $0xb8;
	[tilespmem:$0x8690] =	vst v63  }
0x70: {  	_ = 	snop  }
0x71: {  	[hbm4b:s14+s3] =	stream.indirect_vreg.scatter [tilespmem:s15], [sflag:$0x1], $0x80, v14, vm1, $0xb8;
	[tilespmem:$0x8690] =	vst v63  }
0x72: {  	_ = 	snop  }
0x73: {  	[hbm4b:s5+s3] =	stream.indirect_vreg.scatter [tilespmem:s16], [sflag:$0x1], $0x80, v11, vm1, $0xb8;
	[tilespmem:$0x8690] =	vst v63  }
0x74: {  	_ = 	snop  }
0x75: {  	[hbm4b:s12+s3] =	stream.indirect_vreg.scatter [tilespmem:s17], [sflag:$0x1], $0x80, v11, vm1, $0xb8;
	[tilespmem:$0x8690] =	vst v63  }
0x76: {  	_ = 	snop  }
0x77: {  	[hbm4b:s13+s3] =	stream.indirect_vreg.scatter [tilespmem:s18], [sflag:$0x1], $0x80, v11, vm1, $0xb8;
	[tilespmem:$0x8690] =	vst v63  }
0x78: {  	_ = 	snop  }
0x79: {  	[hbm4b:s14+s3] =	stream.indirect_vreg.scatter [tilespmem:s19], [sflag:$0x1], $0x80, v11, vm1, $0xb8;
	[tilespmem:$0x8690] =	vst v63  }
0x7a: {  	_ =	swait.ge [sflag:s8], $0x4000  }
0x7b: {  	[sflag:s8] =	ssyncset.done $0x0  }
0x7c: {  	s9 =	rddreg [dreg:$0xd];
	[sflag:s8] =	ssyncadd.s32 $0xFFFFC000  }
0x7d: {  	[tilespmem:s4], [sflag:$0x1] =	stream.linear.gather [hbm4b:s9+s3], $0x4000, $0x38;
	[tilespmem:$0x8690] =	vst v63  }
0x7e: {  	_ =	swait.ge [sflag:s20], $0x4000  }
0x7f: {  	[sflag:s20] =	ssyncset.done $0x0  }
0x80: {  	[sflag:s20] =	ssyncadd.s32 $0xFFFFC000  }
0x81: {  	v11 =	vld [tilespmem:$0x2B0];
	_ =	sdelay $0x4  }
0x82: {  	v61 =	vshll.u32 v11, $0x3  }
0x83: {  	v11 =	vand.u32 $0x7, v11;
	v14 =	vand.u32 $0xFFFFFFC0, v61  }
0x84: {  	v11 =	vor.u32 v11, v14  }
0x85: {  	v14 =	vperm.xlane v11, v58;
	_ =	sdelay $0x1  }
0x86: {  	v14 =	vadd.s32 v13, v14;
	_ =	sdelay $0x4  }
0x87: {  	[hbm4b:s5+s3] =	stream.indirect_vreg.scatter [tilespmem:s2], [sflag:$0x2], $0x80, v14, vm1, $0xb8;
	[tilespmem:$0x8690] =	vst v63  }
0x88: {  	v11 =	vperm.xlane v11, v15  }
0x89: {  	[hbm4b:s12+s3] =	stream.indirect_vreg.scatter [tilespmem:s21], [sflag:$0x2], $0x80, v14, vm1, $0xb8;
	[tilespmem:$0x8690] =	vst v63  }
0x8a: {  	v11 =	vadd.s32 v13, v11  }
0x8b: {  	[hbm4b:s13+s3] =	stream.indirect_vreg.scatter [tilespmem:s22], [sflag:$0x2], $0x80, v14, vm1, $0xb8;
	[tilespmem:$0x8690] =	vst v63  }
0x8c: {  	_ = 	snop  }
0x8d: {  	[hbm4b:s14+s3] =	stream.indirect_vreg.scatter [tilespmem:s23], [sflag:$0x2], $0x80, v14, vm1, $0xb8;
	[tilespmem:$0x8690] =	vst v63  }
0x8e: {  	_ = 	snop  }
0x8f: {  	[hbm4b:s5+s3] =	stream.indirect_vreg.scatter [tilespmem:s24], [sflag:$0x2], $0x80, v11, vm1, $0xb8;
	[tilespmem:$0x8690] =	vst v63  }
0x90: {  	_ = 	snop  }
0x91: {  	[hbm4b:s12+s3] =	stream.indirect_vreg.scatter [tilespmem:s26], [sflag:$0x2], $0x80, v11, vm1, $0xb8;
	[tilespmem:$0x8690] =	vst v63  }
0x92: {  	_ = 	snop  }
0x93: {  	[hbm4b:s13+s3] =	stream.indirect_vreg.scatter [tilespmem:s28], [sflag:$0x2], $0x80, v11, vm1, $0xb8;
	[tilespmem:$0x8690] =	vst v63  }
0x94: {  	_ = 	snop  }
0x95: {  	[hbm4b:s14+s3] =	stream.indirect_vreg.scatter [tilespmem:s29], [sflag:$0x2], $0x80, v11, vm1, $0xb8;
	[tilespmem:$0x8690] =	vst v63  }
0x96: {  	_ =	swait.ge [sflag:s20], $0x4000  }
0x97: {  	[sflag:s20] =	ssyncset.done $0x0  }
0x98: {  	s9 =	rddreg [dreg:$0xe];
	[sflag:s20] =	ssyncadd.s32 $0xFFFFC000  }
0x99: {  	[tilespmem:s2], [sflag:$0x2] =	stream.linear.gather [hbm4b:s9+s3], $0x4000, $0x38;
	[tilespmem:$0x8690] =	vst v63  }
0x9a: {  	_ =	swait.ge [sflag:s8], $0x4000  }
0x9b: {  	[sflag:s8] =	ssyncset.done $0x0  }
0x9c: {  	[sflag:s8] =	ssyncadd.s32 $0xFFFFC000  }
0x9d: {  	v11 =	vld [tilespmem:$0x2C0];
	_ =	sdelay $0x4  }
0x9e: {  	v62 =	vshll.u32 v11, $0x3  }
0x9f: {  	v11 =	vand.u32 $0x7, v11;
	v14 =	vand.u32 $0xFFFFFFC0, v62  }
0xa0: {  	v11 =	vor.u32 v11, v14  }
0xa1: {  	v14 =	vperm.xlane v11, v58;
	_ =	sdelay $0x1  }
0xa2: {  	v14 =	vadd.s32 v13, v14;
	_ =	sdelay $0x4  }
0xa3: {  	[hbm4b:s5+s3] =	stream.indirect_vreg.scatter [tilespmem:s4], [sflag:$0x1], $0x80, v14, vm1, $0xb8;
	[tilespmem:$0x8690] =	vst v63  }
0xa4: {  	v11 =	vperm.xlane v11, v15  }
0xa5: {  	[hbm4b:s12+s3] =	stream.indirect_vreg.scatter [tilespmem:s10], [sflag:$0x1], $0x80, v14, vm1, $0xb8;
	[tilespmem:$0x8690] =	vst v63  }
0xa6: {  	v11 =	vadd.s32 v13, v11  }
0xa7: {  	[hbm4b:s13+s3] =	stream.indirect_vreg.scatter [tilespmem:s11], [sflag:$0x1], $0x80, v14, vm1, $0xb8;
	[tilespmem:$0x8690] =	vst v63  }
0xa8: {  	_ = 	snop  }
0xa9: {  	[hbm4b:s14+s3] =	stream.indirect_vreg.scatter [tilespmem:s15], [sflag:$0x1], $0x80, v14, vm1, $0xb8;
	[tilespmem:$0x8690] =	vst v63  }
0xaa: {  	_ = 	snop  }
0xab: {  	[hbm4b:s5+s3] =	stream.indirect_vreg.scatter [tilespmem:s16], [sflag:$0x1], $0x80, v11, vm1, $0xb8;
	[tilespmem:$0x8690] =	vst v63  }
0xac: {  	_ = 	snop  }
0xad: {  	[hbm4b:s12+s3] =	stream.indirect_vreg.scatter [tilespmem:s17], [sflag:$0x1], $0x80, v11, vm1, $0xb8;
	[tilespmem:$0x8690] =	vst v63  }
0xae: {  	_ = 	snop  }
0xaf: {  	[hbm4b:s13+s3] =	stream.indirect_vreg.scatter [tilespmem:s18], [sflag:$0x1], $0x80, v11, vm1, $0xb8;
	[tilespmem:$0x8690] =	vst v63  }
0xb0: {  	_ = 	snop  }
0xb1: {  	[hbm4b:s14+s3] =	stream.indirect_vreg.scatter [tilespmem:s19], [sflag:$0x1], $0x80, v11, vm1, $0xb8;
	[tilespmem:$0x8690] =	vst v63  }
0xb2: {  	_ =	swait.ge [sflag:s8], $0x4000  }
0xb3: {  	[sflag:s8] =	ssyncset.done $0x0  }
0xb4: {  	s9 =	rddreg [dreg:$0xf];
	[sflag:s8] =	ssyncadd.s32 $0xFFFFC000  }
0xb5: {  	[tilespmem:s4], [sflag:$0x1] =	stream.linear.gather [hbm4b:s9+s3], $0x4000, $0x38;
	[tilespmem:$0x8690] =	vst v63  }
0xb6: {  	_ =	swait.ge [sflag:s20], $0x4000  }
0xb7: {  	[sflag:s20] =	ssyncset.done $0x0  }
0xb8: {  	[sflag:s20] =	ssyncadd.s32 $0xFFFFC000  }
0xb9: {  	v11 =	vld [tilespmem:$0x2D0];
	_ =	sdelay $0x4  }
0xba: {  	v63 =	vshll.u32 v11, $0x3  }
0xbb: {  	v11 =	vand.u32 $0x7, v11;
	v14 =	vand.u32 $0xFFFFFFC0, v63  }
0xbc: {  	v11 =	vor.u32 v11, v14  }
0xbd: {  	v12 =	vperm.xlane v11, v58;
	_ =	sdelay $0x1  }
0xbe: {  	v12 =	vadd.s32 v13, v12;
	_ =	sdelay $0x4  }
0xbf: {  	[hbm4b:s5+s3] =	stream.indirect_vreg.scatter [tilespmem:s2], [sflag:$0x2], $0x80, v12, vm1, $0xb8;
	[tilespmem:$0x8690] =	vst v63  }
0xc0: {  	v11 =	vperm.xlane v11, v15  }
0xc1: {  	[hbm4b:s12+s3] =	stream.indirect_vreg.scatter [tilespmem:s21], [sflag:$0x2], $0x80, v12, vm1, $0xb8;
	[tilespmem:$0x8690] =	vst v63  }
0xc2: {  	v11 =	vadd.s32 v13, v11  }
0xc3: {  	[hbm4b:s13+s3] =	stream.indirect_vreg.scatter [tilespmem:s22], [sflag:$0x2], $0x80, v12, vm1, $0xb8;
	[tilespmem:$0x8690] =	vst v63  }
0xc4: {  	_ = 	snop  }
0xc5: {  	[hbm4b:s14+s3] =	stream.indirect_vreg.scatter [tilespmem:s23], [sflag:$0x2], $0x80, v12, vm1, $0xb8;
	[tilespmem:$0x8690] =	vst v63  }
0xc6: {  	_ = 	snop  }
0xc7: {  	[hbm4b:s5+s3] =	stream.indirect_vreg.scatter [tilespmem:s24], [sflag:$0x2], $0x80, v11, vm1, $0xb8;
	[tilespmem:$0x8690] =	vst v63  }
0xc8: {  	_ = 	snop  }
0xc9: {  	[hbm4b:s12+s3] =	stream.indirect_vreg.scatter [tilespmem:s26], [sflag:$0x2], $0x80, v11, vm1, $0xb8;
	[tilespmem:$0x8690] =	vst v63  }
0xca: {  	_ = 	snop  }
0xcb: {  	[hbm4b:s13+s3] =	stream.indirect_vreg.scatter [tilespmem:s28], [sflag:$0x2], $0x80, v11, vm1, $0xb8;
	[tilespmem:$0x8690] =	vst v63  }
0xcc: {  	_ = 	snop  }
0xcd: {  	[hbm4b:s14+s3] =	stream.indirect_vreg.scatter [tilespmem:s29], [sflag:$0x2], $0x80, v11, vm1, $0xb8;
	[tilespmem:$0x8690] =	vst v63  }
0xce: {  	_ =	swait.ge [sflag:s20], $0x4000  }
0xcf: {  	[sflag:s20] =	ssyncset.done $0x0  }
0xd0: {  	s9 =	rddreg [dreg:$0x10];
	[sflag:s20] =	ssyncadd.s32 $0xFFFFC000  }
0xd1: {  	[tilespmem:s2], [sflag:$0x2] =	stream.linear.gather [hbm4b:s9+s3], $0x4000, $0x38;
	[tilespmem:$0x8690] =	vst v63  }
0xd2: {  	_ =	swait.ge [sflag:s8], $0x4000  }
0xd3: {  	[sflag:s8] =	ssyncset.done $0x0  }
0xd4: {  	s30 =	simm.s32 $0x2F0;
	s9 =	simm.s32 $0x2E0;
	[sflag:s8] =	ssyncadd.s32 $0xFFFFC000  }
.LBB2_4:
0xd5: {  	v11 =	vld [tilespmem:s9+$0x0];
	_ =	sdelay $0x4  }
0xd6: {  	v12 =	vshll.u32 v11, $0x3  }
0xd7: {  	v11 =	vand.u32 $0x7, v11;
	v12 =	vand.u32 $0xFFFFFFC0, v12  }
0xd8: {  	v62 =	vand.u32 $0x7, v5;
	v13 =	vshrl.u32 v5, $0x3;
	v11 =	vor.u32 v11, v12  }
0xd9: {  	v13 =	vmul.u32 $0x8, v13;
	v14 =	vperm.xlane v11, v62;
	_ =	sdelay $0x1  }
0xda: {  	v14 =	vadd.s32 v13, v14;
	_ =	sdelay $0x3  }
0xdb: {  	vm1 =	vmmov $0xffff  }
0xdc: {  	v15 =	vor.u32 $0x8, v5;
	[hbm4b:s5+s3] =	stream.indirect_vreg.scatter [tilespmem:s4], [sflag:$0x1], $0x80, v14, vm1, $0xb8;
	[tilespmem:$0x8690] =	vst v63  }
0xdd: {  	v11 =	vperm.xlane v11, v15  }
0xde: {  	[hbm4b:s12+s3] =	stream.indirect_vreg.scatter [tilespmem:s10], [sflag:$0x1], $0x80, v14, vm1, $0xb8;
	[tilespmem:$0x8690] =	vst v63  }
0xdf: {  	v11 =	vadd.s32 v13, v11  }
0xe0: {  	[hbm4b:s13+s3] =	stream.indirect_vreg.scatter [tilespmem:s11], [sflag:$0x1], $0x80, v14, vm1, $0xb8;
	[tilespmem:$0x8690] =	vst v63  }
0xe1: {  	_ = 	snop  }
0xe2: {  	[hbm4b:s14+s3] =	stream.indirect_vreg.scatter [tilespmem:s15], [sflag:$0x1], $0x80, v14, vm1, $0xb8;
	[tilespmem:$0x8690] =	vst v63  }
0xe3: {  	_ = 	snop  }
0xe4: {  	[hbm4b:s5+s3] =	stream.indirect_vreg.scatter [tilespmem:s16], [sflag:$0x1], $0x80, v11, vm1, $0xb8;
	[tilespmem:$0x8690] =	vst v63  }
0xe5: {  	_ = 	snop  }
0xe6: {  	[hbm4b:s12+s3] =	stream.indirect_vreg.scatter [tilespmem:s17], [sflag:$0x1], $0x80, v11, vm1, $0xb8;
	[tilespmem:$0x8690] =	vst v63  }
0xe7: {  	_ = 	snop  }
0xe8: {  	[hbm4b:s13+s3] =	stream.indirect_vreg.scatter [tilespmem:s18], [sflag:$0x1], $0x80, v11, vm1, $0xb8;
	[tilespmem:$0x8690] =	vst v63  }
0xe9: {  	_ = 	snop  }
0xea: {  	[hbm4b:s14+s3] =	stream.indirect_vreg.scatter [tilespmem:s19], [sflag:$0x1], $0x80, v11, vm1, $0xb8;
	[tilespmem:$0x8690] =	vst v63  }
0xeb: {  	_ =	swait.ge [sflag:s8], $0x4000  }
0xec: {  	[sflag:s8] =	ssyncset.done $0x0  }
0xed: {  	[sflag:s8] =	ssyncadd.s32 $0xFFFFC000  }
0xee: {  	_ =	swait.ge [sflag:s20], $0x4000  }
0xef: {  	[sflag:s20] =	ssyncset.done $0x0  }
0xf0: {  	[sflag:s20] =	ssyncadd.s32 $0xFFFFC000  }
0xf1: {  	v11 =	vld [tilespmem:s30+$0x0];
	_ =	sdelay $0x4  }
0xf2: {  	v63 =	vshll.u32 v11, $0x3  }
0xf3: {  	v11 =	vand.u32 $0x7, v11;
	v14 =	vand.u32 $0xFFFFFFC0, v63  }
0xf4: {  	v11 =	vor.u32 v11, v14  }
0xf5: {  	v12 =	vperm.xlane v11, v62;
	_ =	sdelay $0x1  }
0xf6: {  	v12 =	vadd.s32 v13, v12;
	_ =	sdelay $0x4  }
0xf7: {  	[hbm4b:s5+s3] =	stream.indirect_vreg.scatter [tilespmem:s2], [sflag:$0x2], $0x80, v12, vm1, $0xb8;
	[tilespmem:$0x8690] =	vst v63  }
0xf8: {  	v11 =	vperm.xlane v11, v15  }
0xf9: {  	[hbm4b:s12+s3] =	stream.indirect_vreg.scatter [tilespmem:s21], [sflag:$0x2], $0x80, v12, vm1, $0xb8;
	[tilespmem:$0x8690] =	vst v63  }
0xfa: {  	v11 =	vadd.s32 v13, v11  }
0xfb: {  	[hbm4b:s13+s3] =	stream.indirect_vreg.scatter [tilespmem:s22], [sflag:$0x2], $0x80, v12, vm1, $0xb8;
	[tilespmem:$0x8690] =	vst v63  }
0xfc: {  	_ = 	snop  }
0xfd: {  	[hbm4b:s14+s3] =	stream.indirect_vreg.scatter [tilespmem:s23], [sflag:$0x2], $0x80, v12, vm1, $0xb8;
	[tilespmem:$0x8690] =	vst v63  }
0xfe: {  	_ = 	snop  }
0xff: {  	[hbm4b:s5+s3] =	stream.indirect_vreg.scatter [tilespmem:s24], [sflag:$0x2], $0x80, v11, vm1, $0xb8;
	[tilespmem:$0x8690] =	vst v63  }
0x100: {  	s25 =	sadd.s32 $0xFFFFFFFF, s25  }
0x101: {  	[hbm4b:s12+s3] =	stream.indirect_vreg.scatter [tilespmem:s26], [sflag:$0x2], $0x80, v11, vm1, $0xb8;
	[tilespmem:$0x8690] =	vst v63  }
0x102: {  	p2 =	sne.s32 s25, $0x0  }
0x103: {  	[hbm4b:s13+s3] =	stream.indirect_vreg.scatter [tilespmem:s28], [sflag:$0x2], $0x80, v11, vm1, $0xb8;
	[tilespmem:$0x8690] =	vst v63  }
.Ltmp1:
0x104: {  	_ = 	snop;
	(pc) =	sbr.rel @!p2 .LBB2_5-.Ltmp1, $4  }
0x105: {  	[hbm4b:s14+s3] =	stream.indirect_vreg.scatter [tilespmem:s29], [sflag:$0x2], $0x80, v11, vm1, $0xb8;
	[tilespmem:$0x8690] =	vst v63  }
0x106: {  	_ =	swait.ge [sflag:s20], $0x4000  }
0x107: {  	[sflag:s20] =	ssyncset.done $0x0  }
0x108: {  	[sflag:s20] =	ssyncadd.s32 $0xFFFFC000  }
.LBB2_1:
0x109: {  	s6 =	rddreg [dreg:$0x6]  }
0x10a: {  	[tilespmem:s3], [sflag:$0x3] =	stream.linear.gather [hbm4b:s6+s3], $0x100, $0x38;
	[tilespmem:$0x8690] =	vst v63  }
0x10b: {  	_ =	swait.ge [sflag:s31], $0x100  }
0x10c: {  	[sflag:s31] =	ssyncset.done $0x0  }
0x10d: {  	[sflag:s31] =	ssyncadd.s32 $0xFFFFFF00  }
0x10e: {  	v11 =	vld [tilespmem:$0x0];
	_ =	sdelay $0x4  }
0x10f: {  	vm2 =	veq.s32 v11, $0x0  }
0x110: {  	vm5 =	veq.s32 v11, $0x1;
	v12 =	vsel vm2, $0x1, v7  }
0x111: {  	vm8 =	veq.s32 v11, $0x2;
	v51 =	vsel vm5, $0x1, v7;
	(xrf0) =	vadd.scan.msk.s32 $0xffff, v12  }
0x112: {  	v52 =	vsel vm8, $0x1, v7;
	(xrf0) =	vadd.scan.msk.s32 $0xffff, v51  }
0x113: {  	vm7 =	veq.s32 v11, $0x3;
	vm1 =	veq.s32 v11, $0x4;
	vm3 =	veq.s32 v11, $0x5;
	(xrf0) =	vadd.scan.msk.s32 $0xffff, v52  }
0x114: {  	vm4 =	veq.s32 v11, $0x6;
	vm6 =	veq.s32 v11, $0x7;
	v53 =	vsel vm7, $0x1, v7  }
0x115: {  	v13 =	vld [tilespmem:$0x10];
	v54 =	vsel vm1, $0x1, v7;
	v55 =	vsel vm3, $0x1, v7;
	v57 =	vmpcnt.ones.xlane vm2;
	(xrf0) =	vadd.scan.msk.s32 $0xffff, v53  }
0x116: {  	v56 =	vsel vm4, $0x1, v7;
	v16 =	vmpcnt.ones.xlane vm5;
	v17 =	vmpcnt.ones.xlane vm8  }
0x117: {  	v59 =	vsel vm6, $0x1, v7;
	v63 =	vmpcnt.ones.xlane vm7;
	v29 =	vmpcnt.ones.xlane vm1;
	v14, _, _ =	vpop (xrf0);
	(xrf0) =	vadd.scan.msk.s32 $0xffff, v54  }
0x118: {  	v20 =	vmpcnt.ones.xlane vm3;
	v31 =	vmpcnt.ones.xlane vm4;
	v14 =	vadd.s32 $0xFFFFFFFF, v14;
	v15, _, _ =	vpop (xrf0);
	(xrf0) =	vadd.scan.msk.s32 $0xffff, v55  }
0x119: {  	v22 =	vmpcnt.ones.xlane vm6;
	v14 =	vnsel vm2, $0x0, v14;
	v15 =	vadd.s32 $0xFFFFFFFF, v15;
	(xrf0) =	vadd.scan.msk.s32 $0xffff, v56;
	v58, _, _ =	vpop (xrf0)  }
0x11a: {  	vm2 =	veq.s32 v13, $0x1;
	v11 =	vsel vm5, v15, v14;
	v14 =	vadd.s32 $0xFFFFFFFF, v58  }
0x11b: {  	(xrf0) =	vadd.scan.msk.s32 $0xffff, v59;
	vm5 =	veq.s32 v13, $0x0;
	v60, _, _ =	vpop (xrf0);
	v62 =	vsel vm2, $0x1, v7;
	v39 =	vmpcnt.ones.xlane vm2  }
0x11c: {  	v11 =	vsel vm8, v14, v11;
	v15 =	vadd.s32 $0xFFFFFFFF, v60;
	v24 =	vmpcnt.ones.xlane vm5  }
0x11d: {  	v61 =	vsel vm5, $0x1, v7;
	v11 =	vsel vm7, v15, v11;
	vm7 =	veq.s32 v13, $0x2;
	v18, _, _ =	vpop (xrf0)  }
0x11e: {  	(xrf0) =	vadd.scan.msk.s32 $0xffff, v61;
	v28 =	vsel vm7, $0x1, v7;
	v35 =	vadd.s32 v57, v24;
	v18 =	vadd.s32 $0xFFFFFFFF, v18;
	v19, _, _ =	vpop (xrf0)  }
0x11f: {  	(xrf0) =	vadd.scan.msk.s32 $0xffff, v62;
	v11 =	vsel vm1, v18, v11;
	v25 =	vadd.s32 $0xFFFFFFFF, v19;
	v26, _, _ =	vpop (xrf0);
	vm1 =	veq.s32 v13, $0x4  }
0x120: {  	v40 =	vld [tilespmem:$0x20];
	v11 =	vsel vm3, v25, v11;
	v27 =	vadd.s32 $0xFFFFFFFF, v26;
	v33 =	vsel vm1, $0x1, v7  }
0x121: {  	v30, _, _ =	vpop (xrf0);
	v25 =	vmpcnt.ones.xlane vm7;
	vm3 =	veq.s32 v13, $0x7;
	v49 =	vmpcnt.ones.xlane vm1  }
0x122: {  	(xrf0) =	vadd.scan.msk.s32 $0xffff, v28;
	v11 =	vsel vm4, v27, v11;
	v14 =	vadd.s32 $0xFFFFFFFF, v30;
	vm4 =	veq.s32 v13, $0x3  }
0x123: {  	v44 =	vsel vm3, $0x1, v7;
	v60 =	vmpcnt.ones.xlane vm3;
	v21 =	vsel vm4, $0x1, v7  }
0x124: {  	v11 =	vsel vm6, v14, v11;
	v42 =	vadd.s32 v17, v25;
	v45 =	vmpcnt.ones.xlane vm4;
	v32, _, _ =	vpop (xrf0);
	(xrf0) =	vadd.scan.msk.s32 $0xffff, v21  }
0x125: {  	vm6 =	veq.s32 v40, $0x1;
	v19 =	vadd.s32 v29, v49;
	v14 =	vadd.s32 v32, v57;
	v23, _, _ =	vpop (xrf0)  }
0x126: {  	v52 =	vsel vm6, $0x1, v7;
	(xrf0) =	vadd.scan.msk.s32 $0xffff, v33;
	v14 =	vadd.s32 $0xFFFFFFFF, v14;
	v23 =	vadd.s32 v23, v16  }
0x127: {  	v25 =	vld [tilespmem:$0x40];
	v14 =	vnsel vm5, $0x0, v14;
	v34 =	vadd.s32 $0xFFFFFFFF, v23;
	vm5 =	veq.s32 v13, $0x5  }
0x128: {  	v37, _, _ =	vpop (xrf0);
	v36 =	vsel vm2, v34, v14;
	v38 =	vsel vm5, $0x1, v7;
	vm2 =	veq.s32 v13, $0x6  }
0x129: {  	v30 =	vmpcnt.ones.xlane vm6;
	v14 =	vadd.s32 v37, v17;
	(xrf0) =	vadd.scan.msk.s32 $0xffff, v38;
	v26 =	vsel vm2, $0x1, v7  }
0x12a: {  	v15 =	vadd.s32 v63, v45;
	v16 =	vadd.s32 v16, v39;
	v14 =	vadd.s32 $0xFFFFFFFF, v14;
	v41, _, _ =	vpop (xrf0);
	(xrf0) =	vadd.scan.msk.s32 $0xffff, v26  }
0x12b: {  	v55 =	vmpcnt.ones.xlane vm2;
	v12 =	vsel vm7, v14, v36;
	v14 =	vadd.s32 v41, v63  }
0x12c: {  	v50 =	vmpcnt.ones.xlane vm5;
	vm7 =	veq.s32 v25, $0x6;
	v43, _, _ =	vpop (xrf0);
	(xrf0) =	vadd.scan.msk.s32 $0xffff, v44;
	v14 =	vadd.s32 $0xFFFFFFFF, v14  }
0x12d: {  	v18 =	vadd.s32 v31, v55;
	v17 =	vadd.s32 v43, v29;
	v12 =	vsel vm4, v14, v12  }
0x12e: {  	v46 =	vadd.s32 $0xFFFFFFFF, v17;
	vm4 =	veq.s32 v40, $0x0;
	v17 =	vadd.s32 v20, v50  }
0x12f: {  	v12 =	vsel vm1, v46, v12;
	v48 =	vsel vm4, $0x1, v7;
	vm1 =	veq.s32 v40, $0x3;
	v47, _, _ =	vpop (xrf0)  }
0x130: {  	v26 =	vld [tilespmem:$0x30];
	v61 =	vmpcnt.ones.xlane vm4;
	(xrf0) =	vadd.scan.msk.s32 $0xffff, v48;
	v59 =	vsel vm1, $0x1, v7;
	v14 =	vadd.s32 v47, v20;
	v51, _, _ =	vpop (xrf0)  }
0x131: {  	v38 =	vmpcnt.ones.xlane vm1;
	(xrf0) =	vadd.scan.msk.s32 $0xffff, v52;
	v14 =	vadd.s32 $0xFFFFFFFF, v14;
	v53 =	vadd.s32 v51, v31  }
0x132: {  	v54, _, _ =	vpop (xrf0);
	v12 =	vsel vm5, v14, v12;
	v14 =	vadd.s32 $0xFFFFFFFF, v53;
	vm5 =	veq.s32 v40, $0x2  }
0x133: {  	v20 =	vadd.s32 v54, v22;
	v22 =	vadd.s32 v22, v60;
	v56 =	vsel vm5, $0x1, v7  }
0x134: {  	v12 =	vsel vm2, v14, v12;
	v57 =	vadd.s32 $0xFFFFFFFF, v20;
	v27 =	vmpcnt.ones.xlane vm5  }
0x135: {  	vm2 =	veq.s32 v26, $0x0;
	(xrf0) =	vadd.scan.msk.s32 $0xffff, v56;
	v12 =	vsel vm3, v57, v12;
	vm3 =	veq.s32 v40, $0x4  }
0x136: {  	v20 =	vadd.s32 v35, v61;
	v43 =	vsel vm2, $0x1, v7;
	v58, _, _ =	vpop (xrf0);
	(xrf0) =	vadd.scan.msk.s32 $0xffff, v59;
	v63 =	vsel vm3, $0x1, v7  }
0x137: {  	v36 =	vadd.s32 v42, v27;
	v44 =	vmpcnt.ones.xlane vm3;
	v14 =	vadd.s32 v58, v35;
	v62, _, _ =	vpop (xrf0)  }
0x138: {  	(xrf0) =	vadd.scan.msk.s32 $0xffff, v63;
	v14 =	vadd.s32 $0xFFFFFFFF, v14;
	v28 =	vadd.s32 v62, v16;
	v16 =	vadd.s32 v16, v30  }
0x139: {  	v14 =	vnsel vm4, $0x0, v14;
	v29 =	vadd.s32 $0xFFFFFFFF, v28;
	vm4 =	veq.s32 v40, $0x5  }
0x13a: {  	v14 =	vsel vm6, v29, v14;
	v32 =	vsel vm4, $0x1, v7;
	vm6 =	veq.s32 v40, $0x6  }
0x13b: {  	v62 =	vmpcnt.ones.xlane vm2;
	v47 =	vmpcnt.ones.xlane vm4;
	v31, _, _ =	vpop (xrf0);
	(xrf0) =	vadd.scan.msk.s32 $0xffff, v32;
	v35 =	vsel vm6, $0x1, v7  }
0x13c: {  	v29 =	vsel vm7, $0x1, v7;
	v52 =	vmpcnt.ones.xlane vm6;
	v24 =	vadd.s32 v31, v42;
	v34, _, _ =	vpop (xrf0);
	(xrf0) =	vadd.scan.msk.s32 $0xffff, v35  }
0x13d: {  	v33 =	vadd.s32 $0xFFFFFFFF, v24;
	v37 =	vadd.s32 v34, v15;
	v15 =	vadd.s32 v15, v38  }
0x13e: {  	v39, _, _ =	vpop (xrf0);
	v14 =	vsel vm5, v33, v14;
	v13 =	vadd.s32 $0xFFFFFFFF, v37;
	vm5 =	veq.s32 v40, $0x7  }
0x13f: {  	v40 =	vadd.s32 v39, v19;
	v41 =	vsel vm5, $0x1, v7;
	v13 =	vsel vm1, v13, v14  }
0x140: {  	v42 =	vadd.s32 $0xFFFFFFFF, v40;
	v14 =	vadd.s32 v19, v44;
	vm1 =	veq.s32 v26, $0x3  }
0x141: {  	v57 =	vmpcnt.ones.xlane vm5;
	(xrf0) =	vadd.scan.msk.s32 $0xffff, v41;
	v13 =	vsel vm3, v42, v13;
	vm3 =	veq.s32 v26, $0x1;
	v45, _, _ =	vpop (xrf0)  }
0x142: {  	v56 =	vsel vm1, $0x1, v7;
	v37 =	vmpcnt.ones.xlane vm1;
	(xrf0) =	vadd.scan.msk.s32 $0xffff, v43;
	v46 =	vadd.s32 v45, v17;
	v49, _, _ =	vpop (xrf0)  }
0x143: {  	v50 =	vsel vm3, $0x1, v7;
	v48 =	vadd.s32 $0xFFFFFFFF, v46;
	v51 =	vadd.s32 v49, v18  }
0x144: {  	v59 =	vadd.s32 v22, v57;
	(xrf0) =	vadd.scan.msk.s32 $0xffff, v50;
	v13 =	vsel vm4, v48, v13;
	v19 =	vadd.s32 $0xFFFFFFFF, v51  }
0x145: {  	v63 =	vmpcnt.ones.xlane vm3;
	vm4 =	veq.s32 v26, $0x2;
	v13 =	vsel vm6, v19, v13  }
0x146: {  	v54 =	vsel vm4, $0x1, v7;
	v28 =	vmpcnt.ones.xlane vm4;
	vm6 =	veq.s32 v25, $0x0  }
0x147: {  	v17 =	vadd.s32 v17, v47;
	v18 =	vadd.s32 v18, v52;
	v53, _, _ =	vpop (xrf0);
	(xrf0) =	vadd.scan.msk.s32 $0xffff, v54;
	v40 =	vsel vm6, $0x1, v7  }
0x148: {  	v54 =	vmpcnt.ones.xlane vm6;
	v19 =	vadd.s32 v53, v22;
	v55, _, _ =	vpop (xrf0);
	v23 =	vadd.s32 v36, v28  }
0x149: {  	(xrf0) =	vadd.scan.msk.s32 $0xffff, v56;
	v19 =	vadd.s32 $0xFFFFFFFF, v19;
	v21 =	vadd.s32 v55, v20;
	v20 =	vadd.s32 v20, v62  }
0x14a: {  	v60, _, _ =	vpop (xrf0);
	v13 =	vsel vm5, v19, v13;
	v58 =	vadd.s32 $0xFFFFFFFF, v21;
	vm5 =	veq.s32 v26, $0x4  }
0x14b: {  	v22 =	vadd.s32 v60, v16;
	v16 =	vadd.s32 v16, v63;
	v61 =	vsel vm5, $0x1, v7  }
0x14c: {  	v19 =	vnsel vm2, $0x0, v58;
	vm2 =	veq.s32 v26, $0x5;
	v22 =	vadd.s32 $0xFFFFFFFF, v22;
	(xrf0) =	vadd.scan.msk.s32 $0xffff, v61  }
0x14d: {  	v30 =	vsel vm2, $0x1, v7;
	v19 =	vsel vm3, v22, v19;
	vm3 =	veq.s32 v26, $0x6;
	v31, _, _ =	vpop (xrf0)  }
0x14e: {  	v38 =	vmpcnt.ones.xlane vm5;
	(xrf0) =	vadd.scan.msk.s32 $0xffff, v30;
	v33 =	vsel vm3, $0x1, v7;
	v22 =	vadd.s32 v31, v36  }
0x14f: {  	v44 =	vmpcnt.ones.xlane vm2;
	v49 =	vmpcnt.ones.xlane vm3;
	v32, _, _ =	vpop (xrf0);
	(xrf0) =	vadd.scan.msk.s32 $0xffff, v33;
	v22 =	vadd.s32 $0xFFFFFFFF, v22  }
0x150: {  	v24 =	vadd.s32 v32, v15;
	v19 =	vsel vm4, v22, v19;
	vm4 =	veq.s32 v26, $0x7  }
0x151: {  	v15 =	vadd.s32 v15, v37;
	v34 =	vadd.s32 $0xFFFFFFFF, v24;
	v36 =	vsel vm4, $0x1, v7  }
0x152: {  	v19 =	vsel vm1, v34, v19;
	vm1 =	veq.s32 v25, $0x2;
	v50 =	vmpcnt.ones.xlane vm4;
	v35, _, _ =	vpop (xrf0);
	(xrf0) =	vadd.scan.msk.s32 $0xffff, v36  }
0x153: {  	v24 =	vadd.s32 v14, v38;
	v48 =	vsel vm1, $0x1, v7;
	v22 =	vadd.s32 v35, v14  }
0x154: {  	v62 =	vmpcnt.ones.xlane vm1;
	v39, _, _ =	vpop (xrf0);
	(xrf0) =	vadd.scan.msk.s32 $0xffff, v40;
	v21 =	vadd.s32 v59, v50;
	v22 =	vadd.s32 $0xFFFFFFFF, v22  }
0x155: {  	v41 =	vadd.s32 v39, v17;
	v43, _, _ =	vpop (xrf0);
	v19 =	vsel vm5, v22, v19;
	vm5 =	veq.s32 v25, $0x1  }
0x156: {  	v42 =	vadd.s32 $0xFFFFFFFF, v41;
	v22 =	vadd.s32 v43, v18;
	v45 =	vsel vm5, $0x1, v7  }
0x157: {  	v17 =	vadd.s32 v17, v44;
	v14 =	vsel vm2, v42, v19;
	v46 =	vadd.s32 $0xFFFFFFFF, v22;
	(xrf0) =	vadd.scan.msk.s32 $0xffff, v45  }
0x158: {  	v18 =	vadd.s32 v18, v49;
	v14 =	vsel vm3, v46, v14;
	vm3 =	veq.s32 v25, $0x3;
	v47, _, _ =	vpop (xrf0)  }
0x159: {  	v57 =	vmpcnt.ones.xlane vm5;
	(xrf0) =	vadd.scan.msk.s32 $0xffff, v48;
	v52 =	vsel vm3, $0x1, v7;
	v19 =	vadd.s32 v47, v59  }
0x15a: {  	vm2 =	veq.s32 v25, $0x7;
	v46 =	vmpcnt.ones.xlane vm7;
	v51, _, _ =	vpop (xrf0);
	(xrf0) =	vadd.scan.msk.s32 $0xffff, v52;
	v19 =	vadd.s32 $0xFFFFFFFF, v19  }
0x15b: {  	v53 =	vadd.s32 v51, v20;
	v14 =	vsel vm4, v19, v14;
	vm4 =	veq.s32 v25, $0x4  }
0x15c: {  	v50 =	vmpcnt.ones.xlane vm2;
	v19 =	vadd.s32 $0xFFFFFFFF, v53;
	v56 =	vsel vm4, $0x1, v7  }
0x15d: {  	v32 =	vmpcnt.ones.xlane vm3;
	v19 =	vnsel vm6, $0x0, v19;
	vm6 =	veq.s32 v25, $0x5;
	v55, _, _ =	vpop (xrf0);
	(xrf0) =	vadd.scan.msk.s32 $0xffff, v56  }
0x15e: {  	v20 =	vadd.s32 v20, v54;
	v60 =	vsel vm6, $0x1, v7;
	v26 =	vadd.s32 v55, v16  }
0x15f: {  	v25 =	vsel vm2, $0x1, v7;
	v35 =	vmpcnt.ones.xlane vm4;
	v59, _, _ =	vpop (xrf0);
	(xrf0) =	vadd.scan.msk.s32 $0xffff, v60;
	v58 =	vadd.s32 $0xFFFFFFFF, v26;
	v26 =	vld [tilespmem:$0x50]  }
0x160: {  	v41 =	vmpcnt.ones.xlane vm6;
	v16 =	vadd.s32 v16, v57;
	v61 =	vadd.s32 v59, v23;
	v63, _, _ =	vpop (xrf0)  }
0x161: {  	v19 =	vsel vm5, v58, v19;
	v22 =	vadd.s32 $0xFFFFFFFF, v61;
	v28 =	vadd.s32 v63, v15  }
0x162: {  	v39 =	vadd.s32 v24, v35;
	(xrf0) =	vadd.scan.msk.s32 $0xffff, v29;
	v19 =	vsel vm1, v22, v19;
	v31 =	vadd.s32 $0xFFFFFFFF, v28  }
0x163: {  	v23 =	vadd.s32 v23, v62;
	v22 =	vadd.s32 v15, v32;
	v19 =	vsel vm3, v31, v19;
	v33, _, _ =	vpop (xrf0)  }
0x164: {  	(xrf0) =	vadd.scan.msk.s32 $0xffff, v25;
	v34 =	vadd.s32 v33, v24;
	vm3 =	veq.s32 v26, $0x0;
	vm5 =	veq.s32 v26, $0x1  }
0x165: {  	v37, _, _ =	vpop (xrf0);
	vm1 =	veq.s32 v26, $0x2;
	v36 =	vadd.s32 $0xFFFFFFFF, v34;
	v38 =	vsel vm3, $0x1, v7  }
0x166: {  	v40 =	vadd.s32 v37, v17;
	v43 =	vsel vm5, $0x1, v7;
	v17 =	vadd.s32 v17, v41;
	(xrf0) =	vadd.scan.msk.s32 $0xffff, v38  }
0x167: {  	v45 =	vsel vm1, $0x1, v7;
	v51 =	vmpcnt.ones.xlane vm3;
	v57 =	vmpcnt.ones.xlane vm5  }
0x168: {  	v42, _, _ =	vpop (xrf0);
	v62 =	vmpcnt.ones.xlane vm1;
	v15 =	vsel vm4, v36, v19;
	v24 =	vadd.s32 $0xFFFFFFFF, v40;
	(xrf0) =	vadd.scan.msk.s32 $0xffff, v43  }
0x169: {  	vm4 =	veq.s32 v26, $0x3;
	v15 =	vsel vm6, v24, v15;
	v24 =	vadd.s32 v42, v18  }
0x16a: {  	v18 =	vadd.s32 v18, v46;
	v49 =	vsel vm4, $0x1, v7;
	v28 =	vadd.s32 v16, v57;
	v44, _, _ =	vpop (xrf0);
	(xrf0) =	vadd.scan.msk.s32 $0xffff, v45  }
0x16b: {  	v63 =	vmpcnt.ones.xlane vm4;
	v24 =	vadd.s32 $0xFFFFFFFF, v24;
	v25 =	vadd.s32 v44, v21  }
0x16c: {  	v15 =	vsel vm7, v24, v15;
	v21 =	vadd.s32 v21, v50;
	v47 =	vadd.s32 $0xFFFFFFFF, v25;
	v48, _, _ =	vpop (xrf0)  }
0x16d: {  	v15 =	vsel vm2, v47, v15;
	(xrf0) =	vadd.scan.msk.s32 $0xffff, v49;
	vm2 =	veq.s32 v26, $0x4;
	v24 =	vadd.s32 v48, v20  }
0x16e: {  	v52 =	vsel vm2, $0x1, v7;
	v53, _, _ =	vpop (xrf0);
	v36 =	vmpcnt.ones.xlane vm2;
	v24 =	vadd.s32 $0xFFFFFFFF, v24  }
0x16f: {  	v20 =	vadd.s32 v20, v51;
	(xrf0) =	vadd.scan.msk.s32 $0xffff, v52;
	v54 =	vadd.s32 v53, v16;
	v24 =	vnsel vm3, $0x0, v24  }
0x170: {  	vm3 =	veq.s32 v26, $0x5;
	v55, _, _ =	vpop (xrf0);
	v25 =	vadd.s32 $0xFFFFFFFF, v54;
	v19 =	vadd.s32 v39, v36  }
0x171: {  	v56 =	vsel vm3, $0x1, v7;
	v27 =	vadd.s32 v55, v23;
	v24 =	vsel vm5, v25, v24  }
0x172: {  	vm5 =	veq.s32 v26, $0x6;
	v23 =	vadd.s32 v23, v62;
	v58 =	vadd.s32 $0xFFFFFFFF, v27;
	v27 =	vld [tilespmem:$0x60]  }
0x173: {  	v41 =	vmpcnt.ones.xlane vm3;
	v61 =	vsel vm5, $0x1, v7;
	v42 =	vmpcnt.ones.xlane vm5;
	v60, _, _ =	vpop (xrf0)  }
0x174: {  	(xrf0) =	vadd.scan.msk.s32 $0xffff, v56;
	v59 =	vsel vm1, v58, v24;
	vm1 =	veq.s32 v26, $0x7;
	v24 =	vadd.s32 v60, v22  }
0x175: {  	(xrf0) =	vadd.scan.msk.s32 $0xffff, v61;
	v30 =	vsel vm1, $0x1, v7;
	v22 =	vadd.s32 v22, v63;
	v24 =	vadd.s32 $0xFFFFFFFF, v24;
	v33, _, _ =	vpop (xrf0)  }
0x176: {  	v46 =	vmpcnt.ones.xlane vm1;
	v16 =	vsel vm4, v24, v59;
	v34 =	vadd.s32 v33, v39  }
0x177: {  	v24 =	vadd.s32 $0xFFFFFFFF, v34;
	vm6 =	veq.s32 v27, $0x0;
	vm4 =	veq.s32 v27, $0x3  }
0x178: {  	(xrf0) =	vadd.scan.msk.s32 $0xffff, v30;
	vm7 =	veq.s32 v27, $0x4;
	v37 =	vsel vm6, $0x1, v7;
	v16 =	vsel vm2, v24, v16  }
0x179: {  	vm2 =	veq.s32 v27, $0x1;
	v48 =	vsel vm4, $0x1, v7;
	v49 =	vmpcnt.ones.xlane vm6  }
0x17a: {  	v35, _, _ =	vpop (xrf0);
	v52 =	vsel vm7, $0x1, v7;
	v61 =	vmpcnt.ones.xlane vm4;
	v34 =	vmpcnt.ones.xlane vm7  }
0x17b: {  	v25 =	vadd.s32 v35, v17;
	(xrf0) =	vadd.scan.msk.s32 $0xffff, v37;
	v39, _, _ =	vpop (xrf0);
	v40 =	vsel vm2, $0x1, v7;
	v17 =	vadd.s32 v17, v41  }
0x17c: {  	v53 =	vmpcnt.ones.xlane vm2;
	v38 =	vadd.s32 $0xFFFFFFFF, v25;
	v24 =	vadd.s32 v39, v18;
	(xrf0) =	vadd.scan.msk.s32 $0xffff, v40  }
0x17d: {  	v18 =	vadd.s32 v18, v42;
	v16 =	vsel vm3, v38, v16;
	vm3 =	veq.s32 v27, $0x2  }
0x17e: {  	v24 =	vadd.s32 $0xFFFFFFFF, v24;
	v43, _, _ =	vpop (xrf0);
	v26 =	vadd.s32 v28, v53;
	v44 =	vsel vm3, $0x1, v7  }
0x17f: {  	v16 =	vsel vm5, v24, v16;
	v45 =	vadd.s32 v43, v21;
	v21 =	vadd.s32 v21, v46;
	(xrf0) =	vadd.scan.msk.s32 $0xffff, v44  }
0x180: {  	v58 =	vld [tilespmem:$0x70];
	vm5 =	veq.s32 v27, $0x5;
	v59 =	vmpcnt.ones.xlane vm3;
	v24 =	vadd.s32 $0xFFFFFFFF, v45  }
0x181: {  	v39 =	vmpcnt.ones.xlane vm5;
	v16 =	vsel vm1, v24, v16;
	vm1 =	veq.s32 v27, $0x6;
	v47, _, _ =	vpop (xrf0);
	(xrf0) =	vadd.scan.msk.s32 $0xffff, v48  }
0x182: {  	v55 =	vsel vm5, $0x1, v7;
	v57 =	vsel vm1, $0x1, v7;
	v25 =	vadd.s32 v47, v20;
	v51, _, _ =	vpop (xrf0)  }
0x183: {  	v41 =	vadd.s32 v17, v39;
	(xrf0) =	vadd.scan.msk.s32 $0xffff, v52;
	v50 =	vadd.s32 $0xFFFFFFFF, v25;
	v25 =	vadd.s32 v51, v28  }
0x184: {  	v45 =	vmpcnt.ones.xlane vm1;
	v24 =	vnsel vm6, $0x0, v50;
	v25 =	vadd.s32 $0xFFFFFFFF, v25  }
0x185: {  	v20 =	vadd.s32 v20, v49;
	vm6 =	veq.s32 v58, $0x0;
	v54, _, _ =	vpop (xrf0);
	v24 =	vsel vm2, v25, v24  }
0x186: {  	(xrf0) =	vadd.scan.msk.s32 $0xffff, v55;
	v36 =	vsel vm6, $0x1, v7;
	vm2 =	veq.s32 v58, $0x1;
	v29 =	vadd.s32 v54, v23  }
0x187: {  	v51 =	vmpcnt.ones.xlane vm6;
	v23 =	vadd.s32 v23, v59;
	v56 =	vadd.s32 $0xFFFFFFFF, v29;
	v60, _, _ =	vpop (xrf0);
	(xrf0) =	vadd.scan.msk.s32 $0xffff, v57  }
0x188: {  	v38 =	vsel vm2, $0x1, v7;
	v24 =	vsel vm3, v56, v24;
	vm3 =	veq.s32 v27, $0x7  }
0x189: {  	v54 =	vmpcnt.ones.xlane vm2;
	v28 =	vadd.s32 v60, v22;
	v63, _, _ =	vpop (xrf0);
	v32 =	vsel vm3, $0x1, v7  }
0x18a: {  	v22 =	vadd.s32 v22, v61;
	v62 =	vadd.s32 $0xFFFFFFFF, v28;
	v33 =	vadd.s32 v63, v19;
	(xrf0) =	vadd.scan.msk.s32 $0xffff, v32  }
0x18b: {  	v19 =	vadd.s32 v19, v34;
	v24 =	vsel vm4, v62, v24;
	v25 =	vadd.s32 $0xFFFFFFFF, v33  }
0x18c: {  	v46 =	vmpcnt.ones.xlane vm3;
	vm4 =	veq.s32 v58, $0x2;
	v24 =	vsel vm7, v25, v24;
	v35, _, _ =	vpop (xrf0)  }
0x18d: {  	(xrf0) =	vadd.scan.msk.s32 $0xffff, v36;
	v44 =	vsel vm4, $0x1, v7;
	v31 =	vmpcnt.ones.xlane vm4;
	v25 =	vadd.s32 v35, v17;
	v37, _, _ =	vpop (xrf0)  }
0x18e: {  	vm7 =	veq.s32 v58, $0x7;
	v25 =	vadd.s32 $0xFFFFFFFF, v25;
	v27 =	vadd.s32 v37, v18  }
0x18f: {  	(xrf0) =	vadd.scan.msk.s32 $0xffff, v38;
	v24 =	vsel vm5, v25, v24;
	v18 =	vadd.s32 v18, v45;
	vm5 =	veq.s32 v58, $0x5  }
0x190: {  	v40 =	vadd.s32 $0xFFFFFFFF, v27;
	v53 =	vsel vm5, $0x1, v7;
	v63 =	vmpcnt.ones.xlane vm5;
	v43, _, _ =	vpop (xrf0)  }
0x191: {  	v42 =	vsel vm1, v40, v24;
	vm1 =	veq.s32 v58, $0x3;
	v24 =	vadd.s32 v43, v21  }
0x192: {  	(xrf0) =	vadd.scan.msk.s32 $0xffff, v44;
	v47 =	vsel vm1, $0x1, v7;
	v21 =	vadd.s32 v21, v46;
	v24 =	vadd.s32 $0xFFFFFFFF, v24  }
0x193: {  	v48, _, _ =	vpop (xrf0);
	v57 =	vmpcnt.ones.xlane vm1;
	v27 =	vadd.s32 v41, v63;
	v17 =	vsel vm3, v24, v42  }
0x194: {  	v28 =	vld [tilespmem:$0x80];
	(xrf0) =	vadd.scan.msk.s32 $0xffff, v47;
	vm3 =	veq.s32 v58, $0x4;
	v24 =	vadd.s32 v48, v20;
	v20 =	vadd.s32 v20, v51  }
0x195: {  	v49, _, _ =	vpop (xrf0);
	v42 =	vmpcnt.ones.xlane vm7;
	v50 =	vsel vm3, $0x1, v7;
	v24 =	vadd.s32 $0xFFFFFFFF, v24  }
0x196: {  	v25 =	vadd.s32 v49, v26;
	v26 =	vadd.s32 v26, v54;
	v62 =	vmpcnt.ones.xlane vm3;
	(xrf0) =	vadd.scan.msk.s32 $0xffff, v50  }
0x197: {  	v24 =	vnsel vm6, $0x0, v24;
	v25 =	vadd.s32 $0xFFFFFFFF, v25;
	vm6 =	veq.s32 v58, $0x6  }
0x198: {  	v58 =	vsel vm7, $0x1, v7;
	v24 =	vsel vm2, v25, v24;
	v52, _, _ =	vpop (xrf0);
	(xrf0) =	vadd.scan.msk.s32 $0xffff, v53;
	v33 =	vsel vm6, $0x1, v7  }
0x199: {  	vm2 =	veq.s32 v28, $0x0;
	v39 =	vmpcnt.ones.xlane vm6;
	v25 =	vadd.s32 v52, v23  }
0x19a: {  	v23 =	vadd.s32 v23, v31;
	v61 =	vsel vm2, $0x1, v7;
	v25 =	vadd.s32 $0xFFFFFFFF, v25;
	v32, _, _ =	vpop (xrf0);
	(xrf0) =	vadd.scan.msk.s32 $0xffff, v33  }
0x19b: {  	v47 =	vmpcnt.ones.xlane vm2;
	v24 =	vsel vm4, v25, v24;
	v55 =	vadd.s32 v32, v22  }
0x19c: {  	v22 =	vadd.s32 v22, v57;
	vm4 =	veq.s32 v28, $0x2;
	v25 =	vadd.s32 $0xFFFFFFFF, v55;
	v56, _, _ =	vpop (xrf0)  }
0x19d: {  	v53 =	vmpcnt.ones.xlane vm4;
	v24 =	vsel vm1, v25, v24;
	v29 =	vadd.s32 v56, v19  }
0x19e: {  	(xrf0) =	vadd.scan.msk.s32 $0xffff, v58;
	vm1 =	veq.s32 v28, $0x5;
	v60, _, _ =	vpop (xrf0);
	v19 =	vadd.s32 v19, v62;
	v59 =	vadd.s32 $0xFFFFFFFF, v29  }
0x19f: {  	(xrf0) =	vadd.scan.msk.s32 $0xffff, v61;
	v25 =	vadd.s32 v60, v41;
	v24 =	vsel vm3, v59, v24;
	vm3 =	veq.s32 v28, $0x1  }
0x1a0: {  	v50 =	vsel vm1, $0x1, v7;
	v25 =	vadd.s32 $0xFFFFFFFF, v25;
	v36, _, _ =	vpop (xrf0);
	v37 =	vsel vm3, $0x1, v7  }
0x1a1: {  	v41 =	vsel vm4, $0x1, v7;
	v24 =	vsel vm5, v25, v24;
	v38 =	vadd.s32 v36, v18;
	(xrf0) =	vadd.scan.msk.s32 $0xffff, v37  }
0x1a2: {  	vm5 =	veq.s32 v28, $0x4;
	v51 =	vmpcnt.ones.xlane vm3;
	v25 =	vadd.s32 $0xFFFFFFFF, v38  }
0x1a3: {  	v31 =	vld [tilespmem:$0x90];
	v49 =	vsel vm5, $0x1, v7;
	v24 =	vsel vm6, v25, v24;
	vm6 =	veq.s32 v28, $0x3  }
0x1a4: {  	v63 =	vmpcnt.ones.xlane vm5;
	v40, _, _ =	vpop (xrf0);
	(xrf0) =	vadd.scan.msk.s32 $0xffff, v41;
	v25 =	vadd.s32 v18, v39;
	v45 =	vsel vm6, $0x1, v7  }
0x1a5: {  	v39 =	vmpcnt.ones.xlane vm1;
	v29 =	vadd.s32 v40, v21;
	v44, _, _ =	vpop (xrf0);
	v21 =	vadd.s32 v21, v42;
	(xrf0) =	vadd.scan.msk.s32 $0xffff, v45  }
0x1a6: {  	v58 =	vmpcnt.ones.xlane vm6;
	v43 =	vadd.s32 $0xFFFFFFFF, v29;
	v46 =	vadd.s32 v44, v20  }
0x1a7: {  	v20 =	vadd.s32 v20, v47;
	v18 =	vsel vm7, v43, v24;
	v24 =	vadd.s32 $0xFFFFFFFF, v46;
	v48, _, _ =	vpop (xrf0)  }
0x1a8: {  	v24 =	vnsel vm2, $0x0, v24;
	vm2 =	veq.s32 v31, $0x0;
	(xrf0) =	vadd.scan.msk.s32 $0xffff, v49;
	v30 =	vadd.s32 v48, v26  }
0x1a9: {  	v62 =	vsel vm2, $0x1, v7;
	v49 =	vmpcnt.ones.xlane vm2;
	v30 =	vadd.s32 $0xFFFFFFFF, v30  }
0x1aa: {  	v52, _, _ =	vpop (xrf0);
	(xrf0) =	vadd.scan.msk.s32 $0xffff, v50;
	v26 =	vadd.s32 v26, v51;
	v24 =	vsel vm3, v30, v24;
	vm3 =	veq.s32 v28, $0x6  }
0x1ab: {  	v32 =	vadd.s32 v20, v49;
	v30 =	vadd.s32 v52, v23;
	v55, _, _ =	vpop (xrf0);
	v56 =	vsel vm3, $0x1, v7  }
0x1ac: {  	v23 =	vadd.s32 v23, v53;
	v54 =	vadd.s32 $0xFFFFFFFF, v30;
	v57 =	vadd.s32 v55, v22;
	(xrf0) =	vadd.scan.msk.s32 $0xffff, v56  }
0x1ad: {  	v22 =	vadd.s32 v22, v58;
	v24 =	vsel vm4, v54, v24;
	vm4 =	veq.s32 v28, $0x7  }
0x1ae: {  	v40 =	vmpcnt.ones.xlane vm3;
	v29 =	vadd.s32 $0xFFFFFFFF, v57;
	v59, _, _ =	vpop (xrf0);
	v60 =	vsel vm4, $0x1, v7  }
0x1af: {  	v24 =	vsel vm6, v29, v24;
	v29 =	vadd.s32 v19, v63;
	v28 =	vadd.s32 v59, v19;
	(xrf0) =	vadd.scan.msk.s32 $0xffff, v60  }
0x1b0: {  	v45 =	vmpcnt.ones.xlane vm4;
	vm6 =	veq.s32 v31, $0x5;
	v61, _, _ =	vpop (xrf0);
	v28 =	vadd.s32 $0xFFFFFFFF, v28  }
0x1b1: {  	v30 =	vadd.s32 v61, v27;
	(xrf0) =	vadd.scan.msk.s32 $0xffff, v62;
	v24 =	vsel vm5, v28, v24;
	vm5 =	veq.s32 v31, $0x1  }
0x1b2: {  	v34 =	vsel vm6, $0x1, v7;
	v35 =	vadd.s32 $0xFFFFFFFF, v30;
	v38 =	vsel vm5, $0x1, v7;
	v37, _, _ =	vpop (xrf0)  }
0x1b3: {  	v27 =	vadd.s32 v27, v39;
	v36 =	vsel vm1, v35, v24;
	(xrf0) =	vadd.scan.msk.s32 $0xffff, v38;
	v24 =	vadd.s32 v37, v25  }
0x1b4: {  	vm1 =	veq.s32 v31, $0x2;
	v50 =	vmpcnt.ones.xlane vm5;
	v24 =	vadd.s32 $0xFFFFFFFF, v24  }
0x1b5: {  	v41 =	vsel vm1, $0x1, v7;
	v42, _, _ =	vpop (xrf0);
	v19 =	vsel vm3, v24, v36;
	vm3 =	veq.s32 v31, $0x3  }
0x1b6: {  	v55 =	vmpcnt.ones.xlane vm1;
	(xrf0) =	vadd.scan.msk.s32 $0xffff, v41;
	v24 =	vadd.s32 v42, v21;
	v44 =	vsel vm3, $0x1, v7  }
0x1b7: {  	v25 =	vadd.s32 v25, v40;
	v37 =	vmpcnt.ones.xlane vm6;
	v43, _, _ =	vpop (xrf0);
	v24 =	vadd.s32 $0xFFFFFFFF, v24;
	(xrf0) =	vadd.scan.msk.s32 $0xffff, v44  }
0x1b8: {  	v28 =	vadd.s32 v43, v20;
	v19 =	vsel vm4, v24, v19;
	vm4 =	veq.s32 v31, $0x4  }
0x1b9: {  	v21 =	vadd.s32 v21, v45;
	v46 =	vadd.s32 $0xFFFFFFFF, v28;
	v47, _, _ =	vpop (xrf0);
	v48 =	vsel vm4, $0x1, v7  }
0x1ba: {  	v60 =	vmpcnt.ones.xlane vm3;
	v24 =	vnsel vm2, $0x0, v46;
	v28 =	vadd.s32 v47, v26;
	(xrf0) =	vadd.scan.msk.s32 $0xffff, v48  }
0x1bb: {  	vm2 =	veq.s32 v31, $0x7;
	v61 =	vmpcnt.ones.xlane vm4;
	v28 =	vadd.s32 $0xFFFFFFFF, v28  }
0x1bc: {  	v51, _, _ =	vpop (xrf0);
	v26 =	vadd.s32 v26, v50;
	v59 =	vsel vm2, $0x1, v7;
	(xrf0) =	vadd.scan.msk.s32 $0xffff, v34;
	v52 =	vsel vm5, v28, v24;
	v28 =	vld [tilespmem:$0xA0]  }
0x1bd: {  	v45 =	vmpcnt.ones.xlane vm2;
	v53 =	vadd.s32 v51, v23;
	v23 =	vadd.s32 v23, v55;
	v54, _, _ =	vpop (xrf0)  }
0x1be: {  	v24 =	vadd.s32 $0xFFFFFFFF, v53;
	vm5 =	veq.s32 v31, $0x6;
	v30 =	vadd.s32 v54, v22  }
0x1bf: {  	v56 =	vsel vm5, $0x1, v7;
	v20 =	vsel vm1, v24, v52;
	v57 =	vadd.s32 $0xFFFFFFFF, v30  }
0x1c0: {  	v40 =	vmpcnt.ones.xlane vm5;
	v22 =	vadd.s32 v22, v60;
	v58, _, _ =	vpop (xrf0);
	v20 =	vsel vm3, v57, v20  }
0x1c1: {  	(xrf0) =	vadd.scan.msk.s32 $0xffff, v56;
	v24 =	vadd.s32 v58, v29;
	vm3 =	veq.s32 v28, $0x0;
	v29 =	vadd.s32 v29, v61  }
0x1c2: {  	v62, _, _ =	vpop (xrf0);
	vm7 =	veq.s32 v28, $0x1;
	vm8 =	veq.s32 v28, $0x2;
	vm1 =	veq.s32 v28, $0x4  }
0x1c3: {  	(xrf0) =	vadd.scan.msk.s32 $0xffff, v59;
	v24 =	vadd.s32 $0xFFFFFFFF, v24;
	v63 =	vsel vm3, $0x1, v7;
	v36 =	vadd.s32 v62, v27  }
0x1c4: {  	v39 =	vsel vm7, $0x1, v7;
	v43 =	vsel vm8, $0x1, v7;
	v51 =	vmpcnt.ones.xlane vm3  }
0x1c5: {  	v49 =	vsel vm1, $0x1, v7;
	v54 =	vmpcnt.ones.xlane vm7;
	v58 =	vmpcnt.ones.xlane vm8  }
0x1c6: {  	v20 =	vsel vm4, v24, v20;
	(xrf0) =	vadd.scan.msk.s32 $0xffff, v63;
	v24 =	vadd.s32 $0xFFFFFFFF, v36;
	vm4 =	veq.s32 v28, $0x3  }
0x1c7: {  	v20 =	vsel vm6, v24, v20;
	v38, _, _ =	vpop (xrf0);
	(xrf0) =	vadd.scan.msk.s32 $0xffff, v39;
	v24 =	vadd.s32 v27, v37;
	v47 =	vsel vm4, $0x1, v7  }
0x1c8: {  	vm6 =	veq.s32 v28, $0x6;
	v36 =	vmpcnt.ones.xlane vm4;
	v30 =	vadd.s32 v38, v25  }
0x1c9: {  	v25 =	vadd.s32 v25, v40;
	v60 =	vsel vm6, $0x1, v7;
	v40 =	vmpcnt.ones.xlane vm1;
	v42, _, _ =	vpop (xrf0);
	(xrf0) =	vadd.scan.msk.s32 $0xffff, v43  }
0x1ca: {  	v41 =	vadd.s32 $0xFFFFFFFF, v30;
	v30 =	vadd.s32 v21, v45;
	v44 =	vadd.s32 v42, v21  }
0x1cb: {  	v20 =	vsel vm5, v41, v20;
	vm5 =	veq.s32 v28, $0x5;
	v27 =	vadd.s32 $0xFFFFFFFF, v44  }
0x1cc: {  	v56 =	vsel vm5, $0x1, v7;
	v41 =	vmpcnt.ones.xlane vm5;
	v46, _, _ =	vpop (xrf0);
	v20 =	vsel vm2, v27, v20;
	(xrf0) =	vadd.scan.msk.s32 $0xffff, v47  }
0x1cd: {  	v27 =	vadd.s32 v32, v51;
	vm2 =	veq.s32 v28, $0x7;
	v31 =	vadd.s32 v46, v32;
	v52, _, _ =	vpop (xrf0);
	(xrf0) =	vadd.scan.msk.s32 $0xffff, v49;
	v32 =	vld [tilespmem:$0xB0]  }
0x1ce: {  	v63 =	vsel vm2, $0x1, v7;
	v48 =	vadd.s32 $0xFFFFFFFF, v31;
	v53 =	vadd.s32 v52, v26  }
0x1cf: {  	v46 =	vmpcnt.ones.xlane vm6;
	v50 =	vnsel vm3, $0x0, v48;
	v31 =	vadd.s32 $0xFFFFFFFF, v53;
	v55, _, _ =	vpop (xrf0)  }
0x1d0: {  	v26 =	vadd.s32 v26, v54;
	(xrf0) =	vadd.scan.msk.s32 $0xffff, v56;
	v21 =	vsel vm7, v31, v50;
	v57 =	vadd.s32 v55, v23  }
0x1d1: {  	v23 =	vadd.s32 v23, v58;
	v50 =	vmpcnt.ones.xlane vm2;
	v31 =	vadd.s32 $0xFFFFFFFF, v57  }
0x1d2: {  	v21 =	vsel vm8, v31, v21;
	v59, _, _ =	vpop (xrf0);
	vm7 =	veq.s32 v32, $0x0;
	vm3 =	veq.s32 v32, $0x1  }
0x1d3: {  	v61 =	vadd.s32 v59, v22;
	v62, _, _ =	vpop (xrf0);
	(xrf0) =	vadd.scan.msk.s32 $0xffff, v60;
	v22 =	vadd.s32 v22, v36;
	v39 =	vsel vm7, $0x1, v7  }
0x1d4: {  	v42 =	vsel vm3, $0x1, v7;
	v51 =	vmpcnt.ones.xlane vm7;
	v56 =	vmpcnt.ones.xlane vm3;
	(xrf0) =	vadd.scan.msk.s32 $0xffff, v63  }
0x1d5: {  	v28 =	vadd.s32 $0xFFFFFFFF, v61;
	v31 =	vadd.s32 v62, v29;
	v29 =	vadd.s32 v29, v40  }
0x1d6: {  	v21 =	vsel vm4, v28, v21;
	v37 =	vadd.s32 $0xFFFFFFFF, v31;
	v38, _, _ =	vpop (xrf0);
	(xrf0) =	vadd.scan.msk.s32 $0xffff, v39;
	vm4 =	veq.s32 v32, $0x3  }
0x1d7: {  	v21 =	vsel vm1, v37, v21;
	v28 =	vadd.s32 v38, v24;
	vm1 =	veq.s32 v32, $0x2  }
0x1d8: {  	v24 =	vadd.s32 v24, v41;
	v49 =	vsel vm4, $0x1, v7;
	v62 =	vmpcnt.ones.xlane vm4  }
0x1d9: {  	v28 =	vadd.s32 $0xFFFFFFFF, v28;
	v45 =	vsel vm1, $0x1, v7;
	v61 =	vmpcnt.ones.xlane vm1;
	v43, _, _ =	vpop (xrf0);
	(xrf0) =	vadd.scan.msk.s32 $0xffff, v42  }
0x1da: {  	v21 =	vsel vm5, v28, v21;
	vm5 =	veq.s32 v32, $0x5;
	v28 =	vadd.s32 v43, v25;
	v44, _, _ =	vpop (xrf0);
	(xrf0) =	vadd.scan.msk.s32 $0xffff, v45  }
0x1db: {  	v57 =	vsel vm5, $0x1, v7;
	v28 =	vadd.s32 $0xFFFFFFFF, v28;
	v31 =	vadd.s32 v44, v30  }
0x1dc: {  	v25 =	vadd.s32 v25, v46;
	v48, _, _ =	vpop (xrf0);
	v21 =	vsel vm6, v28, v21;
	v47 =	vadd.s32 $0xFFFFFFFF, v31  }
0x1dd: {  	(xrf0) =	vadd.scan.msk.s32 $0xffff, v49;
	v28 =	vadd.s32 v48, v27;
	v21 =	vsel vm2, v47, v21;
	vm2 =	veq.s32 v32, $0x4  }
0x1de: {  	v30 =	vadd.s32 v30, v50;
	v28 =	vadd.s32 $0xFFFFFFFF, v28;
	v35 =	vsel vm2, $0x1, v7  }
0x1df: {  	v27 =	vadd.s32 v27, v51;
	v28 =	vnsel vm7, $0x0, v28;
	vm7 =	veq.s32 v32, $0x7;
	v52, _, _ =	vpop (xrf0);
	(xrf0) =	vadd.scan.msk.s32 $0xffff, v35  }
0x1e0: {  	v47 =	vmpcnt.ones.xlane vm5;
	v42 =	vmpcnt.ones.xlane vm2;
	v36 =	vsel vm7, $0x1, v7;
	v55, _, _ =	vpop (xrf0)  }
0x1e1: {  	v53 =	vadd.s32 v52, v26;
	(xrf0) =	vadd.scan.msk.s32 $0xffff, v57;
	v26 =	vadd.s32 v26, v56;
	v33 =	vadd.s32 v55, v23  }
0x1e2: {  	v54 =	vadd.s32 $0xFFFFFFFF, v53;
	v23 =	vadd.s32 v23, v61;
	v58 =	vadd.s32 $0xFFFFFFFF, v33;
	v33 =	vld [tilespmem:$0xC0]  }
0x1e3: {  	v59, _, _ =	vpop (xrf0);
	v53 =	vmpcnt.ones.xlane vm7;
	v28 =	vsel vm3, v54, v28;
	vm3 =	veq.s32 v32, $0x6  }
0x1e4: {  	v31 =	vadd.s32 v59, v22;
	v32 =	vadd.s32 v22, v62;
	v28 =	vsel vm1, v58, v28  }
0x1e5: {  	v60 =	vsel vm3, $0x1, v7;
	v31 =	vadd.s32 $0xFFFFFFFF, v31;
	v52 =	vmpcnt.ones.xlane vm3;
	v63, _, _ =	vpop (xrf0)  }
0x1e6: {  	(xrf0) =	vadd.scan.msk.s32 $0xffff, v60;
	v28 =	vsel vm4, v31, v28;
	v40 =	vadd.s32 v63, v29;
	v29 =	vadd.s32 v29, v42  }
0x1e7: {  	(xrf0) =	vadd.scan.msk.s32 $0xffff, v36;
	v43, _, _ =	vpop (xrf0);
	v41 =	vadd.s32 $0xFFFFFFFF, v40;
	vm4 =	veq.s32 v33, $0x0;
	vm6 =	veq.s32 v33, $0x1  }
0x1e8: {  	v45 =	vadd.s32 v43, v24;
	v24 =	vadd.s32 v24, v47;
	vm1 =	veq.s32 v33, $0x3  }
0x1e9: {  	v44 =	vsel vm4, $0x1, v7;
	v22 =	vsel vm2, v41, v28;
	v46 =	vsel vm6, $0x1, v7  }
0x1ea: {  	v28 =	vadd.s32 $0xFFFFFFFF, v45;
	vm2 =	veq.s32 v33, $0x2;
	v59 =	vmpcnt.ones.xlane vm4  }
0x1eb: {  	v55 =	vsel vm1, $0x1, v7;
	v60 =	vmpcnt.ones.xlane vm6;
	v42 =	vmpcnt.ones.xlane vm1;
	(xrf0) =	vadd.scan.msk.s32 $0xffff, v44  }
0x1ec: {  	v37 =	vld [tilespmem:$0xD0];
	v22 =	vsel vm5, v28, v22;
	v51 =	vsel vm2, $0x1, v7;
	vm5 =	veq.s32 v33, $0x4;
	v48, _, _ =	vpop (xrf0);
	(xrf0) =	vadd.scan.msk.s32 $0xffff, v46  }
0x1ed: {  	v38 =	vmpcnt.ones.xlane vm2;
	v58 =	vsel vm5, $0x1, v7;
	v49 =	vadd.s32 v48, v25;
	v50, _, _ =	vpop (xrf0)  }
0x1ee: {  	v45 =	vmpcnt.ones.xlane vm5;
	(xrf0) =	vadd.scan.msk.s32 $0xffff, v51;
	v28 =	vadd.s32 $0xFFFFFFFF, v49;
	v31 =	vadd.s32 v50, v30  }
0x1ef: {  	v25 =	vadd.s32 v25, v52;
	v22 =	vsel vm3, v28, v22;
	v31 =	vadd.s32 $0xFFFFFFFF, v31  }
0x1f0: {  	v30 =	vadd.s32 v30, v53;
	vm3 =	veq.s32 v33, $0x6;
	v22 =	vsel vm7, v31, v22  }
0x1f1: {  	v63 =	vsel vm3, $0x1, v7;
	vm7 =	veq.s32 v37, $0x1;
	v53 =	vmpcnt.ones.xlane vm3;
	v54, _, _ =	vpop (xrf0)  }
0x1f2: {  	(xrf0) =	vadd.scan.msk.s32 $0xffff, v55;
	v51 =	vsel vm7, $0x1, v7;
	v28 =	vadd.s32 v54, v27;
	v56, _, _ =	vpop (xrf0);
	v27 =	vadd.s32 v27, v59  }
0x1f3: {  	(xrf0) =	vadd.scan.msk.s32 $0xffff, v58;
	v28 =	vadd.s32 $0xFFFFFFFF, v28;
	v57 =	vadd.s32 v56, v26;
	v26 =	vadd.s32 v26, v60  }
0x1f4: {  	v61, _, _ =	vpop (xrf0);
	v28 =	vnsel vm4, $0x0, v28;
	v31 =	vadd.s32 $0xFFFFFFFF, v57;
	vm4 =	veq.s32 v33, $0x5  }
0x1f5: {  	v34 =	vadd.s32 v61, v23;
	v28 =	vsel vm6, v31, v28;
	v62 =	vsel vm4, $0x1, v7  }
0x1f6: {  	v34 =	vadd.s32 $0xFFFFFFFF, v34;
	vm6 =	veq.s32 v37, $0x0;
	v31 =	vadd.s32 v32, v42;
	(xrf0) =	vadd.scan.msk.s32 $0xffff, v62  }
0x1f7: {  	v49 =	vmpcnt.ones.xlane vm4;
	v28 =	vsel vm2, v34, v28;
	vm2 =	veq.s32 v33, $0x7  }
0x1f8: {  	v34 =	vadd.s32 v23, v38;
	v47 =	vsel vm6, $0x1, v7;
	v40, _, _ =	vpop (xrf0);
	(xrf0) =	vadd.scan.msk.s32 $0xffff, v63;
	v44 =	vsel vm2, $0x1, v7  }
0x1f9: {  	v60 =	vmpcnt.ones.xlane vm6;
	v56 =	vmpcnt.ones.xlane vm2;
	v41 =	vadd.s32 v40, v32;
	v43, _, _ =	vpop (xrf0);
	(xrf0) =	vadd.scan.msk.s32 $0xffff, v44  }
0x1fa: {  	v63 =	vmpcnt.ones.xlane vm7;
	v23 =	vadd.s32 $0xFFFFFFFF, v41;
	v33 =	vadd.s32 v43, v29  }
0x1fb: {  	v23 =	vsel vm1, v23, v28;
	v46 =	vadd.s32 $0xFFFFFFFF, v33;
	vm1 =	veq.s32 v37, $0x2  }
0x1fc: {  	v28 =	vadd.s32 v29, v45;
	v23 =	vsel vm5, v46, v23;
	v55 =	vsel vm1, $0x1, v7;
	v48, _, _ =	vpop (xrf0);
	(xrf0) =	vadd.scan.msk.s32 $0xffff, v47  }
0x1fd: {  	vm5 =	veq.s32 v37, $0x4;
	v43 =	vmpcnt.ones.xlane vm1;
	v29 =	vadd.s32 v48, v24  }
0x1fe: {  	v62 =	vsel vm5, $0x1, v7;
	v50, _, _ =	vpop (xrf0);
	v24 =	vadd.s32 v24, v49;
	(xrf0) =	vadd.scan.msk.s32 $0xffff, v51;
	v29 =	vadd.s32 $0xFFFFFFFF, v29  }
0x1ff: {  	v49 =	vmpcnt.ones.xlane vm5;
	v33 =	vadd.s32 v50, v25;
	v54, _, _ =	vpop (xrf0);
	v23 =	vsel vm4, v29, v23  }
0x200: {  	(xrf0) =	vadd.scan.msk.s32 $0xffff, v55;
	v52 =	vadd.s32 $0xFFFFFFFF, v33;
	v32 =	vadd.s32 v54, v30;
	vm4 =	veq.s32 v37, $0x3  }
0x201: {  	v29 =	vadd.s32 v25, v53;
	v30 =	vadd.s32 v30, v56;
	v58 =	vsel vm4, $0x1, v7  }
0x202: {  	v23 =	vsel vm3, v52, v23;
	v32 =	vadd.s32 $0xFFFFFFFF, v32;
	vm3 =	veq.s32 v37, $0x6;
	v57, _, _ =	vpop (xrf0);
	(xrf0) =	vadd.scan.msk.s32 $0xffff, v58  }
0x203: {  	v39 =	vmpcnt.ones.xlane vm4;
	v23 =	vsel vm2, v32, v23;
	vm2 =	veq.s32 v37, $0x5  }
0x204: {  	v45 =	vsel vm3, $0x1, v7;
	v41 =	vsel vm2, $0x1, v7;
	v55 =	vmpcnt.ones.xlane vm2;
	v61, _, _ =	vpop (xrf0)  }
0x205: {  	v59 =	vadd.s32 v57, v27;
	(xrf0) =	vadd.scan.msk.s32 $0xffff, v62;
	v27 =	vadd.s32 v27, v60;
	v33 =	vadd.s32 v61, v26  }
0x206: {  	v25 =	vadd.s32 $0xFFFFFFFF, v59;
	v26 =	vadd.s32 v26, v63;
	v42, _, _ =	vpop (xrf0);
	(xrf0) =	vadd.scan.msk.s32 $0xffff, v41;
	v40 =	vadd.s32 $0xFFFFFFFF, v33;
	v33 =	vld [tilespmem:$0xE0]  }
0x207: {  	v59 =	vmpcnt.ones.xlane vm3;
	v25 =	vnsel vm6, $0x0, v25;
	v32 =	vadd.s32 v42, v34  }
0x208: {  	v25 =	vsel vm7, v40, v25;
	v32 =	vadd.s32 $0xFFFFFFFF, v32;
	vm7 =	veq.s32 v37, $0x7;
	v44, _, _ =	vpop (xrf0)  }
0x209: {  	v25 =	vsel vm1, v32, v25;
	v32 =	vadd.s32 v34, v43;
	v36 =	vadd.s32 v44, v31  }
0x20a: {  	v48 =	vsel vm7, $0x1, v7;
	v62 =	vmpcnt.ones.xlane vm7;
	v46 =	vadd.s32 $0xFFFFFFFF, v36  }
0x20b: {  	(xrf0) =	vadd.scan.msk.s32 $0xffff, v45;
	v47, _, _ =	vpop (xrf0);
	vm1 =	veq.s32 v33, $0x2;
	v36 =	vadd.s32 v24, v55;
	vm6 =	veq.s32 v33, $0x4  }
0x20c: {  	v50, _, _ =	vpop (xrf0);
	vm8 =	veq.s32 v33, $0x7;
	v34 =	vsel vm4, v46, v25;
	v25 =	vadd.s32 v31, v39  }
0x20d: {  	(xrf0) =	vadd.scan.msk.s32 $0xffff, v48;
	v31 =	vadd.s32 v47, v28;
	vm4 =	veq.s32 v33, $0x0;
	v52 =	vadd.s32 v50, v24  }
0x20e: {  	v28 =	vadd.s32 v28, v49;
	v57 =	vsel vm1, $0x1, v7;
	v39 =	vsel vm6, $0x1, v7  }
0x20f: {  	v55 =	vmpcnt.ones.xlane vm1;
	v31 =	vadd.s32 $0xFFFFFFFF, v31;
	v51 =	vsel vm4, $0x1, v7  }
0x210: {  	v31 =	vsel vm5, v31, v34;
	(xrf0) =	vadd.scan.msk.s32 $0xffff, v51;
	vm5 =	veq.s32 v33, $0x1;
	v34 =	vadd.s32 $0xFFFFFFFF, v52  }
0x211: {  	v44 =	vmpcnt.ones.xlane vm4;
	v53, _, _ =	vpop (xrf0);
	v54 =	vsel vm5, $0x1, v7;
	v31 =	vsel vm2, v34, v31  }
0x212: {  	vm2 =	veq.s32 v33, $0x3;
	v48 =	vmpcnt.ones.xlane vm5;
	v35 =	vadd.s32 v53, v29;
	(xrf0) =	vadd.scan.msk.s32 $0xffff, v54  }
0x213: {  	v61 =	vsel vm2, $0x1, v7;
	v29 =	vadd.s32 v29, v59;
	v56 =	vadd.s32 $0xFFFFFFFF, v35;
	v60, _, _ =	vpop (xrf0)  }
0x214: {  	v37 =	vld [tilespmem:$0xF0];
	v54 =	vsel vm8, $0x1, v7;
	(xrf0) =	vadd.scan.msk.s32 $0xffff, v57;
	v58 =	vsel vm3, v56, v31;
	v34 =	vadd.s32 v60, v30  }
0x215: {  	(xrf0) =	vadd.scan.msk.s32 $0xffff, v61;
	v30 =	vadd.s32 v30, v62;
	vm3 =	veq.s32 v33, $0x5;
	v40 =	vadd.s32 $0xFFFFFFFF, v34  }
0x216: {  	v46 =	vsel vm3, $0x1, v7;
	v63, _, _ =	vpop (xrf0);
	v24 =	vsel vm7, v40, v58;
	vm7 =	veq.s32 v33, $0x6  }
0x217: {  	v33 =	vmpcnt.ones.xlane vm6;
	v41 =	vadd.s32 v63, v27;
	v40 =	vsel vm7, $0x1, v7  }
0x218: {  	(xrf0) =	vadd.scan.msk.s32 $0xffff, v39;
	v27 =	vadd.s32 v27, v44;
	v63 =	vmpcnt.ones.xlane vm3;
	v42 =	vadd.s32 $0xFFFFFFFF, v41;
	v43, _, _ =	vpop (xrf0)  }
0x219: {  	v31 =	vnsel vm4, $0x0, v42;
	v34 =	vadd.s32 v43, v26;
	vm4 =	veq.s32 v37, $0x0  }
0x21a: {  	v45, _, _ =	vpop (xrf0);
	v26 =	vadd.s32 v26, v48;
	v63 =	vadd.s32 v36, v63;
	v34 =	vadd.s32 $0xFFFFFFFF, v34  }
0x21b: {  	(xrf0) =	vadd.scan.msk.s32 $0xffff, v46;
	v47 =	vadd.s32 v45, v32;
	v49, _, _ =	vpop (xrf0);
	v41 =	vsel vm4, $0x1, v7;
	v32 =	vadd.s32 v32, v55  }
0x21c: {  	v31 =	vsel vm5, v34, v31;
	v34 =	vadd.s32 $0xFFFFFFFF, v47;
	v50 =	vadd.s32 v49, v25  }
0x21d: {  	(xrf0) =	vadd.scan.msk.s32 $0xffff, v40;
	vm5 =	veq.s32 v37, $0x1;
	v31 =	vsel vm1, v34, v31;
	v52 =	vadd.s32 $0xFFFFFFFF, v50  }
0x21e: {  	v51, _, _ =	vpop (xrf0);
	v34 =	vmpcnt.ones.xlane vm2;
	v58 =	vsel vm5, $0x1, v7;
	vm1 =	veq.s32 v37, $0x4  }
0x21f: {  	(xrf0) =	vadd.scan.msk.s32 $0xffff, v54;
	v50 =	vmpcnt.ones.xlane vm8;
	v54 =	vmpcnt.ones.xlane vm4;
	v53 =	vadd.s32 v51, v28  }
0x220: {  	v31 =	vsel vm2, v52, v31;
	vm2 =	veq.s32 v37, $0x2;
	v49 =	vsel vm1, $0x1, v7  }
0x221: {  	v56 =	vadd.s32 $0xFFFFFFFF, v53;
	v57, _, _ =	vpop (xrf0);
	(xrf0) =	vadd.scan.msk.s32 $0xffff, v41;
	v61 =	vsel vm2, $0x1, v7;
	v41 =	vmpcnt.ones.xlane vm7  }
0x222: {  	[tilespmem:$0x100] =	vst v11;
	v11 =	vadd.s32 v25, v34;
	v31 =	vsel vm6, v56, v31;
	v39 =	vadd.s32 v57, v36  }
0x223: {  	v60, _, _ =	vpop (xrf0);
	(xrf0) =	vadd.scan.msk.s32 $0xffff, v58;
	vm6 =	veq.s32 v37, $0x5;
	v56 =	vmpcnt.ones.xlane vm5;
	v58 =	vmpcnt.ones.xlane vm2  }
0x224: {  	v59 =	vadd.s32 $0xFFFFFFFF, v39;
	v62 =	vadd.s32 v60, v29;
	v43 =	vsel vm6, $0x1, v7  }
0x225: {  	(xrf0) =	vadd.scan.msk.s32 $0xffff, v61;
	v31 =	vsel vm3, v59, v31;
	v35 =	vadd.s32 $0xFFFFFFFF, v62;
	vm3 =	veq.s32 v37, $0x3  }
0x226: {  	[tilespmem:$0x110] =	vst v12;
	v59 =	vadd.s32 v28, v33;
	v12 =	vadd.s32 v32, v58;
	v45, _, _ =	vpop (xrf0);
	v47 =	vsel vm3, $0x1, v7  }
0x227: {  	v31 =	vsel vm7, v35, v31;
	v36 =	vmpcnt.ones.xlane vm3;
	v46 =	vadd.s32 v45, v30;
	(xrf0) =	vadd.scan.msk.s32 $0xffff, v47  }
0x228: {  	[tilespmem:$0x120] =	vst v13;
	v45 =	vmpcnt.ones.xlane vm1;
	v47 =	vmpcnt.ones.xlane vm6;
	v35 =	vadd.s32 $0xFFFFFFFF, v46;
	v48, _, _ =	vpop (xrf0)  }
0x229: {  	[tilespmem:$0x150] =	vst v16;
	v31 =	vsel vm8, v35, v31;
	v39 =	vadd.s32 v48, v27;
	v48 =	vadd.s32 v29, v41  }
0x22a: {  	v42, _, _ =	vpop (xrf0);
	(xrf0) =	vadd.scan.msk.s32 $0xffff, v49;
	v49 =	vadd.s32 v30, v50;
	v50 =	vadd.s32 v27, v54;
	v13 =	vadd.s32 v59, v45  }
0x22b: {  	v16 =	vadd.s32 v63, v47;
	v51 =	vadd.s32 $0xFFFFFFFF, v39;
	v52 =	vadd.s32 v42, v26;
	v53, _, _ =	vpop (xrf0);
	(xrf0) =	vadd.scan.msk.s32 $0xffff, v43  }
0x22c: {  	v35 =	vnsel vm4, $0x0, v51;
	v39 =	vadd.s32 $0xFFFFFFFF, v52;
	v42 =	vadd.s32 v53, v32  }
0x22d: {  	v26 =	vadd.s32 v26, v56;
	v35 =	vsel vm5, v39, v35;
	v55 =	vadd.s32 $0xFFFFFFFF, v42;
	v44, _, _ =	vpop (xrf0)  }
0x22e: {  	[tilespmem:$0x130] =	vst v14;
	v57 =	vsel vm2, v55, v35;
	vm2 =	veq.s32 v37, $0x6;
	v34 =	vadd.s32 v44, v11  }
0x22f: {  	[tilespmem:$0x140] =	vst v15;
	v52 =	vnsel vm15, $0x0, v50;
	v62 =	vsel vm2, $0x1, v7;
	v60 =	vadd.s32 $0xFFFFFFFF, v34  }
0x230: {  	v55 =	vmpcnt.ones.xlane vm2;
	v61, _, _ =	vpop (xrf0);
	(xrf0) =	vadd.scan.msk.s32 $0xffff, v62;
	v25 =	vsel vm3, v60, v57;
	vm3 =	veq.s32 v37, $0x7  }
0x231: {  	[tilespmem:$0x160] =	vst v17;
	v11 =	vadd.s32 v11, v36;
	v34 =	vadd.s32 v61, v59;
	v37, _, _ =	vpop (xrf0);
	v44 =	vsel vm3, $0x1, v7  }
0x232: {  	v59 =	vadd.s32 v48, v55;
	v28 =	vadd.s32 $0xFFFFFFFF, v34;
	v39 =	vadd.s32 v37, v63;
	(xrf0) =	vadd.scan.msk.s32 $0xffff, v44  }
0x233: {  	[tilespmem:$0x170] =	vst v18;
	v58 =	vmpcnt.ones.xlane vm3;
	v38 =	vsel vm1, v28, v25;
	vm1 =	vcmask $0x320  }
0x234: {  	[tilespmem:$0x180] =	vst v19;
	v46 =	vadd.s32 $0xFFFFFFFF, v39;
	v14 =	vsel vm1, v52, v26;
	vm1 =	vcmask $0x720  }
0x235: {  	[tilespmem:$0x190] =	vst v20;
	v15 =	vsel vm6, v46, v38;
	v12 =	vsel vm1, v14, v12;
	vm1 =	vcmask $0xB20  }
0x236: {  	[tilespmem:$0x1A0] =	vst v21;
	v60 =	vadd.s32 v49, v58;
	v51, _, _ =	vpop (xrf0);
	v11 =	vsel vm1, v12, v11;
	vm1 =	vcmask $0xF20  }
0x237: {  	[tilespmem:$0x1B0] =	vst v22;
	v53 =	vadd.s32 v51, v48;
	v11 =	vsel vm1, v11, v13;
	vm1 =	vcmask $0x1320  }
0x238: {  	[tilespmem:$0x1C0] =	vst v23;
	v19 =	vadd.s32 $0xFFFFFFFF, v53;
	v11 =	vsel vm1, v11, v16;
	vm1 =	vcmask $0x1720;
	v56, _, _ =	vpop (xrf0)  }
0x239: {  	[tilespmem:$0x1D0] =	vst v24;
	v11 =	vsel vm1, v11, v59;
	vm1 =	vcmask $0x1B20;
	v57 =	vadd.s32 v56, v49  }
0x23a: {  	[tilespmem:$0x1E0] =	vst v31;
	v54 =	vsel vm2, v19, v15;
	v11 =	vsel vm1, v11, v60;
	v12 =	vadd.s32 $0xFFFFFFFF, v57  }
0x23b: {  	[tilespmem:$0x300] =	vst v11;
	v12 =	vsel vm3, v12, v54  }
0x23c: {  	s9 =	simm.s32 $0x300;
	[tilespmem:$0x1F0] =	vst v12  }
0x23d: {  	[spmem:s7] =	stream.linear.scatter [tilespmem:s9], [sflag:$0x3], $0x10, $0x38;
	[tilespmem:$0x8690] =	vst v63  }
0x23e: {  	_ =	swait.ge [sflag:s31], $0x10  }
0x23f: {  	[sflag:s31] =	ssyncset.done $0x0  }
0x240: {  	[sflag:s31] =	ssyncadd.s32 $0xFFFFFFF0  }
0x241: {  	[bflag:$0x0] =	sbarrier.arrive $0xFFFF  }
0x242: {  	s9 =	simm.s32 $0x380;
	s30 =	rddreg [dreg:$0x4]  }
0x243: {  	[tilespmem:s9], [sflag:$0x3] =	stream.linear.gather [spmem:s30], $0x100, $0x38;
	[tilespmem:$0x8690] =	vst v63  }
0x244: {  	_ =	swait.ge [sflag:s31], $0x100  }
0x245: {  	[sflag:s31] =	ssyncset.done $0x0  }
0x246: {  	v48 =	vld [tilespmem:$0x1FFF0];
	[sflag:s31] =	ssyncadd.s32 $0xFFFFFF00  }
0x247: {  	v11 =	vld [tilespmem:$0x380]  }
0x248: {  	v61 =	vld [tilespmem:$0x390]  }
0x249: {  	v62 =	vld [tilespmem:$0x3A0]  }
0x24a: {  	v63 =	vld [tilespmem:$0x3B0]  }
0x24b: {  	v30 =	vld [tilespmem:$0x3C0]  }
0x24c: {  	v31 =	vld [tilespmem:$0x3D0]  }
0x24d: {  	v32 =	vld [tilespmem:$0x3E0];
	v33 =	vadd.s32 v61, v11  }
0x24e: {  	v34 =	vld [tilespmem:$0x3F0];
	v18 =	vadd.s32 v62, v33  }
0x24f: {  	v35 =	vld [tilespmem:$0x400];
	v18 =	vadd.s32 v63, v18  }
0x250: {  	v36 =	vld [tilespmem:$0x410];
	v18 =	vadd.s32 v30, v18  }
0x251: {  	v37 =	vld [tilespmem:$0x420];
	v18 =	vadd.s32 v31, v18  }
0x252: {  	v38 =	vld [tilespmem:$0x430];
	v18 =	vadd.s32 v32, v18  }
0x253: {  	v39 =	vld [tilespmem:$0x440];
	v18 =	vadd.s32 v34, v18  }
0x254: {  	v40 =	vld [tilespmem:$0x450];
	v18 =	vadd.s32 v35, v18  }
0x255: {  	v41 =	vld [tilespmem:$0x460];
	vm1 =	vnez.u8 v48;
	v18 =	vadd.s32 v36, v18  }
0x256: {  	v42 =	vld [tilespmem:$0x470];
	v11 =	vsel vm14, $0x0, v11;
	v12 =	vnsel vm13, $0x0, v61;
	v18 =	vadd.s32 v37, v18  }
0x257: {  	v49 =	vld [tilespmem:$0x1FFE0];
	v43 =	vnsel vm12, $0x0, v62;
	v11 =	vadd.s32 v11, v12;
	v18 =	vadd.s32 v38, v18  }
0x258: {  	v50 =	vld [tilespmem:$0x1FFD0];
	v45 =	vnsel vm11, $0x0, v63;
	v11 =	vadd.s32 v43, v11;
	v44 =	vadd.s32 v39, v18  }
0x259: {  	v51 =	vld [tilespmem:$0x1FFC0];
	v46 =	vnsel vm10, $0x0, v30;
	v11 =	vadd.s32 v45, v11;
	v13 =	vadd.s32 v40, v44  }
0x25a: {  	v52 =	vld [tilespmem:$0x1FFB0];
	v47 =	vnsel vm9, $0x0, v31;
	v11 =	vadd.s32 v46, v11;
	v13 =	vadd.s32 v41, v13  }
0x25b: {  	v53 =	vld [tilespmem:$0x1FFA0];
	v12 =	vnsel vm1, $0x0, v32;
	v11 =	vadd.s32 v47, v11;
	v13 =	vadd.s32 v42, v13  }
0x25c: {  	v54 =	vld [tilespmem:$0x1FF90];
	vm1 =	vnez.u8 v49;
	v11 =	vadd.s32 v12, v11;
	v13 =	vadd.s32 $0xFF, v13  }
0x25d: {  	v56 =	vld [tilespmem:$0x1FF80];
	v12 =	vnsel vm1, $0x0, v34;
	vm1 =	vnez.u8 v50;
	v13 =	vand.u32 $0xFFFFFF00, v13  }
0x25e: {  	v57 =	vld [tilespmem:$0x1FF70];
	v11 =	vadd.s32 v12, v11;
	v12 =	vnsel vm1, $0x0, v35;
	vm1 =	vnez.u8 v51;
	(xrf0) =	vadd.scan.msk.s32 $0xffff, v13  }
0x25f: {  	v11 =	vadd.s32 v12, v11;
	v12 =	vnsel vm1, $0x0, v36;
	vm1 =	vnez.u8 v52  }
0x260: {  	v55 =	vld [tilespmem:$0x0];
	v11 =	vadd.s32 v12, v11;
	v12 =	vnsel vm1, $0x0, v37;
	vm1 =	vnez.u8 v53  }
0x261: {  	v11 =	vadd.s32 v12, v11;
	v12 =	vnsel vm1, $0x0, v38;
	vm1 =	vnez.u8 v54  }
0x262: {  	v11 =	vadd.s32 v12, v11;
	v12 =	vnsel vm1, $0x0, v39;
	vm1 =	vnez.u8 v56  }
0x263: {  	v11 =	vadd.s32 v12, v11;
	v12 =	vnsel vm1, $0x0, v40;
	vm1 =	vnez.u8 v57  }
0x264: {  	v11 =	vadd.s32 v12, v11;
	v12 =	vnsel vm1, $0x0, v41;
	v58, _, _ =	vpop (xrf0)  }
0x265: {  	v11 =	vadd.s32 v12, v11;
	v59 =	vsub.s32 v58, v13;
	[tilespmem:$0x580] =	vst v58  }
0x266: {  	v60 =	vld [tilespmem:$0x10];
	v11 =	vadd.s32 v59, v11;
	[tilespmem:$0x500] =	vst v59  }
0x267: {  	v61 =	vld [tilespmem:$0x100];
	[tilespmem:$0x480] =	vst v11  }
0x268: {  	v11 =	vld.idx.msk [tilespmem:v55+s1+$0x0], $0xffff;
	_ =	sdelay $0x4  }
0x269: {  	v62 =	vld [tilespmem:$0x20];
	v11 =	vadd.s32 v11, v61  }
0x26a: {  	v63 =	vld [tilespmem:$0x110];
	[tilespmem:$0x200] =	vst v11  }
0x26b: {  	v11 =	vld.idx.msk [tilespmem:v60+s1+$0x0], $0xffff;
	_ =	sdelay $0x4  }
0x26c: {  	v16 =	vld [tilespmem:$0x30];
	v11 =	vadd.s32 v11, v63  }
0x26d: {  	v17 =	vld [tilespmem:$0x120];
	[tilespmem:$0x210] =	vst v11  }
0x26e: {  	v11 =	vld.idx.msk [tilespmem:v62+s1+$0x0], $0xffff;
	_ =	sdelay $0x4  }
0x26f: {  	v19 =	vld [tilespmem:$0x130];
	v11 =	vadd.s32 v11, v17  }
0x270: {  	v18 =	vld [tilespmem:$0x40];
	[tilespmem:$0x220] =	vst v11  }
0x271: {  	v11 =	vld.idx.msk [tilespmem:v16+s1+$0x0], $0xffff;
	_ =	sdelay $0x4  }
0x272: {  	v20 =	vld [tilespmem:$0x50];
	v11 =	vadd.s32 v11, v19  }
0x273: {  	v21 =	vld [tilespmem:$0x140];
	[tilespmem:$0x230] =	vst v11  }
0x274: {  	v11 =	vld.idx.msk [tilespmem:v18+s1+$0x0], $0xffff;
	_ =	sdelay $0x4  }
0x275: {  	v22 =	vld [tilespmem:$0x60];
	v11 =	vadd.s32 v11, v21  }
0x276: {  	v23 =	vld [tilespmem:$0x150];
	[tilespmem:$0x240] =	vst v11  }
0x277: {  	v11 =	vld.idx.msk [tilespmem:v20+s1+$0x0], $0xffff;
	_ =	sdelay $0x4  }
0x278: {  	v24 =	vld [tilespmem:$0x70];
	v11 =	vadd.s32 v11, v23  }
0x279: {  	v25 =	vld [tilespmem:$0x160];
	[tilespmem:$0x250] =	vst v11  }
0x27a: {  	v11 =	vld.idx.msk [tilespmem:v22+s1+$0x0], $0xffff;
	_ =	sdelay $0x4  }
0x27b: {  	v26 =	vld [tilespmem:$0x80];
	v11 =	vadd.s32 v11, v25  }
0x27c: {  	v27 =	vld [tilespmem:$0x170];
	[tilespmem:$0x260] =	vst v11  }
0x27d: {  	v11 =	vld.idx.msk [tilespmem:v24+s1+$0x0], $0xffff;
	_ =	sdelay $0x4  }
0x27e: {  	v28 =	vld [tilespmem:$0x90];
	v11 =	vadd.s32 v11, v27  }
0x27f: {  	v29 =	vld [tilespmem:$0x180];
	[tilespmem:$0x270] =	vst v11  }
0x280: {  	v11 =	vld.idx.msk [tilespmem:v26+s1+$0x0], $0xffff;
	_ =	sdelay $0x4  }
0x281: {  	v30 =	vld [tilespmem:$0xA0];
	v11 =	vadd.s32 v11, v29  }
0x282: {  	v31 =	vld [tilespmem:$0x190];
	[tilespmem:$0x280] =	vst v11  }
0x283: {  	v11 =	vld.idx.msk [tilespmem:v28+s1+$0x0], $0xffff;
	_ =	sdelay $0x4  }
0x284: {  	v33 =	vld [tilespmem:$0x1A0];
	v11 =	vadd.s32 v11, v31  }
0x285: {  	v32 =	vld [tilespmem:$0xB0];
	[tilespmem:$0x290] =	vst v11  }
0x286: {  	v11 =	vld.idx.msk [tilespmem:v30+s1+$0x0], $0xffff;
	_ =	sdelay $0x4  }
0x287: {  	v34 =	vld [tilespmem:$0xC0];
	v11 =	vadd.s32 v11, v33  }
0x288: {  	v35 =	vld [tilespmem:$0x1B0];
	[tilespmem:$0x2A0] =	vst v11  }
0x289: {  	v11 =	vld.idx.msk [tilespmem:v32+s1+$0x0], $0xffff;
	_ =	sdelay $0x4  }
0x28a: {  	v36 =	vld [tilespmem:$0xD0];
	v11 =	vadd.s32 v11, v35  }
0x28b: {  	v37 =	vld [tilespmem:$0x1C0];
	[tilespmem:$0x2B0] =	vst v11  }
0x28c: {  	v11 =	vld.idx.msk [tilespmem:v34+s1+$0x0], $0xffff;
	_ =	sdelay $0x4  }
0x28d: {  	v38 =	vld [tilespmem:$0xE0];
	v11 =	vadd.s32 v11, v37  }
0x28e: {  	v39 =	vld [tilespmem:$0x1D0];
	[tilespmem:$0x2C0] =	vst v11  }
0x28f: {  	v11 =	vld.idx.msk [tilespmem:v36+s1+$0x0], $0xffff;
	_ =	sdelay $0x4  }
0x290: {  	v40 =	vld [tilespmem:$0xF0];
	v11 =	vadd.s32 v11, v39  }
0x291: {  	v41 =	vld [tilespmem:$0x1E0];
	[tilespmem:$0x2D0] =	vst v11  }
0x292: {  	v11 =	vld.idx.msk [tilespmem:v38+s1+$0x0], $0xffff;
	_ =	sdelay $0x4  }
0x293: {  	v11 =	vadd.s32 v11, v41  }
0x294: {  	v42 =	vld [tilespmem:$0x1F0];
	[tilespmem:$0x2E0] =	vst v11  }
0x295: {  	v11 =	vld.idx.msk [tilespmem:v40+s1+$0x0], $0xffff;
	_ =	sdelay $0x4  }
0x296: {  	v11 =	vadd.s32 v11, v42  }
0x297: {  	[tilespmem:$0x2F0] =	vst v11  }
0x298: {  	v11 =	vld.idx.msk [tilespmem:v8+s0+$0x0], $0xffff  }
0x299: {  	v43 =	vld.idx.msk [tilespmem:v6+s0+$0x0], $0xffff  }
0x29a: {  	v44 =	vld.idx.msk [tilespmem:v4+s0+$0x0], $0xffff  }
0x29b: {  	v45 =	vld.idx.msk [tilespmem:v3+s0+$0x0], $0xffff  }
0x29c: {  	v15 =	vld.idx.msk [tilespmem:v2+s0+$0x0], $0xffff  }
0x29d: {  	v46 =	vld.idx.msk [tilespmem:v1+s0+$0x0], $0xffff  }
0x29e: {  	vm1 =	vlt.s32 v11, v9;
	vm2 =	vlt.s32 v43, v9;
	v11 =	vld.idx.msk [tilespmem:v0+s0+$0x0], $0xffff  }
0x29f: {  	v47 =	vsel vm1, $0x1, v7;
	v48 =	vsel vm2, $0x1, v7;
	vm1 =	vlt.s32 v44, v9  }
0x2a0: {  	v12 =	vadd.s32 v47, v48;
	v13 =	vsel vm1, $0x1, v7;
	vm1 =	vlt.s32 v45, v9  }
0x2a1: {  	v12 =	vadd.s32 v13, v12;
	v49 =	vsel vm1, $0x1, v7;
	vm1 =	vlt.s32 v15, v9  }
0x2a2: {  	v12 =	vadd.s32 v49, v12;
	v50 =	vsel vm1, $0x1, v7;
	vm1 =	vlt.s32 v46, v9  }
0x2a3: {  	v12 =	vadd.s32 v50, v12;
	v51 =	vsel vm1, $0x1, v7;
	vm1 =	vlt.s32 v11, v9  }
0x2a4: {  	v11 =	vadd.s32 v51, v12;
	v52 =	vsel vm1, $0x1, v7  }
0x2a5: {  	s30 =	simm.s32 $0x580;
	v11 =	vadd.s32 v52, v11  }
0x2a6: {  	v53 =	vld.idx.msk [tilespmem:v0+s30+$0x0], $0xffff;
	[tilespmem:$0x600] =	vst v11  }
0x2a7: {  	v11 =	vld.idx.msk [tilespmem:v8+s0+$0x0], $0xffff  }
0x2a8: {  	v54 =	vld.idx.msk [tilespmem:v6+s0+$0x0], $0xffff  }
0x2a9: {  	v55 =	vld.idx.msk [tilespmem:v4+s0+$0x0], $0xffff  }
0x2aa: {  	v56 =	vld.idx.msk [tilespmem:v3+s0+$0x0], $0xffff  }
0x2ab: {  	v57 =	vld.idx.msk [tilespmem:v2+s0+$0x0], $0xffff  }
0x2ac: {  	v58 =	vld.idx.msk [tilespmem:v1+s0+$0x0], $0xffff  }
0x2ad: {  	vm1 =	vlt.s32 v11, v10;
	vm2 =	vlt.s32 v54, v10;
	v11 =	vld.idx.msk [tilespmem:v0+s0+$0x0], $0xffff  }
0x2ae: {  	v59 =	vsel vm1, $0x1, v7;
	v60 =	vsel vm2, $0x1, v7;
	vm1 =	vlt.s32 v55, v10  }
0x2af: {  	v12 =	vadd.s32 v59, v60;
	v14 =	vsel vm1, $0x1, v7;
	vm1 =	vlt.s32 v56, v10  }
0x2b0: {  	v12 =	vadd.s32 v14, v12;
	v61 =	vsel vm1, $0x1, v7;
	vm1 =	vlt.s32 v57, v10  }
0x2b1: {  	v12 =	vadd.s32 v61, v12;
	v62 =	vsel vm1, $0x1, v7;
	vm1 =	vlt.s32 v58, v10  }
0x2b2: {  	v12 =	vadd.s32 v62, v12;
	v63 =	vsel vm1, $0x1, v7;
	vm1 =	vlt.s32 v11, v10  }
0x2b3: {  	v11 =	vsel vm1, $0x1, v7;
	v12 =	vadd.s32 v63, v12  }
0x2b4: {  	v13 =	vshra.s32 v53, $0x8;
	v11 =	vadd.s32 v11, v12  }
0x2b5: {  	v11 =	vsel vm0, v11, v13  }
0x2b6: {  	s9 =	simm.s32 @!p0 $0x0;
	s6 =	rddreg [dreg:$0x3];
	s30 =	simm.s32 @!p0 $0x600;
	[tilespmem:$0x610] =	vst v11  }
0x2b7: {  	[hbm4b:s6+s9] =	stream.linear.scatter @!p0 [tilespmem:s30], [sflag:$0x3], $0x80, $0x38;
	[tilespmem:$0x8690] =	vst v63  }
.Ltmp2:
0x2b8: {  	_ = 	snop;
	(pc) =	sbr.rel @p1 .LBB2_3-.Ltmp2, $4  }
0x2b9: {  	s9 =	simm.s32 @!p0 $0x3  }
0x2ba: {  	_ =	swait.ge @!p0 [sflag:s9], $0x80  }
0x2bb: {  	[sflag:s9] =	ssyncset.done @!p0 $0x0  }
0x2bc: {  	[sflag:s9] =	ssyncadd.s32 @!p0 $0xFFFFFF80  }
0x2bd: {  	s6 =	rddreg [dreg:$0x11];
	s9 =	simm.s32 $0x200  }
0x2be: {  	[hbm4b:s6+s3] =	stream.linear.scatter [tilespmem:s9], [sflag:$0x3], $0x80, $0x38;
	[tilespmem:$0x8690] =	vst v63  }
0x2bf: {  	_ =	swait.ge [sflag:s31], $0x80  }
0x2c0: {  	[sflag:s31] =	ssyncset.done $0x0  }
0x2c1: {  	s9 =	rddreg [dreg:$0x8];
	[sflag:s31] =	ssyncadd.s32 $0xFFFFFF80  }
0x2c2: {  	[tilespmem:s4], [sflag:$0x1] =	stream.linear.gather [hbm4b:s9+s3], $0x4000, $0x38;
	[tilespmem:$0x8690] =	vst v63  }
0x2c3: {  	s9 =	rddreg [dreg:$0x12]  }
0x2c4: {  	[tilespmem:s2], [sflag:$0x2] =	stream.linear.gather [hbm4b:s9+s3], $0x4000, $0x38;
	[tilespmem:$0x8690] =	vst v63  }
0x2c5: {  	_ =	swait.ge [sflag:s8], $0x4000  }
0x2c6: {  	[sflag:s8] =	ssyncset.done $0x0  }
0x2c7: {  	[sflag:s8] =	ssyncadd.s32 $0xFFFFC000  }
0x2c8: {  	v11 =	vld [tilespmem:$0x200];
	_ =	sdelay $0x4  }
0x2c9: {  	v12 =	vshll.u32 v11, $0x3  }
0x2ca: {  	v11 =	vand.u32 $0x7, v11;
	v12 =	vand.u32 $0xFFFFFFC0, v12  }
0x2cb: {  	v58 =	vand.u32 $0x7, v5;
	v13 =	vshrl.u32 v5, $0x3;
	v11 =	vor.u32 v11, v12  }
0x2cc: {  	v13 =	vmul.u32 $0x8, v13;
	v14 =	vperm.xlane v11, v58;
	_ =	sdelay $0x1  }
0x2cd: {  	v14 =	vadd.s32 v13, v14;
	_ =	sdelay $0x3  }
0x2ce: {  	vm1 =	vmmov $0xffff  }
0x2cf: {  	v15 =	vor.u32 $0x8, v5;
	[hbm4b:s5+s3] =	stream.indirect_vreg.scatter [tilespmem:s4], [sflag:$0x1], $0x80, v14, vm1, $0xb8;
	[tilespmem:$0x8690] =	vst v63  }
0x2d0: {  	v11 =	vperm.xlane v11, v15  }
0x2d1: {  	[hbm4b:s12+s3] =	stream.indirect_vreg.scatter [tilespmem:s10], [sflag:$0x1], $0x80, v14, vm1, $0xb8;
	[tilespmem:$0x8690] =	vst v63  }
0x2d2: {  	v11 =	vadd.s32 v13, v11  }
0x2d3: {  	[hbm4b:s13+s3] =	stream.indirect_vreg.scatter [tilespmem:s11], [sflag:$0x1], $0x80, v14, vm1, $0xb8;
	[tilespmem:$0x8690] =	vst v63  }
0x2d4: {  	_ = 	snop  }
0x2d5: {  	[hbm4b:s14+s3] =	stream.indirect_vreg.scatter [tilespmem:s15], [sflag:$0x1], $0x80, v14, vm1, $0xb8;
	[tilespmem:$0x8690] =	vst v63  }
0x2d6: {  	_ = 	snop  }
0x2d7: {  	[hbm4b:s5+s3] =	stream.indirect_vreg.scatter [tilespmem:s16], [sflag:$0x1], $0x80, v11, vm1, $0xb8;
	[tilespmem:$0x8690] =	vst v63  }
0x2d8: {  	_ = 	snop  }
0x2d9: {  	[hbm4b:s12+s3] =	stream.indirect_vreg.scatter [tilespmem:s17], [sflag:$0x1], $0x80, v11, vm1, $0xb8;
	[tilespmem:$0x8690] =	vst v63  }
0x2da: {  	_ = 	snop  }
0x2db: {  	[hbm4b:s13+s3] =	stream.indirect_vreg.scatter [tilespmem:s18], [sflag:$0x1], $0x80, v11, vm1, $0xb8;
	[tilespmem:$0x8690] =	vst v63  }
0x2dc: {  	_ = 	snop  }
0x2dd: {  	[hbm4b:s14+s3] =	stream.indirect_vreg.scatter [tilespmem:s19], [sflag:$0x1], $0x80, v11, vm1, $0xb8;
	[tilespmem:$0x8690] =	vst v63  }
0x2de: {  	_ =	swait.ge [sflag:s8], $0x4000  }
0x2df: {  	[sflag:s8] =	ssyncset.done $0x0  }
0x2e0: {  	s9 =	rddreg [dreg:$0x13];
	[sflag:s8] =	ssyncadd.s32 $0xFFFFC000  }
0x2e1: {  	[tilespmem:s4], [sflag:$0x1] =	stream.linear.gather [hbm4b:s9+s3], $0x4000, $0x38;
	[tilespmem:$0x8690] =	vst v63  }
0x2e2: {  	_ =	swait.ge [sflag:s20], $0x4000  }
0x2e3: {  	[sflag:s20] =	ssyncset.done $0x0  }
0x2e4: {  	[sflag:s20] =	ssyncadd.s32 $0xFFFFC000  }
0x2e5: {  	v11 =	vld [tilespmem:$0x210];
	_ =	sdelay $0x4  }
0x2e6: {  	v59 =	vshll.u32 v11, $0x3  }
0x2e7: {  	v11 =	vand.u32 $0x7, v11;
	v14 =	vand.u32 $0xFFFFFFC0, v59  }
0x2e8: {  	v11 =	vor.u32 v11, v14  }
0x2e9: {  	v14 =	vperm.xlane v11, v58;
	_ =	sdelay $0x1  }
0x2ea: {  	v14 =	vadd.s32 v13, v14;
	_ =	sdelay $0x4  }
0x2eb: {  	[hbm4b:s5+s3] =	stream.indirect_vreg.scatter [tilespmem:s2], [sflag:$0x2], $0x80, v14, vm1, $0xb8;
	[tilespmem:$0x8690] =	vst v63  }
0x2ec: {  	v11 =	vperm.xlane v11, v15  }
0x2ed: {  	[hbm4b:s12+s3] =	stream.indirect_vreg.scatter [tilespmem:s21], [sflag:$0x2], $0x80, v14, vm1, $0xb8;
	[tilespmem:$0x8690] =	vst v63  }
0x2ee: {  	v11 =	vadd.s32 v13, v11  }
0x2ef: {  	[hbm4b:s13+s3] =	stream.indirect_vreg.scatter [tilespmem:s22], [sflag:$0x2], $0x80, v14, vm1, $0xb8;
	[tilespmem:$0x8690] =	vst v63  }
0x2f0: {  	_ = 	snop  }
0x2f1: {  	[hbm4b:s14+s3] =	stream.indirect_vreg.scatter [tilespmem:s23], [sflag:$0x2], $0x80, v14, vm1, $0xb8;
	[tilespmem:$0x8690] =	vst v63  }
0x2f2: {  	_ = 	snop  }
0x2f3: {  	[hbm4b:s5+s3] =	stream.indirect_vreg.scatter [tilespmem:s24], [sflag:$0x2], $0x80, v11, vm1, $0xb8;
	[tilespmem:$0x8690] =	vst v63  }
0x2f4: {  	_ = 	snop  }
0x2f5: {  	[hbm4b:s12+s3] =	stream.indirect_vreg.scatter [tilespmem:s26], [sflag:$0x2], $0x80, v11, vm1, $0xb8;
	[tilespmem:$0x8690] =	vst v63  }
0x2f6: {  	_ = 	snop  }
0x2f7: {  	[hbm4b:s13+s3] =	stream.indirect_vreg.scatter [tilespmem:s28], [sflag:$0x2], $0x80, v11, vm1, $0xb8;
	[tilespmem:$0x8690] =	vst v63  }
0x2f8: {  	_ = 	snop  }
0x2f9: {  	[hbm4b:s14+s3] =	stream.indirect_vreg.scatter [tilespmem:s29], [sflag:$0x2], $0x80, v11, vm1, $0xb8;
	[tilespmem:$0x8690] =	vst v63  }
0x2fa: {  	_ =	swait.ge [sflag:s20], $0x4000  }
0x2fb: {  	[sflag:s20] =	ssyncset.done $0x0  }
0x2fc: {  	s9 =	rddreg [dreg:$0x14];
	[sflag:s20] =	ssyncadd.s32 $0xFFFFC000  }
0x2fd: {  	[tilespmem:s2], [sflag:$0x2] =	stream.linear.gather [hbm4b:s9+s3], $0x4000, $0x38;
	[tilespmem:$0x8690] =	vst v63  }
0x2fe: {  	_ =	swait.ge [sflag:s8], $0x4000  }
0x2ff: {  	[sflag:s8] =	ssyncset.done $0x0  }
0x300: {  	[sflag:s8] =	ssyncadd.s32 $0xFFFFC000  }
0x301: {  	v11 =	vld [tilespmem:$0x220];
	_ =	sdelay $0x4  }
0x302: {  	v60 =	vshll.u32 v11, $0x3  }
0x303: {  	v11 =	vand.u32 $0x7, v11;
	v14 =	vand.u32 $0xFFFFFFC0, v60  }
0x304: {  	v11 =	vor.u32 v11, v14  }
0x305: {  	v14 =	vperm.xlane v11, v58;
	_ =	sdelay $0x1  }
0x306: {  	v14 =	vadd.s32 v13, v14;
	_ =	sdelay $0x4  }
0x307: {  	[hbm4b:s5+s3] =	stream.indirect_vreg.scatter [tilespmem:s4], [sflag:$0x1], $0x80, v14, vm1, $0xb8;
	[tilespmem:$0x8690] =	vst v63  }
0x308: {  	v11 =	vperm.xlane v11, v15  }
0x309: {  	[hbm4b:s12+s3] =	stream.indirect_vreg.scatter [tilespmem:s10], [sflag:$0x1], $0x80, v14, vm1, $0xb8;
	[tilespmem:$0x8690] =	vst v63  }
0x30a: {  	v11 =	vadd.s32 v13, v11  }
0x30b: {  	[hbm4b:s13+s3] =	stream.indirect_vreg.scatter [tilespmem:s11], [sflag:$0x1], $0x80, v14, vm1, $0xb8;
	[tilespmem:$0x8690] =	vst v63  }
0x30c: {  	_ = 	snop  }
0x30d: {  	[hbm4b:s14+s3] =	stream.indirect_vreg.scatter [tilespmem:s15], [sflag:$0x1], $0x80, v14, vm1, $0xb8;
	[tilespmem:$0x8690] =	vst v63  }
0x30e: {  	_ = 	snop  }
0x30f: {  	[hbm4b:s5+s3] =	stream.indirect_vreg.scatter [tilespmem:s16], [sflag:$0x1], $0x80, v11, vm1, $0xb8;
	[tilespmem:$0x8690] =	vst v63  }
0x310: {  	_ = 	snop  }
0x311: {  	[hbm4b:s12+s3] =	stream.indirect_vreg.scatter [tilespmem:s17], [sflag:$0x1], $0x80, v11, vm1, $0xb8;
	[tilespmem:$0x8690] =	vst v63  }
0x312: {  	_ = 	snop  }
0x313: {  	[hbm4b:s13+s3] =	stream.indirect_vreg.scatter [tilespmem:s18], [sflag:$0x1], $0x80, v11, vm1, $0xb8;
	[tilespmem:$0x8690] =	vst v63  }
0x314: {  	_ = 	snop  }
0x315: {  	[hbm4b:s14+s3] =	stream.indirect_vreg.scatter [tilespmem:s19], [sflag:$0x1], $0x80, v11, vm1, $0xb8;
	[tilespmem:$0x8690] =	vst v63  }
0x316: {  	_ =	swait.ge [sflag:s8], $0x4000  }
0x317: {  	[sflag:s8] =	ssyncset.done $0x0  }
0x318: {  	s9 =	rddreg [dreg:$0x15];
	[sflag:s8] =	ssyncadd.s32 $0xFFFFC000  }
0x319: {  	[tilespmem:s4], [sflag:$0x1] =	stream.linear.gather [hbm4b:s9+s3], $0x4000, $0x38;
	[tilespmem:$0x8690] =	vst v63  }
0x31a: {  	_ =	swait.ge [sflag:s20], $0x4000  }
0x31b: {  	[sflag:s20] =	ssyncset.done $0x0  }
0x31c: {  	[sflag:s20] =	ssyncadd.s32 $0xFFFFC000  }
0x31d: {  	v11 =	vld [tilespmem:$0x230];
	_ =	sdelay $0x4  }
0x31e: {  	v61 =	vshll.u32 v11, $0x3  }
0x31f: {  	v11 =	vand.u32 $0x7, v11;
	v14 =	vand.u32 $0xFFFFFFC0, v61  }
0x320: {  	v11 =	vor.u32 v11, v14  }
0x321: {  	v14 =	vperm.xlane v11, v58;
	_ =	sdelay $0x1  }
0x322: {  	v14 =	vadd.s32 v13, v14;
	_ =	sdelay $0x4  }
0x323: {  	[hbm4b:s5+s3] =	stream.indirect_vreg.scatter [tilespmem:s2], [sflag:$0x2], $0x80, v14, vm1, $0xb8;
	[tilespmem:$0x8690] =	vst v63  }
0x324: {  	v11 =	vperm.xlane v11, v15  }
0x325: {  	[hbm4b:s12+s3] =	stream.indirect_vreg.scatter [tilespmem:s21], [sflag:$0x2], $0x80, v14, vm1, $0xb8;
	[tilespmem:$0x8690] =	vst v63  }
0x326: {  	v11 =	vadd.s32 v13, v11  }
0x327: {  	[hbm4b:s13+s3] =	stream.indirect_vreg.scatter [tilespmem:s22], [sflag:$0x2], $0x80, v14, vm1, $0xb8;
	[tilespmem:$0x8690] =	vst v63  }
0x328: {  	_ = 	snop  }
0x329: {  	[hbm4b:s14+s3] =	stream.indirect_vreg.scatter [tilespmem:s23], [sflag:$0x2], $0x80, v14, vm1, $0xb8;
	[tilespmem:$0x8690] =	vst v63  }
0x32a: {  	_ = 	snop  }
0x32b: {  	[hbm4b:s5+s3] =	stream.indirect_vreg.scatter [tilespmem:s24], [sflag:$0x2], $0x80, v11, vm1, $0xb8;
	[tilespmem:$0x8690] =	vst v63  }
0x32c: {  	_ = 	snop  }
0x32d: {  	[hbm4b:s12+s3] =	stream.indirect_vreg.scatter [tilespmem:s26], [sflag:$0x2], $0x80, v11, vm1, $0xb8;
	[tilespmem:$0x8690] =	vst v63  }
0x32e: {  	_ = 	snop  }
0x32f: {  	[hbm4b:s13+s3] =	stream.indirect_vreg.scatter [tilespmem:s28], [sflag:$0x2], $0x80, v11, vm1, $0xb8;
	[tilespmem:$0x8690] =	vst v63  }
0x330: {  	_ = 	snop  }
0x331: {  	[hbm4b:s14+s3] =	stream.indirect_vreg.scatter [tilespmem:s29], [sflag:$0x2], $0x80, v11, vm1, $0xb8;
	[tilespmem:$0x8690] =	vst v63  }
0x332: {  	_ =	swait.ge [sflag:s20], $0x4000  }
0x333: {  	[sflag:s20] =	ssyncset.done $0x0  }
0x334: {  	s9 =	rddreg [dreg:$0x16];
	[sflag:s20] =	ssyncadd.s32 $0xFFFFC000  }
0x335: {  	[tilespmem:s2], [sflag:$0x2] =	stream.linear.gather [hbm4b:s9+s3], $0x4000, $0x38;
	[tilespmem:$0x8690] =	vst v63  }
0x336: {  	_ =	swait.ge [sflag:s8], $0x4000  }
0x337: {  	[sflag:s8] =	ssyncset.done $0x0  }
0x338: {  	[sflag:s8] =	ssyncadd.s32 $0xFFFFC000  }
0x339: {  	v11 =	vld [tilespmem:$0x240];
	_ =	sdelay $0x4  }
0x33a: {  	v62 =	vshll.u32 v11, $0x3  }
0x33b: {  	v11 =	vand.u32 $0x7, v11;
	v14 =	vand.u32 $0xFFFFFFC0, v62  }
0x33c: {  	v11 =	vor.u32 v11, v14  }
0x33d: {  	v14 =	vperm.xlane v11, v58;
	_ =	sdelay $0x1  }
0x33e: {  	v14 =	vadd.s32 v13, v14;
	_ =	sdelay $0x4  }
0x33f: {  	[hbm4b:s5+s3] =	stream.indirect_vreg.scatter [tilespmem:s4], [sflag:$0x1], $0x80, v14, vm1, $0xb8;
	[tilespmem:$0x8690] =	vst v63  }
0x340: {  	v11 =	vperm.xlane v11, v15  }
0x341: {  	[hbm4b:s12+s3] =	stream.indirect_vreg.scatter [tilespmem:s10], [sflag:$0x1], $0x80, v14, vm1, $0xb8;
	[tilespmem:$0x8690] =	vst v63  }
0x342: {  	v11 =	vadd.s32 v13, v11  }
0x343: {  	[hbm4b:s13+s3] =	stream.indirect_vreg.scatter [tilespmem:s11], [sflag:$0x1], $0x80, v14, vm1, $0xb8;
	[tilespmem:$0x8690] =	vst v63  }
0x344: {  	_ = 	snop  }
0x345: {  	[hbm4b:s14+s3] =	stream.indirect_vreg.scatter [tilespmem:s15], [sflag:$0x1], $0x80, v14, vm1, $0xb8;
	[tilespmem:$0x8690] =	vst v63  }
0x346: {  	_ = 	snop  }
0x347: {  	[hbm4b:s5+s3] =	stream.indirect_vreg.scatter [tilespmem:s16], [sflag:$0x1], $0x80, v11, vm1, $0xb8;
	[tilespmem:$0x8690] =	vst v63  }
0x348: {  	_ = 	snop  }
0x349: {  	[hbm4b:s12+s3] =	stream.indirect_vreg.scatter [tilespmem:s17], [sflag:$0x1], $0x80, v11, vm1, $0xb8;
	[tilespmem:$0x8690] =	vst v63  }
0x34a: {  	_ = 	snop  }
0x34b: {  	[hbm4b:s13+s3] =	stream.indirect_vreg.scatter [tilespmem:s18], [sflag:$0x1], $0x80, v11, vm1, $0xb8;
	[tilespmem:$0x8690] =	vst v63  }
0x34c: {  	_ = 	snop  }
0x34d: {  	[hbm4b:s14+s3] =	stream.indirect_vreg.scatter [tilespmem:s19], [sflag:$0x1], $0x80, v11, vm1, $0xb8;
	[tilespmem:$0x8690] =	vst v63  }
0x34e: {  	_ =	swait.ge [sflag:s8], $0x4000  }
0x34f: {  	[sflag:s8] =	ssyncset.done $0x0  }
0x350: {  	s9 =	rddreg [dreg:$0x17];
	[sflag:s8] =	ssyncadd.s32 $0xFFFFC000  }
0x351: {  	[tilespmem:s4], [sflag:$0x1] =	stream.linear.gather [hbm4b:s9+s3], $0x4000, $0x38;
	[tilespmem:$0x8690] =	vst v63  }
0x352: {  	_ =	swait.ge [sflag:s20], $0x4000  }
0x353: {  	[sflag:s20] =	ssyncset.done $0x0  }
0x354: {  	[sflag:s20] =	ssyncadd.s32 $0xFFFFC000  }
0x355: {  	v11 =	vld [tilespmem:$0x250];
	_ =	sdelay $0x4  }
0x356: {  	v63 =	vshll.u32 v11, $0x3  }
0x357: {  	v11 =	vand.u32 $0x7, v11;
	v14 =	vand.u32 $0xFFFFFFC0, v63  }
0x358: {  	v11 =	vor.u32 v11, v14  }
0x359: {  	v12 =	vperm.xlane v11, v58;
	_ =	sdelay $0x1  }
0x35a: {  	v12 =	vadd.s32 v13, v12;
	_ =	sdelay $0x4  }
0x35b: {  	[hbm4b:s5+s3] =	stream.indirect_vreg.scatter [tilespmem:s2], [sflag:$0x2], $0x80, v12, vm1, $0xb8;
	[tilespmem:$0x8690] =	vst v63  }
0x35c: {  	v11 =	vperm.xlane v11, v15  }
0x35d: {  	[hbm4b:s12+s3] =	stream.indirect_vreg.scatter [tilespmem:s21], [sflag:$0x2], $0x80, v12, vm1, $0xb8;
	[tilespmem:$0x8690] =	vst v63  }
0x35e: {  	v11 =	vadd.s32 v13, v11  }
0x35f: {  	[hbm4b:s13+s3] =	stream.indirect_vreg.scatter [tilespmem:s22], [sflag:$0x2], $0x80, v12, vm1, $0xb8;
	[tilespmem:$0x8690] =	vst v63  }
0x360: {  	_ = 	snop  }
0x361: {  	[hbm4b:s14+s3] =	stream.indirect_vreg.scatter [tilespmem:s23], [sflag:$0x2], $0x80, v12, vm1, $0xb8;
	[tilespmem:$0x8690] =	vst v63  }
0x362: {  	_ = 	snop  }
0x363: {  	[hbm4b:s5+s3] =	stream.indirect_vreg.scatter [tilespmem:s24], [sflag:$0x2], $0x80, v11, vm1, $0xb8;
	[tilespmem:$0x8690] =	vst v63  }
0x364: {  	_ = 	snop  }
0x365: {  	[hbm4b:s12+s3] =	stream.indirect_vreg.scatter [tilespmem:s26], [sflag:$0x2], $0x80, v11, vm1, $0xb8;
	[tilespmem:$0x8690] =	vst v63  }
0x366: {  	_ = 	snop  }
0x367: {  	[hbm4b:s13+s3] =	stream.indirect_vreg.scatter [tilespmem:s28], [sflag:$0x2], $0x80, v11, vm1, $0xb8;
	[tilespmem:$0x8690] =	vst v63  }
0x368: {  	_ = 	snop  }
0x369: {  	[hbm4b:s14+s3] =	stream.indirect_vreg.scatter [tilespmem:s29], [sflag:$0x2], $0x80, v11, vm1, $0xb8;
	[tilespmem:$0x8690] =	vst v63  }
0x36a: {  	_ =	swait.ge [sflag:s20], $0x4000  }
0x36b: {  	[sflag:s20] =	ssyncset.done $0x0  }
.Ltmp3:
0x36c: {  	s9 =	rddreg [dreg:$0x18];
	[sflag:s20] =	ssyncadd.s32 $0xFFFFC000;
	(pc) =	sbr.rel .LBB2_4-.Ltmp3, $4  }
0x36d: {  	[tilespmem:s2], [sflag:$0x2] =	stream.linear.gather [hbm4b:s9+s3], $0x4000, $0x38;
	[tilespmem:$0x8690] =	vst v63  }
0x36e: {  	_ =	swait.ge [sflag:s8], $0x4000  }
0x36f: {  	[sflag:s8] =	ssyncset.done $0x0  }
0x370: {  	s30 =	simm.s32 $0x270;
	s9 =	simm.s32 $0x260;
	[sflag:s8] =	ssyncadd.s32 $0xFFFFC000  }
.LBB2_5:
0x371: {  	_ =	sfence.sel $0x180000  }
0x372: {  	[bflag:$0x0] =	sbarrier.arrive $0xFFFF  }
0x373: {  	_ =	strace $0x90000047  }
0x374: {  	s0 =	stileid.u32;
	[bflag:$0x2] =	sbarrier.arrive $0xFFFF  }
0x375: {  	p0 =	sne.s32 s0, $0x0;
	s0 =	rddreg [dreg:$0x5]  }
0x376: {  	s0 =	sadd.s32 @!p0 $0x100000, s0  }
0x377: {  	[sflag:s0] =	ssyncadd.tile.s32 @!p0 $0x1;
	_ =	shalt  }
.Lfunc_end2:
_tile_overlayer_lowered:
.L_overlay_start_2:
0x378: {  	(tag) =	ssettag $0x2  }
0x379: {  	s0 =	rddreg [dreg:$0x0];
	s2 =	stileid.u32  }
0x37a: {  	s1 =	rddreg [dreg:$0x1];
	p0 =	sne.s32 s2, $0x0  }
0x37b: {  	s3 =	rddreg [dreg:$0x2];
	[bflag:$0x3] =	sbarrier.arrive $0xFFFF;
	s2 =	simm.s32 @!p0 $0x1C03  }
0x37c: {  	[timem:s3], [sflag:s2] =	dma.local @!p0 [hbm:s0], s1  }
0x37d: {  	s0 =	simm.s32 @!p0 $0x3  }
0x37e: {  	_ =	swait.ge @!p0 [sflag:s0], s1  }
0x37f: {  	s1 =	ssub.s32 @!p0 $0x0, s1;
	[sflag:s0] =	ssyncset.done @!p0 $0x0  }
0x380: {  	[sflag:s0] =	ssyncadd.s32 @!p0 s1  }
0x381: {  	[bflag:$0x3] =	sbarrier.arrive $0xFFFF  }
0x382: {  	_ =	shalt  }

// kernel: kernel.9.cloned.1.call-start
scs
__scs_entry_jumppad:
0x0: {  	(pc) =	sbr.rel $0x88, $3  }
0x1: {  	(tag) =	ssettag $0x0;
	lr =	simm.s32 $0x1  }
0x2: {  	[smem:$0x3F9D] =	sst lr;
	_ =	strace $0xD0000000  }
0x3: {  	_ = 	snop  }
0x4: {  	_ = 	snop  }
0x5: {  	_ = 	snop  }
0x6: {  	_ = 	snop  }
0x7: {  	_ = 	snop  }
__scs_overlays_trampoline_lowered:
0x8: {  	[smem:$0x3FAC] =	sst s0  }
0x9: {  	[smem:$0x3FAD] =	sst s1  }
0xa: {  	[smem:$0x3FAE] =	sst s2  }
0xb: {  	[smem:$0x3FAF] =	sst s3  }
0xc: {  	[smem:$0x3FB0] =	sst s4  }
0xd: {  	[smem:$0x3FB1] =	sst s5  }
0xe: {  	[smem:$0x3FB2] =	sst s6  }
0xf: {  	[smem:$0x3FB3] =	sst s7  }
0x10: {  	[smem:$0x3FB4] =	sst s8  }
0x11: {  	[smem:$0x3FB5] =	sst s9;
	s0 =	simm.s32 @!p0 $0x0  }
0x12: {  	s1 =	sld [smem:$0x3F9B];
	s0 =	simm.s32 @p0 $0x1  }
0x13: {  	[smem:$0x3FB6] =	sst s0;
	s0 =	simm.s32 @!p1 $0x0  }
0x14: {  	s2 =	sld [smem:$0x3F9A];
	s0 =	simm.s32 @p1 $0x1  }
0x15: {  	[smem:$0x3FB7] =	sst s0;
	s0 =	simm.s32 @!p2 $0x0  }
0x16: {  	s3 =	sld [smem:$0x3FDB];
	s0 =	simm.s32 @p2 $0x1  }
0x17: {  	s4 =	simm.s32 $0x1BF5;
	[smem:$0x3FB9] =	sst s0  }
0x18: {  	s0 =	sld [smem:$0x3F9C];
	_ =	swait.ge [sflag:s4], $0x0  }
0x19: {  	s7 =	sld [smem:$0x3F9D]  }
0x1a: {  	s8 =	sadd.s32 $0xFFFFE003, lr  }
0x1b: {  	s9 =	sadd.s32 $0xFFFFFEF7, lr;
	s5 =	simm.s32 $0xFFFFFFFF;
	p2 =	slt.u32 s8, $0xFFFFF086  }
0x1c: {  	p1 =	slt.u32 s9, $0xF7A;
	s5 =	simm.s32 @!p2 $0x0  }
0x1d: {  	s5 =	simm.s32 @p1 $0x1;
	p0 =	seq.s32 s7, s2  }
0x1e: {  	s7 =	smul.u32 @!p0 $0xF7A, s2;
	p2 =	seq.s32 @!p0 s5, $0x0  }
0x1f: {  	s9 =	smul.u32 $0xF7A, s1;
	s8 =	simm.s32 @!p0 $0x1BF5;
	p2 =	por !p2, p0  }
0x20: {  	[sflag:s8] =	ssyncset.s32 @!p0 $0xFFFFF086;
	s6 =	sadd.s32 @!p0 s3, s7;
	s7 =	simm.s32 @!p0 $0x108  }
0x21: {  	s3 =	sadd.s32 s3, s9;
	s6 =	sadd.s32 @!p0 $0x88, s6;
	s7 =	simm.s32 @p2 $0x1082  }
0x22: {  	[simem:s7], [sflag:s8] =	dma.local @!p0 [hbm:s6], $0xF7A  }
0x23: {  	s9 =	sor.u32 $0xD0000000, s2;
	s6 =	simm.s32 $0x108;
	_ =	swait.ge @!p0 [sflag:s8], $0x0  }
0x24: {  	s3 =	sadd.s32 $0x88, s3;
	s6 =	simm.s32 @!p1 $0x1082;
	[sflag:s4] =	ssyncset.s32 $0xFFFFF086  }
0x25: {  	[simem:s6], [sflag:s4] =	dma.local [hbm:s3], $0xF7A  }
0x26: {  	[smem:$0x3F9D] =	sst s1;
	(tag) =	ssettag s2;
	_ =	strace s9  }
0x27: {  	s1 =	sld [smem:$0x3FAD]  }
0x28: {  	s2 =	sld [smem:$0x3FAE]  }
0x29: {  	s4 =	sld [smem:$0x3FB0]  }
0x2a: {  	p0 =	seq.s32 s5, $0x0;
	s5 =	sld [smem:$0x3FB1]  }
0x2b: {  	s6 =	sld [smem:$0x3FB2]  }
0x2c: {  	s7 =	sld [smem:$0x3FB3]  }
0x2d: {  	s3 =	simm.s32 $0x108;
	s8 =	sld [smem:$0x3FB4]  }
0x2e: {  	s3 =	simm.s32 @!p0 $0x1082;
	s9 =	sld [smem:$0x3FB5]  }
0x2f: {  	lr =	sadd.s32 s0, s3;
	s0 =	sld [smem:$0x3FAC]  }
0x30: {  	s3 =	sld [smem:$0x3FAF]  }
0x31: {  	[smem:$0x3FB8] =	sst s10  }
0x32: {  	s10 =	sld [smem:$0x3FB6];
	_ =	sdelay $0x3  }
0x33: {  	p0 =	seq.s32 s10, $0x1;
	s10 =	sld [smem:$0x3FB8];
	_ =	sdelay $0x3  }
0x34: {  	[smem:$0x3FB8] =	sst s10  }
0x35: {  	s10 =	sld [smem:$0x3FB7];
	_ =	sdelay $0x3  }
0x36: {  	p1 =	seq.s32 s10, $0x1;
	s10 =	sld [smem:$0x3FB8];
	_ =	sdelay $0x3  }
0x37: {  	[smem:$0x3FB8] =	sst s10  }
0x38: {  	s10 =	sld [smem:$0x3FB9]  }
0x39: {  	_ = 	snop;
	(pc) =	sbr.ind lr, $3  }
0x3a: {  	_ = 	snop  }
0x3b: {  	_ = 	snop  }
0x3c: {  	p2 =	seq.s32 s10, $0x1;
	s10 =	sld [smem:$0x3FB8]  }
0x3d: {  	_ =	shalt  }
0x3e: {  	_ =	shalt  }
0x3f: {  	_ =	shalt  }
0x40: {  	_ =	shalt  }
0x41: {  	_ =	shalt  }
0x42: {  	_ =	shalt  }
0x43: {  	_ =	shalt  }
0x44: {  	_ =	shalt  }
0x45: {  	_ =	shalt  }
0x46: {  	_ =	shalt  }
0x47: {  	_ =	shalt  }
0x48: {  	_ =	shalt  }
0x49: {  	_ =	shalt  }
0x4a: {  	_ =	shalt  }
0x4b: {  	_ =	shalt  }
0x4c: {  	_ =	shalt  }
0x4d: {  	_ =	shalt  }
0x4e: {  	_ =	shalt  }
0x4f: {  	_ =	shalt  }
0x50: {  	_ =	shalt  }
0x51: {  	_ =	shalt  }
0x52: {  	_ =	shalt  }
0x53: {  	_ =	shalt  }
0x54: {  	_ =	shalt  }
0x55: {  	_ =	shalt  }
0x56: {  	_ =	shalt  }
0x57: {  	_ =	shalt  }
0x58: {  	_ =	shalt  }
0x59: {  	_ =	shalt  }
0x5a: {  	_ =	shalt  }
0x5b: {  	_ =	shalt  }
0x5c: {  	_ =	shalt  }
0x5d: {  	_ =	shalt  }
0x5e: {  	_ =	shalt  }
0x5f: {  	_ =	shalt  }
0x60: {  	_ =	shalt  }
0x61: {  	_ =	shalt  }
0x62: {  	_ =	shalt  }
0x63: {  	_ =	shalt  }
0x64: {  	_ =	shalt  }
0x65: {  	_ =	shalt  }
0x66: {  	_ =	shalt  }
0x67: {  	_ =	shalt  }
0x68: {  	_ =	shalt  }
0x69: {  	_ =	shalt  }
0x6a: {  	_ =	shalt  }
0x6b: {  	_ =	shalt  }
0x6c: {  	_ =	shalt  }
0x6d: {  	_ =	shalt  }
0x6e: {  	_ =	shalt  }
0x6f: {  	_ =	shalt  }
0x70: {  	_ =	shalt  }
0x71: {  	_ =	shalt  }
0x72: {  	_ =	shalt  }
0x73: {  	_ =	shalt  }
0x74: {  	_ =	shalt  }
0x75: {  	_ =	shalt  }
0x76: {  	_ =	shalt  }
0x77: {  	_ =	shalt  }
0x78: {  	_ =	shalt  }
0x79: {  	_ =	shalt  }
0x7a: {  	_ =	shalt  }
0x7b: {  	_ =	shalt  }
0x7c: {  	_ =	shalt  }
0x7d: {  	_ =	shalt  }
0x7e: {  	_ =	shalt  }
0x7f: {  	_ =	shalt  }
0x80: {  	_ =	shalt  }
0x81: {  	_ =	shalt  }
0x82: {  	_ =	shalt  }
0x83: {  	_ =	shalt  }
0x84: {  	_ =	shalt  }
0x85: {  	_ =	shalt  }
0x86: {  	_ =	shalt  }
0x87: {  	_ =	shalt  }
.Lfunc_end0:
.L_simem_size_0:
called_computation.1_lowered:
.L_overlay_start_0:
0x88: {  	s2 =	sld [smem:$0x3FD9]  }
0x89: {  	s3 =	sld [smem:$0x3FFE];
	_ =	sdelay $0x1  }
0x8a: {  	s1 =	srdreg.scid  }
0x8b: {  	s0 =	sand.u32 $0x1, s1  }
0x8c: {  	s17 =	sshll.u32 s0, $0xA;
	s2 =	sadd.s32 s3, s2  }
0x8d: {  	s2 =	sadd.s32 s2, s17  }
0x8e: {  	[smem:$0x3FC4] =	sst s2  }
0x8f: {  	_ = 	snop  }
0x90: {  	s2 =	sld [smem:$0x3FD0];
	(tm) =	ssettm $0x1  }
0x91: {  	s18 =	sld [smem:$0x3FFB];
	_ =	sdelay $0x3  }
0x92: {  	_ =	strace s18  }
0x93: {  	s3 =	sld [smem:$0x3FFC];
	_ =	sdelay $0x3  }
0x94: {  	_ =	strace s3  }
0x95: {  	s3 =	sld [smem:$0x3FFD];
	_ =	sdelay $0x3  }
0x96: {  	_ =	strace s3  }
0x97: {  	_ =	strace $0x8FFFFFFF  }
0x98: {  	s19 =	sld [smem:$0x3FDB];
	_ =	sdelay $0x1  }
0x99: {  	s4 =	simm.s32 $_scs_section_size  }
0x9a: {  	s5 =	simm.s32 $_size__tile_overlayer_lowered;
	s6 =	simm.s32 $_tile_overlayer_lowered  }
0x9b: {  	s22 =	simm.s32 $0x1BFF;
	s21 =	sshll.u32 s6, $0x1;
	s3 =	sadd.s32 s4, s19  }
0x9c: {  	s7 =	simm.s32 $0x0;
	s20 =	sshll.u32 s5, $0x1;
	s5 =	sadd.s32 s21, s3  }
0x9d: {  	[timem:s7], [sflag:s22] =	dma.local [hbm:s5], s20  }
0x9e: {  	_ =	swait.ge [sflag:s22], s20  }
0x9f: {  	s4 =	ssub.s32 $0x0, s20;
	[sflag:s22] =	ssyncset.done $0x0  }
0xa0: {  	[sflag:s22] =	ssyncadd.s32 s4;
	_ =	sdelay $0x1  }
0xa1: {  	s23 =	simm.s32 $0x1B8B  }
0xa2: {  	_ =	swait.ge [sflag:s23], $0x1  }
0xa3: {  	[sflag:s23] =	ssyncset.done $0x0  }
0xa4: {  	s25 =	simm.s32 $0x1B8E;
	s24 =	sld [smem:$0x3FFE];
	[sflag:s23] =	ssyncadd.s32 $0xFFFFFFFF  }
0xa5: {  	s26 =	simm.s32 $execute0_lowered;
	[smem:$0x3FD2] =	sst s25  }
0xa6: {  	s5 =	sshll.u32 s26, $0x1;
	_ =	strace $0x80000049;
	[dreg:$0x1] =	wrdreg $0xFFFFFFFF  }
0xa7: {  	s28 =	simm.s32 $_size_execute0_lowered;
	s3 =	sadd.s32 s3, s5;
	[dreg:$0x0] =	wrdreg $0x0  }
0xa8: {  	s5 =	sshll.u32 s28, $0x1;
	[dreg:$0x2] =	wrdreg s3  }
0xa9: {  	[dreg:$0x3] =	wrdreg s5  }
0xaa: {  	[dreg:$0x4] =	wrdreg $0xC0  }
0xab: {  	_ =	task [dreg:s7], $0x5FFFF  }
0xac: {  	[dreg:$0x1] =	wrdreg $0xFFFFFFFF  }
0xad: {  	[dreg:$0x0] =	wrdreg $0x60  }
0xae: {  	[dreg:$0x2] =	wrdreg s2  }
0xaf: {  	[dreg:$0x3] =	wrdreg s24  }
0xb0: {  	[dreg:$0x4] =	wrdreg $0x9  }
0xb1: {  	_ =	task.clear_ibuf [dreg:s7], $0x5FFFF;
	_ =	strace $0x90000049  }
0xb2: {  	s29 =	simm.s32 $0x9;
	_ =	strace $0x8000004B  }
0xb3: {  	_ =	swait.ge [sflag:s29], $0x1  }
0xb4: {  	[sflag:s29] =	ssyncadd.s32 $0xFFFFFFFF  }
0xb5: {  	_ =	strace $0x9000004B  }
0xb6: {  	_ =	sfence  }
0xb7: {  	s30 =	sld [smem:$0x0];
	_ =	sdelay $0x2  }
0xb8: {  	s31 =	sshll.u32 s1, $0xD;
	s1 =	sshrl.u32 s1, $0x2  }
0xb9: {  	s3 =	sand.u32 $0x4000, s31;
	s1 =	sadd.s32 s1, s30  }
0xba: {  	s0 =	sor.u32 s3, s0;
	s1 =	sshll.u32 s1, $0x11  }
0xbb: {  	s0 =	sor.u32 s1, s0  }
0xbc: {  	s0 =	sadd.s32 $0x8F2B, s0  }
0xbd: {  	[sflag:s0] =	ssyncadd.remote.s32 $0x1  }
0xbe: {  	_ =	sfence.sel $0xFFFF  }
0xbf: {  	[dreg:$0x0] =	wrdreg $0xFFFFFFFF;
	(pc) =	sbr.abs _section_cstart, $3  }
0xc0: {  	[dreg:$0x1] =	wrdreg $0xFFFFFFFF  }
0xc1: {  	_ =	task.clear_ibuf [dreg:s7], $0x2FFFF;
	_ =	strace $0x9FFFFFFF  }
0xc2: {  	(tm) =	ssettm $0x7FFFFFFF  }
0xc3: {  	_ =	shalt  }
tec
execute0_lowered:
.L_overlay_start_1:
0x0: {  	(tag) =	ssettag $0x1  }
0x1: {  	s2 =	rddreg [dreg:$0x0]  }
0x2: {  	s4 =	rddreg [dreg:$0x1];
	s3 =	srdreg.scid  }
0x3: {  	s0 =	rddreg [dreg:$0x2];
	s1 =	stileid.u32  }
0x4: {  	s15 =	simm.s32 $0x3;
	s16 =	simm.s32 $0x80;
	s17 =	simm.s32 $0x880  }
0x5: {  	s18 =	simm.s32 $0x1080;
	s19 =	simm.s32 $0x1880;
	s20 =	simm.s32 $0x2080  }
0x6: {  	s21 =	simm.s32 $0x2880;
	s22 =	simm.s32 $0x3080;
	s23 =	simm.s32 $0x3880  }
0x7: {  	s24 =	simm.s32 $0x1;
	s25 =	simm.s32 $0x2;
	s5 =	sand.u32 $0x1, s3  }
0x8: {  	s3 =	simm.s32 $0x0;
	s6 =	sshll.u32 s1, $0x8;
	s7 =	sshll.u32 s5, $0x7  }
0x9: {  	[smem:$0x7FF] =	sst s3;
	s5 =	ssub.s32 $0x2, s5;
	s6 =	sor.u32 s7, s6  }
0xa: {  	_ =	strace $0x8000004A;
	s8 =	sshrl.u32 s5, $0x1;
	s7 =	sshrl.u32 s6, $0x3  }
0xb: {  	s6 =	sshll.u32 s6, $0x6;
	s14 =	ssub.s32 s5, s8;
	s5 =	sadd.s32 $0x100, s2  }
0xc: {  	s7 =	sadd.s32 s7, s4;
	s13 =	sadd.s32 s6, s4;
	s14 =	smax.u32 s14, $0x1  }
0xd: {  	v2 =	vlaneseq.u32;
	s4 =	sadd.s32 $0xC1400, s7;
	s6 =	sadd.s32 $0x1400, s13;
	s7 =	sadd.s32 $0x1800, s13  }
0xe: {  	vm0 =	vmmov $0xffff;
	v1 =	vshrl.u32 v2, $0x3;
	s8 =	sadd.s32 $0x1C00, s13;
	s9 =	sadd.s32 $0x2000, s13;
	s10 =	sadd.s32 $0x2400, s13  }
0xf: {  	v0 =	vand.u32 $0x7, v2;
	v2 =	vor.u32 $0x8, v2;
	v1 =	vmul.u32 $0x8, v1;
	s11 =	sadd.s32 $0x2800, s13;
	s12 =	sadd.s32 $0x2C00, s13;
	s13 =	sadd.s32 $0x3000, s13  }
.LBB2_1:
0x10: {  	[tilespmem:s3], [sflag:$0x3] =	stream.linear.gather [hbm4b:s4+s3], $0x80, $0x38;
	[tilespmem:$0x4080] =	vst v63  }
0x11: {  	_ =	swait.ge [sflag:s15], $0x80  }
0x12: {  	[sflag:s15] =	ssyncset.done $0x0  }
0x13: {  	[sflag:s15] =	ssyncadd.s32 $0xFFFFFF80  }
0x14: {  	v3 =	vld [tilespmem:$0x0];
	_ =	sdelay $0x4  }
0x15: {  	v4 =	vshll.u32 v3, $0x2  }
0x16: {  	v3 =	vand.u32 $0x7, v3;
	v4 =	vand.u32 $0xFFFFFFE0, v4  }
0x17: {  	v3 =	vor.u32 v3, v4  }
0x18: {  	v4 =	vperm.xlane v3, v0;
	_ =	sdelay $0x1  }
0x19: {  	v4 =	vadd.s32 v1, v4;
	_ =	sdelay $0x1  }
0x1a: {  	v3 =	vperm.xlane v3, v2;
	_ =	sdelay $0x1  }
0x1b: {  	v3 =	vadd.s32 v1, v3  }
0x1c: {  	[tilespmem:s16], [sflag:$0x1] =	stream.indirect_vreg.gather [hbm4b:s2+s3], $0x80, v4, vm0, $0xb8;
	[tilespmem:$0x4080] =	vst v63  }
0x1d: {  	_ = 	snop  }
0x1e: {  	[tilespmem:s17], [sflag:$0x1] =	stream.indirect_vreg.gather [hbm4b:s5+s3], $0x80, v4, vm0, $0xb8;
	[tilespmem:$0x4080] =	vst v63  }
0x1f: {  	_ = 	snop  }
0x20: {  	[tilespmem:s18], [sflag:$0x1] =	stream.indirect_vreg.gather [hbm4b:s2+s3], $0x80, v3, vm0, $0xb8;
	[tilespmem:$0x4080] =	vst v63  }
0x21: {  	_ = 	snop  }
0x22: {  	[tilespmem:s19], [sflag:$0x1] =	stream.indirect_vreg.gather [hbm4b:s5+s3], $0x80, v3, vm0, $0xb8;
	[tilespmem:$0x4080] =	vst v63  }
0x23: {  	v3 =	vld [tilespmem:$0x10];
	_ =	sdelay $0x4  }
0x24: {  	v57 =	vshll.u32 v3, $0x2  }
0x25: {  	v3 =	vand.u32 $0x7, v3;
	v4 =	vand.u32 $0xFFFFFFE0, v57  }
0x26: {  	v3 =	vor.u32 v3, v4  }
0x27: {  	v4 =	vperm.xlane v3, v0;
	_ =	sdelay $0x1  }
0x28: {  	v4 =	vadd.s32 v1, v4;
	_ =	sdelay $0x1  }
0x29: {  	v3 =	vperm.xlane v3, v2;
	_ =	sdelay $0x1  }
0x2a: {  	v3 =	vadd.s32 v1, v3  }
0x2b: {  	[tilespmem:s20], [sflag:$0x2] =	stream.indirect_vreg.gather [hbm4b:s2+s3], $0x80, v4, vm0, $0xb8;
	[tilespmem:$0x4080] =	vst v63  }
0x2c: {  	_ = 	snop  }
0x2d: {  	[tilespmem:s21], [sflag:$0x2] =	stream.indirect_vreg.gather [hbm4b:s5+s3], $0x80, v4, vm0, $0xb8;
	[tilespmem:$0x4080] =	vst v63  }
0x2e: {  	_ = 	snop  }
0x2f: {  	[tilespmem:s22], [sflag:$0x2] =	stream.indirect_vreg.gather [hbm4b:s2+s3], $0x80, v3, vm0, $0xb8;
	[tilespmem:$0x4080] =	vst v63  }
0x30: {  	_ = 	snop  }
0x31: {  	[tilespmem:s23], [sflag:$0x2] =	stream.indirect_vreg.gather [hbm4b:s5+s3], $0x80, v3, vm0, $0xb8;
	[tilespmem:$0x4080] =	vst v63  }
0x32: {  	_ =	swait.ge [sflag:s24], $0x2000  }
0x33: {  	[sflag:s24] =	ssyncset.done $0x0  }
0x34: {  	[sflag:s24] =	ssyncadd.s32 $0xFFFFE000  }
0x35: {  	[hbm4b:s6+s3] =	stream.linear.scatter [tilespmem:s16], [sflag:$0x3], $0x2000, $0x38;
	[tilespmem:$0x4080] =	vst v63  }
0x36: {  	_ =	swait.ge [sflag:s15], $0x2000  }
0x37: {  	[sflag:s15] =	ssyncset.done $0x0  }
0x38: {  	[sflag:s15] =	ssyncadd.s32 $0xFFFFE000  }
0x39: {  	v3 =	vld [tilespmem:$0x20];
	_ =	sdelay $0x4  }
0x3a: {  	v58 =	vshll.u32 v3, $0x2  }
0x3b: {  	v3 =	vand.u32 $0x7, v3;
	v4 =	vand.u32 $0xFFFFFFE0, v58  }
0x3c: {  	v3 =	vor.u32 v3, v4  }
0x3d: {  	v4 =	vperm.xlane v3, v0;
	_ =	sdelay $0x1  }
0x3e: {  	v4 =	vadd.s32 v1, v4;
	_ =	sdelay $0x1  }
0x3f: {  	v3 =	vperm.xlane v3, v2;
	_ =	sdelay $0x1  }
0x40: {  	v3 =	vadd.s32 v1, v3  }
0x41: {  	[tilespmem:s16], [sflag:$0x1] =	stream.indirect_vreg.gather [hbm4b:s2+s3], $0x80, v4, vm0, $0xb8;
	[tilespmem:$0x4080] =	vst v63  }
0x42: {  	_ = 	snop  }
0x43: {  	[tilespmem:s17], [sflag:$0x1] =	stream.indirect_vreg.gather [hbm4b:s5+s3], $0x80, v4, vm0, $0xb8;
	[tilespmem:$0x4080] =	vst v63  }
0x44: {  	_ = 	snop  }
0x45: {  	[tilespmem:s18], [sflag:$0x1] =	stream.indirect_vreg.gather [hbm4b:s2+s3], $0x80, v3, vm0, $0xb8;
	[tilespmem:$0x4080] =	vst v63  }
0x46: {  	_ = 	snop  }
0x47: {  	[tilespmem:s19], [sflag:$0x1] =	stream.indirect_vreg.gather [hbm4b:s5+s3], $0x80, v3, vm0, $0xb8;
	[tilespmem:$0x4080] =	vst v63  }
0x48: {  	_ =	swait.ge [sflag:s25], $0x2000  }
0x49: {  	[sflag:s25] =	ssyncset.done $0x0  }
0x4a: {  	[sflag:s25] =	ssyncadd.s32 $0xFFFFE000  }
0x4b: {  	[hbm4b:s7+s3] =	stream.linear.scatter [tilespmem:s20], [sflag:$0x3], $0x2000, $0x38;
	[tilespmem:$0x4080] =	vst v63  }
0x4c: {  	_ =	swait.ge [sflag:s15], $0x2000  }
0x4d: {  	[sflag:s15] =	ssyncset.done $0x0  }
0x4e: {  	[sflag:s15] =	ssyncadd.s32 $0xFFFFE000  }
0x4f: {  	v3 =	vld [tilespmem:$0x30];
	_ =	sdelay $0x4  }
0x50: {  	v59 =	vshll.u32 v3, $0x2  }
0x51: {  	v3 =	vand.u32 $0x7, v3;
	v4 =	vand.u32 $0xFFFFFFE0, v59  }
0x52: {  	v3 =	vor.u32 v3, v4  }
0x53: {  	v4 =	vperm.xlane v3, v0;
	_ =	sdelay $0x1  }
0x54: {  	v4 =	vadd.s32 v1, v4;
	_ =	sdelay $0x1  }
0x55: {  	v3 =	vperm.xlane v3, v2;
	_ =	sdelay $0x1  }
0x56: {  	v3 =	vadd.s32 v1, v3  }
0x57: {  	[tilespmem:s20], [sflag:$0x2] =	stream.indirect_vreg.gather [hbm4b:s2+s3], $0x80, v4, vm0, $0xb8;
	[tilespmem:$0x4080] =	vst v63  }
0x58: {  	_ = 	snop  }
0x59: {  	[tilespmem:s21], [sflag:$0x2] =	stream.indirect_vreg.gather [hbm4b:s5+s3], $0x80, v4, vm0, $0xb8;
	[tilespmem:$0x4080] =	vst v63  }
0x5a: {  	_ = 	snop  }
0x5b: {  	[tilespmem:s22], [sflag:$0x2] =	stream.indirect_vreg.gather [hbm4b:s2+s3], $0x80, v3, vm0, $0xb8;
	[tilespmem:$0x4080] =	vst v63  }
0x5c: {  	_ = 	snop  }
0x5d: {  	[tilespmem:s23], [sflag:$0x2] =	stream.indirect_vreg.gather [hbm4b:s5+s3], $0x80, v3, vm0, $0xb8;
	[tilespmem:$0x4080] =	vst v63  }
0x5e: {  	_ =	swait.ge [sflag:s24], $0x2000  }
0x5f: {  	[sflag:s24] =	ssyncset.done $0x0  }
0x60: {  	[sflag:s24] =	ssyncadd.s32 $0xFFFFE000  }
0x61: {  	[hbm4b:s8+s3] =	stream.linear.scatter [tilespmem:s16], [sflag:$0x3], $0x2000, $0x38;
	[tilespmem:$0x4080] =	vst v63  }
0x62: {  	_ =	swait.ge [sflag:s15], $0x2000  }
0x63: {  	[sflag:s15] =	ssyncset.done $0x0  }
0x64: {  	[sflag:s15] =	ssyncadd.s32 $0xFFFFE000  }
0x65: {  	v3 =	vld [tilespmem:$0x40];
	_ =	sdelay $0x4  }
0x66: {  	v60 =	vshll.u32 v3, $0x2  }
0x67: {  	v3 =	vand.u32 $0x7, v3;
	v4 =	vand.u32 $0xFFFFFFE0, v60  }
0x68: {  	v3 =	vor.u32 v3, v4  }
0x69: {  	v4 =	vperm.xlane v3, v0;
	_ =	sdelay $0x1  }
0x6a: {  	v4 =	vadd.s32 v1, v4;
	_ =	sdelay $0x1  }
0x6b: {  	v3 =	vperm.xlane v3, v2;
	_ =	sdelay $0x1  }
0x6c: {  	v3 =	vadd.s32 v1, v3  }
0x6d: {  	[tilespmem:s16], [sflag:$0x1] =	stream.indirect_vreg.gather [hbm4b:s2+s3], $0x80, v4, vm0, $0xb8;
	[tilespmem:$0x4080] =	vst v63  }
0x6e: {  	_ = 	snop  }
0x6f: {  	[tilespmem:s17], [sflag:$0x1] =	stream.indirect_vreg.gather [hbm4b:s5+s3], $0x80, v4, vm0, $0xb8;
	[tilespmem:$0x4080] =	vst v63  }
0x70: {  	_ = 	snop  }
0x71: {  	[tilespmem:s18], [sflag:$0x1] =	stream.indirect_vreg.gather [hbm4b:s2+s3], $0x80, v3, vm0, $0xb8;
	[tilespmem:$0x4080] =	vst v63  }
0x72: {  	_ = 	snop  }
0x73: {  	[tilespmem:s19], [sflag:$0x1] =	stream.indirect_vreg.gather [hbm4b:s5+s3], $0x80, v3, vm0, $0xb8;
	[tilespmem:$0x4080] =	vst v63  }
0x74: {  	_ =	swait.ge [sflag:s25], $0x2000  }
0x75: {  	[sflag:s25] =	ssyncset.done $0x0  }
0x76: {  	[sflag:s25] =	ssyncadd.s32 $0xFFFFE000  }
0x77: {  	[hbm4b:s9+s3] =	stream.linear.scatter [tilespmem:s20], [sflag:$0x3], $0x2000, $0x38;
	[tilespmem:$0x4080] =	vst v63  }
0x78: {  	_ =	swait.ge [sflag:s15], $0x2000  }
0x79: {  	[sflag:s15] =	ssyncset.done $0x0  }
0x7a: {  	[sflag:s15] =	ssyncadd.s32 $0xFFFFE000  }
0x7b: {  	v3 =	vld [tilespmem:$0x50];
	_ =	sdelay $0x4  }
0x7c: {  	v61 =	vshll.u32 v3, $0x2  }
0x7d: {  	v3 =	vand.u32 $0x7, v3;
	v4 =	vand.u32 $0xFFFFFFE0, v61  }
0x7e: {  	v3 =	vor.u32 v3, v4  }
0x7f: {  	v4 =	vperm.xlane v3, v0;
	_ =	sdelay $0x1  }
0x80: {  	v4 =	vadd.s32 v1, v4;
	_ =	sdelay $0x1  }
0x81: {  	v3 =	vperm.xlane v3, v2;
	_ =	sdelay $0x1  }
0x82: {  	v3 =	vadd.s32 v1, v3  }
0x83: {  	[tilespmem:s20], [sflag:$0x2] =	stream.indirect_vreg.gather [hbm4b:s2+s3], $0x80, v4, vm0, $0xb8;
	[tilespmem:$0x4080] =	vst v63  }
0x84: {  	_ = 	snop  }
0x85: {  	[tilespmem:s21], [sflag:$0x2] =	stream.indirect_vreg.gather [hbm4b:s5+s3], $0x80, v4, vm0, $0xb8;
	[tilespmem:$0x4080] =	vst v63  }
0x86: {  	_ = 	snop  }
0x87: {  	[tilespmem:s22], [sflag:$0x2] =	stream.indirect_vreg.gather [hbm4b:s2+s3], $0x80, v3, vm0, $0xb8;
	[tilespmem:$0x4080] =	vst v63  }
0x88: {  	_ = 	snop  }
0x89: {  	[tilespmem:s23], [sflag:$0x2] =	stream.indirect_vreg.gather [hbm4b:s5+s3], $0x80, v3, vm0, $0xb8;
	[tilespmem:$0x4080] =	vst v63  }
0x8a: {  	_ =	swait.ge [sflag:s24], $0x2000  }
0x8b: {  	[sflag:s24] =	ssyncset.done $0x0  }
0x8c: {  	[sflag:s24] =	ssyncadd.s32 $0xFFFFE000  }
0x8d: {  	[hbm4b:s10+s3] =	stream.linear.scatter [tilespmem:s16], [sflag:$0x3], $0x2000, $0x38;
	[tilespmem:$0x4080] =	vst v63  }
0x8e: {  	_ =	swait.ge [sflag:s15], $0x2000  }
0x8f: {  	[sflag:s15] =	ssyncset.done $0x0  }
0x90: {  	[sflag:s15] =	ssyncadd.s32 $0xFFFFE000  }
0x91: {  	v3 =	vld [tilespmem:$0x60];
	_ =	sdelay $0x4  }
0x92: {  	v62 =	vshll.u32 v3, $0x2  }
0x93: {  	v3 =	vand.u32 $0x7, v3;
	v4 =	vand.u32 $0xFFFFFFE0, v62  }
0x94: {  	v3 =	vor.u32 v3, v4  }
0x95: {  	v4 =	vperm.xlane v3, v0;
	_ =	sdelay $0x1  }
0x96: {  	v4 =	vadd.s32 v1, v4;
	_ =	sdelay $0x1  }
0x97: {  	v3 =	vperm.xlane v3, v2;
	_ =	sdelay $0x1  }
0x98: {  	v3 =	vadd.s32 v1, v3  }
0x99: {  	[tilespmem:s16], [sflag:$0x1] =	stream.indirect_vreg.gather [hbm4b:s2+s3], $0x80, v4, vm0, $0xb8;
	[tilespmem:$0x4080] =	vst v63  }
0x9a: {  	_ = 	snop  }
0x9b: {  	[tilespmem:s17], [sflag:$0x1] =	stream.indirect_vreg.gather [hbm4b:s5+s3], $0x80, v4, vm0, $0xb8;
	[tilespmem:$0x4080] =	vst v63  }
0x9c: {  	_ = 	snop  }
0x9d: {  	[tilespmem:s18], [sflag:$0x1] =	stream.indirect_vreg.gather [hbm4b:s2+s3], $0x80, v3, vm0, $0xb8;
	[tilespmem:$0x4080] =	vst v63  }
0x9e: {  	_ = 	snop  }
0x9f: {  	[tilespmem:s19], [sflag:$0x1] =	stream.indirect_vreg.gather [hbm4b:s5+s3], $0x80, v3, vm0, $0xb8;
	[tilespmem:$0x4080] =	vst v63  }
0xa0: {  	_ =	swait.ge [sflag:s25], $0x2000  }
0xa1: {  	[sflag:s25] =	ssyncset.done $0x0  }
0xa2: {  	[sflag:s25] =	ssyncadd.s32 $0xFFFFE000  }
0xa3: {  	[hbm4b:s11+s3] =	stream.linear.scatter [tilespmem:s20], [sflag:$0x3], $0x2000, $0x38;
	[tilespmem:$0x4080] =	vst v63  }
0xa4: {  	_ =	swait.ge [sflag:s15], $0x2000  }
0xa5: {  	[sflag:s15] =	ssyncset.done $0x0  }
0xa6: {  	[sflag:s15] =	ssyncadd.s32 $0xFFFFE000  }
0xa7: {  	v3 =	vld [tilespmem:$0x70];
	_ =	sdelay $0x4  }
0xa8: {  	v63 =	vshll.u32 v3, $0x2  }
0xa9: {  	v3 =	vand.u32 $0x7, v3;
	v4 =	vand.u32 $0xFFFFFFE0, v63  }
0xaa: {  	v3 =	vor.u32 v3, v4  }
0xab: {  	v4 =	vperm.xlane v3, v0;
	_ =	sdelay $0x1  }
0xac: {  	v4 =	vadd.s32 v1, v4;
	_ =	sdelay $0x1  }
0xad: {  	v3 =	vperm.xlane v3, v2;
	_ =	sdelay $0x1  }
0xae: {  	v3 =	vadd.s32 v1, v3  }
0xaf: {  	[tilespmem:s20], [sflag:$0x2] =	stream.indirect_vreg.gather [hbm4b:s2+s3], $0x80, v4, vm0, $0xb8;
	[tilespmem:$0x4080] =	vst v63  }
0xb0: {  	_ = 	snop  }
0xb1: {  	[tilespmem:s21], [sflag:$0x2] =	stream.indirect_vreg.gather [hbm4b:s5+s3], $0x80, v4, vm0, $0xb8;
	[tilespmem:$0x4080] =	vst v63  }
0xb2: {  	_ = 	snop  }
0xb3: {  	[tilespmem:s22], [sflag:$0x2] =	stream.indirect_vreg.gather [hbm4b:s2+s3], $0x80, v3, vm0, $0xb8;
	[tilespmem:$0x4080] =	vst v63  }
0xb4: {  	_ = 	snop  }
0xb5: {  	[tilespmem:s23], [sflag:$0x2] =	stream.indirect_vreg.gather [hbm4b:s5+s3], $0x80, v3, vm0, $0xb8;
	[tilespmem:$0x4080] =	vst v63  }
0xb6: {  	_ =	swait.ge [sflag:s24], $0x2000  }
0xb7: {  	[sflag:s24] =	ssyncset.done $0x0  }
0xb8: {  	[sflag:s24] =	ssyncadd.s32 $0xFFFFE000  }
0xb9: {  	[hbm4b:s12+s3] =	stream.linear.scatter [tilespmem:s16], [sflag:$0x3], $0x2000, $0x38;
	[tilespmem:$0x4080] =	vst v63  }
0xba: {  	_ =	swait.ge [sflag:s15], $0x2000  }
0xbb: {  	[sflag:s15] =	ssyncset.done $0x0  }
0xbc: {  	[sflag:s15] =	ssyncadd.s32 $0xFFFFE000  }
0xbd: {  	_ =	swait.ge [sflag:s25], $0x2000  }
0xbe: {  	p0 =	sne.s32 s14, $0x1;
	[sflag:s25] =	ssyncset.done $0x0  }
.Ltmp0:
0xbf: {  	[sflag:s25] =	ssyncadd.s32 $0xFFFFE000;
	(pc) =	sbr.rel @p0 .LBB2_1-.Ltmp0, $4  }
0xc0: {  	[hbm4b:s13+s3] =	stream.linear.scatter [tilespmem:s20], [sflag:$0x3], $0x2000, $0x38;
	[tilespmem:$0x4080] =	vst v63  }
0xc1: {  	_ =	swait.ge [sflag:s15], $0x2000  }
0xc2: {  	[sflag:s15] =	ssyncset.done $0x0  }
0xc3: {  	s14 =	sadd.s32 $0xFFFFFFFF, s14;
	[sflag:s15] =	ssyncadd.s32 $0xFFFFE000  }
0xc4: {  	_ =	sfence.sel $0x180000  }
0xc5: {  	[bflag:$0x0] =	sbarrier.arrive $0xFFFF  }
0xc6: {  	p0 =	sne.s32 s1, $0x0;
	_ =	strace $0x9000004A  }
0xc7: {  	s0 =	sadd.s32 @!p0 $0x100000, s0;
	[bflag:$0x2] =	sbarrier.arrive $0xFFFF  }
0xc8: {  	[sflag:s0] =	ssyncadd.tile.s32 @!p0 $0x1;
	_ =	shalt  }
.Lfunc_end2:
_tile_overlayer_lowered:
.L_overlay_start_2:
0xc9: {  	(tag) =	ssettag $0x2  }
0xca: {  	s0 =	rddreg [dreg:$0x0];
	s2 =	stileid.u32  }
0xcb: {  	s1 =	rddreg [dreg:$0x1];
	p0 =	sne.s32 s2, $0x0  }
0xcc: {  	s3 =	rddreg [dreg:$0x2];
	[bflag:$0x3] =	sbarrier.arrive $0xFFFF;
	s2 =	simm.s32 @!p0 $0x1C03  }
0xcd: {  	[timem:s3], [sflag:s2] =	dma.local @!p0 [hbm:s0], s1  }
0xce: {  	s0 =	simm.s32 @!p0 $0x3  }
0xcf: {  	_ =	swait.ge @!p0 [sflag:s0], s1  }
0xd0: {  	s1 =	ssub.s32 @!p0 $0x0, s1;
	[sflag:s0] =	ssyncset.done @!p0 $0x0  }
0xd1: {  	[sflag:s0] =	ssyncadd.s32 @!p0 s1  }
0xd2: {  	[bflag:$0x3] =	sbarrier.arrive $0xFFFF  }
0xd3: {  	_ =	shalt  }

</sc_bundles>
